<compile_context>
chip_gen: v7x
topology: tpu7x:2x2x1
jax: 0.10.2.dev20260603
libtpu: 0.0.44.dev20260713+nightly
codegen_flags: <defaults>
</compile_context>

<pallas_src>
import functools

import jax
import jax.numpy as jnp
from jax import lax
from jax.experimental import pallas as pl
from jax.experimental.pallas import tpu as pltpu
from jax.experimental.pallas import tpu_sc as plsc

N = 10000
E = 320000
NPAD = 10240
NC = 2
NS = 16
NTILES = NC * NS
EPT = E // NTILES
CH = 80
NCHUNK = EPT // CH
ROWS_PT = NPAD // NS

_MESH = plsc.VectorSubcoreMesh(core_axis_name="c", subcore_axis_name="s")
_SC_PARAMS = pltpu.CompilerParams(use_tc_tiling_on_sc=False)



def _deg_body(edge_hbm, ones_hbm, out_hbm, idx_d, ones_v, accum, ssem):
    c = lax.axis_index("c")
    s = lax.axis_index("s")
    rz = s * ROWS_PT
    pltpu.sync_copy(ones_hbm.at[pl.ds(CH, ROWS_PT)], accum.at[pl.ds(rz, ROWS_PT)])
    pltpu.sync_copy(ones_hbm.at[pl.ds(0, CH)], ones_v)
    tile = c * NS + s
    pltpu.sync_copy(edge_hbm.at[1].at[tile], idx_d)
    plsc.subcore_barrier()

    def chunk(k, carry):
        pltpu.async_copy(ones_v, accum.at[idx_d.at[k]], ssem, add=True)
        return carry

    lax.fori_loop(0, NCHUNK, chunk, 0)

    def drain(k, carry):
        pltpu.make_async_copy(ones_v, accum.at[idx_d.at[0]], ssem).wait()
        return carry

    lax.fori_loop(0, NCHUNK, drain, 0)
    plsc.subcore_barrier()
    pltpu.sync_copy(accum.at[pl.ds(rz, ROWS_PT)],
                    out_hbm.at[c].at[pl.ds(rz, ROWS_PT), pl.ds(0, 16)])


_deg_kernel = pl.kernel(
    _deg_body,
    out_type=jax.ShapeDtypeStruct((NC, NPAD, 128), jnp.float32),
    mesh=_MESH,
    scratch_types=[
        pltpu.VMEM((NCHUNK, CH), jnp.int32),
        pltpu.VMEM((CH, 16), jnp.float32),
        pltpu.VMEM_SHARED((NPAD, 16), jnp.float32),
        pltpu.SemaphoreType.DMA,
    ],
    compiler_params=_SC_PARAMS,
)


def _prop_body(nbuf, chan, u_hbm, edge_hbm, zeros_hbm, out_hbm,
               idx_s, accum, *rest):
    src_hbm = edge_hbm.at[0]
    dst_hbm = edge_hbm.at[1]
    bufs = rest[:nbuf]
    dbufs = rest[nbuf:2 * nbuf]
    sems = rest[2 * nbuf:3 * nbuf]
    dsems = rest[3 * nbuf:4 * nbuf]
    c = lax.axis_index("c")
    s = lax.axis_index("s")
    rz = s * ROWS_PT
    pltpu.sync_copy(zeros_hbm, accum.at[pl.ds(rz, ROWS_PT)])
    tile = c * NS + s
    pltpu.sync_copy(src_hbm.at[tile], idx_s)
    plsc.subcore_barrier()

    def issue(k, b):
        pltpu.async_copy(u_hbm.at[idx_s.at[k]], bufs[b], sems[b])
        pltpu.async_copy(dst_hbm.at[tile].at[k], dbufs[b], dsems[b])

    for b in range(nbuf):
        issue(b, b)

    def step(k, b):
        pltpu.make_async_copy(u_hbm.at[idx_s.at[k]], bufs[b], sems[b]).wait()
        pltpu.make_async_copy(dst_hbm.at[tile].at[k], dbufs[b], dsems[b]).wait()
        pltpu.sync_copy(bufs[b], accum.at[dbufs[b]], add=True)
        nk = k + nbuf

        @pl.when(nk < NCHUNK)
        def _():
            issue(nk, b)

    def group(grp, carry):
        for b in range(nbuf):
            step(grp * nbuf + b, b)
        return carry

    ngrp = NCHUNK // nbuf
    lax.fori_loop(0, ngrp, group, 0)
    for r in range(ngrp * nbuf, NCHUNK):
        step(r, r % nbuf)
    plsc.subcore_barrier()
    pltpu.sync_copy(accum.at[pl.ds(rz, ROWS_PT)],
                    out_hbm.at[c].at[pl.ds(rz, ROWS_PT), pl.ds(0, chan)])


def _make_prop(chan, nbuf):
    return pl.kernel(
        functools.partial(_prop_body, nbuf, chan),
        out_type=jax.ShapeDtypeStruct((NC, NPAD, 128), jnp.float32),
        mesh=_MESH,
        scratch_types=[
            pltpu.VMEM((NCHUNK, CH), jnp.int32),
            pltpu.VMEM_SHARED((NPAD, chan), jnp.float32),
        ]
        + [pltpu.VMEM((CH, chan), jnp.float32) for _ in range(nbuf)]
        + [pltpu.VMEM((CH,), jnp.int32) for _ in range(nbuf)]
        + [pltpu.SemaphoreType.DMA for _ in range(2 * nbuf)],
        compiler_params=_SC_PARAMS,
    )


_prop128 = _make_prop(128, 3)
_prop64 = _make_prop(64, 5)



def _k0_body(x_ref, w1_ref, t_ref):
    t_ref[...] = jnp.dot(x_ref[...], w1_ref[...],
                         preferred_element_type=jnp.float32)


def _k1_body(degp_ref, t_ref, u1_ref, dinv_ref, dinv2_ref):
    deg = (degp_ref[0, :, 0:1] + degp_ref[1, :, 0:1]) + 1.0
    deg = jnp.broadcast_to(deg, (NPAD, 8))
    dinv_ref[...] = lax.rsqrt(deg)
    dinv2_ref[...] = 1.0 / deg
    u1_ref[0:N] = dinv_ref[0:N, 0:1] * t_ref[...]
    u1_ref[N:NPAD] = jnp.zeros((NPAD - N, 128), jnp.float32)


def _k2_body(dinv2_ref, sp_ref, u_ref, w_ref):
    chan = u_ref.shape[1]
    sp = sp_ref[0, :, 0:chan] + sp_ref[1, :, 0:chan]
    w_ref[...] = dinv2_ref[:, 0:1] * (sp + u_ref[...])


def _k3_body(dinv_ref, sp_ref, w1_ref, b1_ref, w2mat_ref, u2_ref):
    dinv = dinv_ref[:, 0:1]
    y1 = sp_ref[0, :, 0:128] + sp_ref[1, :, 0:128] + w1_ref[...]
    hid = jnp.maximum(dinv * y1 + b1_ref[...], 0.0)
    u2_ref[...] = dinv * jnp.dot(hid, w2mat_ref[...],
                                 preferred_element_type=jnp.float32)


def _k5_body(dinv_ref, sp_ref, w2_ref, b2_ref, o_ref):
    sp = sp_ref[0, 0:N, 0:64] + sp_ref[1, 0:N, 0:64]
    o = dinv_ref[0:N, 0:1] * (sp + w2_ref[0:N]) + b2_ref[...]
    m = jnp.max(o, axis=1, keepdims=True)
    lse = jnp.log(jnp.sum(jnp.exp(o - m), axis=1, keepdims=True))
    o_ref[...] = o - m - lse


def _tc_call(body, out_chan):
    if isinstance(out_chan, tuple):
        out_shape = tuple(jax.ShapeDtypeStruct((NPAD, c), jnp.float32)
                          for c in out_chan)
    else:
        out_shape = jax.ShapeDtypeStruct((NPAD, out_chan), jnp.float32)
    return pl.pallas_call(body, out_shape=out_shape)



@jax.jit
def kernel(x, edge_index, W1, b1, W2, b2):
    edge3 = edge_index.reshape(2, NTILES, NCHUNK, CH)
    ones16 = jnp.ones((CH + ROWS_PT, 16), jnp.float32)
    ones16 = ones16.at[CH:].set(0.0)
    zeros128 = jnp.zeros((ROWS_PT, 128), jnp.float32)
    zeros64 = jnp.zeros((ROWS_PT, 64), jnp.float32)
    b1r = b1.reshape(1, 128)
    b2r = b2.reshape(1, 64)

    degp = _deg_kernel(edge3, ones16)
    t = pl.pallas_call(
        _k0_body, out_shape=jax.ShapeDtypeStruct((N, 128), jnp.float32))(x, W1)

    u1, dinv, dinv2 = _tc_call(_k1_body, (128, 8, 8))(degp, t)
    s1 = _prop128(u1, edge3, zeros128)
    w1 = _tc_call(_k2_body, 128)(dinv2, s1, u1)
    s2 = _prop128(w1, edge3, zeros128)
    u2 = _tc_call(_k3_body, 64)(dinv, s2, w1, b1r, W2)
    s3 = _prop64(u2, edge3, zeros64)
    w2 = _tc_call(_k2_body, 64)(dinv2, s3, u2)
    s4 = _prop64(w2, edge3, zeros64)
    o = pl.pallas_call(
        _k5_body, out_shape=jax.ShapeDtypeStruct((N, 64), jnp.float32))(
            dinv, s4, w2, b2r)
    return o

# --- scband reference (transcript-rebuilt; emitter-appended) ---
"""Pipeline reference for scband-sgc-gcn-16286515986688 (READ-ONLY COPY).

The authoritative reference and input builder live on the scoring server;
editing this copy changes nothing except your own understanding.
"""

import jax, jax.numpy as jnp
import numpy as np

N = 10000
E = 320000
IN_C = 128
HID_C = 128
OUT_C = 64
K = 2


def _glorot(key, shape):
    fan_in, fan_out = shape[0], shape[1]
    limit = np.sqrt(6.0 / (fan_in + fan_out))
    return jax.random.uniform(key, shape, dtype=jnp.float32, minval=-limit, maxval=limit)


def setup_inputs(seed: int = 0) -> dict:
    key = jax.random.key(seed)
    k1, k2, k3, k4 = jax.random.split(key, 4)
    x = jax.random.normal(k1, (N, IN_C), dtype=jnp.float32)
    edge_index = jax.random.randint(k2, (2, E), 0, N, dtype=jnp.int32)
    W1 = _glorot(k3, (IN_C, HID_C))
    b1 = jnp.zeros((HID_C,), dtype=jnp.float32)
    W2 = _glorot(k4, (HID_C, OUT_C))
    b2 = jnp.zeros((OUT_C,), dtype=jnp.float32)
    return {"x": x, "edge_index": edge_index, "W1": W1, "b1": b1, "W2": W2, "b2": b2}


def _sgconv(x, edge_index, W, b, k_hops):
    # Faithful SGConv (PyG): gcn_norm with added self-loops, K propagation steps,
    # then a single linear transform.
    n = x.shape[0]
    loop = jnp.arange(n, dtype=edge_index.dtype)
    src = jnp.concatenate([edge_index[0], loop])
    dst = jnp.concatenate([edge_index[1], loop])
    ones = jnp.ones(src.shape[0], dtype=jnp.float32)
    deg = jax.ops.segment_sum(ones, dst, num_segments=n)
    deg_inv_sqrt = jnp.where(deg > 0, 1.0 / jnp.sqrt(deg), 0.0)
    norm = deg_inv_sqrt[src] * deg_inv_sqrt[dst]
    h = x
    for _ in range(k_hops):
        msgs = h[src] * norm[:, None]
        h = jax.ops.segment_sum(msgs, dst, num_segments=n)
    return h @ W + b


def reference(x, edge_index, W1, b1, W2, b2):
    hid = _sgconv(x, edge_index, W1, b1, K)
    hid = jax.nn.relu(hid)
    out = _sgconv(hid, edge_index, W2, b2, K)
    return jax.nn.log_softmax(out, axis=1)

if __name__ == "__main__":
    import jax
    _d = setup_inputs()
    print(jax.jit(kernel)(*tuple(_d.values())))

</pallas_src>

<mosaic_0001>
#map = affine_map<(d0, d1) -> (0, 0)>
#map1 = affine_map<(d0, d1) -> (0, 0, 0, 0)>
#map2 = affine_map<(d0, d1) -> (0, 0, 0)>
module attributes {stable_mosaic.version = 14 : i64} {
  func.func @_prop_body(%arg0: i32, %arg1: i32, %arg2: memref<10240x128xf32, #tpu.memory_space<hbm>>, %arg3: memref<2x32x125x80xi32, #tpu.memory_space<hbm>>, %arg4: memref<640x128xf32, #tpu.memory_space<hbm>>, %arg5: memref<2x10240x128xf32, #tpu.memory_space<hbm>>, %arg6: memref<125x80xi32, #tpu.memory_space<vmem>>, %arg7: memref<10240x128xf32, #tpu.memory_space<vmem_shared>>, %arg8: memref<80x128xf32, #tpu.memory_space<vmem>>, %arg9: memref<80x128xf32, #tpu.memory_space<vmem>>, %arg10: memref<80x128xf32, #tpu.memory_space<vmem>>, %arg11: memref<80xi32, #tpu.memory_space<vmem>>, %arg12: memref<80xi32, #tpu.memory_space<vmem>>, %arg13: memref<80xi32, #tpu.memory_space<vmem>>, %arg14: memref<!tpu.dma_semaphore, #tpu.memory_space<semaphore_mem>>, %arg15: memref<!tpu.dma_semaphore, #tpu.memory_space<semaphore_mem>>, %arg16: memref<!tpu.dma_semaphore, #tpu.memory_space<semaphore_mem>>, %arg17: memref<!tpu.dma_semaphore, #tpu.memory_space<semaphore_mem>>, %arg18: memref<!tpu.dma_semaphore, #tpu.memory_space<semaphore_mem>>, %arg19: memref<!tpu.dma_semaphore, #tpu.memory_space<semaphore_mem>>) attributes {dimension_semantics = [#tpu.dimension_semantics<core_parallel>, #tpu.dimension_semantics<subcore_parallel>], iteration_bounds = array<i64: 2, 16>, scalar_prefetch = 0 : i64, scratch_operands = 14 : i64, tpu.core_type = #tpu.core_type<sc_vector_subcore>, window_params = [{transform_indices = #map}, {transform_indices = #map1}, {transform_indices = #map}, {transform_indices = #map2}]} {
    %mul3A = arith.constant 640 : i32
    %mul3A_0 = arith.muli %arg1, %mul3A : i32
    "tpu.region"() ({
      %run_scoped3A_173 = tpu.sem_alloc : memref<!tpu.dma_semaphore, #tpu.memory_space<semaphore_mem>>
      %dma_start3A_174 = arith.constant 0 : i32
      %dma_start3A_175 = tpu.memref_slice %arg7[%mul3A_0, %dma_start3A_174] : memref<10240x128xf32, #tpu.memory_space<vmem_shared>> -> memref<640x128xf32, #tpu.memory_space<vmem_shared>>
      tpu.enqueue_dma source(%arg4 : memref<640x128xf32, #tpu.memory_space<hbm>>) target(%dma_start3A_175 : memref<640x128xf32, #tpu.memory_space<vmem_shared>>) target_semaphore(%run_scoped3A_173 : memref<!tpu.dma_semaphore, #tpu.memory_space<semaphore_mem>>)
      %dma_wait3A_176 = arith.constant 0 : i32
      %dma_wait3A_177 = tpu.memref_slice %arg7[%mul3A_0, %dma_wait3A_176] : memref<10240x128xf32, #tpu.memory_space<vmem_shared>> -> memref<640x128xf32, #tpu.memory_space<vmem_shared>>
      tpu.wait_dma2 semaphore(%run_scoped3A_173 : memref<!tpu.dma_semaphore, #tpu.memory_space<semaphore_mem>>) src(%arg4 : memref<640x128xf32, #tpu.memory_space<hbm>>) dst(%dma_wait3A_177 : memref<640x128xf32, #tpu.memory_space<vmem_shared>>)
      tpu.yield
    }) : () -> ()
    %mul3A_1 = arith.constant 16 : i32
    %mul3A_2 = arith.muli %arg0, %mul3A_1 : i32
    %add3A = arith.addi %mul3A_2, %arg1 : i32
    %run_scoped3A = arith.constant 0 : i32
    "tpu.region"() ({
      %run_scoped3A_173 = tpu.sem_alloc : memref<!tpu.dma_semaphore, #tpu.memory_space<semaphore_mem>>
      %dma_start3A_174 = arith.constant 0 : i32
      %dma_start3A_175 = arith.constant 0 : i32
      %dma_start3A_176 = arith.constant 0 : i32
      %dma_start3A_177 = tpu.memref_slice %arg3[%run_scoped3A, %dma_start3A_174, %dma_start3A_175, %dma_start3A_176] : memref<2x32x125x80xi32, #tpu.memory_space<hbm>> -> memref<1x32x125x80xi32, #tpu.memory_space<hbm>>
      %dma_start3A_178 = tpu.memref_squeeze %dma_start3A_177 : memref<1x32x125x80xi32, #tpu.memory_space<hbm>> -> memref<32x125x80xi32, #tpu.memory_space<hbm>>
      %dma_start3A_179 = arith.constant 0 : i32
      %dma_start3A_180 = arith.constant 0 : i32
      %dma_start3A_181 = tpu.memref_slice %dma_start3A_178[%add3A, %dma_start3A_179, %dma_start3A_180] : memref<32x125x80xi32, #tpu.memory_space<hbm>> -> memref<1x125x80xi32, #tpu.memory_space<hbm>>
      %dma_start3A_182 = tpu.memref_squeeze %dma_start3A_181 : memref<1x125x80xi32, #tpu.memory_space<hbm>> -> memref<125x80xi32, #tpu.memory_space<hbm>>
      %dma_start3A_183 = arith.constant 0 : i32
      %dma_start3A_184 = arith.constant 0 : i32
      %dma_start3A_185 = arith.constant 0 : i32
      %dma_start3A_186 = tpu.memref_slice %arg3[%run_scoped3A, %dma_start3A_183, %dma_start3A_184, %dma_start3A_185] : memref<2x32x125x80xi32, #tpu.memory_space<hbm>> -> memref<1x32x125x80xi32, #tpu.memory_space<hbm>>
      %dma_start3A_187 = tpu.memref_squeeze %dma_start3A_186 : memref<1x32x125x80xi32, #tpu.memory_space<hbm>> -> memref<32x125x80xi32, #tpu.memory_space<hbm>>
      %dma_start3A_188 = arith.constant 0 : i32
      %dma_start3A_189 = arith.constant 0 : i32
      %dma_start3A_190 = tpu.memref_slice %dma_start3A_187[%add3A, %dma_start3A_188, %dma_start3A_189] : memref<32x125x80xi32, #tpu.memory_space<hbm>> -> memref<1x125x80xi32, #tpu.memory_space<hbm>>
      %dma_start3A_191 = tpu.memref_squeeze %dma_start3A_190 : memref<1x125x80xi32, #tpu.memory_space<hbm>> -> memref<125x80xi32, #tpu.memory_space<hbm>>
      tpu.enqueue_dma source(%dma_start3A_191 : memref<125x80xi32, #tpu.memory_space<hbm>>) target(%arg6 : memref<125x80xi32, #tpu.memory_space<vmem>>) target_semaphore(%run_scoped3A_173 : memref<!tpu.dma_semaphore, #tpu.memory_space<semaphore_mem>>)
      %dma_wait3A_192 = arith.constant 0 : i32
      %dma_wait3A_193 = arith.constant 0 : i32
      %dma_wait3A_194 = arith.constant 0 : i32
      %dma_wait3A_195 = tpu.memref_slice %arg3[%run_scoped3A, %dma_wait3A_192, %dma_wait3A_193, %dma_wait3A_194] : memref<2x32x125x80xi32, #tpu.memory_space<hbm>> -> memref<1x32x125x80xi32, #tpu.memory_space<hbm>>
      %dma_wait3A_196 = tpu.memref_squeeze %dma_wait3A_195 : memref<1x32x125x80xi32, #tpu.memory_space<hbm>> -> memref<32x125x80xi32, #tpu.memory_space<hbm>>
      %dma_wait3A_197 = arith.constant 0 : i32
      %dma_wait3A_198 = arith.constant 0 : i32
      %dma_wait3A_199 = tpu.memref_slice %dma_wait3A_196[%add3A, %dma_wait3A_197, %dma_wait3A_198] : memref<32x125x80xi32, #tpu.memory_space<hbm>> -> memref<1x125x80xi32, #tpu.memory_space<hbm>>
      %dma_wait3A_200 = tpu.memref_squeeze %dma_wait3A_199 : memref<1x125x80xi32, #tpu.memory_space<hbm>> -> memref<125x80xi32, #tpu.memory_space<hbm>>
      %dma_wait3A_201 = arith.constant 0 : i32
      %dma_wait3A_202 = arith.constant 0 : i32
      %dma_wait3A_203 = arith.constant 0 : i32
      %dma_wait3A_204 = tpu.memref_slice %arg3[%run_scoped3A, %dma_wait3A_201, %dma_wait3A_202, %dma_wait3A_203] : memref<2x32x125x80xi32, #tpu.memory_space<hbm>> -> memref<1x32x125x80xi32, #tpu.memory_space<hbm>>
      %dma_wait3A_205 = tpu.memref_squeeze %dma_wait3A_204 : memref<1x32x125x80xi32, #tpu.memory_space<hbm>> -> memref<32x125x80xi32, #tpu.memory_space<hbm>>
      %dma_wait3A_206 = arith.constant 0 : i32
      %dma_wait3A_207 = arith.constant 0 : i32
      %dma_wait3A_208 = tpu.memref_slice %dma_wait3A_205[%add3A, %dma_wait3A_206, %dma_wait3A_207] : memref<32x125x80xi32, #tpu.memory_space<hbm>> -> memref<1x125x80xi32, #tpu.memory_space<hbm>>
      %dma_wait3A_209 = tpu.memref_squeeze %dma_wait3A_208 : memref<1x125x80xi32, #tpu.memory_space<hbm>> -> memref<125x80xi32, #tpu.memory_space<hbm>>
      tpu.wait_dma2 semaphore(%run_scoped3A_173 : memref<!tpu.dma_semaphore, #tpu.memory_space<semaphore_mem>>) src(%dma_wait3A_209 : memref<125x80xi32, #tpu.memory_space<hbm>>) dst(%arg6 : memref<125x80xi32, #tpu.memory_space<vmem>>)
      tpu.yield
    }) : () -> ()
    %barrier3A = arith.constant 0 : index
    tpu.barrier barrier_id(%barrier3A)
    %dma_start3A = arith.constant 0 : i32
    %dma_start3A_3 = arith.constant 0 : i32
    %dma_start3A_4 = tpu.memref_slice %arg6[%dma_start3A, %dma_start3A_3] : memref<125x80xi32, #tpu.memory_space<vmem>> -> memref<1x80xi32, #tpu.memory_space<vmem>>
    %dma_start3A_5 = tpu.memref_squeeze %dma_start3A_4 : memref<1x80xi32, #tpu.memory_space<vmem>> -> memref<80xi32, #tpu.memory_space<vmem>>
    %dma_start3A_6 = arith.constant 0 : i32
    %dma_start3A_7 = arith.constant 0 : i32
    %dma_start3A_8 = tpu.memref_slice %arg2[%dma_start3A_6, %dma_start3A_7] : memref<10240x128xf32, #tpu.memory_space<hbm>> -> memref<10240x128xf32, #tpu.memory_space<hbm>>
    tpu.enqueue_indirect_dma source(%dma_start3A_8 : memref<10240x128xf32, #tpu.memory_space<hbm>>) target(%arg8 : memref<80x128xf32, #tpu.memory_space<vmem>>) offsets(%dma_start3A_5 : memref<80xi32, #tpu.memory_space<vmem>>) semaphore(%arg14 : memref<!tpu.dma_semaphore, #tpu.memory_space<semaphore_mem>>)
    %dma_start3A_9 = arith.constant 1 : i32
    %dma_start3A_10 = arith.constant 0 : i32
    %dma_start3A_11 = arith.constant 0 : i32
    %dma_start3A_12 = arith.constant 0 : i32
    %dma_start3A_13 = arith.constant 0 : i32
    %dma_start3A_14 = tpu.memref_slice %arg3[%dma_start3A_9, %dma_start3A_11, %dma_start3A_12, %dma_start3A_13] : memref<2x32x125x80xi32, #tpu.memory_space<hbm>> -> memref<1x32x125x80xi32, #tpu.memory_space<hbm>>
    %dma_start3A_15 = tpu.memref_squeeze %dma_start3A_14 : memref<1x32x125x80xi32, #tpu.memory_space<hbm>> -> memref<32x125x80xi32, #tpu.memory_space<hbm>>
    %dma_start3A_16 = arith.constant 0 : i32
    %dma_start3A_17 = arith.constant 0 : i32
    %dma_start3A_18 = tpu.memref_slice %dma_start3A_15[%add3A, %dma_start3A_16, %dma_start3A_17] : memref<32x125x80xi32, #tpu.memory_space<hbm>> -> memref<1x125x80xi32, #tpu.memory_space<hbm>>
    %dma_start3A_19 = tpu.memref_squeeze %dma_start3A_18 : memref<1x125x80xi32, #tpu.memory_space<hbm>> -> memref<125x80xi32, #tpu.memory_space<hbm>>
    %dma_start3A_20 = arith.constant 0 : i32
    %dma_start3A_21 = tpu.memref_slice %dma_start3A_19[%dma_start3A_10, %dma_start3A_20] : memref<125x80xi32, #tpu.memory_space<hbm>> -> memref<1x80xi32, #tpu.memory_space<hbm>>
    %dma_start3A_22 = tpu.memref_squeeze %dma_start3A_21 : memref<1x80xi32, #tpu.memory_space<hbm>> -> memref<80xi32, #tpu.memory_space<hbm>>
    %dma_start3A_23 = arith.constant 0 : i32
    %dma_start3A_24 = arith.constant 0 : i32
    %dma_start3A_25 = arith.constant 0 : i32
    %dma_start3A_26 = tpu.memref_slice %arg3[%dma_start3A_9, %dma_start3A_23, %dma_start3A_24, %dma_start3A_25] : memref<2x32x125x80xi32, #tpu.memory_space<hbm>> -> memref<1x32x125x80xi32, #tpu.memory_space<hbm>>
    %dma_start3A_27 = tpu.memref_squeeze %dma_start3A_26 : memref<1x32x125x80xi32, #tpu.memory_space<hbm>> -> memref<32x125x80xi32, #tpu.memory_space<hbm>>
    %dma_start3A_28 = arith.constant 0 : i32
    %dma_start3A_29 = arith.constant 0 : i32
    %dma_start3A_30 = tpu.memref_slice %dma_start3A_27[%add3A, %dma_start3A_28, %dma_start3A_29] : memref<32x125x80xi32, #tpu.memory_space<hbm>> -> memref<1x125x80xi32, #tpu.memory_space<hbm>>
    %dma_start3A_31 = tpu.memref_squeeze %dma_start3A_30 : memref<1x125x80xi32, #tpu.memory_space<hbm>> -> memref<125x80xi32, #tpu.memory_space<hbm>>
    %dma_start3A_32 = arith.constant 0 : i32
    %dma_start3A_33 = tpu.memref_slice %dma_start3A_31[%dma_start3A_10, %dma_start3A_32] : memref<125x80xi32, #tpu.memory_space<hbm>> -> memref<1x80xi32, #tpu.memory_space<hbm>>
    %dma_start3A_34 = tpu.memref_squeeze %dma_start3A_33 : memref<1x80xi32, #tpu.memory_space<hbm>> -> memref<80xi32, #tpu.memory_space<hbm>>
    tpu.enqueue_dma source(%dma_start3A_34 : memref<80xi32, #tpu.memory_space<hbm>>) target(%arg11 : memref<80xi32, #tpu.memory_space<vmem>>) target_semaphore(%arg17 : memref<!tpu.dma_semaphore, #tpu.memory_space<semaphore_mem>>)
    %dma_start3A_35 = arith.constant 1 : i32
    %dma_start3A_36 = arith.constant 0 : i32
    %dma_start3A_37 = tpu.memref_slice %arg6[%dma_start3A_35, %dma_start3A_36] : memref<125x80xi32, #tpu.memory_space<vmem>> -> memref<1x80xi32, #tpu.memory_space<vmem>>
    %dma_start3A_38 = tpu.memref_squeeze %dma_start3A_37 : memref<1x80xi32, #tpu.memory_space<vmem>> -> memref<80xi32, #tpu.memory_space<vmem>>
    %dma_start3A_39 = arith.constant 0 : i32
    %dma_start3A_40 = arith.constant 0 : i32
    %dma_start3A_41 = tpu.memref_slice %arg2[%dma_start3A_39, %dma_start3A_40] : memref<10240x128xf32, #tpu.memory_space<hbm>> -> memref<10240x128xf32, #tpu.memory_space<hbm>>
    tpu.enqueue_indirect_dma source(%dma_start3A_41 : memref<10240x128xf32, #tpu.memory_space<hbm>>) target(%arg9 : memref<80x128xf32, #tpu.memory_space<vmem>>) offsets(%dma_start3A_38 : memref<80xi32, #tpu.memory_space<vmem>>) semaphore(%arg15 : memref<!tpu.dma_semaphore, #tpu.memory_space<semaphore_mem>>)
    %dma_start3A_42 = arith.constant 1 : i32
    %dma_start3A_43 = arith.constant 1 : i32
    %dma_start3A_44 = arith.constant 0 : i32
    %dma_start3A_45 = arith.constant 0 : i32
    %dma_start3A_46 = arith.constant 0 : i32
    %dma_start3A_47 = tpu.memref_slice %arg3[%dma_start3A_42, %dma_start3A_44, %dma_start3A_45, %dma_start3A_46] : memref<2x32x125x80xi32, #tpu.memory_space<hbm>> -> memref<1x32x125x80xi32, #tpu.memory_space<hbm>>
    %dma_start3A_48 = tpu.memref_squeeze %dma_start3A_47 : memref<1x32x125x80xi32, #tpu.memory_space<hbm>> -> memref<32x125x80xi32, #tpu.memory_space<hbm>>
    %dma_start3A_49 = arith.constant 0 : i32
    %dma_start3A_50 = arith.constant 0 : i32
    %dma_start3A_51 = tpu.memref_slice %dma_start3A_48[%add3A, %dma_start3A_49, %dma_start3A_50] : memref<32x125x80xi32, #tpu.memory_space<hbm>> -> memref<1x125x80xi32, #tpu.memory_space<hbm>>
    %dma_start3A_52 = tpu.memref_squeeze %dma_start3A_51 : memref<1x125x80xi32, #tpu.memory_space<hbm>> -> memref<125x80xi32, #tpu.memory_space<hbm>>
    %dma_start3A_53 = arith.constant 0 : i32
    %dma_start3A_54 = tpu.memref_slice %dma_start3A_52[%dma_start3A_43, %dma_start3A_53] : memref<125x80xi32, #tpu.memory_space<hbm>> -> memref<1x80xi32, #tpu.memory_space<hbm>>
    %dma_start3A_55 = tpu.memref_squeeze %dma_start3A_54 : memref<1x80xi32, #tpu.memory_space<hbm>> -> memref<80xi32, #tpu.memory_space<hbm>>
    %dma_start3A_56 = arith.constant 0 : i32
    %dma_start3A_57 = arith.constant 0 : i32
    %dma_start3A_58 = arith.constant 0 : i32
    %dma_start3A_59 = tpu.memref_slice %arg3[%dma_start3A_42, %dma_start3A_56, %dma_start3A_57, %dma_start3A_58] : memref<2x32x125x80xi32, #tpu.memory_space<hbm>> -> memref<1x32x125x80xi32, #tpu.memory_space<hbm>>
    %dma_start3A_60 = tpu.memref_squeeze %dma_start3A_59 : memref<1x32x125x80xi32, #tpu.memory_space<hbm>> -> memref<32x125x80xi32, #tpu.memory_space<hbm>>
    %dma_start3A_61 = arith.constant 0 : i32
    %dma_start3A_62 = arith.constant 0 : i32
    %dma_start3A_63 = tpu.memref_slice %dma_start3A_60[%add3A, %dma_start3A_61, %dma_start3A_62] : memref<32x125x80xi32, #tpu.memory_space<hbm>> -> memref<1x125x80xi32, #tpu.memory_space<hbm>>
    %dma_start3A_64 = tpu.memref_squeeze %dma_start3A_63 : memref<1x125x80xi32, #tpu.memory_space<hbm>> -> memref<125x80xi32, #tpu.memory_space<hbm>>
    %dma_start3A_65 = arith.constant 0 : i32
    %dma_start3A_66 = tpu.memref_slice %dma_start3A_64[%dma_start3A_43, %dma_start3A_65] : memref<125x80xi32, #tpu.memory_space<hbm>> -> memref<1x80xi32, #tpu.memory_space<hbm>>
    %dma_start3A_67 = tpu.memref_squeeze %dma_start3A_66 : memref<1x80xi32, #tpu.memory_space<hbm>> -> memref<80xi32, #tpu.memory_space<hbm>>
    tpu.enqueue_dma source(%dma_start3A_67 : memref<80xi32, #tpu.memory_space<hbm>>) target(%arg12 : memref<80xi32, #tpu.memory_space<vmem>>) target_semaphore(%arg18 : memref<!tpu.dma_semaphore, #tpu.memory_space<semaphore_mem>>)
    %dma_start3A_68 = arith.constant 2 : i32
    %dma_start3A_69 = arith.constant 0 : i32
    %dma_start3A_70 = tpu.memref_slice %arg6[%dma_start3A_68, %dma_start3A_69] : memref<125x80xi32, #tpu.memory_space<vmem>> -> memref<1x80xi32, #tpu.memory_space<vmem>>
    %dma_start3A_71 = tpu.memref_squeeze %dma_start3A_70 : memref<1x80xi32, #tpu.memory_space<vmem>> -> memref<80xi32, #tpu.memory_space<vmem>>
    %dma_start3A_72 = arith.constant 0 : i32
    %dma_start3A_73 = arith.constant 0 : i32
    %dma_start3A_74 = tpu.memref_slice %arg2[%dma_start3A_72, %dma_start3A_73] : memref<10240x128xf32, #tpu.memory_space<hbm>> -> memref<10240x128xf32, #tpu.memory_space<hbm>>
    tpu.enqueue_indirect_dma source(%dma_start3A_74 : memref<10240x128xf32, #tpu.memory_space<hbm>>) target(%arg10 : memref<80x128xf32, #tpu.memory_space<vmem>>) offsets(%dma_start3A_71 : memref<80xi32, #tpu.memory_space<vmem>>) semaphore(%arg16 : memref<!tpu.dma_semaphore, #tpu.memory_space<semaphore_mem>>)
    %dma_start3A_75 = arith.constant 1 : i32
    %dma_start3A_76 = arith.constant 2 : i32
    %dma_start3A_77 = arith.constant 0 : i32
    %dma_start3A_78 = arith.constant 0 : i32
    %dma_start3A_79 = arith.constant 0 : i32
    %dma_start3A_80 = tpu.memref_slice %arg3[%dma_start3A_75, %dma_start3A_77, %dma_start3A_78, %dma_start3A_79] : memref<2x32x125x80xi32, #tpu.memory_space<hbm>> -> memref<1x32x125x80xi32, #tpu.memory_space<hbm>>
    %dma_start3A_81 = tpu.memref_squeeze %dma_start3A_80 : memref<1x32x125x80xi32, #tpu.memory_space<hbm>> -> memref<32x125x80xi32, #tpu.memory_space<hbm>>
    %dma_start3A_82 = arith.constant 0 : i32
    %dma_start3A_83 = arith.constant 0 : i32
    %dma_start3A_84 = tpu.memref_slice %dma_start3A_81[%add3A, %dma_start3A_82, %dma_start3A_83] : memref<32x125x80xi32, #tpu.memory_space<hbm>> -> memref<1x125x80xi32, #tpu.memory_space<hbm>>
    %dma_start3A_85 = tpu.memref_squeeze %dma_start3A_84 : memref<1x125x80xi32, #tpu.memory_space<hbm>> -> memref<125x80xi32, #tpu.memory_space<hbm>>
    %dma_start3A_86 = arith.constant 0 : i32
    %dma_start3A_87 = tpu.memref_slice %dma_start3A_85[%dma_start3A_76, %dma_start3A_86] : memref<125x80xi32, #tpu.memory_space<hbm>> -> memref<1x80xi32, #tpu.memory_space<hbm>>
    %dma_start3A_88 = tpu.memref_squeeze %dma_start3A_87 : memref<1x80xi32, #tpu.memory_space<hbm>> -> memref<80xi32, #tpu.memory_space<hbm>>
    %dma_start3A_89 = arith.constant 0 : i32
    %dma_start3A_90 = arith.constant 0 : i32
    %dma_start3A_91 = arith.constant 0 : i32
    %dma_start3A_92 = tpu.memref_slice %arg3[%dma_start3A_75, %dma_start3A_89, %dma_start3A_90, %dma_start3A_91] : memref<2x32x125x80xi32, #tpu.memory_space<hbm>> -> memref<1x32x125x80xi32, #tpu.memory_space<hbm>>
    %dma_start3A_93 = tpu.memref_squeeze %dma_start3A_92 : memref<1x32x125x80xi32, #tpu.memory_space<hbm>> -> memref<32x125x80xi32, #tpu.memory_space<hbm>>
    %dma_start3A_94 = arith.constant 0 : i32
    %dma_start3A_95 = arith.constant 0 : i32
    %dma_start3A_96 = tpu.memref_slice %dma_start3A_93[%add3A, %dma_start3A_94, %dma_start3A_95] : memref<32x125x80xi32, #tpu.memory_space<hbm>> -> memref<1x125x80xi32, #tpu.memory_space<hbm>>
    %dma_start3A_97 = tpu.memref_squeeze %dma_start3A_96 : memref<1x125x80xi32, #tpu.memory_space<hbm>> -> memref<125x80xi32, #tpu.memory_space<hbm>>
    %dma_start3A_98 = arith.constant 0 : i32
    %dma_start3A_99 = tpu.memref_slice %dma_start3A_97[%dma_start3A_76, %dma_start3A_98] : memref<125x80xi32, #tpu.memory_space<hbm>> -> memref<1x80xi32, #tpu.memory_space<hbm>>
    %dma_start3A_100 = tpu.memref_squeeze %dma_start3A_99 : memref<1x80xi32, #tpu.memory_space<hbm>> -> memref<80xi32, #tpu.memory_space<hbm>>
    tpu.enqueue_dma source(%dma_start3A_100 : memref<80xi32, #tpu.memory_space<hbm>>) target(%arg13 : memref<80xi32, #tpu.memory_space<vmem>>) target_semaphore(%arg19 : memref<!tpu.dma_semaphore, #tpu.memory_space<semaphore_mem>>)
    %scan3A = arith.constant 0 : i32
    %scan3A_101 = arith.constant 1 : i32
    %scan3A_102 = arith.constant 0 : i32
    %scan3A_103 = arith.constant 41 : i32
    %scan3A_104 = arith.addi %scan3A_102, %scan3A_103 : i32
    %scan3A_105 = arith.constant 1 : i32
    scf.for %scan3A_173 = %scan3A_102 to %scan3A_104 step %scan3A_105  : i32 {
      %mul3A_174 = arith.constant 3 : i32
      %mul3A_175 = arith.muli %scan3A_173, %mul3A_174 : i32
      %add3A_176 = arith.constant 0 : i32
      %add3A_177 = arith.addi %mul3A_175, %add3A_176 : i32
      %dma_wait3A_178 = arith.constant 0 : i32
      %dma_wait3A_179 = tpu.memref_slice %arg6[%add3A_177, %dma_wait3A_178] : memref<125x80xi32, #tpu.memory_space<vmem>> -> memref<1x80xi32, #tpu.memory_space<vmem>>
      %dma_wait3A_180 = tpu.memref_squeeze %dma_wait3A_179 : memref<1x80xi32, #tpu.memory_space<vmem>> -> memref<80xi32, #tpu.memory_space<vmem>>
      %dma_wait3A_181 = arith.constant 0 : i32
      %dma_wait3A_182 = arith.constant 0 : i32
      %dma_wait3A_183 = tpu.memref_slice %arg2[%dma_wait3A_181, %dma_wait3A_182] : memref<10240x128xf32, #tpu.memory_space<hbm>> -> memref<10240x128xf32, #tpu.memory_space<hbm>>
      tpu.wait_indirect_dma semaphore(%arg14 : memref<!tpu.dma_semaphore, #tpu.memory_space<semaphore_mem>>) src(%dma_wait3A_183 : memref<10240x128xf32, #tpu.memory_space<hbm>>) dst(%arg8 : memref<80x128xf32, #tpu.memory_space<vmem>>)
      %dma_wait3A_184 = arith.constant 0 : i32
      %dma_wait3A_185 = arith.constant 0 : i32
      %dma_wait3A_186 = arith.constant 0 : i32
      %dma_wait3A_187 = tpu.memref_slice %arg3[%scan3A_101, %dma_wait3A_184, %dma_wait3A_185, %dma_wait3A_186] : memref<2x32x125x80xi32, #tpu.memory_space<hbm>> -> memref<1x32x125x80xi32, #tpu.memory_space<hbm>>
      %dma_wait3A_188 = tpu.memref_squeeze %dma_wait3A_187 : memref<1x32x125x80xi32, #tpu.memory_space<hbm>> -> memref<32x125x80xi32, #tpu.memory_space<hbm>>
      %dma_wait3A_189 = arith.constant 0 : i32
      %dma_wait3A_190 = arith.constant 0 : i32
      %dma_wait3A_191 = tpu.memref_slice %dma_wait3A_188[%add3A, %dma_wait3A_189, %dma_wait3A_190] : memref<32x125x80xi32, #tpu.memory_space<hbm>> -> memref<1x125x80xi32, #tpu.memory_space<hbm>>
      %dma_wait3A_192 = tpu.memref_squeeze %dma_wait3A_191 : memref<1x125x80xi32, #tpu.memory_space<hbm>> -> memref<125x80xi32, #tpu.memory_space<hbm>>
      %dma_wait3A_193 = arith.constant 0 : i32
      %dma_wait3A_194 = tpu.memref_slice %dma_wait3A_192[%add3A_177, %dma_wait3A_193] : memref<125x80xi32, #tpu.memory_space<hbm>> -> memref<1x80xi32, #tpu.memory_space<hbm>>
      %dma_wait3A_195 = tpu.memref_squeeze %dma_wait3A_194 : memref<1x80xi32, #tpu.memory_space<hbm>> -> memref<80xi32, #tpu.memory_space<hbm>>
      %dma_wait3A_196 = arith.constant 0 : i32
      %dma_wait3A_197 = arith.constant 0 : i32
      %dma_wait3A_198 = arith.constant 0 : i32
      %dma_wait3A_199 = tpu.memref_slice %arg3[%scan3A_101, %dma_wait3A_196, %dma_wait3A_197, %dma_wait3A_198] : memref<2x32x125x80xi32, #tpu.memory_space<hbm>> -> memref<1x32x125x80xi32, #tpu.memory_space<hbm>>
      %dma_wait3A_200 = tpu.memref_squeeze %dma_wait3A_199 : memref<1x32x125x80xi32, #tpu.memory_space<hbm>> -> memref<32x125x80xi32, #tpu.memory_space<hbm>>
      %dma_wait3A_201 = arith.constant 0 : i32
      %dma_wait3A_202 = arith.constant 0 : i32
      %dma_wait3A_203 = tpu.memref_slice %dma_wait3A_200[%add3A, %dma_wait3A_201, %dma_wait3A_202] : memref<32x125x80xi32, #tpu.memory_space<hbm>> -> memref<1x125x80xi32, #tpu.memory_space<hbm>>
      %dma_wait3A_204 = tpu.memref_squeeze %dma_wait3A_203 : memref<1x125x80xi32, #tpu.memory_space<hbm>> -> memref<125x80xi32, #tpu.memory_space<hbm>>
      %dma_wait3A_205 = arith.constant 0 : i32
      %dma_wait3A_206 = tpu.memref_slice %dma_wait3A_204[%add3A_177, %dma_wait3A_205] : memref<125x80xi32, #tpu.memory_space<hbm>> -> memref<1x80xi32, #tpu.memory_space<hbm>>
      %dma_wait3A_207 = tpu.memref_squeeze %dma_wait3A_206 : memref<1x80xi32, #tpu.memory_space<hbm>> -> memref<80xi32, #tpu.memory_space<hbm>>
      tpu.wait_dma2 semaphore(%arg17 : memref<!tpu.dma_semaphore, #tpu.memory_space<semaphore_mem>>) src(%dma_wait3A_207 : memref<80xi32, #tpu.memory_space<hbm>>) dst(%arg11 : memref<80xi32, #tpu.memory_space<vmem>>)
      "tpu.region"() ({
        %run_scoped3A_294 = tpu.sem_alloc : memref<!tpu.dma_semaphore, #tpu.memory_space<semaphore_mem>>
        %dma_start3A_295 = arith.constant 0 : i32
        %dma_start3A_296 = arith.constant 0 : i32
        %dma_start3A_297 = tpu.memref_slice %arg7[%dma_start3A_295, %dma_start3A_296] : memref<10240x128xf32, #tpu.memory_space<vmem_shared>> -> memref<10240x128xf32, #tpu.memory_space<vmem_shared>>
        tpu.enqueue_indirect_dma source(%arg8 : memref<80x128xf32, #tpu.memory_space<vmem>>) target(%dma_start3A_297 : memref<10240x128xf32, #tpu.memory_space<vmem_shared>>) offsets(%arg11 : memref<80xi32, #tpu.memory_space<vmem>>) semaphore(%run_scoped3A_294 : memref<!tpu.dma_semaphore, #tpu.memory_space<semaphore_mem>>) {add = true}
        %dma_wait3A_298 = arith.constant 0 : i32
        %dma_wait3A_299 = arith.constant 0 : i32
        %dma_wait3A_300 = tpu.memref_slice %arg7[%dma_wait3A_298, %dma_wait3A_299] : memref<10240x128xf32, #tpu.memory_space<vmem_shared>> -> memref<10240x128xf32, #tpu.memory_space<vmem_shared>>
        tpu.wait_indirect_dma semaphore(%run_scoped3A_294 : memref<!tpu.dma_semaphore, #tpu.memory_space<semaphore_mem>>) src(%arg8 : memref<80x128xf32, #tpu.memory_space<vmem>>) dst(%dma_wait3A_300 : memref<10240x128xf32, #tpu.memory_space<vmem_shared>>)
        tpu.yield
      }) : () -> ()
      %add3A_208 = arith.constant 3 : i32
      %add3A_209 = arith.addi %add3A_177, %add3A_208 : i32
      %lt3A = arith.constant 125 : i32
      %lt3A_210 = arith.cmpi slt, %add3A_209, %lt3A : i32
      %convert_element_type3A = arith.extui %lt3A_210 : i1 to i32
      %cond3A = arith.constant 0 : i32
      %cond3A_211 = arith.cmpi ne, %convert_element_type3A, %cond3A : i32
      scf.if %cond3A_211 {
        %dma_start3A_294 = arith.constant 0 : i32
        %dma_start3A_295 = tpu.memref_slice %arg6[%add3A_209, %dma_start3A_294] : memref<125x80xi32, #tpu.memory_space<vmem>> -> memref<1x80xi32, #tpu.memory_space<vmem>>
        %dma_start3A_296 = tpu.memref_squeeze %dma_start3A_295 : memref<1x80xi32, #tpu.memory_space<vmem>> -> memref<80xi32, #tpu.memory_space<vmem>>
        %dma_start3A_297 = arith.constant 0 : i32
        %dma_start3A_298 = arith.constant 0 : i32
        %dma_start3A_299 = tpu.memref_slice %arg2[%dma_start3A_297, %dma_start3A_298] : memref<10240x128xf32, #tpu.memory_space<hbm>> -> memref<10240x128xf32, #tpu.memory_space<hbm>>
        tpu.enqueue_indirect_dma source(%dma_start3A_299 : memref<10240x128xf32, #tpu.memory_space<hbm>>) target(%arg8 : memref<80x128xf32, #tpu.memory_space<vmem>>) offsets(%dma_start3A_296 : memref<80xi32, #tpu.memory_space<vmem>>) semaphore(%arg14 : memref<!tpu.dma_semaphore, #tpu.memory_space<semaphore_mem>>)
        %dma_start3A_300 = arith.constant 0 : i32
        %dma_start3A_301 = arith.constant 0 : i32
        %dma_start3A_302 = arith.constant 0 : i32
        %dma_start3A_303 = tpu.memref_slice %arg3[%scan3A_101, %dma_start3A_300, %dma_start3A_301, %dma_start3A_302] : memref<2x32x125x80xi32, #tpu.memory_space<hbm>> -> memref<1x32x125x80xi32, #tpu.memory_space<hbm>>
        %dma_start3A_304 = tpu.memref_squeeze %dma_start3A_303 : memref<1x32x125x80xi32, #tpu.memory_space<hbm>> -> memref<32x125x80xi32, #tpu.memory_space<hbm>>
        %dma_start3A_305 = arith.constant 0 : i32
        %dma_start3A_306 = arith.constant 0 : i32
        %dma_start3A_307 = tpu.memref_slice %dma_start3A_304[%add3A, %dma_start3A_305, %dma_start3A_306] : memref<32x125x80xi32, #tpu.memory_space<hbm>> -> memref<1x125x80xi32, #tpu.memory_space<hbm>>
        %dma_start3A_308 = tpu.memref_squeeze %dma_start3A_307 : memref<1x125x80xi32, #tpu.memory_space<hbm>> -> memref<125x80xi32, #tpu.memory_space<hbm>>
        %dma_start3A_309 = arith.constant 0 : i32
        %dma_start3A_310 = tpu.memref_slice %dma_start3A_308[%add3A_209, %dma_start3A_309] : memref<125x80xi32, #tpu.memory_space<hbm>> -> memref<1x80xi32, #tpu.memory_space<hbm>>
        %dma_start3A_311 = tpu.memref_squeeze %dma_start3A_310 : memref<1x80xi32, #tpu.memory_space<hbm>> -> memref<80xi32, #tpu.memory_space<hbm>>
        %dma_start3A_312 = arith.constant 0 : i32
        %dma_start3A_313 = arith.constant 0 : i32
        %dma_start3A_314 = arith.constant 0 : i32
        %dma_start3A_315 = tpu.memref_slice %arg3[%scan3A_101, %dma_start3A_312, %dma_start3A_313, %dma_start3A_314] : memref<2x32x125x80xi32, #tpu.memory_space<hbm>> -> memref<1x32x125x80xi32, #tpu.memory_space<hbm>>
        %dma_start3A_316 = tpu.memref_squeeze %dma_start3A_315 : memref<1x32x125x80xi32, #tpu.memory_space<hbm>> -> memref<32x125x80xi32, #tpu.memory_space<hbm>>
        %dma_start3A_317 = arith.constant 0 : i32
        %dma_start3A_318 = arith.constant 0 : i32
        %dma_start3A_319 = tpu.memref_slice %dma_start3A_316[%add3A, %dma_start3A_317, %dma_start3A_318] : memref<32x125x80xi32, #tpu.memory_space<hbm>> -> memref<1x125x80xi32, #tpu.memory_space<hbm>>
        %dma_start3A_320 = tpu.memref_squeeze %dma_start3A_319 : memref<1x125x80xi32, #tpu.memory_space<hbm>> -> memref<125x80xi32, #tpu.memory_space<hbm>>
        %dma_start3A_321 = arith.constant 0 : i32
        %dma_start3A_322 = tpu.memref_slice %dma_start3A_320[%add3A_209, %dma_start3A_321] : memref<125x80xi32, #tpu.memory_space<hbm>> -> memref<1x80xi32, #tpu.memory_space<hbm>>
        %dma_start3A_323 = tpu.memref_squeeze %dma_start3A_322 : memref<1x80xi32, #tpu.memory_space<hbm>> -> memref<80xi32, #tpu.memory_space<hbm>>
        tpu.enqueue_dma source(%dma_start3A_323 : memref<80xi32, #tpu.memory_space<hbm>>) target(%arg11 : memref<80xi32, #tpu.memory_space<vmem>>) target_semaphore(%arg17 : memref<!tpu.dma_semaphore, #tpu.memory_space<semaphore_mem>>)
      } else {
      }
      %mul3A_212 = arith.constant 3 : i32
      %mul3A_213 = arith.muli %scan3A_173, %mul3A_212 : i32
      %add3A_214 = arith.constant 1 : i32
      %add3A_215 = arith.addi %mul3A_213, %add3A_214 : i32
      %dma_wait3A_216 = arith.constant 0 : i32
      %dma_wait3A_217 = tpu.memref_slice %arg6[%add3A_215, %dma_wait3A_216] : memref<125x80xi32, #tpu.memory_space<vmem>> -> memref<1x80xi32, #tpu.memory_space<vmem>>
      %dma_wait3A_218 = tpu.memref_squeeze %dma_wait3A_217 : memref<1x80xi32, #tpu.memory_space<vmem>> -> memref<80xi32, #tpu.memory_space<vmem>>
      %dma_wait3A_219 = arith.constant 0 : i32
      %dma_wait3A_220 = arith.constant 0 : i32
      %dma_wait3A_221 = tpu.memref_slice %arg2[%dma_wait3A_219, %dma_wait3A_220] : memref<10240x128xf32, #tpu.memory_space<hbm>> -> memref<10240x128xf32, #tpu.memory_space<hbm>>
      tpu.wait_indirect_dma semaphore(%arg15 : memref<!tpu.dma_semaphore, #tpu.memory_space<semaphore_mem>>) src(%dma_wait3A_221 : memref<10240x128xf32, #tpu.memory_space<hbm>>) dst(%arg9 : memref<80x128xf32, #tpu.memory_space<vmem>>)
      %dma_wait3A_222 = arith.constant 0 : i32
      %dma_wait3A_223 = arith.constant 0 : i32
      %dma_wait3A_224 = arith.constant 0 : i32
      %dma_wait3A_225 = tpu.memref_slice %arg3[%scan3A_101, %dma_wait3A_222, %dma_wait3A_223, %dma_wait3A_224] : memref<2x32x125x80xi32, #tpu.memory_space<hbm>> -> memref<1x32x125x80xi32, #tpu.memory_space<hbm>>
      %dma_wait3A_226 = tpu.memref_squeeze %dma_wait3A_225 : memref<1x32x125x80xi32, #tpu.memory_space<hbm>> -> memref<32x125x80xi32, #tpu.memory_space<hbm>>
      %dma_wait3A_227 = arith.constant 0 : i32
      %dma_wait3A_228 = arith.constant 0 : i32
      %dma_wait3A_229 = tpu.memref_slice %dma_wait3A_226[%add3A, %dma_wait3A_227, %dma_wait3A_228] : memref<32x125x80xi32, #tpu.memory_space<hbm>> -> memref<1x125x80xi32, #tpu.memory_space<hbm>>
      %dma_wait3A_230 = tpu.memref_squeeze %dma_wait3A_229 : memref<1x125x80xi32, #tpu.memory_space<hbm>> -> memref<125x80xi32, #tpu.memory_space<hbm>>
      %dma_wait3A_231 = arith.constant 0 : i32
      %dma_wait3A_232 = tpu.memref_slice %dma_wait3A_230[%add3A_215, %dma_wait3A_231] : memref<125x80xi32, #tpu.memory_space<hbm>> -> memref<1x80xi32, #tpu.memory_space<hbm>>
      %dma_wait3A_233 = tpu.memref_squeeze %dma_wait3A_232 : memref<1x80xi32, #tpu.memory_space<hbm>> -> memref<80xi32, #tpu.memory_space<hbm>>
      %dma_wait3A_234 = arith.constant 0 : i32
      %dma_wait3A_235 = arith.constant 0 : i32
      %dma_wait3A_236 = arith.constant 0 : i32
      %dma_wait3A_237 = tpu.memref_slice %arg3[%scan3A_101, %dma_wait3A_234, %dma_wait3A_235, %dma_wait3A_236] : memref<2x32x125x80xi32, #tpu.memory_space<hbm>> -> memref<1x32x125x80xi32, #tpu.memory_space<hbm>>
      %dma_wait3A_238 = tpu.memref_squeeze %dma_wait3A_237 : memref<1x32x125x80xi32, #tpu.memory_space<hbm>> -> memref<32x125x80xi32, #tpu.memory_space<hbm>>
      %dma_wait3A_239 = arith.constant 0 : i32
      %dma_wait3A_240 = arith.constant 0 : i32
      %dma_wait3A_241 = tpu.memref_slice %dma_wait3A_238[%add3A, %dma_wait3A_239, %dma_wait3A_240] : memref<32x125x80xi32, #tpu.memory_space<hbm>> -> memref<1x125x80xi32, #tpu.memory_space<hbm>>
      %dma_wait3A_242 = tpu.memref_squeeze %dma_wait3A_241 : memref<1x125x80xi32, #tpu.memory_space<hbm>> -> memref<125x80xi32, #tpu.memory_space<hbm>>
      %dma_wait3A_243 = arith.constant 0 : i32
      %dma_wait3A_244 = tpu.memref_slice %dma_wait3A_242[%add3A_215, %dma_wait3A_243] : memref<125x80xi32, #tpu.memory_space<hbm>> -> memref<1x80xi32, #tpu.memory_space<hbm>>
      %dma_wait3A_245 = tpu.memref_squeeze %dma_wait3A_244 : memref<1x80xi32, #tpu.memory_space<hbm>> -> memref<80xi32, #tpu.memory_space<hbm>>
      tpu.wait_dma2 semaphore(%arg18 : memref<!tpu.dma_semaphore, #tpu.memory_space<semaphore_mem>>) src(%dma_wait3A_245 : memref<80xi32, #tpu.memory_space<hbm>>) dst(%arg12 : memref<80xi32, #tpu.memory_space<vmem>>)
      "tpu.region"() ({
        %run_scoped3A_294 = tpu.sem_alloc : memref<!tpu.dma_semaphore, #tpu.memory_space<semaphore_mem>>
        %dma_start3A_295 = arith.constant 0 : i32
        %dma_start3A_296 = arith.constant 0 : i32
        %dma_start3A_297 = tpu.memref_slice %arg7[%dma_start3A_295, %dma_start3A_296] : memref<10240x128xf32, #tpu.memory_space<vmem_shared>> -> memref<10240x128xf32, #tpu.memory_space<vmem_shared>>
        tpu.enqueue_indirect_dma source(%arg9 : memref<80x128xf32, #tpu.memory_space<vmem>>) target(%dma_start3A_297 : memref<10240x128xf32, #tpu.memory_space<vmem_shared>>) offsets(%arg12 : memref<80xi32, #tpu.memory_space<vmem>>) semaphore(%run_scoped3A_294 : memref<!tpu.dma_semaphore, #tpu.memory_space<semaphore_mem>>) {add = true}
        %dma_wait3A_298 = arith.constant 0 : i32
        %dma_wait3A_299 = arith.constant 0 : i32
        %dma_wait3A_300 = tpu.memref_slice %arg7[%dma_wait3A_298, %dma_wait3A_299] : memref<10240x128xf32, #tpu.memory_space<vmem_shared>> -> memref<10240x128xf32, #tpu.memory_space<vmem_shared>>
        tpu.wait_indirect_dma semaphore(%run_scoped3A_294 : memref<!tpu.dma_semaphore, #tpu.memory_space<semaphore_mem>>) src(%arg9 : memref<80x128xf32, #tpu.memory_space<vmem>>) dst(%dma_wait3A_300 : memref<10240x128xf32, #tpu.memory_space<vmem_shared>>)
        tpu.yield
      }) : () -> ()
      %add3A_246 = arith.constant 3 : i32
      %add3A_247 = arith.addi %add3A_215, %add3A_246 : i32
      %lt3A_248 = arith.constant 125 : i32
      %lt3A_249 = arith.cmpi slt, %add3A_247, %lt3A_248 : i32
      %convert_element_type3A_250 = arith.extui %lt3A_249 : i1 to i32
      %cond3A_251 = arith.constant 0 : i32
      %cond3A_252 = arith.cmpi ne, %convert_element_type3A_250, %cond3A_251 : i32
      scf.if %cond3A_252 {
        %dma_start3A_294 = arith.constant 0 : i32
        %dma_start3A_295 = tpu.memref_slice %arg6[%add3A_247, %dma_start3A_294] : memref<125x80xi32, #tpu.memory_space<vmem>> -> memref<1x80xi32, #tpu.memory_space<vmem>>
        %dma_start3A_296 = tpu.memref_squeeze %dma_start3A_295 : memref<1x80xi32, #tpu.memory_space<vmem>> -> memref<80xi32, #tpu.memory_space<vmem>>
        %dma_start3A_297 = arith.constant 0 : i32
        %dma_start3A_298 = arith.constant 0 : i32
        %dma_start3A_299 = tpu.memref_slice %arg2[%dma_start3A_297, %dma_start3A_298] : memref<10240x128xf32, #tpu.memory_space<hbm>> -> memref<10240x128xf32, #tpu.memory_space<hbm>>
        tpu.enqueue_indirect_dma source(%dma_start3A_299 : memref<10240x128xf32, #tpu.memory_space<hbm>>) target(%arg9 : memref<80x128xf32, #tpu.memory_space<vmem>>) offsets(%dma_start3A_296 : memref<80xi32, #tpu.memory_space<vmem>>) semaphore(%arg15 : memref<!tpu.dma_semaphore, #tpu.memory_space<semaphore_mem>>)
        %dma_start3A_300 = arith.constant 0 : i32
        %dma_start3A_301 = arith.constant 0 : i32
        %dma_start3A_302 = arith.constant 0 : i32
        %dma_start3A_303 = tpu.memref_slice %arg3[%scan3A_101, %dma_start3A_300, %dma_start3A_301, %dma_start3A_302] : memref<2x32x125x80xi32, #tpu.memory_space<hbm>> -> memref<1x32x125x80xi32, #tpu.memory_space<hbm>>
        %dma_start3A_304 = tpu.memref_squeeze %dma_start3A_303 : memref<1x32x125x80xi32, #tpu.memory_space<hbm>> -> memref<32x125x80xi32, #tpu.memory_space<hbm>>
        %dma_start3A_305 = arith.constant 0 : i32
        %dma_start3A_306 = arith.constant 0 : i32
        %dma_start3A_307 = tpu.memref_slice %dma_start3A_304[%add3A, %dma_start3A_305, %dma_start3A_306] : memref<32x125x80xi32, #tpu.memory_space<hbm>> -> memref<1x125x80xi32, #tpu.memory_space<hbm>>
        %dma_start3A_308 = tpu.memref_squeeze %dma_start3A_307 : memref<1x125x80xi32, #tpu.memory_space<hbm>> -> memref<125x80xi32, #tpu.memory_space<hbm>>
        %dma_start3A_309 = arith.constant 0 : i32
        %dma_start3A_310 = tpu.memref_slice %dma_start3A_308[%add3A_247, %dma_start3A_309] : memref<125x80xi32, #tpu.memory_space<hbm>> -> memref<1x80xi32, #tpu.memory_space<hbm>>
        %dma_start3A_311 = tpu.memref_squeeze %dma_start3A_310 : memref<1x80xi32, #tpu.memory_space<hbm>> -> memref<80xi32, #tpu.memory_space<hbm>>
        %dma_start3A_312 = arith.constant 0 : i32
        %dma_start3A_313 = arith.constant 0 : i32
        %dma_start3A_314 = arith.constant 0 : i32
        %dma_start3A_315 = tpu.memref_slice %arg3[%scan3A_101, %dma_start3A_312, %dma_start3A_313, %dma_start3A_314] : memref<2x32x125x80xi32, #tpu.memory_space<hbm>> -> memref<1x32x125x80xi32, #tpu.memory_space<hbm>>
        %dma_start3A_316 = tpu.memref_squeeze %dma_start3A_315 : memref<1x32x125x80xi32, #tpu.memory_space<hbm>> -> memref<32x125x80xi32, #tpu.memory_space<hbm>>
        %dma_start3A_317 = arith.constant 0 : i32
        %dma_start3A_318 = arith.constant 0 : i32
        %dma_start3A_319 = tpu.memref_slice %dma_start3A_316[%add3A, %dma_start3A_317, %dma_start3A_318] : memref<32x125x80xi32, #tpu.memory_space<hbm>> -> memref<1x125x80xi32, #tpu.memory_space<hbm>>
        %dma_start3A_320 = tpu.memref_squeeze %dma_start3A_319 : memref<1x125x80xi32, #tpu.memory_space<hbm>> -> memref<125x80xi32, #tpu.memory_space<hbm>>
        %dma_start3A_321 = arith.constant 0 : i32
        %dma_start3A_322 = tpu.memref_slice %dma_start3A_320[%add3A_247, %dma_start3A_321] : memref<125x80xi32, #tpu.memory_space<hbm>> -> memref<1x80xi32, #tpu.memory_space<hbm>>
        %dma_start3A_323 = tpu.memref_squeeze %dma_start3A_322 : memref<1x80xi32, #tpu.memory_space<hbm>> -> memref<80xi32, #tpu.memory_space<hbm>>
        tpu.enqueue_dma source(%dma_start3A_323 : memref<80xi32, #tpu.memory_space<hbm>>) target(%arg12 : memref<80xi32, #tpu.memory_space<vmem>>) target_semaphore(%arg18 : memref<!tpu.dma_semaphore, #tpu.memory_space<semaphore_mem>>)
      } else {
      }
      %mul3A_253 = arith.constant 3 : i32
      %mul3A_254 = arith.muli %scan3A_173, %mul3A_253 : i32
      %add3A_255 = arith.constant 2 : i32
      %add3A_256 = arith.addi %mul3A_254, %add3A_255 : i32
      %dma_wait3A_257 = arith.constant 0 : i32
      %dma_wait3A_258 = tpu.memref_slice %arg6[%add3A_256, %dma_wait3A_257] : memref<125x80xi32, #tpu.memory_space<vmem>> -> memref<1x80xi32, #tpu.memory_space<vmem>>
      %dma_wait3A_259 = tpu.memref_squeeze %dma_wait3A_258 : memref<1x80xi32, #tpu.memory_space<vmem>> -> memref<80xi32, #tpu.memory_space<vmem>>
      %dma_wait3A_260 = arith.constant 0 : i32
      %dma_wait3A_261 = arith.constant 0 : i32
      %dma_wait3A_262 = tpu.memref_slice %arg2[%dma_wait3A_260, %dma_wait3A_261] : memref<10240x128xf32, #tpu.memory_space<hbm>> -> memref<10240x128xf32, #tpu.memory_space<hbm>>
      tpu.wait_indirect_dma semaphore(%arg16 : memref<!tpu.dma_semaphore, #tpu.memory_space<semaphore_mem>>) src(%dma_wait3A_262 : memref<10240x128xf32, #tpu.memory_space<hbm>>) dst(%arg10 : memref<80x128xf32, #tpu.memory_space<vmem>>)
      %dma_wait3A_263 = arith.constant 0 : i32
      %dma_wait3A_264 = arith.constant 0 : i32
      %dma_wait3A_265 = arith.constant 0 : i32
      %dma_wait3A_266 = tpu.memref_slice %arg3[%scan3A_101, %dma_wait3A_263, %dma_wait3A_264, %dma_wait3A_265] : memref<2x32x125x80xi32, #tpu.memory_space<hbm>> -> memref<1x32x125x80xi32, #tpu.memory_space<hbm>>
      %dma_wait3A_267 = tpu.memref_squeeze %dma_wait3A_266 : memref<1x32x125x80xi32, #tpu.memory_space<hbm>> -> memref<32x125x80xi32, #tpu.memory_space<hbm>>
      %dma_wait3A_268 = arith.constant 0 : i32
      %dma_wait3A_269 = arith.constant 0 : i32
      %dma_wait3A_270 = tpu.memref_slice %dma_wait3A_267[%add3A, %dma_wait3A_268, %dma_wait3A_269] : memref<32x125x80xi32, #tpu.memory_space<hbm>> -> memref<1x125x80xi32, #tpu.memory_space<hbm>>
      %dma_wait3A_271 = tpu.memref_squeeze %dma_wait3A_270 : memref<1x125x80xi32, #tpu.memory_space<hbm>> -> memref<125x80xi32, #tpu.memory_space<hbm>>
      %dma_wait3A_272 = arith.constant 0 : i32
      %dma_wait3A_273 = tpu.memref_slice %dma_wait3A_271[%add3A_256, %dma_wait3A_272] : memref<125x80xi32, #tpu.memory_space<hbm>> -> memref<1x80xi32, #tpu.memory_space<hbm>>
      %dma_wait3A_274 = tpu.memref_squeeze %dma_wait3A_273 : memref<1x80xi32, #tpu.memory_space<hbm>> -> memref<80xi32, #tpu.memory_space<hbm>>
      %dma_wait3A_275 = arith.constant 0 : i32
      %dma_wait3A_276 = arith.constant 0 : i32
      %dma_wait3A_277 = arith.constant 0 : i32
      %dma_wait3A_278 = tpu.memref_slice %arg3[%scan3A_101, %dma_wait3A_275, %dma_wait3A_276, %dma_wait3A_277] : memref<2x32x125x80xi32, #tpu.memory_space<hbm>> -> memref<1x32x125x80xi32, #tpu.memory_space<hbm>>
      %dma_wait3A_279 = tpu.memref_squeeze %dma_wait3A_278 : memref<1x32x125x80xi32, #tpu.memory_space<hbm>> -> memref<32x125x80xi32, #tpu.memory_space<hbm>>
      %dma_wait3A_280 = arith.constant 0 : i32
      %dma_wait3A_281 = arith.constant 0 : i32
      %dma_wait3A_282 = tpu.memref_slice %dma_wait3A_279[%add3A, %dma_wait3A_280, %dma_wait3A_281] : memref<32x125x80xi32, #tpu.memory_space<hbm>> -> memref<1x125x80xi32, #tpu.memory_space<hbm>>
      %dma_wait3A_283 = tpu.memref_squeeze %dma_wait3A_282 : memref<1x125x80xi32, #tpu.memory_space<hbm>> -> memref<125x80xi32, #tpu.memory_space<hbm>>
      %dma_wait3A_284 = arith.constant 0 : i32
      %dma_wait3A_285 = tpu.memref_slice %dma_wait3A_283[%add3A_256, %dma_wait3A_284] : memref<125x80xi32, #tpu.memory_space<hbm>> -> memref<1x80xi32, #tpu.memory_space<hbm>>
      %dma_wait3A_286 = tpu.memref_squeeze %dma_wait3A_285 : memref<1x80xi32, #tpu.memory_space<hbm>> -> memref<80xi32, #tpu.memory_space<hbm>>
      tpu.wait_dma2 semaphore(%arg19 : memref<!tpu.dma_semaphore, #tpu.memory_space<semaphore_mem>>) src(%dma_wait3A_286 : memref<80xi32, #tpu.memory_space<hbm>>) dst(%arg13 : memref<80xi32, #tpu.memory_space<vmem>>)
      "tpu.region"() ({
        %run_scoped3A_294 = tpu.sem_alloc : memref<!tpu.dma_semaphore, #tpu.memory_space<semaphore_mem>>
        %dma_start3A_295 = arith.constant 0 : i32
        %dma_start3A_296 = arith.constant 0 : i32
        %dma_start3A_297 = tpu.memref_slice %arg7[%dma_start3A_295, %dma_start3A_296] : memref<10240x128xf32, #tpu.memory_space<vmem_shared>> -> memref<10240x128xf32, #tpu.memory_space<vmem_shared>>
        tpu.enqueue_indirect_dma source(%arg10 : memref<80x128xf32, #tpu.memory_space<vmem>>) target(%dma_start3A_297 : memref<10240x128xf32, #tpu.memory_space<vmem_shared>>) offsets(%arg13 : memref<80xi32, #tpu.memory_space<vmem>>) semaphore(%run_scoped3A_294 : memref<!tpu.dma_semaphore, #tpu.memory_space<semaphore_mem>>) {add = true}
        %dma_wait3A_298 = arith.constant 0 : i32
        %dma_wait3A_299 = arith.constant 0 : i32
        %dma_wait3A_300 = tpu.memref_slice %arg7[%dma_wait3A_298, %dma_wait3A_299] : memref<10240x128xf32, #tpu.memory_space<vmem_shared>> -> memref<10240x128xf32, #tpu.memory_space<vmem_shared>>
        tpu.wait_indirect_dma semaphore(%run_scoped3A_294 : memref<!tpu.dma_semaphore, #tpu.memory_space<semaphore_mem>>) src(%arg10 : memref<80x128xf32, #tpu.memory_space<vmem>>) dst(%dma_wait3A_300 : memref<10240x128xf32, #tpu.memory_space<vmem_shared>>)
        tpu.yield
      }) : () -> ()
      %add3A_287 = arith.constant 3 : i32
      %add3A_288 = arith.addi %add3A_256, %add3A_287 : i32
      %lt3A_289 = arith.constant 125 : i32
      %lt3A_290 = arith.cmpi slt, %add3A_288, %lt3A_289 : i32
      %convert_element_type3A_291 = arith.extui %lt3A_290 : i1 to i32
      %cond3A_292 = arith.constant 0 : i32
      %cond3A_293 = arith.cmpi ne, %convert_element_type3A_291, %cond3A_292 : i32
      scf.if %cond3A_293 {
        %dma_start3A_294 = arith.constant 0 : i32
        %dma_start3A_295 = tpu.memref_slice %arg6[%add3A_288, %dma_start3A_294] : memref<125x80xi32, #tpu.memory_space<vmem>> -> memref<1x80xi32, #tpu.memory_space<vmem>>
        %dma_start3A_296 = tpu.memref_squeeze %dma_start3A_295 : memref<1x80xi32, #tpu.memory_space<vmem>> -> memref<80xi32, #tpu.memory_space<vmem>>
        %dma_start3A_297 = arith.constant 0 : i32
        %dma_start3A_298 = arith.constant 0 : i32
        %dma_start3A_299 = tpu.memref_slice %arg2[%dma_start3A_297, %dma_start3A_298] : memref<10240x128xf32, #tpu.memory_space<hbm>> -> memref<10240x128xf32, #tpu.memory_space<hbm>>
        tpu.enqueue_indirect_dma source(%dma_start3A_299 : memref<10240x128xf32, #tpu.memory_space<hbm>>) target(%arg10 : memref<80x128xf32, #tpu.memory_space<vmem>>) offsets(%dma_start3A_296 : memref<80xi32, #tpu.memory_space<vmem>>) semaphore(%arg16 : memref<!tpu.dma_semaphore, #tpu.memory_space<semaphore_mem>>)
        %dma_start3A_300 = arith.constant 0 : i32
        %dma_start3A_301 = arith.constant 0 : i32
        %dma_start3A_302 = arith.constant 0 : i32
        %dma_start3A_303 = tpu.memref_slice %arg3[%scan3A_101, %dma_start3A_300, %dma_start3A_301, %dma_start3A_302] : memref<2x32x125x80xi32, #tpu.memory_space<hbm>> -> memref<1x32x125x80xi32, #tpu.memory_space<hbm>>
        %dma_start3A_304 = tpu.memref_squeeze %dma_start3A_303 : memref<1x32x125x80xi32, #tpu.memory_space<hbm>> -> memref<32x125x80xi32, #tpu.memory_space<hbm>>
        %dma_start3A_305 = arith.constant 0 : i32
        %dma_start3A_306 = arith.constant 0 : i32
        %dma_start3A_307 = tpu.memref_slice %dma_start3A_304[%add3A, %dma_start3A_305, %dma_start3A_306] : memref<32x125x80xi32, #tpu.memory_space<hbm>> -> memref<1x125x80xi32, #tpu.memory_space<hbm>>
        %dma_start3A_308 = tpu.memref_squeeze %dma_start3A_307 : memref<1x125x80xi32, #tpu.memory_space<hbm>> -> memref<125x80xi32, #tpu.memory_space<hbm>>
        %dma_start3A_309 = arith.constant 0 : i32
        %dma_start3A_310 = tpu.memref_slice %dma_start3A_308[%add3A_288, %dma_start3A_309] : memref<125x80xi32, #tpu.memory_space<hbm>> -> memref<1x80xi32, #tpu.memory_space<hbm>>
        %dma_start3A_311 = tpu.memref_squeeze %dma_start3A_310 : memref<1x80xi32, #tpu.memory_space<hbm>> -> memref<80xi32, #tpu.memory_space<hbm>>
        %dma_start3A_312 = arith.constant 0 : i32
        %dma_start3A_313 = arith.constant 0 : i32
        %dma_start3A_314 = arith.constant 0 : i32
        %dma_start3A_315 = tpu.memref_slice %arg3[%scan3A_101, %dma_start3A_312, %dma_start3A_313, %dma_start3A_314] : memref<2x32x125x80xi32, #tpu.memory_space<hbm>> -> memref<1x32x125x80xi32, #tpu.memory_space<hbm>>
        %dma_start3A_316 = tpu.memref_squeeze %dma_start3A_315 : memref<1x32x125x80xi32, #tpu.memory_space<hbm>> -> memref<32x125x80xi32, #tpu.memory_space<hbm>>
        %dma_start3A_317 = arith.constant 0 : i32
        %dma_start3A_318 = arith.constant 0 : i32
        %dma_start3A_319 = tpu.memref_slice %dma_start3A_316[%add3A, %dma_start3A_317, %dma_start3A_318] : memref<32x125x80xi32, #tpu.memory_space<hbm>> -> memref<1x125x80xi32, #tpu.memory_space<hbm>>
        %dma_start3A_320 = tpu.memref_squeeze %dma_start3A_319 : memref<1x125x80xi32, #tpu.memory_space<hbm>> -> memref<125x80xi32, #tpu.memory_space<hbm>>
        %dma_start3A_321 = arith.constant 0 : i32
        %dma_start3A_322 = tpu.memref_slice %dma_start3A_320[%add3A_288, %dma_start3A_321] : memref<125x80xi32, #tpu.memory_space<hbm>> -> memref<1x80xi32, #tpu.memory_space<hbm>>
        %dma_start3A_323 = tpu.memref_squeeze %dma_start3A_322 : memref<1x80xi32, #tpu.memory_space<hbm>> -> memref<80xi32, #tpu.memory_space<hbm>>
        tpu.enqueue_dma source(%dma_start3A_323 : memref<80xi32, #tpu.memory_space<hbm>>) target(%arg13 : memref<80xi32, #tpu.memory_space<vmem>>) target_semaphore(%arg19 : memref<!tpu.dma_semaphore, #tpu.memory_space<semaphore_mem>>)
      } else {
      }
    }
    %scan3A_106 = arith.constant 41 : i32
    %dma_wait3A = arith.constant 123 : i32
    %dma_wait3A_107 = arith.constant 0 : i32
    %dma_wait3A_108 = tpu.memref_slice %arg6[%dma_wait3A, %dma_wait3A_107] : memref<125x80xi32, #tpu.memory_space<vmem>> -> memref<1x80xi32, #tpu.memory_space<vmem>>
    %dma_wait3A_109 = tpu.memref_squeeze %dma_wait3A_108 : memref<1x80xi32, #tpu.memory_space<vmem>> -> memref<80xi32, #tpu.memory_space<vmem>>
    %dma_wait3A_110 = arith.constant 0 : i32
    %dma_wait3A_111 = arith.constant 0 : i32
    %dma_wait3A_112 = tpu.memref_slice %arg2[%dma_wait3A_110, %dma_wait3A_111] : memref<10240x128xf32, #tpu.memory_space<hbm>> -> memref<10240x128xf32, #tpu.memory_space<hbm>>
    tpu.wait_indirect_dma semaphore(%arg14 : memref<!tpu.dma_semaphore, #tpu.memory_space<semaphore_mem>>) src(%dma_wait3A_112 : memref<10240x128xf32, #tpu.memory_space<hbm>>) dst(%arg8 : memref<80x128xf32, #tpu.memory_space<vmem>>)
    %dma_wait3A_113 = arith.constant 1 : i32
    %dma_wait3A_114 = arith.constant 123 : i32
    %dma_wait3A_115 = arith.constant 0 : i32
    %dma_wait3A_116 = arith.constant 0 : i32
    %dma_wait3A_117 = arith.constant 0 : i32
    %dma_wait3A_118 = tpu.memref_slice %arg3[%dma_wait3A_113, %dma_wait3A_115, %dma_wait3A_116, %dma_wait3A_117] : memref<2x32x125x80xi32, #tpu.memory_space<hbm>> -> memref<1x32x125x80xi32, #tpu.memory_space<hbm>>
    %dma_wait3A_119 = tpu.memref_squeeze %dma_wait3A_118 : memref<1x32x125x80xi32, #tpu.memory_space<hbm>> -> memref<32x125x80xi32, #tpu.memory_space<hbm>>
    %dma_wait3A_120 = arith.constant 0 : i32
    %dma_wait3A_121 = arith.constant 0 : i32
    %dma_wait3A_122 = tpu.memref_slice %dma_wait3A_119[%add3A, %dma_wait3A_120, %dma_wait3A_121] : memref<32x125x80xi32, #tpu.memory_space<hbm>> -> memref<1x125x80xi32, #tpu.memory_space<hbm>>
    %dma_wait3A_123 = tpu.memref_squeeze %dma_wait3A_122 : memref<1x125x80xi32, #tpu.memory_space<hbm>> -> memref<125x80xi32, #tpu.memory_space<hbm>>
    %dma_wait3A_124 = arith.constant 0 : i32
    %dma_wait3A_125 = tpu.memref_slice %dma_wait3A_123[%dma_wait3A_114, %dma_wait3A_124] : memref<125x80xi32, #tpu.memory_space<hbm>> -> memref<1x80xi32, #tpu.memory_space<hbm>>
    %dma_wait3A_126 = tpu.memref_squeeze %dma_wait3A_125 : memref<1x80xi32, #tpu.memory_space<hbm>> -> memref<80xi32, #tpu.memory_space<hbm>>
    %dma_wait3A_127 = arith.constant 0 : i32
    %dma_wait3A_128 = arith.constant 0 : i32
    %dma_wait3A_129 = arith.constant 0 : i32
    %dma_wait3A_130 = tpu.memref_slice %arg3[%dma_wait3A_113, %dma_wait3A_127, %dma_wait3A_128, %dma_wait3A_129] : memref<2x32x125x80xi32, #tpu.memory_space<hbm>> -> memref<1x32x125x80xi32, #tpu.memory_space<hbm>>
    %dma_wait3A_131 = tpu.memref_squeeze %dma_wait3A_130 : memref<1x32x125x80xi32, #tpu.memory_space<hbm>> -> memref<32x125x80xi32, #tpu.memory_space<hbm>>
    %dma_wait3A_132 = arith.constant 0 : i32
    %dma_wait3A_133 = arith.constant 0 : i32
    %dma_wait3A_134 = tpu.memref_slice %dma_wait3A_131[%add3A, %dma_wait3A_132, %dma_wait3A_133] : memref<32x125x80xi32, #tpu.memory_space<hbm>> -> memref<1x125x80xi32, #tpu.memory_space<hbm>>
    %dma_wait3A_135 = tpu.memref_squeeze %dma_wait3A_134 : memref<1x125x80xi32, #tpu.memory_space<hbm>> -> memref<125x80xi32, #tpu.memory_space<hbm>>
    %dma_wait3A_136 = arith.constant 0 : i32
    %dma_wait3A_137 = tpu.memref_slice %dma_wait3A_135[%dma_wait3A_114, %dma_wait3A_136] : memref<125x80xi32, #tpu.memory_space<hbm>> -> memref<1x80xi32, #tpu.memory_space<hbm>>
    %dma_wait3A_138 = tpu.memref_squeeze %dma_wait3A_137 : memref<1x80xi32, #tpu.memory_space<hbm>> -> memref<80xi32, #tpu.memory_space<hbm>>
    tpu.wait_dma2 semaphore(%arg17 : memref<!tpu.dma_semaphore, #tpu.memory_space<semaphore_mem>>) src(%dma_wait3A_138 : memref<80xi32, #tpu.memory_space<hbm>>) dst(%arg11 : memref<80xi32, #tpu.memory_space<vmem>>)
    "tpu.region"() ({
      %run_scoped3A_173 = tpu.sem_alloc : memref<!tpu.dma_semaphore, #tpu.memory_space<semaphore_mem>>
      %dma_start3A_174 = arith.constant 0 : i32
      %dma_start3A_175 = arith.constant 0 : i32
      %dma_start3A_176 = tpu.memref_slice %arg7[%dma_start3A_174, %dma_start3A_175] : memref<10240x128xf32, #tpu.memory_space<vmem_shared>> -> memref<10240x128xf32, #tpu.memory_space<vmem_shared>>
      tpu.enqueue_indirect_dma source(%arg8 : memref<80x128xf32, #tpu.memory_space<vmem>>) target(%dma_start3A_176 : memref<10240x128xf32, #tpu.memory_space<vmem_shared>>) offsets(%arg11 : memref<80xi32, #tpu.memory_space<vmem>>) semaphore(%run_scoped3A_173 : memref<!tpu.dma_semaphore, #tpu.memory_space<semaphore_mem>>) {add = true}
      %dma_wait3A_177 = arith.constant 0 : i32
      %dma_wait3A_178 = arith.constant 0 : i32
      %dma_wait3A_179 = tpu.memref_slice %arg7[%dma_wait3A_177, %dma_wait3A_178] : memref<10240x128xf32, #tpu.memory_space<vmem_shared>> -> memref<10240x128xf32, #tpu.memory_space<vmem_shared>>
      tpu.wait_indirect_dma semaphore(%run_scoped3A_173 : memref<!tpu.dma_semaphore, #tpu.memory_space<semaphore_mem>>) src(%arg8 : memref<80x128xf32, #tpu.memory_space<vmem>>) dst(%dma_wait3A_179 : memref<10240x128xf32, #tpu.memory_space<vmem_shared>>)
      tpu.yield
    }) : () -> ()
    %dma_wait3A_139 = arith.constant 124 : i32
    %dma_wait3A_140 = arith.constant 0 : i32
    %dma_wait3A_141 = tpu.memref_slice %arg6[%dma_wait3A_139, %dma_wait3A_140] : memref<125x80xi32, #tpu.memory_space<vmem>> -> memref<1x80xi32, #tpu.memory_space<vmem>>
    %dma_wait3A_142 = tpu.memref_squeeze %dma_wait3A_141 : memref<1x80xi32, #tpu.memory_space<vmem>> -> memref<80xi32, #tpu.memory_space<vmem>>
    %dma_wait3A_143 = arith.constant 0 : i32
    %dma_wait3A_144 = arith.constant 0 : i32
    %dma_wait3A_145 = tpu.memref_slice %arg2[%dma_wait3A_143, %dma_wait3A_144] : memref<10240x128xf32, #tpu.memory_space<hbm>> -> memref<10240x128xf32, #tpu.memory_space<hbm>>
    tpu.wait_indirect_dma semaphore(%arg15 : memref<!tpu.dma_semaphore, #tpu.memory_space<semaphore_mem>>) src(%dma_wait3A_145 : memref<10240x128xf32, #tpu.memory_space<hbm>>) dst(%arg9 : memref<80x128xf32, #tpu.memory_space<vmem>>)
    %dma_wait3A_146 = arith.constant 1 : i32
    %dma_wait3A_147 = arith.constant 124 : i32
    %dma_wait3A_148 = arith.constant 0 : i32
    %dma_wait3A_149 = arith.constant 0 : i32
    %dma_wait3A_150 = arith.constant 0 : i32
    %dma_wait3A_151 = tpu.memref_slice %arg3[%dma_wait3A_146, %dma_wait3A_148, %dma_wait3A_149, %dma_wait3A_150] : memref<2x32x125x80xi32, #tpu.memory_space<hbm>> -> memref<1x32x125x80xi32, #tpu.memory_space<hbm>>
    %dma_wait3A_152 = tpu.memref_squeeze %dma_wait3A_151 : memref<1x32x125x80xi32, #tpu.memory_space<hbm>> -> memref<32x125x80xi32, #tpu.memory_space<hbm>>
    %dma_wait3A_153 = arith.constant 0 : i32
    %dma_wait3A_154 = arith.constant 0 : i32
    %dma_wait3A_155 = tpu.memref_slice %dma_wait3A_152[%add3A, %dma_wait3A_153, %dma_wait3A_154] : memref<32x125x80xi32, #tpu.memory_space<hbm>> -> memref<1x125x80xi32, #tpu.memory_space<hbm>>
    %dma_wait3A_156 = tpu.memref_squeeze %dma_wait3A_155 : memref<1x125x80xi32, #tpu.memory_space<hbm>> -> memref<125x80xi32, #tpu.memory_space<hbm>>
    %dma_wait3A_157 = arith.constant 0 : i32
    %dma_wait3A_158 = tpu.memref_slice %dma_wait3A_156[%dma_wait3A_147, %dma_wait3A_157] : memref<125x80xi32, #tpu.memory_space<hbm>> -> memref<1x80xi32, #tpu.memory_space<hbm>>
    %dma_wait3A_159 = tpu.memref_squeeze %dma_wait3A_158 : memref<1x80xi32, #tpu.memory_space<hbm>> -> memref<80xi32, #tpu.memory_space<hbm>>
    %dma_wait3A_160 = arith.constant 0 : i32
    %dma_wait3A_161 = arith.constant 0 : i32
    %dma_wait3A_162 = arith.constant 0 : i32
    %dma_wait3A_163 = tpu.memref_slice %arg3[%dma_wait3A_146, %dma_wait3A_160, %dma_wait3A_161, %dma_wait3A_162] : memref<2x32x125x80xi32, #tpu.memory_space<hbm>> -> memref<1x32x125x80xi32, #tpu.memory_space<hbm>>
    %dma_wait3A_164 = tpu.memref_squeeze %dma_wait3A_163 : memref<1x32x125x80xi32, #tpu.memory_space<hbm>> -> memref<32x125x80xi32, #tpu.memory_space<hbm>>
    %dma_wait3A_165 = arith.constant 0 : i32
    %dma_wait3A_166 = arith.constant 0 : i32
    %dma_wait3A_167 = tpu.memref_slice %dma_wait3A_164[%add3A, %dma_wait3A_165, %dma_wait3A_166] : memref<32x125x80xi32, #tpu.memory_space<hbm>> -> memref<1x125x80xi32, #tpu.memory_space<hbm>>
    %dma_wait3A_168 = tpu.memref_squeeze %dma_wait3A_167 : memref<1x125x80xi32, #tpu.memory_space<hbm>> -> memref<125x80xi32, #tpu.memory_space<hbm>>
    %dma_wait3A_169 = arith.constant 0 : i32
    %dma_wait3A_170 = tpu.memref_slice %dma_wait3A_168[%dma_wait3A_147, %dma_wait3A_169] : memref<125x80xi32, #tpu.memory_space<hbm>> -> memref<1x80xi32, #tpu.memory_space<hbm>>
    %dma_wait3A_171 = tpu.memref_squeeze %dma_wait3A_170 : memref<1x80xi32, #tpu.memory_space<hbm>> -> memref<80xi32, #tpu.memory_space<hbm>>
    tpu.wait_dma2 semaphore(%arg18 : memref<!tpu.dma_semaphore, #tpu.memory_space<semaphore_mem>>) src(%dma_wait3A_171 : memref<80xi32, #tpu.memory_space<hbm>>) dst(%arg12 : memref<80xi32, #tpu.memory_space<vmem>>)
    "tpu.region"() ({
      %run_scoped3A_173 = tpu.sem_alloc : memref<!tpu.dma_semaphore, #tpu.memory_space<semaphore_mem>>
      %dma_start3A_174 = arith.constant 0 : i32
      %dma_start3A_175 = arith.constant 0 : i32
      %dma_start3A_176 = tpu.memref_slice %arg7[%dma_start3A_174, %dma_start3A_175] : memref<10240x128xf32, #tpu.memory_space<vmem_shared>> -> memref<10240x128xf32, #tpu.memory_space<vmem_shared>>
      tpu.enqueue_indirect_dma source(%arg9 : memref<80x128xf32, #tpu.memory_space<vmem>>) target(%dma_start3A_176 : memref<10240x128xf32, #tpu.memory_space<vmem_shared>>) offsets(%arg12 : memref<80xi32, #tpu.memory_space<vmem>>) semaphore(%run_scoped3A_173 : memref<!tpu.dma_semaphore, #tpu.memory_space<semaphore_mem>>) {add = true}
      %dma_wait3A_177 = arith.constant 0 : i32
      %dma_wait3A_178 = arith.constant 0 : i32
      %dma_wait3A_179 = tpu.memref_slice %arg7[%dma_wait3A_177, %dma_wait3A_178] : memref<10240x128xf32, #tpu.memory_space<vmem_shared>> -> memref<10240x128xf32, #tpu.memory_space<vmem_shared>>
      tpu.wait_indirect_dma semaphore(%run_scoped3A_173 : memref<!tpu.dma_semaphore, #tpu.memory_space<semaphore_mem>>) src(%arg9 : memref<80x128xf32, #tpu.memory_space<vmem>>) dst(%dma_wait3A_179 : memref<10240x128xf32, #tpu.memory_space<vmem_shared>>)
      tpu.yield
    }) : () -> ()
    %barrier3A_172 = arith.constant 0 : index
    tpu.barrier barrier_id(%barrier3A_172)
    "tpu.region"() ({
      %run_scoped3A_173 = tpu.sem_alloc : memref<!tpu.dma_semaphore, #tpu.memory_space<semaphore_mem>>
      %dma_start3A_174 = arith.constant 0 : i32
      %dma_start3A_175 = arith.constant 0 : i32
      %dma_start3A_176 = tpu.memref_slice %arg5[%arg0, %dma_start3A_174, %dma_start3A_175] : memref<2x10240x128xf32, #tpu.memory_space<hbm>> -> memref<1x10240x128xf32, #tpu.memory_space<hbm>>
      %dma_start3A_177 = tpu.memref_squeeze %dma_start3A_176 : memref<1x10240x128xf32, #tpu.memory_space<hbm>> -> memref<10240x128xf32, #tpu.memory_space<hbm>>
      %dma_start3A_178 = arith.constant 0 : i32
      %dma_start3A_179 = tpu.memref_slice %dma_start3A_177[%mul3A_0, %dma_start3A_178] : memref<10240x128xf32, #tpu.memory_space<hbm>> -> memref<640x128xf32, #tpu.memory_space<hbm>>
      %dma_start3A_180 = arith.constant 0 : i32
      %dma_start3A_181 = tpu.memref_slice %arg7[%mul3A_0, %dma_start3A_180] : memref<10240x128xf32, #tpu.memory_space<vmem_shared>> -> memref<640x128xf32, #tpu.memory_space<vmem_shared>>
      tpu.enqueue_dma source(%dma_start3A_181 : memref<640x128xf32, #tpu.memory_space<vmem_shared>>) target(%dma_start3A_179 : memref<640x128xf32, #tpu.memory_space<hbm>>) target_semaphore(%run_scoped3A_173 : memref<!tpu.dma_semaphore, #tpu.memory_space<semaphore_mem>>)
      %dma_wait3A_182 = arith.constant 0 : i32
      %dma_wait3A_183 = arith.constant 0 : i32
      %dma_wait3A_184 = tpu.memref_slice %arg5[%arg0, %dma_wait3A_182, %dma_wait3A_183] : memref<2x10240x128xf32, #tpu.memory_space<hbm>> -> memref<1x10240x128xf32, #tpu.memory_space<hbm>>
      %dma_wait3A_185 = tpu.memref_squeeze %dma_wait3A_184 : memref<1x10240x128xf32, #tpu.memory_space<hbm>> -> memref<10240x128xf32, #tpu.memory_space<hbm>>
      %dma_wait3A_186 = arith.constant 0 : i32
      %dma_wait3A_187 = tpu.memref_slice %dma_wait3A_185[%mul3A_0, %dma_wait3A_186] : memref<10240x128xf32, #tpu.memory_space<hbm>> -> memref<640x128xf32, #tpu.memory_space<hbm>>
      %dma_wait3A_188 = arith.constant 0 : i32
      %dma_wait3A_189 = tpu.memref_slice %arg7[%mul3A_0, %dma_wait3A_188] : memref<10240x128xf32, #tpu.memory_space<vmem_shared>> -> memref<640x128xf32, #tpu.memory_space<vmem_shared>>
      tpu.wait_dma2 semaphore(%run_scoped3A_173 : memref<!tpu.dma_semaphore, #tpu.memory_space<semaphore_mem>>) src(%dma_wait3A_189 : memref<640x128xf32, #tpu.memory_space<vmem_shared>>) dst(%dma_wait3A_187 : memref<640x128xf32, #tpu.memory_space<hbm>>)
      tpu.yield
    }) : () -> ()
    return
  }
}

#map = affine_map<(d0, d1) -> (0, 0, 0, 0)>
#map1 = affine_map<(d0, d1) -> (0, 0)>
#map2 = affine_map<(d0, d1) -> (0, 0, 0)>
module attributes {stable_mosaic.version = 14 : i64} {
  func.func @_deg_body(%arg0: i32, %arg1: i32, %arg2: memref<2x32x125x80xi32, #tpu.memory_space<hbm>>, %arg3: memref<720x16xf32, #tpu.memory_space<hbm>>, %arg4: memref<2x10240x128xf32, #tpu.memory_space<hbm>>, %arg5: memref<125x80xi32, #tpu.memory_space<vmem>>, %arg6: memref<80x16xf32, #tpu.memory_space<vmem>>, %arg7: memref<10240x16xf32, #tpu.memory_space<vmem_shared>>, %arg8: memref<!tpu.dma_semaphore, #tpu.memory_space<semaphore_mem>>) attributes {dimension_semantics = [#tpu.dimension_semantics<core_parallel>, #tpu.dimension_semantics<subcore_parallel>], iteration_bounds = array<i64: 2, 16>, scalar_prefetch = 0 : i64, scratch_operands = 4 : i64, tpu.core_type = #tpu.core_type<sc_vector_subcore>, window_params = [{transform_indices = #map}, {transform_indices = #map1}, {transform_indices = #map2}]} {
    %mul3A = arith.constant 640 : i32
    %mul3A_0 = arith.muli %arg1, %mul3A : i32
    "tpu.region"() ({
      %run_scoped3A_15 = tpu.sem_alloc : memref<!tpu.dma_semaphore, #tpu.memory_space<semaphore_mem>>
      %dma_start3A = arith.constant 0 : i32
      %dma_start3A_16 = tpu.memref_slice %arg7[%mul3A_0, %dma_start3A] : memref<10240x16xf32, #tpu.memory_space<vmem_shared>> -> memref<640x16xf32, #tpu.memory_space<vmem_shared>>
      %dma_start3A_17 = arith.constant 80 : i32
      %dma_start3A_18 = arith.constant 0 : i32
      %dma_start3A_19 = tpu.memref_slice %arg3[%dma_start3A_17, %dma_start3A_18] : memref<720x16xf32, #tpu.memory_space<hbm>> -> memref<640x16xf32, #tpu.memory_space<hbm>>
      tpu.enqueue_dma source(%dma_start3A_19 : memref<640x16xf32, #tpu.memory_space<hbm>>) target(%dma_start3A_16 : memref<640x16xf32, #tpu.memory_space<vmem_shared>>) target_semaphore(%run_scoped3A_15 : memref<!tpu.dma_semaphore, #tpu.memory_space<semaphore_mem>>)
      %dma_wait3A = arith.constant 0 : i32
      %dma_wait3A_20 = tpu.memref_slice %arg7[%mul3A_0, %dma_wait3A] : memref<10240x16xf32, #tpu.memory_space<vmem_shared>> -> memref<640x16xf32, #tpu.memory_space<vmem_shared>>
      %dma_wait3A_21 = arith.constant 80 : i32
      %dma_wait3A_22 = arith.constant 0 : i32
      %dma_wait3A_23 = tpu.memref_slice %arg3[%dma_wait3A_21, %dma_wait3A_22] : memref<720x16xf32, #tpu.memory_space<hbm>> -> memref<640x16xf32, #tpu.memory_space<hbm>>
      tpu.wait_dma2 semaphore(%run_scoped3A_15 : memref<!tpu.dma_semaphore, #tpu.memory_space<semaphore_mem>>) src(%dma_wait3A_23 : memref<640x16xf32, #tpu.memory_space<hbm>>) dst(%dma_wait3A_20 : memref<640x16xf32, #tpu.memory_space<vmem_shared>>)
      tpu.yield
    }) : () -> ()
    "tpu.region"() ({
      %run_scoped3A_15 = tpu.sem_alloc : memref<!tpu.dma_semaphore, #tpu.memory_space<semaphore_mem>>
      %dma_start3A = arith.constant 0 : i32
      %dma_start3A_16 = arith.constant 0 : i32
      %dma_start3A_17 = tpu.memref_slice %arg3[%dma_start3A, %dma_start3A_16] : memref<720x16xf32, #tpu.memory_space<hbm>> -> memref<80x16xf32, #tpu.memory_space<hbm>>
      %dma_start3A_18 = arith.constant 0 : i32
      %dma_start3A_19 = arith.constant 0 : i32
      %dma_start3A_20 = tpu.memref_slice %arg3[%dma_start3A_18, %dma_start3A_19] : memref<720x16xf32, #tpu.memory_space<hbm>> -> memref<80x16xf32, #tpu.memory_space<hbm>>
      tpu.enqueue_dma source(%dma_start3A_20 : memref<80x16xf32, #tpu.memory_space<hbm>>) target(%arg6 : memref<80x16xf32, #tpu.memory_space<vmem>>) target_semaphore(%run_scoped3A_15 : memref<!tpu.dma_semaphore, #tpu.memory_space<semaphore_mem>>)
      %dma_wait3A = arith.constant 0 : i32
      %dma_wait3A_21 = arith.constant 0 : i32
      %dma_wait3A_22 = tpu.memref_slice %arg3[%dma_wait3A, %dma_wait3A_21] : memref<720x16xf32, #tpu.memory_space<hbm>> -> memref<80x16xf32, #tpu.memory_space<hbm>>
      %dma_wait3A_23 = arith.constant 0 : i32
      %dma_wait3A_24 = arith.constant 0 : i32
      %dma_wait3A_25 = tpu.memref_slice %arg3[%dma_wait3A_23, %dma_wait3A_24] : memref<720x16xf32, #tpu.memory_space<hbm>> -> memref<80x16xf32, #tpu.memory_space<hbm>>
      tpu.wait_dma2 semaphore(%run_scoped3A_15 : memref<!tpu.dma_semaphore, #tpu.memory_space<semaphore_mem>>) src(%dma_wait3A_25 : memref<80x16xf32, #tpu.memory_space<hbm>>) dst(%arg6 : memref<80x16xf32, #tpu.memory_space<vmem>>)
      tpu.yield
    }) : () -> ()
    %mul3A_1 = arith.constant 16 : i32
    %mul3A_2 = arith.muli %arg0, %mul3A_1 : i32
    %add3A = arith.addi %mul3A_2, %arg1 : i32
    %run_scoped3A = arith.constant 1 : i32
    "tpu.region"() ({
      %run_scoped3A_15 = tpu.sem_alloc : memref<!tpu.dma_semaphore, #tpu.memory_space<semaphore_mem>>
      %dma_start3A = arith.constant 0 : i32
      %dma_start3A_16 = arith.constant 0 : i32
      %dma_start3A_17 = arith.constant 0 : i32
      %dma_start3A_18 = tpu.memref_slice %arg2[%run_scoped3A, %dma_start3A, %dma_start3A_16, %dma_start3A_17] : memref<2x32x125x80xi32, #tpu.memory_space<hbm>> -> memref<1x32x125x80xi32, #tpu.memory_space<hbm>>
      %dma_start3A_19 = tpu.memref_squeeze %dma_start3A_18 : memref<1x32x125x80xi32, #tpu.memory_space<hbm>> -> memref<32x125x80xi32, #tpu.memory_space<hbm>>
      %dma_start3A_20 = arith.constant 0 : i32
      %dma_start3A_21 = arith.constant 0 : i32
      %dma_start3A_22 = tpu.memref_slice %dma_start3A_19[%add3A, %dma_start3A_20, %dma_start3A_21] : memref<32x125x80xi32, #tpu.memory_space<hbm>> -> memref<1x125x80xi32, #tpu.memory_space<hbm>>
      %dma_start3A_23 = tpu.memref_squeeze %dma_start3A_22 : memref<1x125x80xi32, #tpu.memory_space<hbm>> -> memref<125x80xi32, #tpu.memory_space<hbm>>
      %dma_start3A_24 = arith.constant 0 : i32
      %dma_start3A_25 = arith.constant 0 : i32
      %dma_start3A_26 = arith.constant 0 : i32
      %dma_start3A_27 = tpu.memref_slice %arg2[%run_scoped3A, %dma_start3A_24, %dma_start3A_25, %dma_start3A_26] : memref<2x32x125x80xi32, #tpu.memory_space<hbm>> -> memref<1x32x125x80xi32, #tpu.memory_space<hbm>>
      %dma_start3A_28 = tpu.memref_squeeze %dma_start3A_27 : memref<1x32x125x80xi32, #tpu.memory_space<hbm>> -> memref<32x125x80xi32, #tpu.memory_space<hbm>>
      %dma_start3A_29 = arith.constant 0 : i32
      %dma_start3A_30 = arith.constant 0 : i32
      %dma_start3A_31 = tpu.memref_slice %dma_start3A_28[%add3A, %dma_start3A_29, %dma_start3A_30] : memref<32x125x80xi32, #tpu.memory_space<hbm>> -> memref<1x125x80xi32, #tpu.memory_space<hbm>>
      %dma_start3A_32 = tpu.memref_squeeze %dma_start3A_31 : memref<1x125x80xi32, #tpu.memory_space<hbm>> -> memref<125x80xi32, #tpu.memory_space<hbm>>
      tpu.enqueue_dma source(%dma_start3A_32 : memref<125x80xi32, #tpu.memory_space<hbm>>) target(%arg5 : memref<125x80xi32, #tpu.memory_space<vmem>>) target_semaphore(%run_scoped3A_15 : memref<!tpu.dma_semaphore, #tpu.memory_space<semaphore_mem>>)
      %dma_wait3A = arith.constant 0 : i32
      %dma_wait3A_33 = arith.constant 0 : i32
      %dma_wait3A_34 = arith.constant 0 : i32
      %dma_wait3A_35 = tpu.memref_slice %arg2[%run_scoped3A, %dma_wait3A, %dma_wait3A_33, %dma_wait3A_34] : memref<2x32x125x80xi32, #tpu.memory_space<hbm>> -> memref<1x32x125x80xi32, #tpu.memory_space<hbm>>
      %dma_wait3A_36 = tpu.memref_squeeze %dma_wait3A_35 : memref<1x32x125x80xi32, #tpu.memory_space<hbm>> -> memref<32x125x80xi32, #tpu.memory_space<hbm>>
      %dma_wait3A_37 = arith.constant 0 : i32
      %dma_wait3A_38 = arith.constant 0 : i32
      %dma_wait3A_39 = tpu.memref_slice %dma_wait3A_36[%add3A, %dma_wait3A_37, %dma_wait3A_38] : memref<32x125x80xi32, #tpu.memory_space<hbm>> -> memref<1x125x80xi32, #tpu.memory_space<hbm>>
      %dma_wait3A_40 = tpu.memref_squeeze %dma_wait3A_39 : memref<1x125x80xi32, #tpu.memory_space<hbm>> -> memref<125x80xi32, #tpu.memory_space<hbm>>
      %dma_wait3A_41 = arith.constant 0 : i32
      %dma_wait3A_42 = arith.constant 0 : i32
      %dma_wait3A_43 = arith.constant 0 : i32
      %dma_wait3A_44 = tpu.memref_slice %arg2[%run_scoped3A, %dma_wait3A_41, %dma_wait3A_42, %dma_wait3A_43] : memref<2x32x125x80xi32, #tpu.memory_space<hbm>> -> memref<1x32x125x80xi32, #tpu.memory_space<hbm>>
      %dma_wait3A_45 = tpu.memref_squeeze %dma_wait3A_44 : memref<1x32x125x80xi32, #tpu.memory_space<hbm>> -> memref<32x125x80xi32, #tpu.memory_space<hbm>>
      %dma_wait3A_46 = arith.constant 0 : i32
      %dma_wait3A_47 = arith.constant 0 : i32
      %dma_wait3A_48 = tpu.memref_slice %dma_wait3A_45[%add3A, %dma_wait3A_46, %dma_wait3A_47] : memref<32x125x80xi32, #tpu.memory_space<hbm>> -> memref<1x125x80xi32, #tpu.memory_space<hbm>>
      %dma_wait3A_49 = tpu.memref_squeeze %dma_wait3A_48 : memref<1x125x80xi32, #tpu.memory_space<hbm>> -> memref<125x80xi32, #tpu.memory_space<hbm>>
      tpu.wait_dma2 semaphore(%run_scoped3A_15 : memref<!tpu.dma_semaphore, #tpu.memory_space<semaphore_mem>>) src(%dma_wait3A_49 : memref<125x80xi32, #tpu.memory_space<hbm>>) dst(%arg5 : memref<125x80xi32, #tpu.memory_space<vmem>>)
      tpu.yield
    }) : () -> ()
    %barrier3A = arith.constant 0 : index
    tpu.barrier barrier_id(%barrier3A)
    %scan3A = arith.constant 0 : i32
    %scan3A_3 = arith.constant 0 : i32
    %scan3A_4 = arith.constant 125 : i32
    %scan3A_5 = arith.addi %scan3A_3, %scan3A_4 : i32
    %scan3A_6 = arith.constant 1 : i32
    scf.for %scan3A_15 = %scan3A_3 to %scan3A_5 step %scan3A_6  : i32 {
      %dma_start3A = arith.constant 0 : i32
      %dma_start3A_16 = tpu.memref_slice %arg5[%scan3A_15, %dma_start3A] : memref<125x80xi32, #tpu.memory_space<vmem>> -> memref<1x80xi32, #tpu.memory_space<vmem>>
      %dma_start3A_17 = tpu.memref_squeeze %dma_start3A_16 : memref<1x80xi32, #tpu.memory_space<vmem>> -> memref<80xi32, #tpu.memory_space<vmem>>
      %dma_start3A_18 = arith.constant 0 : i32
      %dma_start3A_19 = arith.constant 0 : i32
      %dma_start3A_20 = tpu.memref_slice %arg7[%dma_start3A_18, %dma_start3A_19] : memref<10240x16xf32, #tpu.memory_space<vmem_shared>> -> memref<10240x16xf32, #tpu.memory_space<vmem_shared>>
      tpu.enqueue_indirect_dma source(%arg6 : memref<80x16xf32, #tpu.memory_space<vmem>>) target(%dma_start3A_20 : memref<10240x16xf32, #tpu.memory_space<vmem_shared>>) offsets(%dma_start3A_17 : memref<80xi32, #tpu.memory_space<vmem>>) semaphore(%arg8 : memref<!tpu.dma_semaphore, #tpu.memory_space<semaphore_mem>>) {add = true}
    }
    %scan3A_7 = arith.constant 125 : i32
    %scan3A_8 = arith.constant 0 : i32
    %scan3A_9 = arith.constant 0 : i32
    %scan3A_10 = arith.constant 125 : i32
    %scan3A_11 = arith.addi %scan3A_9, %scan3A_10 : i32
    %scan3A_12 = arith.constant 1 : i32
    scf.for %scan3A_15 = %scan3A_9 to %scan3A_11 step %scan3A_12  : i32 {
      %dma_wait3A = arith.constant 0 : i32
      %dma_wait3A_16 = arith.constant 0 : i32
      %dma_wait3A_17 = tpu.memref_slice %arg5[%dma_wait3A, %dma_wait3A_16] : memref<125x80xi32, #tpu.memory_space<vmem>> -> memref<1x80xi32, #tpu.memory_space<vmem>>
      %dma_wait3A_18 = tpu.memref_squeeze %dma_wait3A_17 : memref<1x80xi32, #tpu.memory_space<vmem>> -> memref<80xi32, #tpu.memory_space<vmem>>
      %dma_wait3A_19 = arith.constant 0 : i32
      %dma_wait3A_20 = arith.constant 0 : i32
      %dma_wait3A_21 = tpu.memref_slice %arg7[%dma_wait3A_19, %dma_wait3A_20] : memref<10240x16xf32, #tpu.memory_space<vmem_shared>> -> memref<10240x16xf32, #tpu.memory_space<vmem_shared>>
      tpu.wait_indirect_dma semaphore(%arg8 : memref<!tpu.dma_semaphore, #tpu.memory_space<semaphore_mem>>) src(%arg6 : memref<80x16xf32, #tpu.memory_space<vmem>>) dst(%dma_wait3A_21 : memref<10240x16xf32, #tpu.memory_space<vmem_shared>>)
    }
    %scan3A_13 = arith.constant 125 : i32
    %barrier3A_14 = arith.constant 0 : index
    tpu.barrier barrier_id(%barrier3A_14)
    "tpu.region"() ({
      %run_scoped3A_15 = tpu.sem_alloc : memref<!tpu.dma_semaphore, #tpu.memory_space<semaphore_mem>>
      %dma_start3A = arith.constant 0 : i32
      %dma_start3A_16 = arith.constant 0 : i32
      %dma_start3A_17 = tpu.memref_slice %arg4[%arg0, %dma_start3A, %dma_start3A_16] : memref<2x10240x128xf32, #tpu.memory_space<hbm>> -> memref<1x10240x128xf32, #tpu.memory_space<hbm>>
      %dma_start3A_18 = tpu.memref_squeeze %dma_start3A_17 : memref<1x10240x128xf32, #tpu.memory_space<hbm>> -> memref<10240x128xf32, #tpu.memory_space<hbm>>
      %dma_start3A_19 = arith.constant 0 : i32
      %dma_start3A_20 = tpu.memref_slice %dma_start3A_18[%mul3A_0, %dma_start3A_19] : memref<10240x128xf32, #tpu.memory_space<hbm>> -> memref<640x16xf32, #tpu.memory_space<hbm>>
      %dma_start3A_21 = arith.constant 0 : i32
      %dma_start3A_22 = tpu.memref_slice %arg7[%mul3A_0, %dma_start3A_21] : memref<10240x16xf32, #tpu.memory_space<vmem_shared>> -> memref<640x16xf32, #tpu.memory_space<vmem_shared>>
      tpu.enqueue_dma source(%dma_start3A_22 : memref<640x16xf32, #tpu.memory_space<vmem_shared>>) target(%dma_start3A_20 : memref<640x16xf32, #tpu.memory_space<hbm>>) target_semaphore(%run_scoped3A_15 : memref<!tpu.dma_semaphore, #tpu.memory_space<semaphore_mem>>)
      %dma_wait3A = arith.constant 0 : i32
      %dma_wait3A_23 = arith.constant 0 : i32
      %dma_wait3A_24 = tpu.memref_slice %arg4[%arg0, %dma_wait3A, %dma_wait3A_23] : memref<2x10240x128xf32, #tpu.memory_space<hbm>> -> memref<1x10240x128xf32, #tpu.memory_space<hbm>>
      %dma_wait3A_25 = tpu.memref_squeeze %dma_wait3A_24 : memref<1x10240x128xf32, #tpu.memory_space<hbm>> -> memref<10240x128xf32, #tpu.memory_space<hbm>>
      %dma_wait3A_26 = arith.constant 0 : i32
      %dma_wait3A_27 = tpu.memref_slice %dma_wait3A_25[%mul3A_0, %dma_wait3A_26] : memref<10240x128xf32, #tpu.memory_space<hbm>> -> memref<640x16xf32, #tpu.memory_space<hbm>>
      %dma_wait3A_28 = arith.constant 0 : i32
      %dma_wait3A_29 = tpu.memref_slice %arg7[%mul3A_0, %dma_wait3A_28] : memref<10240x16xf32, #tpu.memory_space<vmem_shared>> -> memref<640x16xf32, #tpu.memory_space<vmem_shared>>
      tpu.wait_dma2 semaphore(%run_scoped3A_15 : memref<!tpu.dma_semaphore, #tpu.memory_space<semaphore_mem>>) src(%dma_wait3A_29 : memref<640x16xf32, #tpu.memory_space<vmem_shared>>) dst(%dma_wait3A_27 : memref<640x16xf32, #tpu.memory_space<hbm>>)
      tpu.yield
    }) : () -> ()
    return
  }
}

#map = affine_map<(d0, d1) -> (0, 0)>
#map1 = affine_map<(d0, d1) -> (0, 0, 0, 0)>
#map2 = affine_map<(d0, d1) -> (0, 0, 0)>
module attributes {stable_mosaic.version = 14 : i64} {
  func.func @_prop_body(%arg0: i32, %arg1: i32, %arg2: memref<10240x128xf32, #tpu.memory_space<hbm>>, %arg3: memref<2x32x125x80xi32, #tpu.memory_space<hbm>>, %arg4: memref<640x128xf32, #tpu.memory_space<hbm>>, %arg5: memref<2x10240x128xf32, #tpu.memory_space<hbm>>, %arg6: memref<125x80xi32, #tpu.memory_space<vmem>>, %arg7: memref<10240x128xf32, #tpu.memory_space<vmem_shared>>, %arg8: memref<80x128xf32, #tpu.memory_space<vmem>>, %arg9: memref<80x128xf32, #tpu.memory_space<vmem>>, %arg10: memref<80x128xf32, #tpu.memory_space<vmem>>, %arg11: memref<80xi32, #tpu.memory_space<vmem>>, %arg12: memref<80xi32, #tpu.memory_space<vmem>>, %arg13: memref<80xi32, #tpu.memory_space<vmem>>, %arg14: memref<!tpu.dma_semaphore, #tpu.memory_space<semaphore_mem>>, %arg15: memref<!tpu.dma_semaphore, #tpu.memory_space<semaphore_mem>>, %arg16: memref<!tpu.dma_semaphore, #tpu.memory_space<semaphore_mem>>, %arg17: memref<!tpu.dma_semaphore, #tpu.memory_space<semaphore_mem>>, %arg18: memref<!tpu.dma_semaphore, #tpu.memory_space<semaphore_mem>>, %arg19: memref<!tpu.dma_semaphore, #tpu.memory_space<semaphore_mem>>) attributes {dimension_semantics = [#tpu.dimension_semantics<core_parallel>, #tpu.dimension_semantics<subcore_parallel>], iteration_bounds = array<i64: 2, 16>, scalar_prefetch = 0 : i64, scratch_operands = 14 : i64, tpu.core_type = #tpu.core_type<sc_vector_subcore>, window_params = [{transform_indices = #map}, {transform_indices = #map1}, {transform_indices = #map}, {transform_indices = #map2}]} {
    %mul3A = arith.constant 640 : i32
    %mul3A_0 = arith.muli %arg1, %mul3A : i32
    "tpu.region"() ({
      %run_scoped3A_173 = tpu.sem_alloc : memref<!tpu.dma_semaphore, #tpu.memory_space<semaphore_mem>>
      %dma_start3A_174 = arith.constant 0 : i32
      %dma_start3A_175 = tpu.memref_slice %arg7[%mul3A_0, %dma_start3A_174] : memref<10240x128xf32, #tpu.memory_space<vmem_shared>> -> memref<640x128xf32, #tpu.memory_space<vmem_shared>>
      tpu.enqueue_dma source(%arg4 : memref<640x128xf32, #tpu.memory_space<hbm>>) target(%dma_start3A_175 : memref<640x128xf32, #tpu.memory_space<vmem_shared>>) target_semaphore(%run_scoped3A_173 : memref<!tpu.dma_semaphore, #tpu.memory_space<semaphore_mem>>)
      %dma_wait3A_176 = arith.constant 0 : i32
      %dma_wait3A_177 = tpu.memref_slice %arg7[%mul3A_0, %dma_wait3A_176] : memref<10240x128xf32, #tpu.memory_space<vmem_shared>> -> memref<640x128xf32, #tpu.memory_space<vmem_shared>>
      tpu.wait_dma2 semaphore(%run_scoped3A_173 : memref<!tpu.dma_semaphore, #tpu.memory_space<semaphore_mem>>) src(%arg4 : memref<640x128xf32, #tpu.memory_space<hbm>>) dst(%dma_wait3A_177 : memref<640x128xf32, #tpu.memory_space<vmem_shared>>)
      tpu.yield
    }) : () -> ()
    %mul3A_1 = arith.constant 16 : i32
    %mul3A_2 = arith.muli %arg0, %mul3A_1 : i32
    %add3A = arith.addi %mul3A_2, %arg1 : i32
    %run_scoped3A = arith.constant 0 : i32
    "tpu.region"() ({
      %run_scoped3A_173 = tpu.sem_alloc : memref<!tpu.dma_semaphore, #tpu.memory_space<semaphore_mem>>
      %dma_start3A_174 = arith.constant 0 : i32
      %dma_start3A_175 = arith.constant 0 : i32
      %dma_start3A_176 = arith.constant 0 : i32
      %dma_start3A_177 = tpu.memref_slice %arg3[%run_scoped3A, %dma_start3A_174, %dma_start3A_175, %dma_start3A_176] : memref<2x32x125x80xi32, #tpu.memory_space<hbm>> -> memref<1x32x125x80xi32, #tpu.memory_space<hbm>>
      %dma_start3A_178 = tpu.memref_squeeze %dma_start3A_177 : memref<1x32x125x80xi32, #tpu.memory_space<hbm>> -> memref<32x125x80xi32, #tpu.memory_space<hbm>>
      %dma_start3A_179 = arith.constant 0 : i32
      %dma_start3A_180 = arith.constant 0 : i32
      %dma_start3A_181 = tpu.memref_slice %dma_start3A_178[%add3A, %dma_start3A_179, %dma_start3A_180] : memref<32x125x80xi32, #tpu.memory_space<hbm>> -> memref<1x125x80xi32, #tpu.memory_space<hbm>>
      %dma_start3A_182 = tpu.memref_squeeze %dma_start3A_181 : memref<1x125x80xi32, #tpu.memory_space<hbm>> -> memref<125x80xi32, #tpu.memory_space<hbm>>
      %dma_start3A_183 = arith.constant 0 : i32
      %dma_start3A_184 = arith.constant 0 : i32
      %dma_start3A_185 = arith.constant 0 : i32
      %dma_start3A_186 = tpu.memref_slice %arg3[%run_scoped3A, %dma_start3A_183, %dma_start3A_184, %dma_start3A_185] : memref<2x32x125x80xi32, #tpu.memory_space<hbm>> -> memref<1x32x125x80xi32, #tpu.memory_space<hbm>>
      %dma_start3A_187 = tpu.memref_squeeze %dma_start3A_186 : memref<1x32x125x80xi32, #tpu.memory_space<hbm>> -> memref<32x125x80xi32, #tpu.memory_space<hbm>>
      %dma_start3A_188 = arith.constant 0 : i32
      %dma_start3A_189 = arith.constant 0 : i32
      %dma_start3A_190 = tpu.memref_slice %dma_start3A_187[%add3A, %dma_start3A_188, %dma_start3A_189] : memref<32x125x80xi32, #tpu.memory_space<hbm>> -> memref<1x125x80xi32, #tpu.memory_space<hbm>>
      %dma_start3A_191 = tpu.memref_squeeze %dma_start3A_190 : memref<1x125x80xi32, #tpu.memory_space<hbm>> -> memref<125x80xi32, #tpu.memory_space<hbm>>
      tpu.enqueue_dma source(%dma_start3A_191 : memref<125x80xi32, #tpu.memory_space<hbm>>) target(%arg6 : memref<125x80xi32, #tpu.memory_space<vmem>>) target_semaphore(%run_scoped3A_173 : memref<!tpu.dma_semaphore, #tpu.memory_space<semaphore_mem>>)
      %dma_wait3A_192 = arith.constant 0 : i32
      %dma_wait3A_193 = arith.constant 0 : i32
      %dma_wait3A_194 = arith.constant 0 : i32
      %dma_wait3A_195 = tpu.memref_slice %arg3[%run_scoped3A, %dma_wait3A_192, %dma_wait3A_193, %dma_wait3A_194] : memref<2x32x125x80xi32, #tpu.memory_space<hbm>> -> memref<1x32x125x80xi32, #tpu.memory_space<hbm>>
      %dma_wait3A_196 = tpu.memref_squeeze %dma_wait3A_195 : memref<1x32x125x80xi32, #tpu.memory_space<hbm>> -> memref<32x125x80xi32, #tpu.memory_space<hbm>>
      %dma_wait3A_197 = arith.constant 0 : i32
      %dma_wait3A_198 = arith.constant 0 : i32
      %dma_wait3A_199 = tpu.memref_slice %dma_wait3A_196[%add3A, %dma_wait3A_197, %dma_wait3A_198] : memref<32x125x80xi32, #tpu.memory_space<hbm>> -> memref<1x125x80xi32, #tpu.memory_space<hbm>>
      %dma_wait3A_200 = tpu.memref_squeeze %dma_wait3A_199 : memref<1x125x80xi32, #tpu.memory_space<hbm>> -> memref<125x80xi32, #tpu.memory_space<hbm>>
      %dma_wait3A_201 = arith.constant 0 : i32
      %dma_wait3A_202 = arith.constant 0 : i32
      %dma_wait3A_203 = arith.constant 0 : i32
      %dma_wait3A_204 = tpu.memref_slice %arg3[%run_scoped3A, %dma_wait3A_201, %dma_wait3A_202, %dma_wait3A_203] : memref<2x32x125x80xi32, #tpu.memory_space<hbm>> -> memref<1x32x125x80xi32, #tpu.memory_space<hbm>>
      %dma_wait3A_205 = tpu.memref_squeeze %dma_wait3A_204 : memref<1x32x125x80xi32, #tpu.memory_space<hbm>> -> memref<32x125x80xi32, #tpu.memory_space<hbm>>
      %dma_wait3A_206 = arith.constant 0 : i32
      %dma_wait3A_207 = arith.constant 0 : i32
      %dma_wait3A_208 = tpu.memref_slice %dma_wait3A_205[%add3A, %dma_wait3A_206, %dma_wait3A_207] : memref<32x125x80xi32, #tpu.memory_space<hbm>> -> memref<1x125x80xi32, #tpu.memory_space<hbm>>
      %dma_wait3A_209 = tpu.memref_squeeze %dma_wait3A_208 : memref<1x125x80xi32, #tpu.memory_space<hbm>> -> memref<125x80xi32, #tpu.memory_space<hbm>>
      tpu.wait_dma2 semaphore(%run_scoped3A_173 : memref<!tpu.dma_semaphore, #tpu.memory_space<semaphore_mem>>) src(%dma_wait3A_209 : memref<125x80xi32, #tpu.memory_space<hbm>>) dst(%arg6 : memref<125x80xi32, #tpu.memory_space<vmem>>)
      tpu.yield
    }) : () -> ()
    %barrier3A = arith.constant 0 : index
    tpu.barrier barrier_id(%barrier3A)
    %dma_start3A = arith.constant 0 : i32
    %dma_start3A_3 = arith.constant 0 : i32
    %dma_start3A_4 = tpu.memref_slice %arg6[%dma_start3A, %dma_start3A_3] : memref<125x80xi32, #tpu.memory_space<vmem>> -> memref<1x80xi32, #tpu.memory_space<vmem>>
    %dma_start3A_5 = tpu.memref_squeeze %dma_start3A_4 : memref<1x80xi32, #tpu.memory_space<vmem>> -> memref<80xi32, #tpu.memory_space<vmem>>
    %dma_start3A_6 = arith.constant 0 : i32
    %dma_start3A_7 = arith.constant 0 : i32
    %dma_start3A_8 = tpu.memref_slice %arg2[%dma_start3A_6, %dma_start3A_7] : memref<10240x128xf32, #tpu.memory_space<hbm>> -> memref<10240x128xf32, #tpu.memory_space<hbm>>
    tpu.enqueue_indirect_dma source(%dma_start3A_8 : memref<10240x128xf32, #tpu.memory_space<hbm>>) target(%arg8 : memref<80x128xf32, #tpu.memory_space<vmem>>) offsets(%dma_start3A_5 : memref<80xi32, #tpu.memory_space<vmem>>) semaphore(%arg14 : memref<!tpu.dma_semaphore, #tpu.memory_space<semaphore_mem>>)
    %dma_start3A_9 = arith.constant 1 : i32
    %dma_start3A_10 = arith.constant 0 : i32
    %dma_start3A_11 = arith.constant 0 : i32
    %dma_start3A_12 = arith.constant 0 : i32
    %dma_start3A_13 = arith.constant 0 : i32
    %dma_start3A_14 = tpu.memref_slice %arg3[%dma_start3A_9, %dma_start3A_11, %dma_start3A_12, %dma_start3A_13] : memref<2x32x125x80xi32, #tpu.memory_space<hbm>> -> memref<1x32x125x80xi32, #tpu.memory_space<hbm>>
    %dma_start3A_15 = tpu.memref_squeeze %dma_start3A_14 : memref<1x32x125x80xi32, #tpu.memory_space<hbm>> -> memref<32x125x80xi32, #tpu.memory_space<hbm>>
    %dma_start3A_16 = arith.constant 0 : i32
    %dma_start3A_17 = arith.constant 0 : i32
    %dma_start3A_18 = tpu.memref_slice %dma_start3A_15[%add3A, %dma_start3A_16, %dma_start3A_17] : memref<32x125x80xi32, #tpu.memory_space<hbm>> -> memref<1x125x80xi32, #tpu.memory_space<hbm>>
    %dma_start3A_19 = tpu.memref_squeeze %dma_start3A_18 : memref<1x125x80xi32, #tpu.memory_space<hbm>> -> memref<125x80xi32, #tpu.memory_space<hbm>>
    %dma_start3A_20 = arith.constant 0 : i32
    %dma_start3A_21 = tpu.memref_slice %dma_start3A_19[%dma_start3A_10, %dma_start3A_20] : memref<125x80xi32, #tpu.memory_space<hbm>> -> memref<1x80xi32, #tpu.memory_space<hbm>>
    %dma_start3A_22 = tpu.memref_squeeze %dma_start3A_21 : memref<1x80xi32, #tpu.memory_space<hbm>> -> memref<80xi32, #tpu.memory_space<hbm>>
    %dma_start3A_23 = arith.constant 0 : i32
    %dma_start3A_24 = arith.constant 0 : i32
    %dma_start3A_25 = arith.constant 0 : i32
    %dma_start3A_26 = tpu.memref_slice %arg3[%dma_start3A_9, %dma_start3A_23, %dma_start3A_24, %dma_start3A_25] : memref<2x32x125x80xi32, #tpu.memory_space<hbm>> -> memref<1x32x125x80xi32, #tpu.memory_space<hbm>>
    %dma_start3A_27 = tpu.memref_squeeze %dma_start3A_26 : memref<1x32x125x80xi32, #tpu.memory_space<hbm>> -> memref<32x125x80xi32, #tpu.memory_space<hbm>>
    %dma_start3A_28 = arith.constant 0 : i32
    %dma_start3A_29 = arith.constant 0 : i32
    %dma_start3A_30 = tpu.memref_slice %dma_start3A_27[%add3A, %dma_start3A_28, %dma_start3A_29] : memref<32x125x80xi32, #tpu.memory_space<hbm>> -> memref<1x125x80xi32, #tpu.memory_space<hbm>>
    %dma_start3A_31 = tpu.memref_squeeze %dma_start3A_30 : memref<1x125x80xi32, #tpu.memory_space<hbm>> -> memref<125x80xi32, #tpu.memory_space<hbm>>
    %dma_start3A_32 = arith.constant 0 : i32
    %dma_start3A_33 = tpu.memref_slice %dma_start3A_31[%dma_start3A_10, %dma_start3A_32] : memref<125x80xi32, #tpu.memory_space<hbm>> -> memref<1x80xi32, #tpu.memory_space<hbm>>
    %dma_start3A_34 = tpu.memref_squeeze %dma_start3A_33 : memref<1x80xi32, #tpu.memory_space<hbm>> -> memref<80xi32, #tpu.memory_space<hbm>>
    tpu.enqueue_dma source(%dma_start3A_34 : memref<80xi32, #tpu.memory_space<hbm>>) target(%arg11 : memref<80xi32, #tpu.memory_space<vmem>>) target_semaphore(%arg17 : memref<!tpu.dma_semaphore, #tpu.memory_space<semaphore_mem>>)
    %dma_start3A_35 = arith.constant 1 : i32
    %dma_start3A_36 = arith.constant 0 : i32
    %dma_start3A_37 = tpu.memref_slice %arg6[%dma_start3A_35, %dma_start3A_36] : memref<125x80xi32, #tpu.memory_space<vmem>> -> memref<1x80xi32, #tpu.memory_space<vmem>>
    %dma_start3A_38 = tpu.memref_squeeze %dma_start3A_37 : memref<1x80xi32, #tpu.memory_space<vmem>> -> memref<80xi32, #tpu.memory_space<vmem>>
    %dma_start3A_39 = arith.constant 0 : i32
    %dma_start3A_40 = arith.constant 0 : i32
    %dma_start3A_41 = tpu.memref_slice %arg2[%dma_start3A_39, %dma_start3A_40] : memref<10240x128xf32, #tpu.memory_space<hbm>> -> memref<10240x128xf32, #tpu.memory_space<hbm>>
    tpu.enqueue_indirect_dma source(%dma_start3A_41 : memref<10240x128xf32, #tpu.memory_space<hbm>>) target(%arg9 : memref<80x128xf32, #tpu.memory_space<vmem>>) offsets(%dma_start3A_38 : memref<80xi32, #tpu.memory_space<vmem>>) semaphore(%arg15 : memref<!tpu.dma_semaphore, #tpu.memory_space<semaphore_mem>>)
    %dma_start3A_42 = arith.constant 1 : i32
    %dma_start3A_43 = arith.constant 1 : i32
    %dma_start3A_44 = arith.constant 0 : i32
    %dma_start3A_45 = arith.constant 0 : i32
    %dma_start3A_46 = arith.constant 0 : i32
    %dma_start3A_47 = tpu.memref_slice %arg3[%dma_start3A_42, %dma_start3A_44, %dma_start3A_45, %dma_start3A_46] : memref<2x32x125x80xi32, #tpu.memory_space<hbm>> -> memref<1x32x125x80xi32, #tpu.memory_space<hbm>>
    %dma_start3A_48 = tpu.memref_squeeze %dma_start3A_47 : memref<1x32x125x80xi32, #tpu.memory_space<hbm>> -> memref<32x125x80xi32, #tpu.memory_space<hbm>>
    %dma_start3A_49 = arith.constant 0 : i32
    %dma_start3A_50 = arith.constant 0 : i32
    %dma_start3A_51 = tpu.memref_slice %dma_start3A_48[%add3A, %dma_start3A_49, %dma_start3A_50] : memref<32x125x80xi32, #tpu.memory_space<hbm>> -> memref<1x125x80xi32, #tpu.memory_space<hbm>>
    %dma_start3A_52 = tpu.memref_squeeze %dma_start3A_51 : memref<1x125x80xi32, #tpu.memory_space<hbm>> -> memref<125x80xi32, #tpu.memory_space<hbm>>
    %dma_start3A_53 = arith.constant 0 : i32
    %dma_start3A_54 = tpu.memref_slice %dma_start3A_52[%dma_start3A_43, %dma_start3A_53] : memref<125x80xi32, #tpu.memory_space<hbm>> -> memref<1x80xi32, #tpu.memory_space<hbm>>
    %dma_start3A_55 = tpu.memref_squeeze %dma_start3A_54 : memref<1x80xi32, #tpu.memory_space<hbm>> -> memref<80xi32, #tpu.memory_space<hbm>>
    %dma_start3A_56 = arith.constant 0 : i32
    %dma_start3A_57 = arith.constant 0 : i32
    %dma_start3A_58 = arith.constant 0 : i32
    %dma_start3A_59 = tpu.memref_slice %arg3[%dma_start3A_42, %dma_start3A_56, %dma_start3A_57, %dma_start3A_58] : memref<2x32x125x80xi32, #tpu.memory_space<hbm>> -> memref<1x32x125x80xi32, #tpu.memory_space<hbm>>
    %dma_start3A_60 = tpu.memref_squeeze %dma_start3A_59 : memref<1x32x125x80xi32, #tpu.memory_space<hbm>> -> memref<32x125x80xi32, #tpu.memory_space<hbm>>
    %dma_start3A_61 = arith.constant 0 : i32
    %dma_start3A_62 = arith.constant 0 : i32
    %dma_start3A_63 = tpu.memref_slice %dma_start3A_60[%add3A, %dma_start3A_61, %dma_start3A_62] : memref<32x125x80xi32, #tpu.memory_space<hbm>> -> memref<1x125x80xi32, #tpu.memory_space<hbm>>
    %dma_start3A_64 = tpu.memref_squeeze %dma_start3A_63 : memref<1x125x80xi32, #tpu.memory_space<hbm>> -> memref<125x80xi32, #tpu.memory_space<hbm>>
    %dma_start3A_65 = arith.constant 0 : i32
    %dma_start3A_66 = tpu.memref_slice %dma_start3A_64[%dma_start3A_43, %dma_start3A_65] : memref<125x80xi32, #tpu.memory_space<hbm>> -> memref<1x80xi32, #tpu.memory_space<hbm>>
    %dma_start3A_67 = tpu.memref_squeeze %dma_start3A_66 : memref<1x80xi32, #tpu.memory_space<hbm>> -> memref<80xi32, #tpu.memory_space<hbm>>
    tpu.enqueue_dma source(%dma_start3A_67 : memref<80xi32, #tpu.memory_space<hbm>>) target(%arg12 : memref<80xi32, #tpu.memory_space<vmem>>) target_semaphore(%arg18 : memref<!tpu.dma_semaphore, #tpu.memory_space<semaphore_mem>>)
    %dma_start3A_68 = arith.constant 2 : i32
    %dma_start3A_69 = arith.constant 0 : i32
    %dma_start3A_70 = tpu.memref_slice %arg6[%dma_start3A_68, %dma_start3A_69] : memref<125x80xi32, #tpu.memory_space<vmem>> -> memref<1x80xi32, #tpu.memory_space<vmem>>
    %dma_start3A_71 = tpu.memref_squeeze %dma_start3A_70 : memref<1x80xi32, #tpu.memory_space<vmem>> -> memref<80xi32, #tpu.memory_space<vmem>>
    %dma_start3A_72 = arith.constant 0 : i32
    %dma_start3A_73 = arith.constant 0 : i32
    %dma_start3A_74 = tpu.memref_slice %arg2[%dma_start3A_72, %dma_start3A_73] : memref<10240x128xf32, #tpu.memory_space<hbm>> -> memref<10240x128xf32, #tpu.memory_space<hbm>>
    tpu.enqueue_indirect_dma source(%dma_start3A_74 : memref<10240x128xf32, #tpu.memory_space<hbm>>) target(%arg10 : memref<80x128xf32, #tpu.memory_space<vmem>>) offsets(%dma_start3A_71 : memref<80xi32, #tpu.memory_space<vmem>>) semaphore(%arg16 : memref<!tpu.dma_semaphore, #tpu.memory_space<semaphore_mem>>)
    %dma_start3A_75 = arith.constant 1 : i32
    %dma_start3A_76 = arith.constant 2 : i32
    %dma_start3A_77 = arith.constant 0 : i32
    %dma_start3A_78 = arith.constant 0 : i32
    %dma_start3A_79 = arith.constant 0 : i32
    %dma_start3A_80 = tpu.memref_slice %arg3[%dma_start3A_75, %dma_start3A_77, %dma_start3A_78, %dma_start3A_79] : memref<2x32x125x80xi32, #tpu.memory_space<hbm>> -> memref<1x32x125x80xi32, #tpu.memory_space<hbm>>
    %dma_start3A_81 = tpu.memref_squeeze %dma_start3A_80 : memref<1x32x125x80xi32, #tpu.memory_space<hbm>> -> memref<32x125x80xi32, #tpu.memory_space<hbm>>
    %dma_start3A_82 = arith.constant 0 : i32
    %dma_start3A_83 = arith.constant 0 : i32
    %dma_start3A_84 = tpu.memref_slice %dma_start3A_81[%add3A, %dma_start3A_82, %dma_start3A_83] : memref<32x125x80xi32, #tpu.memory_space<hbm>> -> memref<1x125x80xi32, #tpu.memory_space<hbm>>
    %dma_start3A_85 = tpu.memref_squeeze %dma_start3A_84 : memref<1x125x80xi32, #tpu.memory_space<hbm>> -> memref<125x80xi32, #tpu.memory_space<hbm>>
    %dma_start3A_86 = arith.constant 0 : i32
    %dma_start3A_87 = tpu.memref_slice %dma_start3A_85[%dma_start3A_76, %dma_start3A_86] : memref<125x80xi32, #tpu.memory_space<hbm>> -> memref<1x80xi32, #tpu.memory_space<hbm>>
    %dma_start3A_88 = tpu.memref_squeeze %dma_start3A_87 : memref<1x80xi32, #tpu.memory_space<hbm>> -> memref<80xi32, #tpu.memory_space<hbm>>
    %dma_start3A_89 = arith.constant 0 : i32
    %dma_start3A_90 = arith.constant 0 : i32
    %dma_start3A_91 = arith.constant 0 : i32
    %dma_start3A_92 = tpu.memref_slice %arg3[%dma_start3A_75, %dma_start3A_89, %dma_start3A_90, %dma_start3A_91] : memref<2x32x125x80xi32, #tpu.memory_space<hbm>> -> memref<1x32x125x80xi32, #tpu.memory_space<hbm>>
    %dma_start3A_93 = tpu.memref_squeeze %dma_start3A_92 : memref<1x32x125x80xi32, #tpu.memory_space<hbm>> -> memref<32x125x80xi32, #tpu.memory_space<hbm>>
    %dma_start3A_94 = arith.constant 0 : i32
    %dma_start3A_95 = arith.constant 0 : i32
    %dma_start3A_96 = tpu.memref_slice %dma_start3A_93[%add3A, %dma_start3A_94, %dma_start3A_95] : memref<32x125x80xi32, #tpu.memory_space<hbm>> -> memref<1x125x80xi32, #tpu.memory_space<hbm>>
    %dma_start3A_97 = tpu.memref_squeeze %dma_start3A_96 : memref<1x125x80xi32, #tpu.memory_space<hbm>> -> memref<125x80xi32, #tpu.memory_space<hbm>>
    %dma_start3A_98 = arith.constant 0 : i32
    %dma_start3A_99 = tpu.memref_slice %dma_start3A_97[%dma_start3A_76, %dma_start3A_98] : memref<125x80xi32, #tpu.memory_space<hbm>> -> memref<1x80xi32, #tpu.memory_space<hbm>>
    %dma_start3A_100 = tpu.memref_squeeze %dma_start3A_99 : memref<1x80xi32, #tpu.memory_space<hbm>> -> memref<80xi32, #tpu.memory_space<hbm>>
    tpu.enqueue_dma source(%dma_start3A_100 : memref<80xi32, #tpu.memory_space<hbm>>) target(%arg13 : memref<80xi32, #tpu.memory_space<vmem>>) target_semaphore(%arg19 : memref<!tpu.dma_semaphore, #tpu.memory_space<semaphore_mem>>)
    %scan3A = arith.constant 0 : i32
    %scan3A_101 = arith.constant 1 : i32
    %scan3A_102 = arith.constant 0 : i32
    %scan3A_103 = arith.constant 41 : i32
    %scan3A_104 = arith.addi %scan3A_102, %scan3A_103 : i32
    %scan3A_105 = arith.constant 1 : i32
    scf.for %scan3A_173 = %scan3A_102 to %scan3A_104 step %scan3A_105  : i32 {
      %mul3A_174 = arith.constant 3 : i32
      %mul3A_175 = arith.muli %scan3A_173, %mul3A_174 : i32
      %add3A_176 = arith.constant 0 : i32
      %add3A_177 = arith.addi %mul3A_175, %add3A_176 : i32
      %dma_wait3A_178 = arith.constant 0 : i32
      %dma_wait3A_179 = tpu.memref_slice %arg6[%add3A_177, %dma_wait3A_178] : memref<125x80xi32, #tpu.memory_space<vmem>> -> memref<1x80xi32, #tpu.memory_space<vmem>>
      %dma_wait3A_180 = tpu.memref_squeeze %dma_wait3A_179 : memref<1x80xi32, #tpu.memory_space<vmem>> -> memref<80xi32, #tpu.memory_space<vmem>>
      %dma_wait3A_181 = arith.constant 0 : i32
      %dma_wait3A_182 = arith.constant 0 : i32
      %dma_wait3A_183 = tpu.memref_slice %arg2[%dma_wait3A_181, %dma_wait3A_182] : memref<10240x128xf32, #tpu.memory_space<hbm>> -> memref<10240x128xf32, #tpu.memory_space<hbm>>
      tpu.wait_indirect_dma semaphore(%arg14 : memref<!tpu.dma_semaphore, #tpu.memory_space<semaphore_mem>>) src(%dma_wait3A_183 : memref<10240x128xf32, #tpu.memory_space<hbm>>) dst(%arg8 : memref<80x128xf32, #tpu.memory_space<vmem>>)
      %dma_wait3A_184 = arith.constant 0 : i32
      %dma_wait3A_185 = arith.constant 0 : i32
      %dma_wait3A_186 = arith.constant 0 : i32
      %dma_wait3A_187 = tpu.memref_slice %arg3[%scan3A_101, %dma_wait3A_184, %dma_wait3A_185, %dma_wait3A_186] : memref<2x32x125x80xi32, #tpu.memory_space<hbm>> -> memref<1x32x125x80xi32, #tpu.memory_space<hbm>>
      %dma_wait3A_188 = tpu.memref_squeeze %dma_wait3A_187 : memref<1x32x125x80xi32, #tpu.memory_space<hbm>> -> memref<32x125x80xi32, #tpu.memory_space<hbm>>
      %dma_wait3A_189 = arith.constant 0 : i32
      %dma_wait3A_190 = arith.constant 0 : i32
      %dma_wait3A_191 = tpu.memref_slice %dma_wait3A_188[%add3A, %dma_wait3A_189, %dma_wait3A_190] : memref<32x125x80xi32, #tpu.memory_space<hbm>> -> memref<1x125x80xi32, #tpu.memory_space<hbm>>
      %dma_wait3A_192 = tpu.memref_squeeze %dma_wait3A_191 : memref<1x125x80xi32, #tpu.memory_space<hbm>> -> memref<125x80xi32, #tpu.memory_space<hbm>>
      %dma_wait3A_193 = arith.constant 0 : i32
      %dma_wait3A_194 = tpu.memref_slice %dma_wait3A_192[%add3A_177, %dma_wait3A_193] : memref<125x80xi32, #tpu.memory_space<hbm>> -> memref<1x80xi32, #tpu.memory_space<hbm>>
      %dma_wait3A_195 = tpu.memref_squeeze %dma_wait3A_194 : memref<1x80xi32, #tpu.memory_space<hbm>> -> memref<80xi32, #tpu.memory_space<hbm>>
      %dma_wait3A_196 = arith.constant 0 : i32
      %dma_wait3A_197 = arith.constant 0 : i32
      %dma_wait3A_198 = arith.constant 0 : i32
      %dma_wait3A_199 = tpu.memref_slice %arg3[%scan3A_101, %dma_wait3A_196, %dma_wait3A_197, %dma_wait3A_198] : memref<2x32x125x80xi32, #tpu.memory_space<hbm>> -> memref<1x32x125x80xi32, #tpu.memory_space<hbm>>
      %dma_wait3A_200 = tpu.memref_squeeze %dma_wait3A_199 : memref<1x32x125x80xi32, #tpu.memory_space<hbm>> -> memref<32x125x80xi32, #tpu.memory_space<hbm>>
      %dma_wait3A_201 = arith.constant 0 : i32
      %dma_wait3A_202 = arith.constant 0 : i32
      %dma_wait3A_203 = tpu.memref_slice %dma_wait3A_200[%add3A, %dma_wait3A_201, %dma_wait3A_202] : memref<32x125x80xi32, #tpu.memory_space<hbm>> -> memref<1x125x80xi32, #tpu.memory_space<hbm>>
      %dma_wait3A_204 = tpu.memref_squeeze %dma_wait3A_203 : memref<1x125x80xi32, #tpu.memory_space<hbm>> -> memref<125x80xi32, #tpu.memory_space<hbm>>
      %dma_wait3A_205 = arith.constant 0 : i32
      %dma_wait3A_206 = tpu.memref_slice %dma_wait3A_204[%add3A_177, %dma_wait3A_205] : memref<125x80xi32, #tpu.memory_space<hbm>> -> memref<1x80xi32, #tpu.memory_space<hbm>>
      %dma_wait3A_207 = tpu.memref_squeeze %dma_wait3A_206 : memref<1x80xi32, #tpu.memory_space<hbm>> -> memref<80xi32, #tpu.memory_space<hbm>>
      tpu.wait_dma2 semaphore(%arg17 : memref<!tpu.dma_semaphore, #tpu.memory_space<semaphore_mem>>) src(%dma_wait3A_207 : memref<80xi32, #tpu.memory_space<hbm>>) dst(%arg11 : memref<80xi32, #tpu.memory_space<vmem>>)
      "tpu.region"() ({
        %run_scoped3A_294 = tpu.sem_alloc : memref<!tpu.dma_semaphore, #tpu.memory_space<semaphore_mem>>
        %dma_start3A_295 = arith.constant 0 : i32
        %dma_start3A_296 = arith.constant 0 : i32
        %dma_start3A_297 = tpu.memref_slice %arg7[%dma_start3A_295, %dma_start3A_296] : memref<10240x128xf32, #tpu.memory_space<vmem_shared>> -> memref<10240x128xf32, #tpu.memory_space<vmem_shared>>
        tpu.enqueue_indirect_dma source(%arg8 : memref<80x128xf32, #tpu.memory_space<vmem>>) target(%dma_start3A_297 : memref<10240x128xf32, #tpu.memory_space<vmem_shared>>) offsets(%arg11 : memref<80xi32, #tpu.memory_space<vmem>>) semaphore(%run_scoped3A_294 : memref<!tpu.dma_semaphore, #tpu.memory_space<semaphore_mem>>) {add = true}
        %dma_wait3A_298 = arith.constant 0 : i32
        %dma_wait3A_299 = arith.constant 0 : i32
        %dma_wait3A_300 = tpu.memref_slice %arg7[%dma_wait3A_298, %dma_wait3A_299] : memref<10240x128xf32, #tpu.memory_space<vmem_shared>> -> memref<10240x128xf32, #tpu.memory_space<vmem_shared>>
        tpu.wait_indirect_dma semaphore(%run_scoped3A_294 : memref<!tpu.dma_semaphore, #tpu.memory_space<semaphore_mem>>) src(%arg8 : memref<80x128xf32, #tpu.memory_space<vmem>>) dst(%dma_wait3A_300 : memref<10240x128xf32, #tpu.memory_space<vmem_shared>>)
        tpu.yield
      }) : () -> ()
      %add3A_208 = arith.constant 3 : i32
      %add3A_209 = arith.addi %add3A_177, %add3A_208 : i32
      %lt3A = arith.constant 125 : i32
      %lt3A_210 = arith.cmpi slt, %add3A_209, %lt3A : i32
      %convert_element_type3A = arith.extui %lt3A_210 : i1 to i32
      %cond3A = arith.constant 0 : i32
      %cond3A_211 = arith.cmpi ne, %convert_element_type3A, %cond3A : i32
      scf.if %cond3A_211 {
        %dma_start3A_294 = arith.constant 0 : i32
        %dma_start3A_295 = tpu.memref_slice %arg6[%add3A_209, %dma_start3A_294] : memref<125x80xi32, #tpu.memory_space<vmem>> -> memref<1x80xi32, #tpu.memory_space<vmem>>
        %dma_start3A_296 = tpu.memref_squeeze %dma_start3A_295 : memref<1x80xi32, #tpu.memory_space<vmem>> -> memref<80xi32, #tpu.memory_space<vmem>>
        %dma_start3A_297 = arith.constant 0 : i32
        %dma_start3A_298 = arith.constant 0 : i32
        %dma_start3A_299 = tpu.memref_slice %arg2[%dma_start3A_297, %dma_start3A_298] : memref<10240x128xf32, #tpu.memory_space<hbm>> -> memref<10240x128xf32, #tpu.memory_space<hbm>>
        tpu.enqueue_indirect_dma source(%dma_start3A_299 : memref<10240x128xf32, #tpu.memory_space<hbm>>) target(%arg8 : memref<80x128xf32, #tpu.memory_space<vmem>>) offsets(%dma_start3A_296 : memref<80xi32, #tpu.memory_space<vmem>>) semaphore(%arg14 : memref<!tpu.dma_semaphore, #tpu.memory_space<semaphore_mem>>)
        %dma_start3A_300 = arith.constant 0 : i32
        %dma_start3A_301 = arith.constant 0 : i32
        %dma_start3A_302 = arith.constant 0 : i32
        %dma_start3A_303 = tpu.memref_slice %arg3[%scan3A_101, %dma_start3A_300, %dma_start3A_301, %dma_start3A_302] : memref<2x32x125x80xi32, #tpu.memory_space<hbm>> -> memref<1x32x125x80xi32, #tpu.memory_space<hbm>>
        %dma_start3A_304 = tpu.memref_squeeze %dma_start3A_303 : memref<1x32x125x80xi32, #tpu.memory_space<hbm>> -> memref<32x125x80xi32, #tpu.memory_space<hbm>>
        %dma_start3A_305 = arith.constant 0 : i32
        %dma_start3A_306 = arith.constant 0 : i32
        %dma_start3A_307 = tpu.memref_slice %dma_start3A_304[%add3A, %dma_start3A_305, %dma_start3A_306] : memref<32x125x80xi32, #tpu.memory_space<hbm>> -> memref<1x125x80xi32, #tpu.memory_space<hbm>>
        %dma_start3A_308 = tpu.memref_squeeze %dma_start3A_307 : memref<1x125x80xi32, #tpu.memory_space<hbm>> -> memref<125x80xi32, #tpu.memory_space<hbm>>
        %dma_start3A_309 = arith.constant 0 : i32
        %dma_start3A_310 = tpu.memref_slice %dma_start3A_308[%add3A_209, %dma_start3A_309] : memref<125x80xi32, #tpu.memory_space<hbm>> -> memref<1x80xi32, #tpu.memory_space<hbm>>
        %dma_start3A_311 = tpu.memref_squeeze %dma_start3A_310 : memref<1x80xi32, #tpu.memory_space<hbm>> -> memref<80xi32, #tpu.memory_space<hbm>>
        %dma_start3A_312 = arith.constant 0 : i32
        %dma_start3A_313 = arith.constant 0 : i32
        %dma_start3A_314 = arith.constant 0 : i32
        %dma_start3A_315 = tpu.memref_slice %arg3[%scan3A_101, %dma_start3A_312, %dma_start3A_313, %dma_start3A_314] : memref<2x32x125x80xi32, #tpu.memory_space<hbm>> -> memref<1x32x125x80xi32, #tpu.memory_space<hbm>>
        %dma_start3A_316 = tpu.memref_squeeze %dma_start3A_315 : memref<1x32x125x80xi32, #tpu.memory_space<hbm>> -> memref<32x125x80xi32, #tpu.memory_space<hbm>>
        %dma_start3A_317 = arith.constant 0 : i32
        %dma_start3A_318 = arith.constant 0 : i32
        %dma_start3A_319 = tpu.memref_slice %dma_start3A_316[%add3A, %dma_start3A_317, %dma_start3A_318] : memref<32x125x80xi32, #tpu.memory_space<hbm>> -> memref<1x125x80xi32, #tpu.memory_space<hbm>>
        %dma_start3A_320 = tpu.memref_squeeze %dma_start3A_319 : memref<1x125x80xi32, #tpu.memory_space<hbm>> -> memref<125x80xi32, #tpu.memory_space<hbm>>
        %dma_start3A_321 = arith.constant 0 : i32
        %dma_start3A_322 = tpu.memref_slice %dma_start3A_320[%add3A_209, %dma_start3A_321] : memref<125x80xi32, #tpu.memory_space<hbm>> -> memref<1x80xi32, #tpu.memory_space<hbm>>
        %dma_start3A_323 = tpu.memref_squeeze %dma_start3A_322 : memref<1x80xi32, #tpu.memory_space<hbm>> -> memref<80xi32, #tpu.memory_space<hbm>>
        tpu.enqueue_dma source(%dma_start3A_323 : memref<80xi32, #tpu.memory_space<hbm>>) target(%arg11 : memref<80xi32, #tpu.memory_space<vmem>>) target_semaphore(%arg17 : memref<!tpu.dma_semaphore, #tpu.memory_space<semaphore_mem>>)
      } else {
      }
      %mul3A_212 = arith.constant 3 : i32
      %mul3A_213 = arith.muli %scan3A_173, %mul3A_212 : i32
      %add3A_214 = arith.constant 1 : i32
      %add3A_215 = arith.addi %mul3A_213, %add3A_214 : i32
      %dma_wait3A_216 = arith.constant 0 : i32
      %dma_wait3A_217 = tpu.memref_slice %arg6[%add3A_215, %dma_wait3A_216] : memref<125x80xi32, #tpu.memory_space<vmem>> -> memref<1x80xi32, #tpu.memory_space<vmem>>
      %dma_wait3A_218 = tpu.memref_squeeze %dma_wait3A_217 : memref<1x80xi32, #tpu.memory_space<vmem>> -> memref<80xi32, #tpu.memory_space<vmem>>
      %dma_wait3A_219 = arith.constant 0 : i32
      %dma_wait3A_220 = arith.constant 0 : i32
      %dma_wait3A_221 = tpu.memref_slice %arg2[%dma_wait3A_219, %dma_wait3A_220] : memref<10240x128xf32, #tpu.memory_space<hbm>> -> memref<10240x128xf32, #tpu.memory_space<hbm>>
      tpu.wait_indirect_dma semaphore(%arg15 : memref<!tpu.dma_semaphore, #tpu.memory_space<semaphore_mem>>) src(%dma_wait3A_221 : memref<10240x128xf32, #tpu.memory_space<hbm>>) dst(%arg9 : memref<80x128xf32, #tpu.memory_space<vmem>>)
      %dma_wait3A_222 = arith.constant 0 : i32
      %dma_wait3A_223 = arith.constant 0 : i32
      %dma_wait3A_224 = arith.constant 0 : i32
      %dma_wait3A_225 = tpu.memref_slice %arg3[%scan3A_101, %dma_wait3A_222, %dma_wait3A_223, %dma_wait3A_224] : memref<2x32x125x80xi32, #tpu.memory_space<hbm>> -> memref<1x32x125x80xi32, #tpu.memory_space<hbm>>
      %dma_wait3A_226 = tpu.memref_squeeze %dma_wait3A_225 : memref<1x32x125x80xi32, #tpu.memory_space<hbm>> -> memref<32x125x80xi32, #tpu.memory_space<hbm>>
      %dma_wait3A_227 = arith.constant 0 : i32
      %dma_wait3A_228 = arith.constant 0 : i32
      %dma_wait3A_229 = tpu.memref_slice %dma_wait3A_226[%add3A, %dma_wait3A_227, %dma_wait3A_228] : memref<32x125x80xi32, #tpu.memory_space<hbm>> -> memref<1x125x80xi32, #tpu.memory_space<hbm>>
      %dma_wait3A_230 = tpu.memref_squeeze %dma_wait3A_229 : memref<1x125x80xi32, #tpu.memory_space<hbm>> -> memref<125x80xi32, #tpu.memory_space<hbm>>
      %dma_wait3A_231 = arith.constant 0 : i32
      %dma_wait3A_232 = tpu.memref_slice %dma_wait3A_230[%add3A_215, %dma_wait3A_231] : memref<125x80xi32, #tpu.memory_space<hbm>> -> memref<1x80xi32, #tpu.memory_space<hbm>>
      %dma_wait3A_233 = tpu.memref_squeeze %dma_wait3A_232 : memref<1x80xi32, #tpu.memory_space<hbm>> -> memref<80xi32, #tpu.memory_space<hbm>>
      %dma_wait3A_234 = arith.constant 0 : i32
      %dma_wait3A_235 = arith.constant 0 : i32
      %dma_wait3A_236 = arith.constant 0 : i32
      %dma_wait3A_237 = tpu.memref_slice %arg3[%scan3A_101, %dma_wait3A_234, %dma_wait3A_235, %dma_wait3A_236] : memref<2x32x125x80xi32, #tpu.memory_space<hbm>> -> memref<1x32x125x80xi32, #tpu.memory_space<hbm>>
      %dma_wait3A_238 = tpu.memref_squeeze %dma_wait3A_237 : memref<1x32x125x80xi32, #tpu.memory_space<hbm>> -> memref<32x125x80xi32, #tpu.memory_space<hbm>>
      %dma_wait3A_239 = arith.constant 0 : i32
      %dma_wait3A_240 = arith.constant 0 : i32
      %dma_wait3A_241 = tpu.memref_slice %dma_wait3A_238[%add3A, %dma_wait3A_239, %dma_wait3A_240] : memref<32x125x80xi32, #tpu.memory_space<hbm>> -> memref<1x125x80xi32, #tpu.memory_space<hbm>>
      %dma_wait3A_242 = tpu.memref_squeeze %dma_wait3A_241 : memref<1x125x80xi32, #tpu.memory_space<hbm>> -> memref<125x80xi32, #tpu.memory_space<hbm>>
      %dma_wait3A_243 = arith.constant 0 : i32
      %dma_wait3A_244 = tpu.memref_slice %dma_wait3A_242[%add3A_215, %dma_wait3A_243] : memref<125x80xi32, #tpu.memory_space<hbm>> -> memref<1x80xi32, #tpu.memory_space<hbm>>
      %dma_wait3A_245 = tpu.memref_squeeze %dma_wait3A_244 : memref<1x80xi32, #tpu.memory_space<hbm>> -> memref<80xi32, #tpu.memory_space<hbm>>
      tpu.wait_dma2 semaphore(%arg18 : memref<!tpu.dma_semaphore, #tpu.memory_space<semaphore_mem>>) src(%dma_wait3A_245 : memref<80xi32, #tpu.memory_space<hbm>>) dst(%arg12 : memref<80xi32, #tpu.memory_space<vmem>>)
      "tpu.region"() ({
        %run_scoped3A_294 = tpu.sem_alloc : memref<!tpu.dma_semaphore, #tpu.memory_space<semaphore_mem>>
        %dma_start3A_295 = arith.constant 0 : i32
        %dma_start3A_296 = arith.constant 0 : i32
        %dma_start3A_297 = tpu.memref_slice %arg7[%dma_start3A_295, %dma_start3A_296] : memref<10240x128xf32, #tpu.memory_space<vmem_shared>> -> memref<10240x128xf32, #tpu.memory_space<vmem_shared>>
        tpu.enqueue_indirect_dma source(%arg9 : memref<80x128xf32, #tpu.memory_space<vmem>>) target(%dma_start3A_297 : memref<10240x128xf32, #tpu.memory_space<vmem_shared>>) offsets(%arg12 : memref<80xi32, #tpu.memory_space<vmem>>) semaphore(%run_scoped3A_294 : memref<!tpu.dma_semaphore, #tpu.memory_space<semaphore_mem>>) {add = true}
        %dma_wait3A_298 = arith.constant 0 : i32
        %dma_wait3A_299 = arith.constant 0 : i32
        %dma_wait3A_300 = tpu.memref_slice %arg7[%dma_wait3A_298, %dma_wait3A_299] : memref<10240x128xf32, #tpu.memory_space<vmem_shared>> -> memref<10240x128xf32, #tpu.memory_space<vmem_shared>>
        tpu.wait_indirect_dma semaphore(%run_scoped3A_294 : memref<!tpu.dma_semaphore, #tpu.memory_space<semaphore_mem>>) src(%arg9 : memref<80x128xf32, #tpu.memory_space<vmem>>) dst(%dma_wait3A_300 : memref<10240x128xf32, #tpu.memory_space<vmem_shared>>)
        tpu.yield
      }) : () -> ()
      %add3A_246 = arith.constant 3 : i32
      %add3A_247 = arith.addi %add3A_215, %add3A_246 : i32
      %lt3A_248 = arith.constant 125 : i32
      %lt3A_249 = arith.cmpi slt, %add3A_247, %lt3A_248 : i32
      %convert_element_type3A_250 = arith.extui %lt3A_249 : i1 to i32
      %cond3A_251 = arith.constant 0 : i32
      %cond3A_252 = arith.cmpi ne, %convert_element_type3A_250, %cond3A_251 : i32
      scf.if %cond3A_252 {
        %dma_start3A_294 = arith.constant 0 : i32
        %dma_start3A_295 = tpu.memref_slice %arg6[%add3A_247, %dma_start3A_294] : memref<125x80xi32, #tpu.memory_space<vmem>> -> memref<1x80xi32, #tpu.memory_space<vmem>>
        %dma_start3A_296 = tpu.memref_squeeze %dma_start3A_295 : memref<1x80xi32, #tpu.memory_space<vmem>> -> memref<80xi32, #tpu.memory_space<vmem>>
        %dma_start3A_297 = arith.constant 0 : i32
        %dma_start3A_298 = arith.constant 0 : i32
        %dma_start3A_299 = tpu.memref_slice %arg2[%dma_start3A_297, %dma_start3A_298] : memref<10240x128xf32, #tpu.memory_space<hbm>> -> memref<10240x128xf32, #tpu.memory_space<hbm>>
        tpu.enqueue_indirect_dma source(%dma_start3A_299 : memref<10240x128xf32, #tpu.memory_space<hbm>>) target(%arg9 : memref<80x128xf32, #tpu.memory_space<vmem>>) offsets(%dma_start3A_296 : memref<80xi32, #tpu.memory_space<vmem>>) semaphore(%arg15 : memref<!tpu.dma_semaphore, #tpu.memory_space<semaphore_mem>>)
        %dma_start3A_300 = arith.constant 0 : i32
        %dma_start3A_301 = arith.constant 0 : i32
        %dma_start3A_302 = arith.constant 0 : i32
        %dma_start3A_303 = tpu.memref_slice %arg3[%scan3A_101, %dma_start3A_300, %dma_start3A_301, %dma_start3A_302] : memref<2x32x125x80xi32, #tpu.memory_space<hbm>> -> memref<1x32x125x80xi32, #tpu.memory_space<hbm>>
        %dma_start3A_304 = tpu.memref_squeeze %dma_start3A_303 : memref<1x32x125x80xi32, #tpu.memory_space<hbm>> -> memref<32x125x80xi32, #tpu.memory_space<hbm>>
        %dma_start3A_305 = arith.constant 0 : i32
        %dma_start3A_306 = arith.constant 0 : i32
        %dma_start3A_307 = tpu.memref_slice %dma_start3A_304[%add3A, %dma_start3A_305, %dma_start3A_306] : memref<32x125x80xi32, #tpu.memory_space<hbm>> -> memref<1x125x80xi32, #tpu.memory_space<hbm>>
        %dma_start3A_308 = tpu.memref_squeeze %dma_start3A_307 : memref<1x125x80xi32, #tpu.memory_space<hbm>> -> memref<125x80xi32, #tpu.memory_space<hbm>>
        %dma_start3A_309 = arith.constant 0 : i32
        %dma_start3A_310 = tpu.memref_slice %dma_start3A_308[%add3A_247, %dma_start3A_309] : memref<125x80xi32, #tpu.memory_space<hbm>> -> memref<1x80xi32, #tpu.memory_space<hbm>>
        %dma_start3A_311 = tpu.memref_squeeze %dma_start3A_310 : memref<1x80xi32, #tpu.memory_space<hbm>> -> memref<80xi32, #tpu.memory_space<hbm>>
        %dma_start3A_312 = arith.constant 0 : i32
        %dma_start3A_313 = arith.constant 0 : i32
        %dma_start3A_314 = arith.constant 0 : i32
        %dma_start3A_315 = tpu.memref_slice %arg3[%scan3A_101, %dma_start3A_312, %dma_start3A_313, %dma_start3A_314] : memref<2x32x125x80xi32, #tpu.memory_space<hbm>> -> memref<1x32x125x80xi32, #tpu.memory_space<hbm>>
        %dma_start3A_316 = tpu.memref_squeeze %dma_start3A_315 : memref<1x32x125x80xi32, #tpu.memory_space<hbm>> -> memref<32x125x80xi32, #tpu.memory_space<hbm>>
        %dma_start3A_317 = arith.constant 0 : i32
        %dma_start3A_318 = arith.constant 0 : i32
        %dma_start3A_319 = tpu.memref_slice %dma_start3A_316[%add3A, %dma_start3A_317, %dma_start3A_318] : memref<32x125x80xi32, #tpu.memory_space<hbm>> -> memref<1x125x80xi32, #tpu.memory_space<hbm>>
        %dma_start3A_320 = tpu.memref_squeeze %dma_start3A_319 : memref<1x125x80xi32, #tpu.memory_space<hbm>> -> memref<125x80xi32, #tpu.memory_space<hbm>>
        %dma_start3A_321 = arith.constant 0 : i32
        %dma_start3A_322 = tpu.memref_slice %dma_start3A_320[%add3A_247, %dma_start3A_321] : memref<125x80xi32, #tpu.memory_space<hbm>> -> memref<1x80xi32, #tpu.memory_space<hbm>>
        %dma_start3A_323 = tpu.memref_squeeze %dma_start3A_322 : memref<1x80xi32, #tpu.memory_space<hbm>> -> memref<80xi32, #tpu.memory_space<hbm>>
        tpu.enqueue_dma source(%dma_start3A_323 : memref<80xi32, #tpu.memory_space<hbm>>) target(%arg12 : memref<80xi32, #tpu.memory_space<vmem>>) target_semaphore(%arg18 : memref<!tpu.dma_semaphore, #tpu.memory_space<semaphore_mem>>)
      } else {
      }
      %mul3A_253 = arith.constant 3 : i32
      %mul3A_254 = arith.muli %scan3A_173, %mul3A_253 : i32
      %add3A_255 = arith.constant 2 : i32
      %add3A_256 = arith.addi %mul3A_254, %add3A_255 : i32
      %dma_wait3A_257 = arith.constant 0 : i32
      %dma_wait3A_258 = tpu.memref_slice %arg6[%add3A_256, %dma_wait3A_257] : memref<125x80xi32, #tpu.memory_space<vmem>> -> memref<1x80xi32, #tpu.memory_space<vmem>>
      %dma_wait3A_259 = tpu.memref_squeeze %dma_wait3A_258 : memref<1x80xi32, #tpu.memory_space<vmem>> -> memref<80xi32, #tpu.memory_space<vmem>>
      %dma_wait3A_260 = arith.constant 0 : i32
      %dma_wait3A_261 = arith.constant 0 : i32
      %dma_wait3A_262 = tpu.memref_slice %arg2[%dma_wait3A_260, %dma_wait3A_261] : memref<10240x128xf32, #tpu.memory_space<hbm>> -> memref<10240x128xf32, #tpu.memory_space<hbm>>
      tpu.wait_indirect_dma semaphore(%arg16 : memref<!tpu.dma_semaphore, #tpu.memory_space<semaphore_mem>>) src(%dma_wait3A_262 : memref<10240x128xf32, #tpu.memory_space<hbm>>) dst(%arg10 : memref<80x128xf32, #tpu.memory_space<vmem>>)
      %dma_wait3A_263 = arith.constant 0 : i32
      %dma_wait3A_264 = arith.constant 0 : i32
      %dma_wait3A_265 = arith.constant 0 : i32
      %dma_wait3A_266 = tpu.memref_slice %arg3[%scan3A_101, %dma_wait3A_263, %dma_wait3A_264, %dma_wait3A_265] : memref<2x32x125x80xi32, #tpu.memory_space<hbm>> -> memref<1x32x125x80xi32, #tpu.memory_space<hbm>>
      %dma_wait3A_267 = tpu.memref_squeeze %dma_wait3A_266 : memref<1x32x125x80xi32, #tpu.memory_space<hbm>> -> memref<32x125x80xi32, #tpu.memory_space<hbm>>
      %dma_wait3A_268 = arith.constant 0 : i32
      %dma_wait3A_269 = arith.constant 0 : i32
      %dma_wait3A_270 = tpu.memref_slice %dma_wait3A_267[%add3A, %dma_wait3A_268, %dma_wait3A_269] : memref<32x125x80xi32, #tpu.memory_space<hbm>> -> memref<1x125x80xi32, #tpu.memory_space<hbm>>
      %dma_wait3A_271 = tpu.memref_squeeze %dma_wait3A_270 : memref<1x125x80xi32, #tpu.memory_space<hbm>> -> memref<125x80xi32, #tpu.memory_space<hbm>>
      %dma_wait3A_272 = arith.constant 0 : i32
      %dma_wait3A_273 = tpu.memref_slice %dma_wait3A_271[%add3A_256, %dma_wait3A_272] : memref<125x80xi32, #tpu.memory_space<hbm>> -> memref<1x80xi32, #tpu.memory_space<hbm>>
      %dma_wait3A_274 = tpu.memref_squeeze %dma_wait3A_273 : memref<1x80xi32, #tpu.memory_space<hbm>> -> memref<80xi32, #tpu.memory_space<hbm>>
      %dma_wait3A_275 = arith.constant 0 : i32
      %dma_wait3A_276 = arith.constant 0 : i32
      %dma_wait3A_277 = arith.constant 0 : i32
      %dma_wait3A_278 = tpu.memref_slice %arg3[%scan3A_101, %dma_wait3A_275, %dma_wait3A_276, %dma_wait3A_277] : memref<2x32x125x80xi32, #tpu.memory_space<hbm>> -> memref<1x32x125x80xi32, #tpu.memory_space<hbm>>
      %dma_wait3A_279 = tpu.memref_squeeze %dma_wait3A_278 : memref<1x32x125x80xi32, #tpu.memory_space<hbm>> -> memref<32x125x80xi32, #tpu.memory_space<hbm>>
      %dma_wait3A_280 = arith.constant 0 : i32
      %dma_wait3A_281 = arith.constant 0 : i32
      %dma_wait3A_282 = tpu.memref_slice %dma_wait3A_279[%add3A, %dma_wait3A_280, %dma_wait3A_281] : memref<32x125x80xi32, #tpu.memory_space<hbm>> -> memref<1x125x80xi32, #tpu.memory_space<hbm>>
      %dma_wait3A_283 = tpu.memref_squeeze %dma_wait3A_282 : memref<1x125x80xi32, #tpu.memory_space<hbm>> -> memref<125x80xi32, #tpu.memory_space<hbm>>
      %dma_wait3A_284 = arith.constant 0 : i32
      %dma_wait3A_285 = tpu.memref_slice %dma_wait3A_283[%add3A_256, %dma_wait3A_284] : memref<125x80xi32, #tpu.memory_space<hbm>> -> memref<1x80xi32, #tpu.memory_space<hbm>>
      %dma_wait3A_286 = tpu.memref_squeeze %dma_wait3A_285 : memref<1x80xi32, #tpu.memory_space<hbm>> -> memref<80xi32, #tpu.memory_space<hbm>>
      tpu.wait_dma2 semaphore(%arg19 : memref<!tpu.dma_semaphore, #tpu.memory_space<semaphore_mem>>) src(%dma_wait3A_286 : memref<80xi32, #tpu.memory_space<hbm>>) dst(%arg13 : memref<80xi32, #tpu.memory_space<vmem>>)
      "tpu.region"() ({
        %run_scoped3A_294 = tpu.sem_alloc : memref<!tpu.dma_semaphore, #tpu.memory_space<semaphore_mem>>
        %dma_start3A_295 = arith.constant 0 : i32
        %dma_start3A_296 = arith.constant 0 : i32
        %dma_start3A_297 = tpu.memref_slice %arg7[%dma_start3A_295, %dma_start3A_296] : memref<10240x128xf32, #tpu.memory_space<vmem_shared>> -> memref<10240x128xf32, #tpu.memory_space<vmem_shared>>
        tpu.enqueue_indirect_dma source(%arg10 : memref<80x128xf32, #tpu.memory_space<vmem>>) target(%dma_start3A_297 : memref<10240x128xf32, #tpu.memory_space<vmem_shared>>) offsets(%arg13 : memref<80xi32, #tpu.memory_space<vmem>>) semaphore(%run_scoped3A_294 : memref<!tpu.dma_semaphore, #tpu.memory_space<semaphore_mem>>) {add = true}
        %dma_wait3A_298 = arith.constant 0 : i32
        %dma_wait3A_299 = arith.constant 0 : i32
        %dma_wait3A_300 = tpu.memref_slice %arg7[%dma_wait3A_298, %dma_wait3A_299] : memref<10240x128xf32, #tpu.memory_space<vmem_shared>> -> memref<10240x128xf32, #tpu.memory_space<vmem_shared>>
        tpu.wait_indirect_dma semaphore(%run_scoped3A_294 : memref<!tpu.dma_semaphore, #tpu.memory_space<semaphore_mem>>) src(%arg10 : memref<80x128xf32, #tpu.memory_space<vmem>>) dst(%dma_wait3A_300 : memref<10240x128xf32, #tpu.memory_space<vmem_shared>>)
        tpu.yield
      }) : () -> ()
      %add3A_287 = arith.constant 3 : i32
      %add3A_288 = arith.addi %add3A_256, %add3A_287 : i32
      %lt3A_289 = arith.constant 125 : i32
      %lt3A_290 = arith.cmpi slt, %add3A_288, %lt3A_289 : i32
      %convert_element_type3A_291 = arith.extui %lt3A_290 : i1 to i32
      %cond3A_292 = arith.constant 0 : i32
      %cond3A_293 = arith.cmpi ne, %convert_element_type3A_291, %cond3A_292 : i32
      scf.if %cond3A_293 {
        %dma_start3A_294 = arith.constant 0 : i32
        %dma_start3A_295 = tpu.memref_slice %arg6[%add3A_288, %dma_start3A_294] : memref<125x80xi32, #tpu.memory_space<vmem>> -> memref<1x80xi32, #tpu.memory_space<vmem>>
        %dma_start3A_296 = tpu.memref_squeeze %dma_start3A_295 : memref<1x80xi32, #tpu.memory_space<vmem>> -> memref<80xi32, #tpu.memory_space<vmem>>
        %dma_start3A_297 = arith.constant 0 : i32
        %dma_start3A_298 = arith.constant 0 : i32
        %dma_start3A_299 = tpu.memref_slice %arg2[%dma_start3A_297, %dma_start3A_298] : memref<10240x128xf32, #tpu.memory_space<hbm>> -> memref<10240x128xf32, #tpu.memory_space<hbm>>
        tpu.enqueue_indirect_dma source(%dma_start3A_299 : memref<10240x128xf32, #tpu.memory_space<hbm>>) target(%arg10 : memref<80x128xf32, #tpu.memory_space<vmem>>) offsets(%dma_start3A_296 : memref<80xi32, #tpu.memory_space<vmem>>) semaphore(%arg16 : memref<!tpu.dma_semaphore, #tpu.memory_space<semaphore_mem>>)
        %dma_start3A_300 = arith.constant 0 : i32
        %dma_start3A_301 = arith.constant 0 : i32
        %dma_start3A_302 = arith.constant 0 : i32
        %dma_start3A_303 = tpu.memref_slice %arg3[%scan3A_101, %dma_start3A_300, %dma_start3A_301, %dma_start3A_302] : memref<2x32x125x80xi32, #tpu.memory_space<hbm>> -> memref<1x32x125x80xi32, #tpu.memory_space<hbm>>
        %dma_start3A_304 = tpu.memref_squeeze %dma_start3A_303 : memref<1x32x125x80xi32, #tpu.memory_space<hbm>> -> memref<32x125x80xi32, #tpu.memory_space<hbm>>
        %dma_start3A_305 = arith.constant 0 : i32
        %dma_start3A_306 = arith.constant 0 : i32
        %dma_start3A_307 = tpu.memref_slice %dma_start3A_304[%add3A, %dma_start3A_305, %dma_start3A_306] : memref<32x125x80xi32, #tpu.memory_space<hbm>> -> memref<1x125x80xi32, #tpu.memory_space<hbm>>
        %dma_start3A_308 = tpu.memref_squeeze %dma_start3A_307 : memref<1x125x80xi32, #tpu.memory_space<hbm>> -> memref<125x80xi32, #tpu.memory_space<hbm>>
        %dma_start3A_309 = arith.constant 0 : i32
        %dma_start3A_310 = tpu.memref_slice %dma_start3A_308[%add3A_288, %dma_start3A_309] : memref<125x80xi32, #tpu.memory_space<hbm>> -> memref<1x80xi32, #tpu.memory_space<hbm>>
        %dma_start3A_311 = tpu.memref_squeeze %dma_start3A_310 : memref<1x80xi32, #tpu.memory_space<hbm>> -> memref<80xi32, #tpu.memory_space<hbm>>
        %dma_start3A_312 = arith.constant 0 : i32
        %dma_start3A_313 = arith.constant 0 : i32
        %dma_start3A_314 = arith.constant 0 : i32
        %dma_start3A_315 = tpu.memref_slice %arg3[%scan3A_101, %dma_start3A_312, %dma_start3A_313, %dma_start3A_314] : memref<2x32x125x80xi32, #tpu.memory_space<hbm>> -> memref<1x32x125x80xi32, #tpu.memory_space<hbm>>
        %dma_start3A_316 = tpu.memref_squeeze %dma_start3A_315 : memref<1x32x125x80xi32, #tpu.memory_space<hbm>> -> memref<32x125x80xi32, #tpu.memory_space<hbm>>
        %dma_start3A_317 = arith.constant 0 : i32
        %dma_start3A_318 = arith.constant 0 : i32
        %dma_start3A_319 = tpu.memref_slice %dma_start3A_316[%add3A, %dma_start3A_317, %dma_start3A_318] : memref<32x125x80xi32, #tpu.memory_space<hbm>> -> memref<1x125x80xi32, #tpu.memory_space<hbm>>
        %dma_start3A_320 = tpu.memref_squeeze %dma_start3A_319 : memref<1x125x80xi32, #tpu.memory_space<hbm>> -> memref<125x80xi32, #tpu.memory_space<hbm>>
        %dma_start3A_321 = arith.constant 0 : i32
        %dma_start3A_322 = tpu.memref_slice %dma_start3A_320[%add3A_288, %dma_start3A_321] : memref<125x80xi32, #tpu.memory_space<hbm>> -> memref<1x80xi32, #tpu.memory_space<hbm>>
        %dma_start3A_323 = tpu.memref_squeeze %dma_start3A_322 : memref<1x80xi32, #tpu.memory_space<hbm>> -> memref<80xi32, #tpu.memory_space<hbm>>
        tpu.enqueue_dma source(%dma_start3A_323 : memref<80xi32, #tpu.memory_space<hbm>>) target(%arg13 : memref<80xi32, #tpu.memory_space<vmem>>) target_semaphore(%arg19 : memref<!tpu.dma_semaphore, #tpu.memory_space<semaphore_mem>>)
      } else {
      }
    }
    %scan3A_106 = arith.constant 41 : i32
    %dma_wait3A = arith.constant 123 : i32
    %dma_wait3A_107 = arith.constant 0 : i32
    %dma_wait3A_108 = tpu.memref_slice %arg6[%dma_wait3A, %dma_wait3A_107] : memref<125x80xi32, #tpu.memory_space<vmem>> -> memref<1x80xi32, #tpu.memory_space<vmem>>
    %dma_wait3A_109 = tpu.memref_squeeze %dma_wait3A_108 : memref<1x80xi32, #tpu.memory_space<vmem>> -> memref<80xi32, #tpu.memory_space<vmem>>
    %dma_wait3A_110 = arith.constant 0 : i32
    %dma_wait3A_111 = arith.constant 0 : i32
    %dma_wait3A_112 = tpu.memref_slice %arg2[%dma_wait3A_110, %dma_wait3A_111] : memref<10240x128xf32, #tpu.memory_space<hbm>> -> memref<10240x128xf32, #tpu.memory_space<hbm>>
    tpu.wait_indirect_dma semaphore(%arg14 : memref<!tpu.dma_semaphore, #tpu.memory_space<semaphore_mem>>) src(%dma_wait3A_112 : memref<10240x128xf32, #tpu.memory_space<hbm>>) dst(%arg8 : memref<80x128xf32, #tpu.memory_space<vmem>>)
    %dma_wait3A_113 = arith.constant 1 : i32
    %dma_wait3A_114 = arith.constant 123 : i32
    %dma_wait3A_115 = arith.constant 0 : i32
    %dma_wait3A_116 = arith.constant 0 : i32
    %dma_wait3A_117 = arith.constant 0 : i32
    %dma_wait3A_118 = tpu.memref_slice %arg3[%dma_wait3A_113, %dma_wait3A_115, %dma_wait3A_116, %dma_wait3A_117] : memref<2x32x125x80xi32, #tpu.memory_space<hbm>> -> memref<1x32x125x80xi32, #tpu.memory_space<hbm>>
    %dma_wait3A_119 = tpu.memref_squeeze %dma_wait3A_118 : memref<1x32x125x80xi32, #tpu.memory_space<hbm>> -> memref<32x125x80xi32, #tpu.memory_space<hbm>>
    %dma_wait3A_120 = arith.constant 0 : i32
    %dma_wait3A_121 = arith.constant 0 : i32
    %dma_wait3A_122 = tpu.memref_slice %dma_wait3A_119[%add3A, %dma_wait3A_120, %dma_wait3A_121] : memref<32x125x80xi32, #tpu.memory_space<hbm>> -> memref<1x125x80xi32, #tpu.memory_space<hbm>>
    %dma_wait3A_123 = tpu.memref_squeeze %dma_wait3A_122 : memref<1x125x80xi32, #tpu.memory_space<hbm>> -> memref<125x80xi32, #tpu.memory_space<hbm>>
    %dma_wait3A_124 = arith.constant 0 : i32
    %dma_wait3A_125 = tpu.memref_slice %dma_wait3A_123[%dma_wait3A_114, %dma_wait3A_124] : memref<125x80xi32, #tpu.memory_space<hbm>> -> memref<1x80xi32, #tpu.memory_space<hbm>>
    %dma_wait3A_126 = tpu.memref_squeeze %dma_wait3A_125 : memref<1x80xi32, #tpu.memory_space<hbm>> -> memref<80xi32, #tpu.memory_space<hbm>>
    %dma_wait3A_127 = arith.constant 0 : i32
    %dma_wait3A_128 = arith.constant 0 : i32
    %dma_wait3A_129 = arith.constant 0 : i32
    %dma_wait3A_130 = tpu.memref_slice %arg3[%dma_wait3A_113, %dma_wait3A_127, %dma_wait3A_128, %dma_wait3A_129] : memref<2x32x125x80xi32, #tpu.memory_space<hbm>> -> memref<1x32x125x80xi32, #tpu.memory_space<hbm>>
    %dma_wait3A_131 = tpu.memref_squeeze %dma_wait3A_130 : memref<1x32x125x80xi32, #tpu.memory_space<hbm>> -> memref<32x125x80xi32, #tpu.memory_space<hbm>>
    %dma_wait3A_132 = arith.constant 0 : i32
    %dma_wait3A_133 = arith.constant 0 : i32
    %dma_wait3A_134 = tpu.memref_slice %dma_wait3A_131[%add3A, %dma_wait3A_132, %dma_wait3A_133] : memref<32x125x80xi32, #tpu.memory_space<hbm>> -> memref<1x125x80xi32, #tpu.memory_space<hbm>>
    %dma_wait3A_135 = tpu.memref_squeeze %dma_wait3A_134 : memref<1x125x80xi32, #tpu.memory_space<hbm>> -> memref<125x80xi32, #tpu.memory_space<hbm>>
    %dma_wait3A_136 = arith.constant 0 : i32
    %dma_wait3A_137 = tpu.memref_slice %dma_wait3A_135[%dma_wait3A_114, %dma_wait3A_136] : memref<125x80xi32, #tpu.memory_space<hbm>> -> memref<1x80xi32, #tpu.memory_space<hbm>>
    %dma_wait3A_138 = tpu.memref_squeeze %dma_wait3A_137 : memref<1x80xi32, #tpu.memory_space<hbm>> -> memref<80xi32, #tpu.memory_space<hbm>>
    tpu.wait_dma2 semaphore(%arg17 : memref<!tpu.dma_semaphore, #tpu.memory_space<semaphore_mem>>) src(%dma_wait3A_138 : memref<80xi32, #tpu.memory_space<hbm>>) dst(%arg11 : memref<80xi32, #tpu.memory_space<vmem>>)
    "tpu.region"() ({
      %run_scoped3A_173 = tpu.sem_alloc : memref<!tpu.dma_semaphore, #tpu.memory_space<semaphore_mem>>
      %dma_start3A_174 = arith.constant 0 : i32
      %dma_start3A_175 = arith.constant 0 : i32
      %dma_start3A_176 = tpu.memref_slice %arg7[%dma_start3A_174, %dma_start3A_175] : memref<10240x128xf32, #tpu.memory_space<vmem_shared>> -> memref<10240x128xf32, #tpu.memory_space<vmem_shared>>
      tpu.enqueue_indirect_dma source(%arg8 : memref<80x128xf32, #tpu.memory_space<vmem>>) target(%dma_start3A_176 : memref<10240x128xf32, #tpu.memory_space<vmem_shared>>) offsets(%arg11 : memref<80xi32, #tpu.memory_space<vmem>>) semaphore(%run_scoped3A_173 : memref<!tpu.dma_semaphore, #tpu.memory_space<semaphore_mem>>) {add = true}
      %dma_wait3A_177 = arith.constant 0 : i32
      %dma_wait3A_178 = arith.constant 0 : i32
      %dma_wait3A_179 = tpu.memref_slice %arg7[%dma_wait3A_177, %dma_wait3A_178] : memref<10240x128xf32, #tpu.memory_space<vmem_shared>> -> memref<10240x128xf32, #tpu.memory_space<vmem_shared>>
      tpu.wait_indirect_dma semaphore(%run_scoped3A_173 : memref<!tpu.dma_semaphore, #tpu.memory_space<semaphore_mem>>) src(%arg8 : memref<80x128xf32, #tpu.memory_space<vmem>>) dst(%dma_wait3A_179 : memref<10240x128xf32, #tpu.memory_space<vmem_shared>>)
      tpu.yield
    }) : () -> ()
    %dma_wait3A_139 = arith.constant 124 : i32
    %dma_wait3A_140 = arith.constant 0 : i32
    %dma_wait3A_141 = tpu.memref_slice %arg6[%dma_wait3A_139, %dma_wait3A_140] : memref<125x80xi32, #tpu.memory_space<vmem>> -> memref<1x80xi32, #tpu.memory_space<vmem>>
    %dma_wait3A_142 = tpu.memref_squeeze %dma_wait3A_141 : memref<1x80xi32, #tpu.memory_space<vmem>> -> memref<80xi32, #tpu.memory_space<vmem>>
    %dma_wait3A_143 = arith.constant 0 : i32
    %dma_wait3A_144 = arith.constant 0 : i32
    %dma_wait3A_145 = tpu.memref_slice %arg2[%dma_wait3A_143, %dma_wait3A_144] : memref<10240x128xf32, #tpu.memory_space<hbm>> -> memref<10240x128xf32, #tpu.memory_space<hbm>>
    tpu.wait_indirect_dma semaphore(%arg15 : memref<!tpu.dma_semaphore, #tpu.memory_space<semaphore_mem>>) src(%dma_wait3A_145 : memref<10240x128xf32, #tpu.memory_space<hbm>>) dst(%arg9 : memref<80x128xf32, #tpu.memory_space<vmem>>)
    %dma_wait3A_146 = arith.constant 1 : i32
    %dma_wait3A_147 = arith.constant 124 : i32
    %dma_wait3A_148 = arith.constant 0 : i32
    %dma_wait3A_149 = arith.constant 0 : i32
    %dma_wait3A_150 = arith.constant 0 : i32
    %dma_wait3A_151 = tpu.memref_slice %arg3[%dma_wait3A_146, %dma_wait3A_148, %dma_wait3A_149, %dma_wait3A_150] : memref<2x32x125x80xi32, #tpu.memory_space<hbm>> -> memref<1x32x125x80xi32, #tpu.memory_space<hbm>>
    %dma_wait3A_152 = tpu.memref_squeeze %dma_wait3A_151 : memref<1x32x125x80xi32, #tpu.memory_space<hbm>> -> memref<32x125x80xi32, #tpu.memory_space<hbm>>
    %dma_wait3A_153 = arith.constant 0 : i32
    %dma_wait3A_154 = arith.constant 0 : i32
    %dma_wait3A_155 = tpu.memref_slice %dma_wait3A_152[%add3A, %dma_wait3A_153, %dma_wait3A_154] : memref<32x125x80xi32, #tpu.memory_space<hbm>> -> memref<1x125x80xi32, #tpu.memory_space<hbm>>
    %dma_wait3A_156 = tpu.memref_squeeze %dma_wait3A_155 : memref<1x125x80xi32, #tpu.memory_space<hbm>> -> memref<125x80xi32, #tpu.memory_space<hbm>>
    %dma_wait3A_157 = arith.constant 0 : i32
    %dma_wait3A_158 = tpu.memref_slice %dma_wait3A_156[%dma_wait3A_147, %dma_wait3A_157] : memref<125x80xi32, #tpu.memory_space<hbm>> -> memref<1x80xi32, #tpu.memory_space<hbm>>
    %dma_wait3A_159 = tpu.memref_squeeze %dma_wait3A_158 : memref<1x80xi32, #tpu.memory_space<hbm>> -> memref<80xi32, #tpu.memory_space<hbm>>
    %dma_wait3A_160 = arith.constant 0 : i32
    %dma_wait3A_161 = arith.constant 0 : i32
    %dma_wait3A_162 = arith.constant 0 : i32
    %dma_wait3A_163 = tpu.memref_slice %arg3[%dma_wait3A_146, %dma_wait3A_160, %dma_wait3A_161, %dma_wait3A_162] : memref<2x32x125x80xi32, #tpu.memory_space<hbm>> -> memref<1x32x125x80xi32, #tpu.memory_space<hbm>>
    %dma_wait3A_164 = tpu.memref_squeeze %dma_wait3A_163 : memref<1x32x125x80xi32, #tpu.memory_space<hbm>> -> memref<32x125x80xi32, #tpu.memory_space<hbm>>
    %dma_wait3A_165 = arith.constant 0 : i32
    %dma_wait3A_166 = arith.constant 0 : i32
    %dma_wait3A_167 = tpu.memref_slice %dma_wait3A_164[%add3A, %dma_wait3A_165, %dma_wait3A_166] : memref<32x125x80xi32, #tpu.memory_space<hbm>> -> memref<1x125x80xi32, #tpu.memory_space<hbm>>
    %dma_wait3A_168 = tpu.memref_squeeze %dma_wait3A_167 : memref<1x125x80xi32, #tpu.memory_space<hbm>> -> memref<125x80xi32, #tpu.memory_space<hbm>>
    %dma_wait3A_169 = arith.constant 0 : i32
    %dma_wait3A_170 = tpu.memref_slice %dma_wait3A_168[%dma_wait3A_147, %dma_wait3A_169] : memref<125x80xi32, #tpu.memory_space<hbm>> -> memref<1x80xi32, #tpu.memory_space<hbm>>
    %dma_wait3A_171 = tpu.memref_squeeze %dma_wait3A_170 : memref<1x80xi32, #tpu.memory_space<hbm>> -> memref<80xi32, #tpu.memory_space<hbm>>
    tpu.wait_dma2 semaphore(%arg18 : memref<!tpu.dma_semaphore, #tpu.memory_space<semaphore_mem>>) src(%dma_wait3A_171 : memref<80xi32, #tpu.memory_space<hbm>>) dst(%arg12 : memref<80xi32, #tpu.memory_space<vmem>>)
    "tpu.region"() ({
      %run_scoped3A_173 = tpu.sem_alloc : memref<!tpu.dma_semaphore, #tpu.memory_space<semaphore_mem>>
      %dma_start3A_174 = arith.constant 0 : i32
      %dma_start3A_175 = arith.constant 0 : i32
      %dma_start3A_176 = tpu.memref_slice %arg7[%dma_start3A_174, %dma_start3A_175] : memref<10240x128xf32, #tpu.memory_space<vmem_shared>> -> memref<10240x128xf32, #tpu.memory_space<vmem_shared>>
      tpu.enqueue_indirect_dma source(%arg9 : memref<80x128xf32, #tpu.memory_space<vmem>>) target(%dma_start3A_176 : memref<10240x128xf32, #tpu.memory_space<vmem_shared>>) offsets(%arg12 : memref<80xi32, #tpu.memory_space<vmem>>) semaphore(%run_scoped3A_173 : memref<!tpu.dma_semaphore, #tpu.memory_space<semaphore_mem>>) {add = true}
      %dma_wait3A_177 = arith.constant 0 : i32
      %dma_wait3A_178 = arith.constant 0 : i32
      %dma_wait3A_179 = tpu.memref_slice %arg7[%dma_wait3A_177, %dma_wait3A_178] : memref<10240x128xf32, #tpu.memory_space<vmem_shared>> -> memref<10240x128xf32, #tpu.memory_space<vmem_shared>>
      tpu.wait_indirect_dma semaphore(%run_scoped3A_173 : memref<!tpu.dma_semaphore, #tpu.memory_space<semaphore_mem>>) src(%arg9 : memref<80x128xf32, #tpu.memory_space<vmem>>) dst(%dma_wait3A_179 : memref<10240x128xf32, #tpu.memory_space<vmem_shared>>)
      tpu.yield
    }) : () -> ()
    %barrier3A_172 = arith.constant 0 : index
    tpu.barrier barrier_id(%barrier3A_172)
    "tpu.region"() ({
      %run_scoped3A_173 = tpu.sem_alloc : memref<!tpu.dma_semaphore, #tpu.memory_space<semaphore_mem>>
      %dma_start3A_174 = arith.constant 0 : i32
      %dma_start3A_175 = arith.constant 0 : i32
      %dma_start3A_176 = tpu.memref_slice %arg5[%arg0, %dma_start3A_174, %dma_start3A_175] : memref<2x10240x128xf32, #tpu.memory_space<hbm>> -> memref<1x10240x128xf32, #tpu.memory_space<hbm>>
      %dma_start3A_177 = tpu.memref_squeeze %dma_start3A_176 : memref<1x10240x128xf32, #tpu.memory_space<hbm>> -> memref<10240x128xf32, #tpu.memory_space<hbm>>
      %dma_start3A_178 = arith.constant 0 : i32
      %dma_start3A_179 = tpu.memref_slice %dma_start3A_177[%mul3A_0, %dma_start3A_178] : memref<10240x128xf32, #tpu.memory_space<hbm>> -> memref<640x128xf32, #tpu.memory_space<hbm>>
      %dma_start3A_180 = arith.constant 0 : i32
      %dma_start3A_181 = tpu.memref_slice %arg7[%mul3A_0, %dma_start3A_180] : memref<10240x128xf32, #tpu.memory_space<vmem_shared>> -> memref<640x128xf32, #tpu.memory_space<vmem_shared>>
      tpu.enqueue_dma source(%dma_start3A_181 : memref<640x128xf32, #tpu.memory_space<vmem_shared>>) target(%dma_start3A_179 : memref<640x128xf32, #tpu.memory_space<hbm>>) target_semaphore(%run_scoped3A_173 : memref<!tpu.dma_semaphore, #tpu.memory_space<semaphore_mem>>)
      %dma_wait3A_182 = arith.constant 0 : i32
      %dma_wait3A_183 = arith.constant 0 : i32
      %dma_wait3A_184 = tpu.memref_slice %arg5[%arg0, %dma_wait3A_182, %dma_wait3A_183] : memref<2x10240x128xf32, #tpu.memory_space<hbm>> -> memref<1x10240x128xf32, #tpu.memory_space<hbm>>
      %dma_wait3A_185 = tpu.memref_squeeze %dma_wait3A_184 : memref<1x10240x128xf32, #tpu.memory_space<hbm>> -> memref<10240x128xf32, #tpu.memory_space<hbm>>
      %dma_wait3A_186 = arith.constant 0 : i32
      %dma_wait3A_187 = tpu.memref_slice %dma_wait3A_185[%mul3A_0, %dma_wait3A_186] : memref<10240x128xf32, #tpu.memory_space<hbm>> -> memref<640x128xf32, #tpu.memory_space<hbm>>
      %dma_wait3A_188 = arith.constant 0 : i32
      %dma_wait3A_189 = tpu.memref_slice %arg7[%mul3A_0, %dma_wait3A_188] : memref<10240x128xf32, #tpu.memory_space<vmem_shared>> -> memref<640x128xf32, #tpu.memory_space<vmem_shared>>
      tpu.wait_dma2 semaphore(%run_scoped3A_173 : memref<!tpu.dma_semaphore, #tpu.memory_space<semaphore_mem>>) src(%dma_wait3A_189 : memref<640x128xf32, #tpu.memory_space<vmem_shared>>) dst(%dma_wait3A_187 : memref<640x128xf32, #tpu.memory_space<hbm>>)
      tpu.yield
    }) : () -> ()
    return
  }
}

#map = affine_map<(d0, d1) -> (0, 0)>
#map1 = affine_map<(d0, d1) -> (0, 0, 0, 0)>
#map2 = affine_map<(d0, d1) -> (0, 0, 0)>
module attributes {stable_mosaic.version = 14 : i64} {
  func.func @_prop_body(%arg0: i32, %arg1: i32, %arg2: memref<10240x64xf32, #tpu.memory_space<hbm>>, %arg3: memref<2x32x125x80xi32, #tpu.memory_space<hbm>>, %arg4: memref<640x64xf32, #tpu.memory_space<hbm>>, %arg5: memref<2x10240x128xf32, #tpu.memory_space<hbm>>, %arg6: memref<125x80xi32, #tpu.memory_space<vmem>>, %arg7: memref<10240x64xf32, #tpu.memory_space<vmem_shared>>, %arg8: memref<80x64xf32, #tpu.memory_space<vmem>>, %arg9: memref<80x64xf32, #tpu.memory_space<vmem>>, %arg10: memref<80x64xf32, #tpu.memory_space<vmem>>, %arg11: memref<80x64xf32, #tpu.memory_space<vmem>>, %arg12: memref<80x64xf32, #tpu.memory_space<vmem>>, %arg13: memref<80xi32, #tpu.memory_space<vmem>>, %arg14: memref<80xi32, #tpu.memory_space<vmem>>, %arg15: memref<80xi32, #tpu.memory_space<vmem>>, %arg16: memref<80xi32, #tpu.memory_space<vmem>>, %arg17: memref<80xi32, #tpu.memory_space<vmem>>, %arg18: memref<!tpu.dma_semaphore, #tpu.memory_space<semaphore_mem>>, %arg19: memref<!tpu.dma_semaphore, #tpu.memory_space<semaphore_mem>>, %arg20: memref<!tpu.dma_semaphore, #tpu.memory_space<semaphore_mem>>, %arg21: memref<!tpu.dma_semaphore, #tpu.memory_space<semaphore_mem>>, %arg22: memref<!tpu.dma_semaphore, #tpu.memory_space<semaphore_mem>>, %arg23: memref<!tpu.dma_semaphore, #tpu.memory_space<semaphore_mem>>, %arg24: memref<!tpu.dma_semaphore, #tpu.memory_space<semaphore_mem>>, %arg25: memref<!tpu.dma_semaphore, #tpu.memory_space<semaphore_mem>>, %arg26: memref<!tpu.dma_semaphore, #tpu.memory_space<semaphore_mem>>, %arg27: memref<!tpu.dma_semaphore, #tpu.memory_space<semaphore_mem>>) attributes {dimension_semantics = [#tpu.dimension_semantics<core_parallel>, #tpu.dimension_semantics<subcore_parallel>], iteration_bounds = array<i64: 2, 16>, scalar_prefetch = 0 : i64, scratch_operands = 22 : i64, tpu.core_type = #tpu.core_type<sc_vector_subcore>, window_params = [{transform_indices = #map}, {transform_indices = #map1}, {transform_indices = #map}, {transform_indices = #map2}]} {
    %mul3A = arith.constant 640 : i32
    %mul3A_0 = arith.muli %arg1, %mul3A : i32
    "tpu.region"() ({
      %run_scoped3A_174 = tpu.sem_alloc : memref<!tpu.dma_semaphore, #tpu.memory_space<semaphore_mem>>
      %dma_start3A_175 = arith.constant 0 : i32
      %dma_start3A_176 = tpu.memref_slice %arg7[%mul3A_0, %dma_start3A_175] : memref<10240x64xf32, #tpu.memory_space<vmem_shared>> -> memref<640x64xf32, #tpu.memory_space<vmem_shared>>
      tpu.enqueue_dma source(%arg4 : memref<640x64xf32, #tpu.memory_space<hbm>>) target(%dma_start3A_176 : memref<640x64xf32, #tpu.memory_space<vmem_shared>>) target_semaphore(%run_scoped3A_174 : memref<!tpu.dma_semaphore, #tpu.memory_space<semaphore_mem>>)
      %dma_wait3A = arith.constant 0 : i32
      %dma_wait3A_177 = tpu.memref_slice %arg7[%mul3A_0, %dma_wait3A] : memref<10240x64xf32, #tpu.memory_space<vmem_shared>> -> memref<640x64xf32, #tpu.memory_space<vmem_shared>>
      tpu.wait_dma2 semaphore(%run_scoped3A_174 : memref<!tpu.dma_semaphore, #tpu.memory_space<semaphore_mem>>) src(%arg4 : memref<640x64xf32, #tpu.memory_space<hbm>>) dst(%dma_wait3A_177 : memref<640x64xf32, #tpu.memory_space<vmem_shared>>)
      tpu.yield
    }) : () -> ()
    %mul3A_1 = arith.constant 16 : i32
    %mul3A_2 = arith.muli %arg0, %mul3A_1 : i32
    %add3A = arith.addi %mul3A_2, %arg1 : i32
    %run_scoped3A = arith.constant 0 : i32
    "tpu.region"() ({
      %run_scoped3A_174 = tpu.sem_alloc : memref<!tpu.dma_semaphore, #tpu.memory_space<semaphore_mem>>
      %dma_start3A_175 = arith.constant 0 : i32
      %dma_start3A_176 = arith.constant 0 : i32
      %dma_start3A_177 = arith.constant 0 : i32
      %dma_start3A_178 = tpu.memref_slice %arg3[%run_scoped3A, %dma_start3A_175, %dma_start3A_176, %dma_start3A_177] : memref<2x32x125x80xi32, #tpu.memory_space<hbm>> -> memref<1x32x125x80xi32, #tpu.memory_space<hbm>>
      %dma_start3A_179 = tpu.memref_squeeze %dma_start3A_178 : memref<1x32x125x80xi32, #tpu.memory_space<hbm>> -> memref<32x125x80xi32, #tpu.memory_space<hbm>>
      %dma_start3A_180 = arith.constant 0 : i32
      %dma_start3A_181 = arith.constant 0 : i32
      %dma_start3A_182 = tpu.memref_slice %dma_start3A_179[%add3A, %dma_start3A_180, %dma_start3A_181] : memref<32x125x80xi32, #tpu.memory_space<hbm>> -> memref<1x125x80xi32, #tpu.memory_space<hbm>>
      %dma_start3A_183 = tpu.memref_squeeze %dma_start3A_182 : memref<1x125x80xi32, #tpu.memory_space<hbm>> -> memref<125x80xi32, #tpu.memory_space<hbm>>
      %dma_start3A_184 = arith.constant 0 : i32
      %dma_start3A_185 = arith.constant 0 : i32
      %dma_start3A_186 = arith.constant 0 : i32
      %dma_start3A_187 = tpu.memref_slice %arg3[%run_scoped3A, %dma_start3A_184, %dma_start3A_185, %dma_start3A_186] : memref<2x32x125x80xi32, #tpu.memory_space<hbm>> -> memref<1x32x125x80xi32, #tpu.memory_space<hbm>>
      %dma_start3A_188 = tpu.memref_squeeze %dma_start3A_187 : memref<1x32x125x80xi32, #tpu.memory_space<hbm>> -> memref<32x125x80xi32, #tpu.memory_space<hbm>>
      %dma_start3A_189 = arith.constant 0 : i32
      %dma_start3A_190 = arith.constant 0 : i32
      %dma_start3A_191 = tpu.memref_slice %dma_start3A_188[%add3A, %dma_start3A_189, %dma_start3A_190] : memref<32x125x80xi32, #tpu.memory_space<hbm>> -> memref<1x125x80xi32, #tpu.memory_space<hbm>>
      %dma_start3A_192 = tpu.memref_squeeze %dma_start3A_191 : memref<1x125x80xi32, #tpu.memory_space<hbm>> -> memref<125x80xi32, #tpu.memory_space<hbm>>
      tpu.enqueue_dma source(%dma_start3A_192 : memref<125x80xi32, #tpu.memory_space<hbm>>) target(%arg6 : memref<125x80xi32, #tpu.memory_space<vmem>>) target_semaphore(%run_scoped3A_174 : memref<!tpu.dma_semaphore, #tpu.memory_space<semaphore_mem>>)
      %dma_wait3A = arith.constant 0 : i32
      %dma_wait3A_193 = arith.constant 0 : i32
      %dma_wait3A_194 = arith.constant 0 : i32
      %dma_wait3A_195 = tpu.memref_slice %arg3[%run_scoped3A, %dma_wait3A, %dma_wait3A_193, %dma_wait3A_194] : memref<2x32x125x80xi32, #tpu.memory_space<hbm>> -> memref<1x32x125x80xi32, #tpu.memory_space<hbm>>
      %dma_wait3A_196 = tpu.memref_squeeze %dma_wait3A_195 : memref<1x32x125x80xi32, #tpu.memory_space<hbm>> -> memref<32x125x80xi32, #tpu.memory_space<hbm>>
      %dma_wait3A_197 = arith.constant 0 : i32
      %dma_wait3A_198 = arith.constant 0 : i32
      %dma_wait3A_199 = tpu.memref_slice %dma_wait3A_196[%add3A, %dma_wait3A_197, %dma_wait3A_198] : memref<32x125x80xi32, #tpu.memory_space<hbm>> -> memref<1x125x80xi32, #tpu.memory_space<hbm>>
      %dma_wait3A_200 = tpu.memref_squeeze %dma_wait3A_199 : memref<1x125x80xi32, #tpu.memory_space<hbm>> -> memref<125x80xi32, #tpu.memory_space<hbm>>
      %dma_wait3A_201 = arith.constant 0 : i32
      %dma_wait3A_202 = arith.constant 0 : i32
      %dma_wait3A_203 = arith.constant 0 : i32
      %dma_wait3A_204 = tpu.memref_slice %arg3[%run_scoped3A, %dma_wait3A_201, %dma_wait3A_202, %dma_wait3A_203] : memref<2x32x125x80xi32, #tpu.memory_space<hbm>> -> memref<1x32x125x80xi32, #tpu.memory_space<hbm>>
      %dma_wait3A_205 = tpu.memref_squeeze %dma_wait3A_204 : memref<1x32x125x80xi32, #tpu.memory_space<hbm>> -> memref<32x125x80xi32, #tpu.memory_space<hbm>>
      %dma_wait3A_206 = arith.constant 0 : i32
      %dma_wait3A_207 = arith.constant 0 : i32
      %dma_wait3A_208 = tpu.memref_slice %dma_wait3A_205[%add3A, %dma_wait3A_206, %dma_wait3A_207] : memref<32x125x80xi32, #tpu.memory_space<hbm>> -> memref<1x125x80xi32, #tpu.memory_space<hbm>>
      %dma_wait3A_209 = tpu.memref_squeeze %dma_wait3A_208 : memref<1x125x80xi32, #tpu.memory_space<hbm>> -> memref<125x80xi32, #tpu.memory_space<hbm>>
      tpu.wait_dma2 semaphore(%run_scoped3A_174 : memref<!tpu.dma_semaphore, #tpu.memory_space<semaphore_mem>>) src(%dma_wait3A_209 : memref<125x80xi32, #tpu.memory_space<hbm>>) dst(%arg6 : memref<125x80xi32, #tpu.memory_space<vmem>>)
      tpu.yield
    }) : () -> ()
    %barrier3A = arith.constant 0 : index
    tpu.barrier barrier_id(%barrier3A)
    %dma_start3A = arith.constant 0 : i32
    %dma_start3A_3 = arith.constant 0 : i32
    %dma_start3A_4 = tpu.memref_slice %arg6[%dma_start3A, %dma_start3A_3] : memref<125x80xi32, #tpu.memory_space<vmem>> -> memref<1x80xi32, #tpu.memory_space<vmem>>
    %dma_start3A_5 = tpu.memref_squeeze %dma_start3A_4 : memref<1x80xi32, #tpu.memory_space<vmem>> -> memref<80xi32, #tpu.memory_space<vmem>>
    %dma_start3A_6 = arith.constant 0 : i32
    %dma_start3A_7 = arith.constant 0 : i32
    %dma_start3A_8 = tpu.memref_slice %arg2[%dma_start3A_6, %dma_start3A_7] : memref<10240x64xf32, #tpu.memory_space<hbm>> -> memref<10240x64xf32, #tpu.memory_space<hbm>>
    tpu.enqueue_indirect_dma source(%dma_start3A_8 : memref<10240x64xf32, #tpu.memory_space<hbm>>) target(%arg8 : memref<80x64xf32, #tpu.memory_space<vmem>>) offsets(%dma_start3A_5 : memref<80xi32, #tpu.memory_space<vmem>>) semaphore(%arg18 : memref<!tpu.dma_semaphore, #tpu.memory_space<semaphore_mem>>)
    %dma_start3A_9 = arith.constant 1 : i32
    %dma_start3A_10 = arith.constant 0 : i32
    %dma_start3A_11 = arith.constant 0 : i32
    %dma_start3A_12 = arith.constant 0 : i32
    %dma_start3A_13 = arith.constant 0 : i32
    %dma_start3A_14 = tpu.memref_slice %arg3[%dma_start3A_9, %dma_start3A_11, %dma_start3A_12, %dma_start3A_13] : memref<2x32x125x80xi32, #tpu.memory_space<hbm>> -> memref<1x32x125x80xi32, #tpu.memory_space<hbm>>
    %dma_start3A_15 = tpu.memref_squeeze %dma_start3A_14 : memref<1x32x125x80xi32, #tpu.memory_space<hbm>> -> memref<32x125x80xi32, #tpu.memory_space<hbm>>
    %dma_start3A_16 = arith.constant 0 : i32
    %dma_start3A_17 = arith.constant 0 : i32
    %dma_start3A_18 = tpu.memref_slice %dma_start3A_15[%add3A, %dma_start3A_16, %dma_start3A_17] : memref<32x125x80xi32, #tpu.memory_space<hbm>> -> memref<1x125x80xi32, #tpu.memory_space<hbm>>
    %dma_start3A_19 = tpu.memref_squeeze %dma_start3A_18 : memref<1x125x80xi32, #tpu.memory_space<hbm>> -> memref<125x80xi32, #tpu.memory_space<hbm>>
    %dma_start3A_20 = arith.constant 0 : i32
    %dma_start3A_21 = tpu.memref_slice %dma_start3A_19[%dma_start3A_10, %dma_start3A_20] : memref<125x80xi32, #tpu.memory_space<hbm>> -> memref<1x80xi32, #tpu.memory_space<hbm>>
    %dma_start3A_22 = tpu.memref_squeeze %dma_start3A_21 : memref<1x80xi32, #tpu.memory_space<hbm>> -> memref<80xi32, #tpu.memory_space<hbm>>
    %dma_start3A_23 = arith.constant 0 : i32
    %dma_start3A_24 = arith.constant 0 : i32
    %dma_start3A_25 = arith.constant 0 : i32
    %dma_start3A_26 = tpu.memref_slice %arg3[%dma_start3A_9, %dma_start3A_23, %dma_start3A_24, %dma_start3A_25] : memref<2x32x125x80xi32, #tpu.memory_space<hbm>> -> memref<1x32x125x80xi32, #tpu.memory_space<hbm>>
    %dma_start3A_27 = tpu.memref_squeeze %dma_start3A_26 : memref<1x32x125x80xi32, #tpu.memory_space<hbm>> -> memref<32x125x80xi32, #tpu.memory_space<hbm>>
    %dma_start3A_28 = arith.constant 0 : i32
    %dma_start3A_29 = arith.constant 0 : i32
    %dma_start3A_30 = tpu.memref_slice %dma_start3A_27[%add3A, %dma_start3A_28, %dma_start3A_29] : memref<32x125x80xi32, #tpu.memory_space<hbm>> -> memref<1x125x80xi32, #tpu.memory_space<hbm>>
    %dma_start3A_31 = tpu.memref_squeeze %dma_start3A_30 : memref<1x125x80xi32, #tpu.memory_space<hbm>> -> memref<125x80xi32, #tpu.memory_space<hbm>>
    %dma_start3A_32 = arith.constant 0 : i32
    %dma_start3A_33 = tpu.memref_slice %dma_start3A_31[%dma_start3A_10, %dma_start3A_32] : memref<125x80xi32, #tpu.memory_space<hbm>> -> memref<1x80xi32, #tpu.memory_space<hbm>>
    %dma_start3A_34 = tpu.memref_squeeze %dma_start3A_33 : memref<1x80xi32, #tpu.memory_space<hbm>> -> memref<80xi32, #tpu.memory_space<hbm>>
    tpu.enqueue_dma source(%dma_start3A_34 : memref<80xi32, #tpu.memory_space<hbm>>) target(%arg13 : memref<80xi32, #tpu.memory_space<vmem>>) target_semaphore(%arg23 : memref<!tpu.dma_semaphore, #tpu.memory_space<semaphore_mem>>)
    %dma_start3A_35 = arith.constant 1 : i32
    %dma_start3A_36 = arith.constant 0 : i32
    %dma_start3A_37 = tpu.memref_slice %arg6[%dma_start3A_35, %dma_start3A_36] : memref<125x80xi32, #tpu.memory_space<vmem>> -> memref<1x80xi32, #tpu.memory_space<vmem>>
    %dma_start3A_38 = tpu.memref_squeeze %dma_start3A_37 : memref<1x80xi32, #tpu.memory_space<vmem>> -> memref<80xi32, #tpu.memory_space<vmem>>
    %dma_start3A_39 = arith.constant 0 : i32
    %dma_start3A_40 = arith.constant 0 : i32
    %dma_start3A_41 = tpu.memref_slice %arg2[%dma_start3A_39, %dma_start3A_40] : memref<10240x64xf32, #tpu.memory_space<hbm>> -> memref<10240x64xf32, #tpu.memory_space<hbm>>
    tpu.enqueue_indirect_dma source(%dma_start3A_41 : memref<10240x64xf32, #tpu.memory_space<hbm>>) target(%arg9 : memref<80x64xf32, #tpu.memory_space<vmem>>) offsets(%dma_start3A_38 : memref<80xi32, #tpu.memory_space<vmem>>) semaphore(%arg19 : memref<!tpu.dma_semaphore, #tpu.memory_space<semaphore_mem>>)
    %dma_start3A_42 = arith.constant 1 : i32
    %dma_start3A_43 = arith.constant 1 : i32
    %dma_start3A_44 = arith.constant 0 : i32
    %dma_start3A_45 = arith.constant 0 : i32
    %dma_start3A_46 = arith.constant 0 : i32
    %dma_start3A_47 = tpu.memref_slice %arg3[%dma_start3A_42, %dma_start3A_44, %dma_start3A_45, %dma_start3A_46] : memref<2x32x125x80xi32, #tpu.memory_space<hbm>> -> memref<1x32x125x80xi32, #tpu.memory_space<hbm>>
    %dma_start3A_48 = tpu.memref_squeeze %dma_start3A_47 : memref<1x32x125x80xi32, #tpu.memory_space<hbm>> -> memref<32x125x80xi32, #tpu.memory_space<hbm>>
    %dma_start3A_49 = arith.constant 0 : i32
    %dma_start3A_50 = arith.constant 0 : i32
    %dma_start3A_51 = tpu.memref_slice %dma_start3A_48[%add3A, %dma_start3A_49, %dma_start3A_50] : memref<32x125x80xi32, #tpu.memory_space<hbm>> -> memref<1x125x80xi32, #tpu.memory_space<hbm>>
    %dma_start3A_52 = tpu.memref_squeeze %dma_start3A_51 : memref<1x125x80xi32, #tpu.memory_space<hbm>> -> memref<125x80xi32, #tpu.memory_space<hbm>>
    %dma_start3A_53 = arith.constant 0 : i32
    %dma_start3A_54 = tpu.memref_slice %dma_start3A_52[%dma_start3A_43, %dma_start3A_53] : memref<125x80xi32, #tpu.memory_space<hbm>> -> memref<1x80xi32, #tpu.memory_space<hbm>>
    %dma_start3A_55 = tpu.memref_squeeze %dma_start3A_54 : memref<1x80xi32, #tpu.memory_space<hbm>> -> memref<80xi32, #tpu.memory_space<hbm>>
    %dma_start3A_56 = arith.constant 0 : i32
    %dma_start3A_57 = arith.constant 0 : i32
    %dma_start3A_58 = arith.constant 0 : i32
    %dma_start3A_59 = tpu.memref_slice %arg3[%dma_start3A_42, %dma_start3A_56, %dma_start3A_57, %dma_start3A_58] : memref<2x32x125x80xi32, #tpu.memory_space<hbm>> -> memref<1x32x125x80xi32, #tpu.memory_space<hbm>>
    %dma_start3A_60 = tpu.memref_squeeze %dma_start3A_59 : memref<1x32x125x80xi32, #tpu.memory_space<hbm>> -> memref<32x125x80xi32, #tpu.memory_space<hbm>>
    %dma_start3A_61 = arith.constant 0 : i32
    %dma_start3A_62 = arith.constant 0 : i32
    %dma_start3A_63 = tpu.memref_slice %dma_start3A_60[%add3A, %dma_start3A_61, %dma_start3A_62] : memref<32x125x80xi32, #tpu.memory_space<hbm>> -> memref<1x125x80xi32, #tpu.memory_space<hbm>>
    %dma_start3A_64 = tpu.memref_squeeze %dma_start3A_63 : memref<1x125x80xi32, #tpu.memory_space<hbm>> -> memref<125x80xi32, #tpu.memory_space<hbm>>
    %dma_start3A_65 = arith.constant 0 : i32
    %dma_start3A_66 = tpu.memref_slice %dma_start3A_64[%dma_start3A_43, %dma_start3A_65] : memref<125x80xi32, #tpu.memory_space<hbm>> -> memref<1x80xi32, #tpu.memory_space<hbm>>
    %dma_start3A_67 = tpu.memref_squeeze %dma_start3A_66 : memref<1x80xi32, #tpu.memory_space<hbm>> -> memref<80xi32, #tpu.memory_space<hbm>>
    tpu.enqueue_dma source(%dma_start3A_67 : memref<80xi32, #tpu.memory_space<hbm>>) target(%arg14 : memref<80xi32, #tpu.memory_space<vmem>>) target_semaphore(%arg24 : memref<!tpu.dma_semaphore, #tpu.memory_space<semaphore_mem>>)
    %dma_start3A_68 = arith.constant 2 : i32
    %dma_start3A_69 = arith.constant 0 : i32
    %dma_start3A_70 = tpu.memref_slice %arg6[%dma_start3A_68, %dma_start3A_69] : memref<125x80xi32, #tpu.memory_space<vmem>> -> memref<1x80xi32, #tpu.memory_space<vmem>>
    %dma_start3A_71 = tpu.memref_squeeze %dma_start3A_70 : memref<1x80xi32, #tpu.memory_space<vmem>> -> memref<80xi32, #tpu.memory_space<vmem>>
    %dma_start3A_72 = arith.constant 0 : i32
    %dma_start3A_73 = arith.constant 0 : i32
    %dma_start3A_74 = tpu.memref_slice %arg2[%dma_start3A_72, %dma_start3A_73] : memref<10240x64xf32, #tpu.memory_space<hbm>> -> memref<10240x64xf32, #tpu.memory_space<hbm>>
    tpu.enqueue_indirect_dma source(%dma_start3A_74 : memref<10240x64xf32, #tpu.memory_space<hbm>>) target(%arg10 : memref<80x64xf32, #tpu.memory_space<vmem>>) offsets(%dma_start3A_71 : memref<80xi32, #tpu.memory_space<vmem>>) semaphore(%arg20 : memref<!tpu.dma_semaphore, #tpu.memory_space<semaphore_mem>>)
    %dma_start3A_75 = arith.constant 1 : i32
    %dma_start3A_76 = arith.constant 2 : i32
    %dma_start3A_77 = arith.constant 0 : i32
    %dma_start3A_78 = arith.constant 0 : i32
    %dma_start3A_79 = arith.constant 0 : i32
    %dma_start3A_80 = tpu.memref_slice %arg3[%dma_start3A_75, %dma_start3A_77, %dma_start3A_78, %dma_start3A_79] : memref<2x32x125x80xi32, #tpu.memory_space<hbm>> -> memref<1x32x125x80xi32, #tpu.memory_space<hbm>>
    %dma_start3A_81 = tpu.memref_squeeze %dma_start3A_80 : memref<1x32x125x80xi32, #tpu.memory_space<hbm>> -> memref<32x125x80xi32, #tpu.memory_space<hbm>>
    %dma_start3A_82 = arith.constant 0 : i32
    %dma_start3A_83 = arith.constant 0 : i32
    %dma_start3A_84 = tpu.memref_slice %dma_start3A_81[%add3A, %dma_start3A_82, %dma_start3A_83] : memref<32x125x80xi32, #tpu.memory_space<hbm>> -> memref<1x125x80xi32, #tpu.memory_space<hbm>>
    %dma_start3A_85 = tpu.memref_squeeze %dma_start3A_84 : memref<1x125x80xi32, #tpu.memory_space<hbm>> -> memref<125x80xi32, #tpu.memory_space<hbm>>
    %dma_start3A_86 = arith.constant 0 : i32
    %dma_start3A_87 = tpu.memref_slice %dma_start3A_85[%dma_start3A_76, %dma_start3A_86] : memref<125x80xi32, #tpu.memory_space<hbm>> -> memref<1x80xi32, #tpu.memory_space<hbm>>
    %dma_start3A_88 = tpu.memref_squeeze %dma_start3A_87 : memref<1x80xi32, #tpu.memory_space<hbm>> -> memref<80xi32, #tpu.memory_space<hbm>>
    %dma_start3A_89 = arith.constant 0 : i32
    %dma_start3A_90 = arith.constant 0 : i32
    %dma_start3A_91 = arith.constant 0 : i32
    %dma_start3A_92 = tpu.memref_slice %arg3[%dma_start3A_75, %dma_start3A_89, %dma_start3A_90, %dma_start3A_91] : memref<2x32x125x80xi32, #tpu.memory_space<hbm>> -> memref<1x32x125x80xi32, #tpu.memory_space<hbm>>
    %dma_start3A_93 = tpu.memref_squeeze %dma_start3A_92 : memref<1x32x125x80xi32, #tpu.memory_space<hbm>> -> memref<32x125x80xi32, #tpu.memory_space<hbm>>
    %dma_start3A_94 = arith.constant 0 : i32
    %dma_start3A_95 = arith.constant 0 : i32
    %dma_start3A_96 = tpu.memref_slice %dma_start3A_93[%add3A, %dma_start3A_94, %dma_start3A_95] : memref<32x125x80xi32, #tpu.memory_space<hbm>> -> memref<1x125x80xi32, #tpu.memory_space<hbm>>
    %dma_start3A_97 = tpu.memref_squeeze %dma_start3A_96 : memref<1x125x80xi32, #tpu.memory_space<hbm>> -> memref<125x80xi32, #tpu.memory_space<hbm>>
    %dma_start3A_98 = arith.constant 0 : i32
    %dma_start3A_99 = tpu.memref_slice %dma_start3A_97[%dma_start3A_76, %dma_start3A_98] : memref<125x80xi32, #tpu.memory_space<hbm>> -> memref<1x80xi32, #tpu.memory_space<hbm>>
    %dma_start3A_100 = tpu.memref_squeeze %dma_start3A_99 : memref<1x80xi32, #tpu.memory_space<hbm>> -> memref<80xi32, #tpu.memory_space<hbm>>
    tpu.enqueue_dma source(%dma_start3A_100 : memref<80xi32, #tpu.memory_space<hbm>>) target(%arg15 : memref<80xi32, #tpu.memory_space<vmem>>) target_semaphore(%arg25 : memref<!tpu.dma_semaphore, #tpu.memory_space<semaphore_mem>>)
    %dma_start3A_101 = arith.constant 3 : i32
    %dma_start3A_102 = arith.constant 0 : i32
    %dma_start3A_103 = tpu.memref_slice %arg6[%dma_start3A_101, %dma_start3A_102] : memref<125x80xi32, #tpu.memory_space<vmem>> -> memref<1x80xi32, #tpu.memory_space<vmem>>
    %dma_start3A_104 = tpu.memref_squeeze %dma_start3A_103 : memref<1x80xi32, #tpu.memory_space<vmem>> -> memref<80xi32, #tpu.memory_space<vmem>>
    %dma_start3A_105 = arith.constant 0 : i32
    %dma_start3A_106 = arith.constant 0 : i32
    %dma_start3A_107 = tpu.memref_slice %arg2[%dma_start3A_105, %dma_start3A_106] : memref<10240x64xf32, #tpu.memory_space<hbm>> -> memref<10240x64xf32, #tpu.memory_space<hbm>>
    tpu.enqueue_indirect_dma source(%dma_start3A_107 : memref<10240x64xf32, #tpu.memory_space<hbm>>) target(%arg11 : memref<80x64xf32, #tpu.memory_space<vmem>>) offsets(%dma_start3A_104 : memref<80xi32, #tpu.memory_space<vmem>>) semaphore(%arg21 : memref<!tpu.dma_semaphore, #tpu.memory_space<semaphore_mem>>)
    %dma_start3A_108 = arith.constant 1 : i32
    %dma_start3A_109 = arith.constant 3 : i32
    %dma_start3A_110 = arith.constant 0 : i32
    %dma_start3A_111 = arith.constant 0 : i32
    %dma_start3A_112 = arith.constant 0 : i32
    %dma_start3A_113 = tpu.memref_slice %arg3[%dma_start3A_108, %dma_start3A_110, %dma_start3A_111, %dma_start3A_112] : memref<2x32x125x80xi32, #tpu.memory_space<hbm>> -> memref<1x32x125x80xi32, #tpu.memory_space<hbm>>
    %dma_start3A_114 = tpu.memref_squeeze %dma_start3A_113 : memref<1x32x125x80xi32, #tpu.memory_space<hbm>> -> memref<32x125x80xi32, #tpu.memory_space<hbm>>
    %dma_start3A_115 = arith.constant 0 : i32
    %dma_start3A_116 = arith.constant 0 : i32
    %dma_start3A_117 = tpu.memref_slice %dma_start3A_114[%add3A, %dma_start3A_115, %dma_start3A_116] : memref<32x125x80xi32, #tpu.memory_space<hbm>> -> memref<1x125x80xi32, #tpu.memory_space<hbm>>
    %dma_start3A_118 = tpu.memref_squeeze %dma_start3A_117 : memref<1x125x80xi32, #tpu.memory_space<hbm>> -> memref<125x80xi32, #tpu.memory_space<hbm>>
    %dma_start3A_119 = arith.constant 0 : i32
    %dma_start3A_120 = tpu.memref_slice %dma_start3A_118[%dma_start3A_109, %dma_start3A_119] : memref<125x80xi32, #tpu.memory_space<hbm>> -> memref<1x80xi32, #tpu.memory_space<hbm>>
    %dma_start3A_121 = tpu.memref_squeeze %dma_start3A_120 : memref<1x80xi32, #tpu.memory_space<hbm>> -> memref<80xi32, #tpu.memory_space<hbm>>
    %dma_start3A_122 = arith.constant 0 : i32
    %dma_start3A_123 = arith.constant 0 : i32
    %dma_start3A_124 = arith.constant 0 : i32
    %dma_start3A_125 = tpu.memref_slice %arg3[%dma_start3A_108, %dma_start3A_122, %dma_start3A_123, %dma_start3A_124] : memref<2x32x125x80xi32, #tpu.memory_space<hbm>> -> memref<1x32x125x80xi32, #tpu.memory_space<hbm>>
    %dma_start3A_126 = tpu.memref_squeeze %dma_start3A_125 : memref<1x32x125x80xi32, #tpu.memory_space<hbm>> -> memref<32x125x80xi32, #tpu.memory_space<hbm>>
    %dma_start3A_127 = arith.constant 0 : i32
    %dma_start3A_128 = arith.constant 0 : i32
    %dma_start3A_129 = tpu.memref_slice %dma_start3A_126[%add3A, %dma_start3A_127, %dma_start3A_128] : memref<32x125x80xi32, #tpu.memory_space<hbm>> -> memref<1x125x80xi32, #tpu.memory_space<hbm>>
    %dma_start3A_130 = tpu.memref_squeeze %dma_start3A_129 : memref<1x125x80xi32, #tpu.memory_space<hbm>> -> memref<125x80xi32, #tpu.memory_space<hbm>>
    %dma_start3A_131 = arith.constant 0 : i32
    %dma_start3A_132 = tpu.memref_slice %dma_start3A_130[%dma_start3A_109, %dma_start3A_131] : memref<125x80xi32, #tpu.memory_space<hbm>> -> memref<1x80xi32, #tpu.memory_space<hbm>>
    %dma_start3A_133 = tpu.memref_squeeze %dma_start3A_132 : memref<1x80xi32, #tpu.memory_space<hbm>> -> memref<80xi32, #tpu.memory_space<hbm>>
    tpu.enqueue_dma source(%dma_start3A_133 : memref<80xi32, #tpu.memory_space<hbm>>) target(%arg16 : memref<80xi32, #tpu.memory_space<vmem>>) target_semaphore(%arg26 : memref<!tpu.dma_semaphore, #tpu.memory_space<semaphore_mem>>)
    %dma_start3A_134 = arith.constant 4 : i32
    %dma_start3A_135 = arith.constant 0 : i32
    %dma_start3A_136 = tpu.memref_slice %arg6[%dma_start3A_134, %dma_start3A_135] : memref<125x80xi32, #tpu.memory_space<vmem>> -> memref<1x80xi32, #tpu.memory_space<vmem>>
    %dma_start3A_137 = tpu.memref_squeeze %dma_start3A_136 : memref<1x80xi32, #tpu.memory_space<vmem>> -> memref<80xi32, #tpu.memory_space<vmem>>
    %dma_start3A_138 = arith.constant 0 : i32
    %dma_start3A_139 = arith.constant 0 : i32
    %dma_start3A_140 = tpu.memref_slice %arg2[%dma_start3A_138, %dma_start3A_139] : memref<10240x64xf32, #tpu.memory_space<hbm>> -> memref<10240x64xf32, #tpu.memory_space<hbm>>
    tpu.enqueue_indirect_dma source(%dma_start3A_140 : memref<10240x64xf32, #tpu.memory_space<hbm>>) target(%arg12 : memref<80x64xf32, #tpu.memory_space<vmem>>) offsets(%dma_start3A_137 : memref<80xi32, #tpu.memory_space<vmem>>) semaphore(%arg22 : memref<!tpu.dma_semaphore, #tpu.memory_space<semaphore_mem>>)
    %dma_start3A_141 = arith.constant 1 : i32
    %dma_start3A_142 = arith.constant 4 : i32
    %dma_start3A_143 = arith.constant 0 : i32
    %dma_start3A_144 = arith.constant 0 : i32
    %dma_start3A_145 = arith.constant 0 : i32
    %dma_start3A_146 = tpu.memref_slice %arg3[%dma_start3A_141, %dma_start3A_143, %dma_start3A_144, %dma_start3A_145] : memref<2x32x125x80xi32, #tpu.memory_space<hbm>> -> memref<1x32x125x80xi32, #tpu.memory_space<hbm>>
    %dma_start3A_147 = tpu.memref_squeeze %dma_start3A_146 : memref<1x32x125x80xi32, #tpu.memory_space<hbm>> -> memref<32x125x80xi32, #tpu.memory_space<hbm>>
    %dma_start3A_148 = arith.constant 0 : i32
    %dma_start3A_149 = arith.constant 0 : i32
    %dma_start3A_150 = tpu.memref_slice %dma_start3A_147[%add3A, %dma_start3A_148, %dma_start3A_149] : memref<32x125x80xi32, #tpu.memory_space<hbm>> -> memref<1x125x80xi32, #tpu.memory_space<hbm>>
    %dma_start3A_151 = tpu.memref_squeeze %dma_start3A_150 : memref<1x125x80xi32, #tpu.memory_space<hbm>> -> memref<125x80xi32, #tpu.memory_space<hbm>>
    %dma_start3A_152 = arith.constant 0 : i32
    %dma_start3A_153 = tpu.memref_slice %dma_start3A_151[%dma_start3A_142, %dma_start3A_152] : memref<125x80xi32, #tpu.memory_space<hbm>> -> memref<1x80xi32, #tpu.memory_space<hbm>>
    %dma_start3A_154 = tpu.memref_squeeze %dma_start3A_153 : memref<1x80xi32, #tpu.memory_space<hbm>> -> memref<80xi32, #tpu.memory_space<hbm>>
    %dma_start3A_155 = arith.constant 0 : i32
    %dma_start3A_156 = arith.constant 0 : i32
    %dma_start3A_157 = arith.constant 0 : i32
    %dma_start3A_158 = tpu.memref_slice %arg3[%dma_start3A_141, %dma_start3A_155, %dma_start3A_156, %dma_start3A_157] : memref<2x32x125x80xi32, #tpu.memory_space<hbm>> -> memref<1x32x125x80xi32, #tpu.memory_space<hbm>>
    %dma_start3A_159 = tpu.memref_squeeze %dma_start3A_158 : memref<1x32x125x80xi32, #tpu.memory_space<hbm>> -> memref<32x125x80xi32, #tpu.memory_space<hbm>>
    %dma_start3A_160 = arith.constant 0 : i32
    %dma_start3A_161 = arith.constant 0 : i32
    %dma_start3A_162 = tpu.memref_slice %dma_start3A_159[%add3A, %dma_start3A_160, %dma_start3A_161] : memref<32x125x80xi32, #tpu.memory_space<hbm>> -> memref<1x125x80xi32, #tpu.memory_space<hbm>>
    %dma_start3A_163 = tpu.memref_squeeze %dma_start3A_162 : memref<1x125x80xi32, #tpu.memory_space<hbm>> -> memref<125x80xi32, #tpu.memory_space<hbm>>
    %dma_start3A_164 = arith.constant 0 : i32
    %dma_start3A_165 = tpu.memref_slice %dma_start3A_163[%dma_start3A_142, %dma_start3A_164] : memref<125x80xi32, #tpu.memory_space<hbm>> -> memref<1x80xi32, #tpu.memory_space<hbm>>
    %dma_start3A_166 = tpu.memref_squeeze %dma_start3A_165 : memref<1x80xi32, #tpu.memory_space<hbm>> -> memref<80xi32, #tpu.memory_space<hbm>>
    tpu.enqueue_dma source(%dma_start3A_166 : memref<80xi32, #tpu.memory_space<hbm>>) target(%arg17 : memref<80xi32, #tpu.memory_space<vmem>>) target_semaphore(%arg27 : memref<!tpu.dma_semaphore, #tpu.memory_space<semaphore_mem>>)
    %scan3A = arith.constant 0 : i32
    %scan3A_167 = arith.constant 1 : i32
    %scan3A_168 = arith.constant 0 : i32
    %scan3A_169 = arith.constant 25 : i32
    %scan3A_170 = arith.addi %scan3A_168, %scan3A_169 : i32
    %scan3A_171 = arith.constant 1 : i32
    scf.for %scan3A_174 = %scan3A_168 to %scan3A_170 step %scan3A_171  : i32 {
      %mul3A_175 = arith.constant 5 : i32
      %mul3A_176 = arith.muli %scan3A_174, %mul3A_175 : i32
      %add3A_177 = arith.constant 0 : i32
      %add3A_178 = arith.addi %mul3A_176, %add3A_177 : i32
      %dma_wait3A = arith.constant 0 : i32
      %dma_wait3A_179 = tpu.memref_slice %arg6[%add3A_178, %dma_wait3A] : memref<125x80xi32, #tpu.memory_space<vmem>> -> memref<1x80xi32, #tpu.memory_space<vmem>>
      %dma_wait3A_180 = tpu.memref_squeeze %dma_wait3A_179 : memref<1x80xi32, #tpu.memory_space<vmem>> -> memref<80xi32, #tpu.memory_space<vmem>>
      %dma_wait3A_181 = arith.constant 0 : i32
      %dma_wait3A_182 = arith.constant 0 : i32
      %dma_wait3A_183 = tpu.memref_slice %arg2[%dma_wait3A_181, %dma_wait3A_182] : memref<10240x64xf32, #tpu.memory_space<hbm>> -> memref<10240x64xf32, #tpu.memory_space<hbm>>
      tpu.wait_indirect_dma semaphore(%arg18 : memref<!tpu.dma_semaphore, #tpu.memory_space<semaphore_mem>>) src(%dma_wait3A_183 : memref<10240x64xf32, #tpu.memory_space<hbm>>) dst(%arg8 : memref<80x64xf32, #tpu.memory_space<vmem>>)
      %dma_wait3A_184 = arith.constant 0 : i32
      %dma_wait3A_185 = arith.constant 0 : i32
      %dma_wait3A_186 = arith.constant 0 : i32
      %dma_wait3A_187 = tpu.memref_slice %arg3[%scan3A_167, %dma_wait3A_184, %dma_wait3A_185, %dma_wait3A_186] : memref<2x32x125x80xi32, #tpu.memory_space<hbm>> -> memref<1x32x125x80xi32, #tpu.memory_space<hbm>>
      %dma_wait3A_188 = tpu.memref_squeeze %dma_wait3A_187 : memref<1x32x125x80xi32, #tpu.memory_space<hbm>> -> memref<32x125x80xi32, #tpu.memory_space<hbm>>
      %dma_wait3A_189 = arith.constant 0 : i32
      %dma_wait3A_190 = arith.constant 0 : i32
      %dma_wait3A_191 = tpu.memref_slice %dma_wait3A_188[%add3A, %dma_wait3A_189, %dma_wait3A_190] : memref<32x125x80xi32, #tpu.memory_space<hbm>> -> memref<1x125x80xi32, #tpu.memory_space<hbm>>
      %dma_wait3A_192 = tpu.memref_squeeze %dma_wait3A_191 : memref<1x125x80xi32, #tpu.memory_space<hbm>> -> memref<125x80xi32, #tpu.memory_space<hbm>>
      %dma_wait3A_193 = arith.constant 0 : i32
      %dma_wait3A_194 = tpu.memref_slice %dma_wait3A_192[%add3A_178, %dma_wait3A_193] : memref<125x80xi32, #tpu.memory_space<hbm>> -> memref<1x80xi32, #tpu.memory_space<hbm>>
      %dma_wait3A_195 = tpu.memref_squeeze %dma_wait3A_194 : memref<1x80xi32, #tpu.memory_space<hbm>> -> memref<80xi32, #tpu.memory_space<hbm>>
      %dma_wait3A_196 = arith.constant 0 : i32
      %dma_wait3A_197 = arith.constant 0 : i32
      %dma_wait3A_198 = arith.constant 0 : i32
      %dma_wait3A_199 = tpu.memref_slice %arg3[%scan3A_167, %dma_wait3A_196, %dma_wait3A_197, %dma_wait3A_198] : memref<2x32x125x80xi32, #tpu.memory_space<hbm>> -> memref<1x32x125x80xi32, #tpu.memory_space<hbm>>
      %dma_wait3A_200 = tpu.memref_squeeze %dma_wait3A_199 : memref<1x32x125x80xi32, #tpu.memory_space<hbm>> -> memref<32x125x80xi32, #tpu.memory_space<hbm>>
      %dma_wait3A_201 = arith.constant 0 : i32
      %dma_wait3A_202 = arith.constant 0 : i32
      %dma_wait3A_203 = tpu.memref_slice %dma_wait3A_200[%add3A, %dma_wait3A_201, %dma_wait3A_202] : memref<32x125x80xi32, #tpu.memory_space<hbm>> -> memref<1x125x80xi32, #tpu.memory_space<hbm>>
      %dma_wait3A_204 = tpu.memref_squeeze %dma_wait3A_203 : memref<1x125x80xi32, #tpu.memory_space<hbm>> -> memref<125x80xi32, #tpu.memory_space<hbm>>
      %dma_wait3A_205 = arith.constant 0 : i32
      %dma_wait3A_206 = tpu.memref_slice %dma_wait3A_204[%add3A_178, %dma_wait3A_205] : memref<125x80xi32, #tpu.memory_space<hbm>> -> memref<1x80xi32, #tpu.memory_space<hbm>>
      %dma_wait3A_207 = tpu.memref_squeeze %dma_wait3A_206 : memref<1x80xi32, #tpu.memory_space<hbm>> -> memref<80xi32, #tpu.memory_space<hbm>>
      tpu.wait_dma2 semaphore(%arg23 : memref<!tpu.dma_semaphore, #tpu.memory_space<semaphore_mem>>) src(%dma_wait3A_207 : memref<80xi32, #tpu.memory_space<hbm>>) dst(%arg13 : memref<80xi32, #tpu.memory_space<vmem>>)
      "tpu.region"() ({
        %run_scoped3A_376 = tpu.sem_alloc : memref<!tpu.dma_semaphore, #tpu.memory_space<semaphore_mem>>
        %dma_start3A_377 = arith.constant 0 : i32
        %dma_start3A_378 = arith.constant 0 : i32
        %dma_start3A_379 = tpu.memref_slice %arg7[%dma_start3A_377, %dma_start3A_378] : memref<10240x64xf32, #tpu.memory_space<vmem_shared>> -> memref<10240x64xf32, #tpu.memory_space<vmem_shared>>
        tpu.enqueue_indirect_dma source(%arg8 : memref<80x64xf32, #tpu.memory_space<vmem>>) target(%dma_start3A_379 : memref<10240x64xf32, #tpu.memory_space<vmem_shared>>) offsets(%arg13 : memref<80xi32, #tpu.memory_space<vmem>>) semaphore(%run_scoped3A_376 : memref<!tpu.dma_semaphore, #tpu.memory_space<semaphore_mem>>) {add = true}
        %dma_wait3A_380 = arith.constant 0 : i32
        %dma_wait3A_381 = arith.constant 0 : i32
        %dma_wait3A_382 = tpu.memref_slice %arg7[%dma_wait3A_380, %dma_wait3A_381] : memref<10240x64xf32, #tpu.memory_space<vmem_shared>> -> memref<10240x64xf32, #tpu.memory_space<vmem_shared>>
        tpu.wait_indirect_dma semaphore(%run_scoped3A_376 : memref<!tpu.dma_semaphore, #tpu.memory_space<semaphore_mem>>) src(%arg8 : memref<80x64xf32, #tpu.memory_space<vmem>>) dst(%dma_wait3A_382 : memref<10240x64xf32, #tpu.memory_space<vmem_shared>>)
        tpu.yield
      }) : () -> ()
      %add3A_208 = arith.constant 5 : i32
      %add3A_209 = arith.addi %add3A_178, %add3A_208 : i32
      %lt3A = arith.constant 125 : i32
      %lt3A_210 = arith.cmpi slt, %add3A_209, %lt3A : i32
      %convert_element_type3A = arith.extui %lt3A_210 : i1 to i32
      %cond3A = arith.constant 0 : i32
      %cond3A_211 = arith.cmpi ne, %convert_element_type3A, %cond3A : i32
      scf.if %cond3A_211 {
        %dma_start3A_376 = arith.constant 0 : i32
        %dma_start3A_377 = tpu.memref_slice %arg6[%add3A_209, %dma_start3A_376] : memref<125x80xi32, #tpu.memory_space<vmem>> -> memref<1x80xi32, #tpu.memory_space<vmem>>
        %dma_start3A_378 = tpu.memref_squeeze %dma_start3A_377 : memref<1x80xi32, #tpu.memory_space<vmem>> -> memref<80xi32, #tpu.memory_space<vmem>>
        %dma_start3A_379 = arith.constant 0 : i32
        %dma_start3A_380 = arith.constant 0 : i32
        %dma_start3A_381 = tpu.memref_slice %arg2[%dma_start3A_379, %dma_start3A_380] : memref<10240x64xf32, #tpu.memory_space<hbm>> -> memref<10240x64xf32, #tpu.memory_space<hbm>>
        tpu.enqueue_indirect_dma source(%dma_start3A_381 : memref<10240x64xf32, #tpu.memory_space<hbm>>) target(%arg8 : memref<80x64xf32, #tpu.memory_space<vmem>>) offsets(%dma_start3A_378 : memref<80xi32, #tpu.memory_space<vmem>>) semaphore(%arg18 : memref<!tpu.dma_semaphore, #tpu.memory_space<semaphore_mem>>)
        %dma_start3A_382 = arith.constant 0 : i32
        %dma_start3A_383 = arith.constant 0 : i32
        %dma_start3A_384 = arith.constant 0 : i32
        %dma_start3A_385 = tpu.memref_slice %arg3[%scan3A_167, %dma_start3A_382, %dma_start3A_383, %dma_start3A_384] : memref<2x32x125x80xi32, #tpu.memory_space<hbm>> -> memref<1x32x125x80xi32, #tpu.memory_space<hbm>>
        %dma_start3A_386 = tpu.memref_squeeze %dma_start3A_385 : memref<1x32x125x80xi32, #tpu.memory_space<hbm>> -> memref<32x125x80xi32, #tpu.memory_space<hbm>>
        %dma_start3A_387 = arith.constant 0 : i32
        %dma_start3A_388 = arith.constant 0 : i32
        %dma_start3A_389 = tpu.memref_slice %dma_start3A_386[%add3A, %dma_start3A_387, %dma_start3A_388] : memref<32x125x80xi32, #tpu.memory_space<hbm>> -> memref<1x125x80xi32, #tpu.memory_space<hbm>>
        %dma_start3A_390 = tpu.memref_squeeze %dma_start3A_389 : memref<1x125x80xi32, #tpu.memory_space<hbm>> -> memref<125x80xi32, #tpu.memory_space<hbm>>
        %dma_start3A_391 = arith.constant 0 : i32
        %dma_start3A_392 = tpu.memref_slice %dma_start3A_390[%add3A_209, %dma_start3A_391] : memref<125x80xi32, #tpu.memory_space<hbm>> -> memref<1x80xi32, #tpu.memory_space<hbm>>
        %dma_start3A_393 = tpu.memref_squeeze %dma_start3A_392 : memref<1x80xi32, #tpu.memory_space<hbm>> -> memref<80xi32, #tpu.memory_space<hbm>>
        %dma_start3A_394 = arith.constant 0 : i32
        %dma_start3A_395 = arith.constant 0 : i32
        %dma_start3A_396 = arith.constant 0 : i32
        %dma_start3A_397 = tpu.memref_slice %arg3[%scan3A_167, %dma_start3A_394, %dma_start3A_395, %dma_start3A_396] : memref<2x32x125x80xi32, #tpu.memory_space<hbm>> -> memref<1x32x125x80xi32, #tpu.memory_space<hbm>>
        %dma_start3A_398 = tpu.memref_squeeze %dma_start3A_397 : memref<1x32x125x80xi32, #tpu.memory_space<hbm>> -> memref<32x125x80xi32, #tpu.memory_space<hbm>>
        %dma_start3A_399 = arith.constant 0 : i32
        %dma_start3A_400 = arith.constant 0 : i32
        %dma_start3A_401 = tpu.memref_slice %dma_start3A_398[%add3A, %dma_start3A_399, %dma_start3A_400] : memref<32x125x80xi32, #tpu.memory_space<hbm>> -> memref<1x125x80xi32, #tpu.memory_space<hbm>>
        %dma_start3A_402 = tpu.memref_squeeze %dma_start3A_401 : memref<1x125x80xi32, #tpu.memory_space<hbm>> -> memref<125x80xi32, #tpu.memory_space<hbm>>
        %dma_start3A_403 = arith.constant 0 : i32
        %dma_start3A_404 = tpu.memref_slice %dma_start3A_402[%add3A_209, %dma_start3A_403] : memref<125x80xi32, #tpu.memory_space<hbm>> -> memref<1x80xi32, #tpu.memory_space<hbm>>
        %dma_start3A_405 = tpu.memref_squeeze %dma_start3A_404 : memref<1x80xi32, #tpu.memory_space<hbm>> -> memref<80xi32, #tpu.memory_space<hbm>>
        tpu.enqueue_dma source(%dma_start3A_405 : memref<80xi32, #tpu.memory_space<hbm>>) target(%arg13 : memref<80xi32, #tpu.memory_space<vmem>>) target_semaphore(%arg23 : memref<!tpu.dma_semaphore, #tpu.memory_space<semaphore_mem>>)
      } else {
      }
      %mul3A_212 = arith.constant 5 : i32
      %mul3A_213 = arith.muli %scan3A_174, %mul3A_212 : i32
      %add3A_214 = arith.constant 1 : i32
      %add3A_215 = arith.addi %mul3A_213, %add3A_214 : i32
      %dma_wait3A_216 = arith.constant 0 : i32
      %dma_wait3A_217 = tpu.memref_slice %arg6[%add3A_215, %dma_wait3A_216] : memref<125x80xi32, #tpu.memory_space<vmem>> -> memref<1x80xi32, #tpu.memory_space<vmem>>
      %dma_wait3A_218 = tpu.memref_squeeze %dma_wait3A_217 : memref<1x80xi32, #tpu.memory_space<vmem>> -> memref<80xi32, #tpu.memory_space<vmem>>
      %dma_wait3A_219 = arith.constant 0 : i32
      %dma_wait3A_220 = arith.constant 0 : i32
      %dma_wait3A_221 = tpu.memref_slice %arg2[%dma_wait3A_219, %dma_wait3A_220] : memref<10240x64xf32, #tpu.memory_space<hbm>> -> memref<10240x64xf32, #tpu.memory_space<hbm>>
      tpu.wait_indirect_dma semaphore(%arg19 : memref<!tpu.dma_semaphore, #tpu.memory_space<semaphore_mem>>) src(%dma_wait3A_221 : memref<10240x64xf32, #tpu.memory_space<hbm>>) dst(%arg9 : memref<80x64xf32, #tpu.memory_space<vmem>>)
      %dma_wait3A_222 = arith.constant 0 : i32
      %dma_wait3A_223 = arith.constant 0 : i32
      %dma_wait3A_224 = arith.constant 0 : i32
      %dma_wait3A_225 = tpu.memref_slice %arg3[%scan3A_167, %dma_wait3A_222, %dma_wait3A_223, %dma_wait3A_224] : memref<2x32x125x80xi32, #tpu.memory_space<hbm>> -> memref<1x32x125x80xi32, #tpu.memory_space<hbm>>
      %dma_wait3A_226 = tpu.memref_squeeze %dma_wait3A_225 : memref<1x32x125x80xi32, #tpu.memory_space<hbm>> -> memref<32x125x80xi32, #tpu.memory_space<hbm>>
      %dma_wait3A_227 = arith.constant 0 : i32
      %dma_wait3A_228 = arith.constant 0 : i32
      %dma_wait3A_229 = tpu.memref_slice %dma_wait3A_226[%add3A, %dma_wait3A_227, %dma_wait3A_228] : memref<32x125x80xi32, #tpu.memory_space<hbm>> -> memref<1x125x80xi32, #tpu.memory_space<hbm>>
      %dma_wait3A_230 = tpu.memref_squeeze %dma_wait3A_229 : memref<1x125x80xi32, #tpu.memory_space<hbm>> -> memref<125x80xi32, #tpu.memory_space<hbm>>
      %dma_wait3A_231 = arith.constant 0 : i32
      %dma_wait3A_232 = tpu.memref_slice %dma_wait3A_230[%add3A_215, %dma_wait3A_231] : memref<125x80xi32, #tpu.memory_space<hbm>> -> memref<1x80xi32, #tpu.memory_space<hbm>>
      %dma_wait3A_233 = tpu.memref_squeeze %dma_wait3A_232 : memref<1x80xi32, #tpu.memory_space<hbm>> -> memref<80xi32, #tpu.memory_space<hbm>>
      %dma_wait3A_234 = arith.constant 0 : i32
      %dma_wait3A_235 = arith.constant 0 : i32
      %dma_wait3A_236 = arith.constant 0 : i32
      %dma_wait3A_237 = tpu.memref_slice %arg3[%scan3A_167, %dma_wait3A_234, %dma_wait3A_235, %dma_wait3A_236] : memref<2x32x125x80xi32, #tpu.memory_space<hbm>> -> memref<1x32x125x80xi32, #tpu.memory_space<hbm>>
      %dma_wait3A_238 = tpu.memref_squeeze %dma_wait3A_237 : memref<1x32x125x80xi32, #tpu.memory_space<hbm>> -> memref<32x125x80xi32, #tpu.memory_space<hbm>>
      %dma_wait3A_239 = arith.constant 0 : i32
      %dma_wait3A_240 = arith.constant 0 : i32
      %dma_wait3A_241 = tpu.memref_slice %dma_wait3A_238[%add3A, %dma_wait3A_239, %dma_wait3A_240] : memref<32x125x80xi32, #tpu.memory_space<hbm>> -> memref<1x125x80xi32, #tpu.memory_space<hbm>>
      %dma_wait3A_242 = tpu.memref_squeeze %dma_wait3A_241 : memref<1x125x80xi32, #tpu.memory_space<hbm>> -> memref<125x80xi32, #tpu.memory_space<hbm>>
      %dma_wait3A_243 = arith.constant 0 : i32
      %dma_wait3A_244 = tpu.memref_slice %dma_wait3A_242[%add3A_215, %dma_wait3A_243] : memref<125x80xi32, #tpu.memory_space<hbm>> -> memref<1x80xi32, #tpu.memory_space<hbm>>
      %dma_wait3A_245 = tpu.memref_squeeze %dma_wait3A_244 : memref<1x80xi32, #tpu.memory_space<hbm>> -> memref<80xi32, #tpu.memory_space<hbm>>
      tpu.wait_dma2 semaphore(%arg24 : memref<!tpu.dma_semaphore, #tpu.memory_space<semaphore_mem>>) src(%dma_wait3A_245 : memref<80xi32, #tpu.memory_space<hbm>>) dst(%arg14 : memref<80xi32, #tpu.memory_space<vmem>>)
      "tpu.region"() ({
        %run_scoped3A_376 = tpu.sem_alloc : memref<!tpu.dma_semaphore, #tpu.memory_space<semaphore_mem>>
        %dma_start3A_377 = arith.constant 0 : i32
        %dma_start3A_378 = arith.constant 0 : i32
        %dma_start3A_379 = tpu.memref_slice %arg7[%dma_start3A_377, %dma_start3A_378] : memref<10240x64xf32, #tpu.memory_space<vmem_shared>> -> memref<10240x64xf32, #tpu.memory_space<vmem_shared>>
        tpu.enqueue_indirect_dma source(%arg9 : memref<80x64xf32, #tpu.memory_space<vmem>>) target(%dma_start3A_379 : memref<10240x64xf32, #tpu.memory_space<vmem_shared>>) offsets(%arg14 : memref<80xi32, #tpu.memory_space<vmem>>) semaphore(%run_scoped3A_376 : memref<!tpu.dma_semaphore, #tpu.memory_space<semaphore_mem>>) {add = true}
        %dma_wait3A_380 = arith.constant 0 : i32
        %dma_wait3A_381 = arith.constant 0 : i32
        %dma_wait3A_382 = tpu.memref_slice %arg7[%dma_wait3A_380, %dma_wait3A_381] : memref<10240x64xf32, #tpu.memory_space<vmem_shared>> -> memref<10240x64xf32, #tpu.memory_space<vmem_shared>>
        tpu.wait_indirect_dma semaphore(%run_scoped3A_376 : memref<!tpu.dma_semaphore, #tpu.memory_space<semaphore_mem>>) src(%arg9 : memref<80x64xf32, #tpu.memory_space<vmem>>) dst(%dma_wait3A_382 : memref<10240x64xf32, #tpu.memory_space<vmem_shared>>)
        tpu.yield
      }) : () -> ()
      %add3A_246 = arith.constant 5 : i32
      %add3A_247 = arith.addi %add3A_215, %add3A_246 : i32
      %lt3A_248 = arith.constant 125 : i32
      %lt3A_249 = arith.cmpi slt, %add3A_247, %lt3A_248 : i32
      %convert_element_type3A_250 = arith.extui %lt3A_249 : i1 to i32
      %cond3A_251 = arith.constant 0 : i32
      %cond3A_252 = arith.cmpi ne, %convert_element_type3A_250, %cond3A_251 : i32
      scf.if %cond3A_252 {
        %dma_start3A_376 = arith.constant 0 : i32
        %dma_start3A_377 = tpu.memref_slice %arg6[%add3A_247, %dma_start3A_376] : memref<125x80xi32, #tpu.memory_space<vmem>> -> memref<1x80xi32, #tpu.memory_space<vmem>>
        %dma_start3A_378 = tpu.memref_squeeze %dma_start3A_377 : memref<1x80xi32, #tpu.memory_space<vmem>> -> memref<80xi32, #tpu.memory_space<vmem>>
        %dma_start3A_379 = arith.constant 0 : i32
        %dma_start3A_380 = arith.constant 0 : i32
        %dma_start3A_381 = tpu.memref_slice %arg2[%dma_start3A_379, %dma_start3A_380] : memref<10240x64xf32, #tpu.memory_space<hbm>> -> memref<10240x64xf32, #tpu.memory_space<hbm>>
        tpu.enqueue_indirect_dma source(%dma_start3A_381 : memref<10240x64xf32, #tpu.memory_space<hbm>>) target(%arg9 : memref<80x64xf32, #tpu.memory_space<vmem>>) offsets(%dma_start3A_378 : memref<80xi32, #tpu.memory_space<vmem>>) semaphore(%arg19 : memref<!tpu.dma_semaphore, #tpu.memory_space<semaphore_mem>>)
        %dma_start3A_382 = arith.constant 0 : i32
        %dma_start3A_383 = arith.constant 0 : i32
        %dma_start3A_384 = arith.constant 0 : i32
        %dma_start3A_385 = tpu.memref_slice %arg3[%scan3A_167, %dma_start3A_382, %dma_start3A_383, %dma_start3A_384] : memref<2x32x125x80xi32, #tpu.memory_space<hbm>> -> memref<1x32x125x80xi32, #tpu.memory_space<hbm>>
        %dma_start3A_386 = tpu.memref_squeeze %dma_start3A_385 : memref<1x32x125x80xi32, #tpu.memory_space<hbm>> -> memref<32x125x80xi32, #tpu.memory_space<hbm>>
        %dma_start3A_387 = arith.constant 0 : i32
        %dma_start3A_388 = arith.constant 0 : i32
        %dma_start3A_389 = tpu.memref_slice %dma_start3A_386[%add3A, %dma_start3A_387, %dma_start3A_388] : memref<32x125x80xi32, #tpu.memory_space<hbm>> -> memref<1x125x80xi32, #tpu.memory_space<hbm>>
        %dma_start3A_390 = tpu.memref_squeeze %dma_start3A_389 : memref<1x125x80xi32, #tpu.memory_space<hbm>> -> memref<125x80xi32, #tpu.memory_space<hbm>>
        %dma_start3A_391 = arith.constant 0 : i32
        %dma_start3A_392 = tpu.memref_slice %dma_start3A_390[%add3A_247, %dma_start3A_391] : memref<125x80xi32, #tpu.memory_space<hbm>> -> memref<1x80xi32, #tpu.memory_space<hbm>>
        %dma_start3A_393 = tpu.memref_squeeze %dma_start3A_392 : memref<1x80xi32, #tpu.memory_space<hbm>> -> memref<80xi32, #tpu.memory_space<hbm>>
        %dma_start3A_394 = arith.constant 0 : i32
        %dma_start3A_395 = arith.constant 0 : i32
        %dma_start3A_396 = arith.constant 0 : i32
        %dma_start3A_397 = tpu.memref_slice %arg3[%scan3A_167, %dma_start3A_394, %dma_start3A_395, %dma_start3A_396] : memref<2x32x125x80xi32, #tpu.memory_space<hbm>> -> memref<1x32x125x80xi32, #tpu.memory_space<hbm>>
        %dma_start3A_398 = tpu.memref_squeeze %dma_start3A_397 : memref<1x32x125x80xi32, #tpu.memory_space<hbm>> -> memref<32x125x80xi32, #tpu.memory_space<hbm>>
        %dma_start3A_399 = arith.constant 0 : i32
        %dma_start3A_400 = arith.constant 0 : i32
        %dma_start3A_401 = tpu.memref_slice %dma_start3A_398[%add3A, %dma_start3A_399, %dma_start3A_400] : memref<32x125x80xi32, #tpu.memory_space<hbm>> -> memref<1x125x80xi32, #tpu.memory_space<hbm>>
        %dma_start3A_402 = tpu.memref_squeeze %dma_start3A_401 : memref<1x125x80xi32, #tpu.memory_space<hbm>> -> memref<125x80xi32, #tpu.memory_space<hbm>>
        %dma_start3A_403 = arith.constant 0 : i32
        %dma_start3A_404 = tpu.memref_slice %dma_start3A_402[%add3A_247, %dma_start3A_403] : memref<125x80xi32, #tpu.memory_space<hbm>> -> memref<1x80xi32, #tpu.memory_space<hbm>>
        %dma_start3A_405 = tpu.memref_squeeze %dma_start3A_404 : memref<1x80xi32, #tpu.memory_space<hbm>> -> memref<80xi32, #tpu.memory_space<hbm>>
        tpu.enqueue_dma source(%dma_start3A_405 : memref<80xi32, #tpu.memory_space<hbm>>) target(%arg14 : memref<80xi32, #tpu.memory_space<vmem>>) target_semaphore(%arg24 : memref<!tpu.dma_semaphore, #tpu.memory_space<semaphore_mem>>)
      } else {
      }
      %mul3A_253 = arith.constant 5 : i32
      %mul3A_254 = arith.muli %scan3A_174, %mul3A_253 : i32
      %add3A_255 = arith.constant 2 : i32
      %add3A_256 = arith.addi %mul3A_254, %add3A_255 : i32
      %dma_wait3A_257 = arith.constant 0 : i32
      %dma_wait3A_258 = tpu.memref_slice %arg6[%add3A_256, %dma_wait3A_257] : memref<125x80xi32, #tpu.memory_space<vmem>> -> memref<1x80xi32, #tpu.memory_space<vmem>>
      %dma_wait3A_259 = tpu.memref_squeeze %dma_wait3A_258 : memref<1x80xi32, #tpu.memory_space<vmem>> -> memref<80xi32, #tpu.memory_space<vmem>>
      %dma_wait3A_260 = arith.constant 0 : i32
      %dma_wait3A_261 = arith.constant 0 : i32
      %dma_wait3A_262 = tpu.memref_slice %arg2[%dma_wait3A_260, %dma_wait3A_261] : memref<10240x64xf32, #tpu.memory_space<hbm>> -> memref<10240x64xf32, #tpu.memory_space<hbm>>
      tpu.wait_indirect_dma semaphore(%arg20 : memref<!tpu.dma_semaphore, #tpu.memory_space<semaphore_mem>>) src(%dma_wait3A_262 : memref<10240x64xf32, #tpu.memory_space<hbm>>) dst(%arg10 : memref<80x64xf32, #tpu.memory_space<vmem>>)
      %dma_wait3A_263 = arith.constant 0 : i32
      %dma_wait3A_264 = arith.constant 0 : i32
      %dma_wait3A_265 = arith.constant 0 : i32
      %dma_wait3A_266 = tpu.memref_slice %arg3[%scan3A_167, %dma_wait3A_263, %dma_wait3A_264, %dma_wait3A_265] : memref<2x32x125x80xi32, #tpu.memory_space<hbm>> -> memref<1x32x125x80xi32, #tpu.memory_space<hbm>>
      %dma_wait3A_267 = tpu.memref_squeeze %dma_wait3A_266 : memref<1x32x125x80xi32, #tpu.memory_space<hbm>> -> memref<32x125x80xi32, #tpu.memory_space<hbm>>
      %dma_wait3A_268 = arith.constant 0 : i32
      %dma_wait3A_269 = arith.constant 0 : i32
      %dma_wait3A_270 = tpu.memref_slice %dma_wait3A_267[%add3A, %dma_wait3A_268, %dma_wait3A_269] : memref<32x125x80xi32, #tpu.memory_space<hbm>> -> memref<1x125x80xi32, #tpu.memory_space<hbm>>
      %dma_wait3A_271 = tpu.memref_squeeze %dma_wait3A_270 : memref<1x125x80xi32, #tpu.memory_space<hbm>> -> memref<125x80xi32, #tpu.memory_space<hbm>>
      %dma_wait3A_272 = arith.constant 0 : i32
      %dma_wait3A_273 = tpu.memref_slice %dma_wait3A_271[%add3A_256, %dma_wait3A_272] : memref<125x80xi32, #tpu.memory_space<hbm>> -> memref<1x80xi32, #tpu.memory_space<hbm>>
      %dma_wait3A_274 = tpu.memref_squeeze %dma_wait3A_273 : memref<1x80xi32, #tpu.memory_space<hbm>> -> memref<80xi32, #tpu.memory_space<hbm>>
      %dma_wait3A_275 = arith.constant 0 : i32
      %dma_wait3A_276 = arith.constant 0 : i32
      %dma_wait3A_277 = arith.constant 0 : i32
      %dma_wait3A_278 = tpu.memref_slice %arg3[%scan3A_167, %dma_wait3A_275, %dma_wait3A_276, %dma_wait3A_277] : memref<2x32x125x80xi32, #tpu.memory_space<hbm>> -> memref<1x32x125x80xi32, #tpu.memory_space<hbm>>
      %dma_wait3A_279 = tpu.memref_squeeze %dma_wait3A_278 : memref<1x32x125x80xi32, #tpu.memory_space<hbm>> -> memref<32x125x80xi32, #tpu.memory_space<hbm>>
      %dma_wait3A_280 = arith.constant 0 : i32
      %dma_wait3A_281 = arith.constant 0 : i32
      %dma_wait3A_282 = tpu.memref_slice %dma_wait3A_279[%add3A, %dma_wait3A_280, %dma_wait3A_281] : memref<32x125x80xi32, #tpu.memory_space<hbm>> -> memref<1x125x80xi32, #tpu.memory_space<hbm>>
      %dma_wait3A_283 = tpu.memref_squeeze %dma_wait3A_282 : memref<1x125x80xi32, #tpu.memory_space<hbm>> -> memref<125x80xi32, #tpu.memory_space<hbm>>
      %dma_wait3A_284 = arith.constant 0 : i32
      %dma_wait3A_285 = tpu.memref_slice %dma_wait3A_283[%add3A_256, %dma_wait3A_284] : memref<125x80xi32, #tpu.memory_space<hbm>> -> memref<1x80xi32, #tpu.memory_space<hbm>>
      %dma_wait3A_286 = tpu.memref_squeeze %dma_wait3A_285 : memref<1x80xi32, #tpu.memory_space<hbm>> -> memref<80xi32, #tpu.memory_space<hbm>>
      tpu.wait_dma2 semaphore(%arg25 : memref<!tpu.dma_semaphore, #tpu.memory_space<semaphore_mem>>) src(%dma_wait3A_286 : memref<80xi32, #tpu.memory_space<hbm>>) dst(%arg15 : memref<80xi32, #tpu.memory_space<vmem>>)
      "tpu.region"() ({
        %run_scoped3A_376 = tpu.sem_alloc : memref<!tpu.dma_semaphore, #tpu.memory_space<semaphore_mem>>
        %dma_start3A_377 = arith.constant 0 : i32
        %dma_start3A_378 = arith.constant 0 : i32
        %dma_start3A_379 = tpu.memref_slice %arg7[%dma_start3A_377, %dma_start3A_378] : memref<10240x64xf32, #tpu.memory_space<vmem_shared>> -> memref<10240x64xf32, #tpu.memory_space<vmem_shared>>
        tpu.enqueue_indirect_dma source(%arg10 : memref<80x64xf32, #tpu.memory_space<vmem>>) target(%dma_start3A_379 : memref<10240x64xf32, #tpu.memory_space<vmem_shared>>) offsets(%arg15 : memref<80xi32, #tpu.memory_space<vmem>>) semaphore(%run_scoped3A_376 : memref<!tpu.dma_semaphore, #tpu.memory_space<semaphore_mem>>) {add = true}
        %dma_wait3A_380 = arith.constant 0 : i32
        %dma_wait3A_381 = arith.constant 0 : i32
        %dma_wait3A_382 = tpu.memref_slice %arg7[%dma_wait3A_380, %dma_wait3A_381] : memref<10240x64xf32, #tpu.memory_space<vmem_shared>> -> memref<10240x64xf32, #tpu.memory_space<vmem_shared>>
        tpu.wait_indirect_dma semaphore(%run_scoped3A_376 : memref<!tpu.dma_semaphore, #tpu.memory_space<semaphore_mem>>) src(%arg10 : memref<80x64xf32, #tpu.memory_space<vmem>>) dst(%dma_wait3A_382 : memref<10240x64xf32, #tpu.memory_space<vmem_shared>>)
        tpu.yield
      }) : () -> ()
      %add3A_287 = arith.constant 5 : i32
      %add3A_288 = arith.addi %add3A_256, %add3A_287 : i32
      %lt3A_289 = arith.constant 125 : i32
      %lt3A_290 = arith.cmpi slt, %add3A_288, %lt3A_289 : i32
      %convert_element_type3A_291 = arith.extui %lt3A_290 : i1 to i32
      %cond3A_292 = arith.constant 0 : i32
      %cond3A_293 = arith.cmpi ne, %convert_element_type3A_291, %cond3A_292 : i32
      scf.if %cond3A_293 {
        %dma_start3A_376 = arith.constant 0 : i32
        %dma_start3A_377 = tpu.memref_slice %arg6[%add3A_288, %dma_start3A_376] : memref<125x80xi32, #tpu.memory_space<vmem>> -> memref<1x80xi32, #tpu.memory_space<vmem>>
        %dma_start3A_378 = tpu.memref_squeeze %dma_start3A_377 : memref<1x80xi32, #tpu.memory_space<vmem>> -> memref<80xi32, #tpu.memory_space<vmem>>
        %dma_start3A_379 = arith.constant 0 : i32
        %dma_start3A_380 = arith.constant 0 : i32
        %dma_start3A_381 = tpu.memref_slice %arg2[%dma_start3A_379, %dma_start3A_380] : memref<10240x64xf32, #tpu.memory_space<hbm>> -> memref<10240x64xf32, #tpu.memory_space<hbm>>
        tpu.enqueue_indirect_dma source(%dma_start3A_381 : memref<10240x64xf32, #tpu.memory_space<hbm>>) target(%arg10 : memref<80x64xf32, #tpu.memory_space<vmem>>) offsets(%dma_start3A_378 : memref<80xi32, #tpu.memory_space<vmem>>) semaphore(%arg20 : memref<!tpu.dma_semaphore, #tpu.memory_space<semaphore_mem>>)
        %dma_start3A_382 = arith.constant 0 : i32
        %dma_start3A_383 = arith.constant 0 : i32
        %dma_start3A_384 = arith.constant 0 : i32
        %dma_start3A_385 = tpu.memref_slice %arg3[%scan3A_167, %dma_start3A_382, %dma_start3A_383, %dma_start3A_384] : memref<2x32x125x80xi32, #tpu.memory_space<hbm>> -> memref<1x32x125x80xi32, #tpu.memory_space<hbm>>
        %dma_start3A_386 = tpu.memref_squeeze %dma_start3A_385 : memref<1x32x125x80xi32, #tpu.memory_space<hbm>> -> memref<32x125x80xi32, #tpu.memory_space<hbm>>
        %dma_start3A_387 = arith.constant 0 : i32
        %dma_start3A_388 = arith.constant 0 : i32
        %dma_start3A_389 = tpu.memref_slice %dma_start3A_386[%add3A, %dma_start3A_387, %dma_start3A_388] : memref<32x125x80xi32, #tpu.memory_space<hbm>> -> memref<1x125x80xi32, #tpu.memory_space<hbm>>
        %dma_start3A_390 = tpu.memref_squeeze %dma_start3A_389 : memref<1x125x80xi32, #tpu.memory_space<hbm>> -> memref<125x80xi32, #tpu.memory_space<hbm>>
        %dma_start3A_391 = arith.constant 0 : i32
        %dma_start3A_392 = tpu.memref_slice %dma_start3A_390[%add3A_288, %dma_start3A_391] : memref<125x80xi32, #tpu.memory_space<hbm>> -> memref<1x80xi32, #tpu.memory_space<hbm>>
        %dma_start3A_393 = tpu.memref_squeeze %dma_start3A_392 : memref<1x80xi32, #tpu.memory_space<hbm>> -> memref<80xi32, #tpu.memory_space<hbm>>
        %dma_start3A_394 = arith.constant 0 : i32
        %dma_start3A_395 = arith.constant 0 : i32
        %dma_start3A_396 = arith.constant 0 : i32
        %dma_start3A_397 = tpu.memref_slice %arg3[%scan3A_167, %dma_start3A_394, %dma_start3A_395, %dma_start3A_396] : memref<2x32x125x80xi32, #tpu.memory_space<hbm>> -> memref<1x32x125x80xi32, #tpu.memory_space<hbm>>
        %dma_start3A_398 = tpu.memref_squeeze %dma_start3A_397 : memref<1x32x125x80xi32, #tpu.memory_space<hbm>> -> memref<32x125x80xi32, #tpu.memory_space<hbm>>
        %dma_start3A_399 = arith.constant 0 : i32
        %dma_start3A_400 = arith.constant 0 : i32
        %dma_start3A_401 = tpu.memref_slice %dma_start3A_398[%add3A, %dma_start3A_399, %dma_start3A_400] : memref<32x125x80xi32, #tpu.memory_space<hbm>> -> memref<1x125x80xi32, #tpu.memory_space<hbm>>
        %dma_start3A_402 = tpu.memref_squeeze %dma_start3A_401 : memref<1x125x80xi32, #tpu.memory_space<hbm>> -> memref<125x80xi32, #tpu.memory_space<hbm>>
        %dma_start3A_403 = arith.constant 0 : i32
        %dma_start3A_404 = tpu.memref_slice %dma_start3A_402[%add3A_288, %dma_start3A_403] : memref<125x80xi32, #tpu.memory_space<hbm>> -> memref<1x80xi32, #tpu.memory_space<hbm>>
        %dma_start3A_405 = tpu.memref_squeeze %dma_start3A_404 : memref<1x80xi32, #tpu.memory_space<hbm>> -> memref<80xi32, #tpu.memory_space<hbm>>
        tpu.enqueue_dma source(%dma_start3A_405 : memref<80xi32, #tpu.memory_space<hbm>>) target(%arg15 : memref<80xi32, #tpu.memory_space<vmem>>) target_semaphore(%arg25 : memref<!tpu.dma_semaphore, #tpu.memory_space<semaphore_mem>>)
      } else {
      }
      %mul3A_294 = arith.constant 5 : i32
      %mul3A_295 = arith.muli %scan3A_174, %mul3A_294 : i32
      %add3A_296 = arith.constant 3 : i32
      %add3A_297 = arith.addi %mul3A_295, %add3A_296 : i32
      %dma_wait3A_298 = arith.constant 0 : i32
      %dma_wait3A_299 = tpu.memref_slice %arg6[%add3A_297, %dma_wait3A_298] : memref<125x80xi32, #tpu.memory_space<vmem>> -> memref<1x80xi32, #tpu.memory_space<vmem>>
      %dma_wait3A_300 = tpu.memref_squeeze %dma_wait3A_299 : memref<1x80xi32, #tpu.memory_space<vmem>> -> memref<80xi32, #tpu.memory_space<vmem>>
      %dma_wait3A_301 = arith.constant 0 : i32
      %dma_wait3A_302 = arith.constant 0 : i32
      %dma_wait3A_303 = tpu.memref_slice %arg2[%dma_wait3A_301, %dma_wait3A_302] : memref<10240x64xf32, #tpu.memory_space<hbm>> -> memref<10240x64xf32, #tpu.memory_space<hbm>>
      tpu.wait_indirect_dma semaphore(%arg21 : memref<!tpu.dma_semaphore, #tpu.memory_space<semaphore_mem>>) src(%dma_wait3A_303 : memref<10240x64xf32, #tpu.memory_space<hbm>>) dst(%arg11 : memref<80x64xf32, #tpu.memory_space<vmem>>)
      %dma_wait3A_304 = arith.constant 0 : i32
      %dma_wait3A_305 = arith.constant 0 : i32
      %dma_wait3A_306 = arith.constant 0 : i32
      %dma_wait3A_307 = tpu.memref_slice %arg3[%scan3A_167, %dma_wait3A_304, %dma_wait3A_305, %dma_wait3A_306] : memref<2x32x125x80xi32, #tpu.memory_space<hbm>> -> memref<1x32x125x80xi32, #tpu.memory_space<hbm>>
      %dma_wait3A_308 = tpu.memref_squeeze %dma_wait3A_307 : memref<1x32x125x80xi32, #tpu.memory_space<hbm>> -> memref<32x125x80xi32, #tpu.memory_space<hbm>>
      %dma_wait3A_309 = arith.constant 0 : i32
      %dma_wait3A_310 = arith.constant 0 : i32
      %dma_wait3A_311 = tpu.memref_slice %dma_wait3A_308[%add3A, %dma_wait3A_309, %dma_wait3A_310] : memref<32x125x80xi32, #tpu.memory_space<hbm>> -> memref<1x125x80xi32, #tpu.memory_space<hbm>>
      %dma_wait3A_312 = tpu.memref_squeeze %dma_wait3A_311 : memref<1x125x80xi32, #tpu.memory_space<hbm>> -> memref<125x80xi32, #tpu.memory_space<hbm>>
      %dma_wait3A_313 = arith.constant 0 : i32
      %dma_wait3A_314 = tpu.memref_slice %dma_wait3A_312[%add3A_297, %dma_wait3A_313] : memref<125x80xi32, #tpu.memory_space<hbm>> -> memref<1x80xi32, #tpu.memory_space<hbm>>
      %dma_wait3A_315 = tpu.memref_squeeze %dma_wait3A_314 : memref<1x80xi32, #tpu.memory_space<hbm>> -> memref<80xi32, #tpu.memory_space<hbm>>
      %dma_wait3A_316 = arith.constant 0 : i32
      %dma_wait3A_317 = arith.constant 0 : i32
      %dma_wait3A_318 = arith.constant 0 : i32
      %dma_wait3A_319 = tpu.memref_slice %arg3[%scan3A_167, %dma_wait3A_316, %dma_wait3A_317, %dma_wait3A_318] : memref<2x32x125x80xi32, #tpu.memory_space<hbm>> -> memref<1x32x125x80xi32, #tpu.memory_space<hbm>>
      %dma_wait3A_320 = tpu.memref_squeeze %dma_wait3A_319 : memref<1x32x125x80xi32, #tpu.memory_space<hbm>> -> memref<32x125x80xi32, #tpu.memory_space<hbm>>
      %dma_wait3A_321 = arith.constant 0 : i32
      %dma_wait3A_322 = arith.constant 0 : i32
      %dma_wait3A_323 = tpu.memref_slice %dma_wait3A_320[%add3A, %dma_wait3A_321, %dma_wait3A_322] : memref<32x125x80xi32, #tpu.memory_space<hbm>> -> memref<1x125x80xi32, #tpu.memory_space<hbm>>
      %dma_wait3A_324 = tpu.memref_squeeze %dma_wait3A_323 : memref<1x125x80xi32, #tpu.memory_space<hbm>> -> memref<125x80xi32, #tpu.memory_space<hbm>>
      %dma_wait3A_325 = arith.constant 0 : i32
      %dma_wait3A_326 = tpu.memref_slice %dma_wait3A_324[%add3A_297, %dma_wait3A_325] : memref<125x80xi32, #tpu.memory_space<hbm>> -> memref<1x80xi32, #tpu.memory_space<hbm>>
      %dma_wait3A_327 = tpu.memref_squeeze %dma_wait3A_326 : memref<1x80xi32, #tpu.memory_space<hbm>> -> memref<80xi32, #tpu.memory_space<hbm>>
      tpu.wait_dma2 semaphore(%arg26 : memref<!tpu.dma_semaphore, #tpu.memory_space<semaphore_mem>>) src(%dma_wait3A_327 : memref<80xi32, #tpu.memory_space<hbm>>) dst(%arg16 : memref<80xi32, #tpu.memory_space<vmem>>)
      "tpu.region"() ({
        %run_scoped3A_376 = tpu.sem_alloc : memref<!tpu.dma_semaphore, #tpu.memory_space<semaphore_mem>>
        %dma_start3A_377 = arith.constant 0 : i32
        %dma_start3A_378 = arith.constant 0 : i32
        %dma_start3A_379 = tpu.memref_slice %arg7[%dma_start3A_377, %dma_start3A_378] : memref<10240x64xf32, #tpu.memory_space<vmem_shared>> -> memref<10240x64xf32, #tpu.memory_space<vmem_shared>>
        tpu.enqueue_indirect_dma source(%arg11 : memref<80x64xf32, #tpu.memory_space<vmem>>) target(%dma_start3A_379 : memref<10240x64xf32, #tpu.memory_space<vmem_shared>>) offsets(%arg16 : memref<80xi32, #tpu.memory_space<vmem>>) semaphore(%run_scoped3A_376 : memref<!tpu.dma_semaphore, #tpu.memory_space<semaphore_mem>>) {add = true}
        %dma_wait3A_380 = arith.constant 0 : i32
        %dma_wait3A_381 = arith.constant 0 : i32
        %dma_wait3A_382 = tpu.memref_slice %arg7[%dma_wait3A_380, %dma_wait3A_381] : memref<10240x64xf32, #tpu.memory_space<vmem_shared>> -> memref<10240x64xf32, #tpu.memory_space<vmem_shared>>
        tpu.wait_indirect_dma semaphore(%run_scoped3A_376 : memref<!tpu.dma_semaphore, #tpu.memory_space<semaphore_mem>>) src(%arg11 : memref<80x64xf32, #tpu.memory_space<vmem>>) dst(%dma_wait3A_382 : memref<10240x64xf32, #tpu.memory_space<vmem_shared>>)
        tpu.yield
      }) : () -> ()
      %add3A_328 = arith.constant 5 : i32
      %add3A_329 = arith.addi %add3A_297, %add3A_328 : i32
      %lt3A_330 = arith.constant 125 : i32
      %lt3A_331 = arith.cmpi slt, %add3A_329, %lt3A_330 : i32
      %convert_element_type3A_332 = arith.extui %lt3A_331 : i1 to i32
      %cond3A_333 = arith.constant 0 : i32
      %cond3A_334 = arith.cmpi ne, %convert_element_type3A_332, %cond3A_333 : i32
      scf.if %cond3A_334 {
        %dma_start3A_376 = arith.constant 0 : i32
        %dma_start3A_377 = tpu.memref_slice %arg6[%add3A_329, %dma_start3A_376] : memref<125x80xi32, #tpu.memory_space<vmem>> -> memref<1x80xi32, #tpu.memory_space<vmem>>
        %dma_start3A_378 = tpu.memref_squeeze %dma_start3A_377 : memref<1x80xi32, #tpu.memory_space<vmem>> -> memref<80xi32, #tpu.memory_space<vmem>>
        %dma_start3A_379 = arith.constant 0 : i32
        %dma_start3A_380 = arith.constant 0 : i32
        %dma_start3A_381 = tpu.memref_slice %arg2[%dma_start3A_379, %dma_start3A_380] : memref<10240x64xf32, #tpu.memory_space<hbm>> -> memref<10240x64xf32, #tpu.memory_space<hbm>>
        tpu.enqueue_indirect_dma source(%dma_start3A_381 : memref<10240x64xf32, #tpu.memory_space<hbm>>) target(%arg11 : memref<80x64xf32, #tpu.memory_space<vmem>>) offsets(%dma_start3A_378 : memref<80xi32, #tpu.memory_space<vmem>>) semaphore(%arg21 : memref<!tpu.dma_semaphore, #tpu.memory_space<semaphore_mem>>)
        %dma_start3A_382 = arith.constant 0 : i32
        %dma_start3A_383 = arith.constant 0 : i32
        %dma_start3A_384 = arith.constant 0 : i32
        %dma_start3A_385 = tpu.memref_slice %arg3[%scan3A_167, %dma_start3A_382, %dma_start3A_383, %dma_start3A_384] : memref<2x32x125x80xi32, #tpu.memory_space<hbm>> -> memref<1x32x125x80xi32, #tpu.memory_space<hbm>>
        %dma_start3A_386 = tpu.memref_squeeze %dma_start3A_385 : memref<1x32x125x80xi32, #tpu.memory_space<hbm>> -> memref<32x125x80xi32, #tpu.memory_space<hbm>>
        %dma_start3A_387 = arith.constant 0 : i32
        %dma_start3A_388 = arith.constant 0 : i32
        %dma_start3A_389 = tpu.memref_slice %dma_start3A_386[%add3A, %dma_start3A_387, %dma_start3A_388] : memref<32x125x80xi32, #tpu.memory_space<hbm>> -> memref<1x125x80xi32, #tpu.memory_space<hbm>>
        %dma_start3A_390 = tpu.memref_squeeze %dma_start3A_389 : memref<1x125x80xi32, #tpu.memory_space<hbm>> -> memref<125x80xi32, #tpu.memory_space<hbm>>
        %dma_start3A_391 = arith.constant 0 : i32
        %dma_start3A_392 = tpu.memref_slice %dma_start3A_390[%add3A_329, %dma_start3A_391] : memref<125x80xi32, #tpu.memory_space<hbm>> -> memref<1x80xi32, #tpu.memory_space<hbm>>
        %dma_start3A_393 = tpu.memref_squeeze %dma_start3A_392 : memref<1x80xi32, #tpu.memory_space<hbm>> -> memref<80xi32, #tpu.memory_space<hbm>>
        %dma_start3A_394 = arith.constant 0 : i32
        %dma_start3A_395 = arith.constant 0 : i32
        %dma_start3A_396 = arith.constant 0 : i32
        %dma_start3A_397 = tpu.memref_slice %arg3[%scan3A_167, %dma_start3A_394, %dma_start3A_395, %dma_start3A_396] : memref<2x32x125x80xi32, #tpu.memory_space<hbm>> -> memref<1x32x125x80xi32, #tpu.memory_space<hbm>>
        %dma_start3A_398 = tpu.memref_squeeze %dma_start3A_397 : memref<1x32x125x80xi32, #tpu.memory_space<hbm>> -> memref<32x125x80xi32, #tpu.memory_space<hbm>>
        %dma_start3A_399 = arith.constant 0 : i32
        %dma_start3A_400 = arith.constant 0 : i32
        %dma_start3A_401 = tpu.memref_slice %dma_start3A_398[%add3A, %dma_start3A_399, %dma_start3A_400] : memref<32x125x80xi32, #tpu.memory_space<hbm>> -> memref<1x125x80xi32, #tpu.memory_space<hbm>>
        %dma_start3A_402 = tpu.memref_squeeze %dma_start3A_401 : memref<1x125x80xi32, #tpu.memory_space<hbm>> -> memref<125x80xi32, #tpu.memory_space<hbm>>
        %dma_start3A_403 = arith.constant 0 : i32
        %dma_start3A_404 = tpu.memref_slice %dma_start3A_402[%add3A_329, %dma_start3A_403] : memref<125x80xi32, #tpu.memory_space<hbm>> -> memref<1x80xi32, #tpu.memory_space<hbm>>
        %dma_start3A_405 = tpu.memref_squeeze %dma_start3A_404 : memref<1x80xi32, #tpu.memory_space<hbm>> -> memref<80xi32, #tpu.memory_space<hbm>>
        tpu.enqueue_dma source(%dma_start3A_405 : memref<80xi32, #tpu.memory_space<hbm>>) target(%arg16 : memref<80xi32, #tpu.memory_space<vmem>>) target_semaphore(%arg26 : memref<!tpu.dma_semaphore, #tpu.memory_space<semaphore_mem>>)
      } else {
      }
      %mul3A_335 = arith.constant 5 : i32
      %mul3A_336 = arith.muli %scan3A_174, %mul3A_335 : i32
      %add3A_337 = arith.constant 4 : i32
      %add3A_338 = arith.addi %mul3A_336, %add3A_337 : i32
      %dma_wait3A_339 = arith.constant 0 : i32
      %dma_wait3A_340 = tpu.memref_slice %arg6[%add3A_338, %dma_wait3A_339] : memref<125x80xi32, #tpu.memory_space<vmem>> -> memref<1x80xi32, #tpu.memory_space<vmem>>
      %dma_wait3A_341 = tpu.memref_squeeze %dma_wait3A_340 : memref<1x80xi32, #tpu.memory_space<vmem>> -> memref<80xi32, #tpu.memory_space<vmem>>
      %dma_wait3A_342 = arith.constant 0 : i32
      %dma_wait3A_343 = arith.constant 0 : i32
      %dma_wait3A_344 = tpu.memref_slice %arg2[%dma_wait3A_342, %dma_wait3A_343] : memref<10240x64xf32, #tpu.memory_space<hbm>> -> memref<10240x64xf32, #tpu.memory_space<hbm>>
      tpu.wait_indirect_dma semaphore(%arg22 : memref<!tpu.dma_semaphore, #tpu.memory_space<semaphore_mem>>) src(%dma_wait3A_344 : memref<10240x64xf32, #tpu.memory_space<hbm>>) dst(%arg12 : memref<80x64xf32, #tpu.memory_space<vmem>>)
      %dma_wait3A_345 = arith.constant 0 : i32
      %dma_wait3A_346 = arith.constant 0 : i32
      %dma_wait3A_347 = arith.constant 0 : i32
      %dma_wait3A_348 = tpu.memref_slice %arg3[%scan3A_167, %dma_wait3A_345, %dma_wait3A_346, %dma_wait3A_347] : memref<2x32x125x80xi32, #tpu.memory_space<hbm>> -> memref<1x32x125x80xi32, #tpu.memory_space<hbm>>
      %dma_wait3A_349 = tpu.memref_squeeze %dma_wait3A_348 : memref<1x32x125x80xi32, #tpu.memory_space<hbm>> -> memref<32x125x80xi32, #tpu.memory_space<hbm>>
      %dma_wait3A_350 = arith.constant 0 : i32
      %dma_wait3A_351 = arith.constant 0 : i32
      %dma_wait3A_352 = tpu.memref_slice %dma_wait3A_349[%add3A, %dma_wait3A_350, %dma_wait3A_351] : memref<32x125x80xi32, #tpu.memory_space<hbm>> -> memref<1x125x80xi32, #tpu.memory_space<hbm>>
      %dma_wait3A_353 = tpu.memref_squeeze %dma_wait3A_352 : memref<1x125x80xi32, #tpu.memory_space<hbm>> -> memref<125x80xi32, #tpu.memory_space<hbm>>
      %dma_wait3A_354 = arith.constant 0 : i32
      %dma_wait3A_355 = tpu.memref_slice %dma_wait3A_353[%add3A_338, %dma_wait3A_354] : memref<125x80xi32, #tpu.memory_space<hbm>> -> memref<1x80xi32, #tpu.memory_space<hbm>>
      %dma_wait3A_356 = tpu.memref_squeeze %dma_wait3A_355 : memref<1x80xi32, #tpu.memory_space<hbm>> -> memref<80xi32, #tpu.memory_space<hbm>>
      %dma_wait3A_357 = arith.constant 0 : i32
      %dma_wait3A_358 = arith.constant 0 : i32
      %dma_wait3A_359 = arith.constant 0 : i32
      %dma_wait3A_360 = tpu.memref_slice %arg3[%scan3A_167, %dma_wait3A_357, %dma_wait3A_358, %dma_wait3A_359] : memref<2x32x125x80xi32, #tpu.memory_space<hbm>> -> memref<1x32x125x80xi32, #tpu.memory_space<hbm>>
      %dma_wait3A_361 = tpu.memref_squeeze %dma_wait3A_360 : memref<1x32x125x80xi32, #tpu.memory_space<hbm>> -> memref<32x125x80xi32, #tpu.memory_space<hbm>>
      %dma_wait3A_362 = arith.constant 0 : i32
      %dma_wait3A_363 = arith.constant 0 : i32
      %dma_wait3A_364 = tpu.memref_slice %dma_wait3A_361[%add3A, %dma_wait3A_362, %dma_wait3A_363] : memref<32x125x80xi32, #tpu.memory_space<hbm>> -> memref<1x125x80xi32, #tpu.memory_space<hbm>>
      %dma_wait3A_365 = tpu.memref_squeeze %dma_wait3A_364 : memref<1x125x80xi32, #tpu.memory_space<hbm>> -> memref<125x80xi32, #tpu.memory_space<hbm>>
      %dma_wait3A_366 = arith.constant 0 : i32
      %dma_wait3A_367 = tpu.memref_slice %dma_wait3A_365[%add3A_338, %dma_wait3A_366] : memref<125x80xi32, #tpu.memory_space<hbm>> -> memref<1x80xi32, #tpu.memory_space<hbm>>
      %dma_wait3A_368 = tpu.memref_squeeze %dma_wait3A_367 : memref<1x80xi32, #tpu.memory_space<hbm>> -> memref<80xi32, #tpu.memory_space<hbm>>
      tpu.wait_dma2 semaphore(%arg27 : memref<!tpu.dma_semaphore, #tpu.memory_space<semaphore_mem>>) src(%dma_wait3A_368 : memref<80xi32, #tpu.memory_space<hbm>>) dst(%arg17 : memref<80xi32, #tpu.memory_space<vmem>>)
      "tpu.region"() ({
        %run_scoped3A_376 = tpu.sem_alloc : memref<!tpu.dma_semaphore, #tpu.memory_space<semaphore_mem>>
        %dma_start3A_377 = arith.constant 0 : i32
        %dma_start3A_378 = arith.constant 0 : i32
        %dma_start3A_379 = tpu.memref_slice %arg7[%dma_start3A_377, %dma_start3A_378] : memref<10240x64xf32, #tpu.memory_space<vmem_shared>> -> memref<10240x64xf32, #tpu.memory_space<vmem_shared>>
        tpu.enqueue_indirect_dma source(%arg12 : memref<80x64xf32, #tpu.memory_space<vmem>>) target(%dma_start3A_379 : memref<10240x64xf32, #tpu.memory_space<vmem_shared>>) offsets(%arg17 : memref<80xi32, #tpu.memory_space<vmem>>) semaphore(%run_scoped3A_376 : memref<!tpu.dma_semaphore, #tpu.memory_space<semaphore_mem>>) {add = true}
        %dma_wait3A_380 = arith.constant 0 : i32
        %dma_wait3A_381 = arith.constant 0 : i32
        %dma_wait3A_382 = tpu.memref_slice %arg7[%dma_wait3A_380, %dma_wait3A_381] : memref<10240x64xf32, #tpu.memory_space<vmem_shared>> -> memref<10240x64xf32, #tpu.memory_space<vmem_shared>>
        tpu.wait_indirect_dma semaphore(%run_scoped3A_376 : memref<!tpu.dma_semaphore, #tpu.memory_space<semaphore_mem>>) src(%arg12 : memref<80x64xf32, #tpu.memory_space<vmem>>) dst(%dma_wait3A_382 : memref<10240x64xf32, #tpu.memory_space<vmem_shared>>)
        tpu.yield
      }) : () -> ()
      %add3A_369 = arith.constant 5 : i32
      %add3A_370 = arith.addi %add3A_338, %add3A_369 : i32
      %lt3A_371 = arith.constant 125 : i32
      %lt3A_372 = arith.cmpi slt, %add3A_370, %lt3A_371 : i32
      %convert_element_type3A_373 = arith.extui %lt3A_372 : i1 to i32
      %cond3A_374 = arith.constant 0 : i32
      %cond3A_375 = arith.cmpi ne, %convert_element_type3A_373, %cond3A_374 : i32
      scf.if %cond3A_375 {
        %dma_start3A_376 = arith.constant 0 : i32
        %dma_start3A_377 = tpu.memref_slice %arg6[%add3A_370, %dma_start3A_376] : memref<125x80xi32, #tpu.memory_space<vmem>> -> memref<1x80xi32, #tpu.memory_space<vmem>>
        %dma_start3A_378 = tpu.memref_squeeze %dma_start3A_377 : memref<1x80xi32, #tpu.memory_space<vmem>> -> memref<80xi32, #tpu.memory_space<vmem>>
        %dma_start3A_379 = arith.constant 0 : i32
        %dma_start3A_380 = arith.constant 0 : i32
        %dma_start3A_381 = tpu.memref_slice %arg2[%dma_start3A_379, %dma_start3A_380] : memref<10240x64xf32, #tpu.memory_space<hbm>> -> memref<10240x64xf32, #tpu.memory_space<hbm>>
        tpu.enqueue_indirect_dma source(%dma_start3A_381 : memref<10240x64xf32, #tpu.memory_space<hbm>>) target(%arg12 : memref<80x64xf32, #tpu.memory_space<vmem>>) offsets(%dma_start3A_378 : memref<80xi32, #tpu.memory_space<vmem>>) semaphore(%arg22 : memref<!tpu.dma_semaphore, #tpu.memory_space<semaphore_mem>>)
        %dma_start3A_382 = arith.constant 0 : i32
        %dma_start3A_383 = arith.constant 0 : i32
        %dma_start3A_384 = arith.constant 0 : i32
        %dma_start3A_385 = tpu.memref_slice %arg3[%scan3A_167, %dma_start3A_382, %dma_start3A_383, %dma_start3A_384] : memref<2x32x125x80xi32, #tpu.memory_space<hbm>> -> memref<1x32x125x80xi32, #tpu.memory_space<hbm>>
        %dma_start3A_386 = tpu.memref_squeeze %dma_start3A_385 : memref<1x32x125x80xi32, #tpu.memory_space<hbm>> -> memref<32x125x80xi32, #tpu.memory_space<hbm>>
        %dma_start3A_387 = arith.constant 0 : i32
        %dma_start3A_388 = arith.constant 0 : i32
        %dma_start3A_389 = tpu.memref_slice %dma_start3A_386[%add3A, %dma_start3A_387, %dma_start3A_388] : memref<32x125x80xi32, #tpu.memory_space<hbm>> -> memref<1x125x80xi32, #tpu.memory_space<hbm>>
        %dma_start3A_390 = tpu.memref_squeeze %dma_start3A_389 : memref<1x125x80xi32, #tpu.memory_space<hbm>> -> memref<125x80xi32, #tpu.memory_space<hbm>>
        %dma_start3A_391 = arith.constant 0 : i32
        %dma_start3A_392 = tpu.memref_slice %dma_start3A_390[%add3A_370, %dma_start3A_391] : memref<125x80xi32, #tpu.memory_space<hbm>> -> memref<1x80xi32, #tpu.memory_space<hbm>>
        %dma_start3A_393 = tpu.memref_squeeze %dma_start3A_392 : memref<1x80xi32, #tpu.memory_space<hbm>> -> memref<80xi32, #tpu.memory_space<hbm>>
        %dma_start3A_394 = arith.constant 0 : i32
        %dma_start3A_395 = arith.constant 0 : i32
        %dma_start3A_396 = arith.constant 0 : i32
        %dma_start3A_397 = tpu.memref_slice %arg3[%scan3A_167, %dma_start3A_394, %dma_start3A_395, %dma_start3A_396] : memref<2x32x125x80xi32, #tpu.memory_space<hbm>> -> memref<1x32x125x80xi32, #tpu.memory_space<hbm>>
        %dma_start3A_398 = tpu.memref_squeeze %dma_start3A_397 : memref<1x32x125x80xi32, #tpu.memory_space<hbm>> -> memref<32x125x80xi32, #tpu.memory_space<hbm>>
        %dma_start3A_399 = arith.constant 0 : i32
        %dma_start3A_400 = arith.constant 0 : i32
        %dma_start3A_401 = tpu.memref_slice %dma_start3A_398[%add3A, %dma_start3A_399, %dma_start3A_400] : memref<32x125x80xi32, #tpu.memory_space<hbm>> -> memref<1x125x80xi32, #tpu.memory_space<hbm>>
        %dma_start3A_402 = tpu.memref_squeeze %dma_start3A_401 : memref<1x125x80xi32, #tpu.memory_space<hbm>> -> memref<125x80xi32, #tpu.memory_space<hbm>>
        %dma_start3A_403 = arith.constant 0 : i32
        %dma_start3A_404 = tpu.memref_slice %dma_start3A_402[%add3A_370, %dma_start3A_403] : memref<125x80xi32, #tpu.memory_space<hbm>> -> memref<1x80xi32, #tpu.memory_space<hbm>>
        %dma_start3A_405 = tpu.memref_squeeze %dma_start3A_404 : memref<1x80xi32, #tpu.memory_space<hbm>> -> memref<80xi32, #tpu.memory_space<hbm>>
        tpu.enqueue_dma source(%dma_start3A_405 : memref<80xi32, #tpu.memory_space<hbm>>) target(%arg17 : memref<80xi32, #tpu.memory_space<vmem>>) target_semaphore(%arg27 : memref<!tpu.dma_semaphore, #tpu.memory_space<semaphore_mem>>)
      } else {
      }
    }
    %scan3A_172 = arith.constant 25 : i32
    %barrier3A_173 = arith.constant 0 : index
    tpu.barrier barrier_id(%barrier3A_173)
    "tpu.region"() ({
      %run_scoped3A_174 = tpu.sem_alloc : memref<!tpu.dma_semaphore, #tpu.memory_space<semaphore_mem>>
      %dma_start3A_175 = arith.constant 0 : i32
      %dma_start3A_176 = arith.constant 0 : i32
      %dma_start3A_177 = tpu.memref_slice %arg5[%arg0, %dma_start3A_175, %dma_start3A_176] : memref<2x10240x128xf32, #tpu.memory_space<hbm>> -> memref<1x10240x128xf32, #tpu.memory_space<hbm>>
      %dma_start3A_178 = tpu.memref_squeeze %dma_start3A_177 : memref<1x10240x128xf32, #tpu.memory_space<hbm>> -> memref<10240x128xf32, #tpu.memory_space<hbm>>
      %dma_start3A_179 = arith.constant 0 : i32
      %dma_start3A_180 = tpu.memref_slice %dma_start3A_178[%mul3A_0, %dma_start3A_179] : memref<10240x128xf32, #tpu.memory_space<hbm>> -> memref<640x64xf32, #tpu.memory_space<hbm>>
      %dma_start3A_181 = arith.constant 0 : i32
      %dma_start3A_182 = tpu.memref_slice %arg7[%mul3A_0, %dma_start3A_181] : memref<10240x64xf32, #tpu.memory_space<vmem_shared>> -> memref<640x64xf32, #tpu.memory_space<vmem_shared>>
      tpu.enqueue_dma source(%dma_start3A_182 : memref<640x64xf32, #tpu.memory_space<vmem_shared>>) target(%dma_start3A_180 : memref<640x64xf32, #tpu.memory_space<hbm>>) target_semaphore(%run_scoped3A_174 : memref<!tpu.dma_semaphore, #tpu.memory_space<semaphore_mem>>)
      %dma_wait3A = arith.constant 0 : i32
      %dma_wait3A_183 = arith.constant 0 : i32
      %dma_wait3A_184 = tpu.memref_slice %arg5[%arg0, %dma_wait3A, %dma_wait3A_183] : memref<2x10240x128xf32, #tpu.memory_space<hbm>> -> memref<1x10240x128xf32, #tpu.memory_space<hbm>>
      %dma_wait3A_185 = tpu.memref_squeeze %dma_wait3A_184 : memref<1x10240x128xf32, #tpu.memory_space<hbm>> -> memref<10240x128xf32, #tpu.memory_space<hbm>>
      %dma_wait3A_186 = arith.constant 0 : i32
      %dma_wait3A_187 = tpu.memref_slice %dma_wait3A_185[%mul3A_0, %dma_wait3A_186] : memref<10240x128xf32, #tpu.memory_space<hbm>> -> memref<640x64xf32, #tpu.memory_space<hbm>>
      %dma_wait3A_188 = arith.constant 0 : i32
      %dma_wait3A_189 = tpu.memref_slice %arg7[%mul3A_0, %dma_wait3A_188] : memref<10240x64xf32, #tpu.memory_space<vmem_shared>> -> memref<640x64xf32, #tpu.memory_space<vmem_shared>>
      tpu.wait_dma2 semaphore(%run_scoped3A_174 : memref<!tpu.dma_semaphore, #tpu.memory_space<semaphore_mem>>) src(%dma_wait3A_189 : memref<640x64xf32, #tpu.memory_space<vmem_shared>>) dst(%dma_wait3A_187 : memref<640x64xf32, #tpu.memory_space<hbm>>)
      tpu.yield
    }) : () -> ()
    return
  }
}

#map = affine_map<(d0, d1) -> (0, 0)>
#map1 = affine_map<(d0, d1) -> (0, 0, 0, 0)>
#map2 = affine_map<(d0, d1) -> (0, 0, 0)>
module attributes {stable_mosaic.version = 14 : i64} {
  func.func @_prop_body(%arg0: i32, %arg1: i32, %arg2: memref<10240x64xf32, #tpu.memory_space<hbm>>, %arg3: memref<2x32x125x80xi32, #tpu.memory_space<hbm>>, %arg4: memref<640x64xf32, #tpu.memory_space<hbm>>, %arg5: memref<2x10240x128xf32, #tpu.memory_space<hbm>>, %arg6: memref<125x80xi32, #tpu.memory_space<vmem>>, %arg7: memref<10240x64xf32, #tpu.memory_space<vmem_shared>>, %arg8: memref<80x64xf32, #tpu.memory_space<vmem>>, %arg9: memref<80x64xf32, #tpu.memory_space<vmem>>, %arg10: memref<80x64xf32, #tpu.memory_space<vmem>>, %arg11: memref<80x64xf32, #tpu.memory_space<vmem>>, %arg12: memref<80x64xf32, #tpu.memory_space<vmem>>, %arg13: memref<80xi32, #tpu.memory_space<vmem>>, %arg14: memref<80xi32, #tpu.memory_space<vmem>>, %arg15: memref<80xi32, #tpu.memory_space<vmem>>, %arg16: memref<80xi32, #tpu.memory_space<vmem>>, %arg17: memref<80xi32, #tpu.memory_space<vmem>>, %arg18: memref<!tpu.dma_semaphore, #tpu.memory_space<semaphore_mem>>, %arg19: memref<!tpu.dma_semaphore, #tpu.memory_space<semaphore_mem>>, %arg20: memref<!tpu.dma_semaphore, #tpu.memory_space<semaphore_mem>>, %arg21: memref<!tpu.dma_semaphore, #tpu.memory_space<semaphore_mem>>, %arg22: memref<!tpu.dma_semaphore, #tpu.memory_space<semaphore_mem>>, %arg23: memref<!tpu.dma_semaphore, #tpu.memory_space<semaphore_mem>>, %arg24: memref<!tpu.dma_semaphore, #tpu.memory_space<semaphore_mem>>, %arg25: memref<!tpu.dma_semaphore, #tpu.memory_space<semaphore_mem>>, %arg26: memref<!tpu.dma_semaphore, #tpu.memory_space<semaphore_mem>>, %arg27: memref<!tpu.dma_semaphore, #tpu.memory_space<semaphore_mem>>) attributes {dimension_semantics = [#tpu.dimension_semantics<core_parallel>, #tpu.dimension_semantics<subcore_parallel>], iteration_bounds = array<i64: 2, 16>, scalar_prefetch = 0 : i64, scratch_operands = 22 : i64, tpu.core_type = #tpu.core_type<sc_vector_subcore>, window_params = [{transform_indices = #map}, {transform_indices = #map1}, {transform_indices = #map}, {transform_indices = #map2}]} {
    %mul3A = arith.constant 640 : i32
    %mul3A_0 = arith.muli %arg1, %mul3A : i32
    "tpu.region"() ({
      %run_scoped3A_174 = tpu.sem_alloc : memref<!tpu.dma_semaphore, #tpu.memory_space<semaphore_mem>>
      %dma_start3A_175 = arith.constant 0 : i32
      %dma_start3A_176 = tpu.memref_slice %arg7[%mul3A_0, %dma_start3A_175] : memref<10240x64xf32, #tpu.memory_space<vmem_shared>> -> memref<640x64xf32, #tpu.memory_space<vmem_shared>>
      tpu.enqueue_dma source(%arg4 : memref<640x64xf32, #tpu.memory_space<hbm>>) target(%dma_start3A_176 : memref<640x64xf32, #tpu.memory_space<vmem_shared>>) target_semaphore(%run_scoped3A_174 : memref<!tpu.dma_semaphore, #tpu.memory_space<semaphore_mem>>)
      %dma_wait3A = arith.constant 0 : i32
      %dma_wait3A_177 = tpu.memref_slice %arg7[%mul3A_0, %dma_wait3A] : memref<10240x64xf32, #tpu.memory_space<vmem_shared>> -> memref<640x64xf32, #tpu.memory_space<vmem_shared>>
      tpu.wait_dma2 semaphore(%run_scoped3A_174 : memref<!tpu.dma_semaphore, #tpu.memory_space<semaphore_mem>>) src(%arg4 : memref<640x64xf32, #tpu.memory_space<hbm>>) dst(%dma_wait3A_177 : memref<640x64xf32, #tpu.memory_space<vmem_shared>>)
      tpu.yield
    }) : () -> ()
    %mul3A_1 = arith.constant 16 : i32
    %mul3A_2 = arith.muli %arg0, %mul3A_1 : i32
    %add3A = arith.addi %mul3A_2, %arg1 : i32
    %run_scoped3A = arith.constant 0 : i32
    "tpu.region"() ({
      %run_scoped3A_174 = tpu.sem_alloc : memref<!tpu.dma_semaphore, #tpu.memory_space<semaphore_mem>>
      %dma_start3A_175 = arith.constant 0 : i32
      %dma_start3A_176 = arith.constant 0 : i32
      %dma_start3A_177 = arith.constant 0 : i32
      %dma_start3A_178 = tpu.memref_slice %arg3[%run_scoped3A, %dma_start3A_175, %dma_start3A_176, %dma_start3A_177] : memref<2x32x125x80xi32, #tpu.memory_space<hbm>> -> memref<1x32x125x80xi32, #tpu.memory_space<hbm>>
      %dma_start3A_179 = tpu.memref_squeeze %dma_start3A_178 : memref<1x32x125x80xi32, #tpu.memory_space<hbm>> -> memref<32x125x80xi32, #tpu.memory_space<hbm>>
      %dma_start3A_180 = arith.constant 0 : i32
      %dma_start3A_181 = arith.constant 0 : i32
      %dma_start3A_182 = tpu.memref_slice %dma_start3A_179[%add3A, %dma_start3A_180, %dma_start3A_181] : memref<32x125x80xi32, #tpu.memory_space<hbm>> -> memref<1x125x80xi32, #tpu.memory_space<hbm>>
      %dma_start3A_183 = tpu.memref_squeeze %dma_start3A_182 : memref<1x125x80xi32, #tpu.memory_space<hbm>> -> memref<125x80xi32, #tpu.memory_space<hbm>>
      %dma_start3A_184 = arith.constant 0 : i32
      %dma_start3A_185 = arith.constant 0 : i32
      %dma_start3A_186 = arith.constant 0 : i32
      %dma_start3A_187 = tpu.memref_slice %arg3[%run_scoped3A, %dma_start3A_184, %dma_start3A_185, %dma_start3A_186] : memref<2x32x125x80xi32, #tpu.memory_space<hbm>> -> memref<1x32x125x80xi32, #tpu.memory_space<hbm>>
      %dma_start3A_188 = tpu.memref_squeeze %dma_start3A_187 : memref<1x32x125x80xi32, #tpu.memory_space<hbm>> -> memref<32x125x80xi32, #tpu.memory_space<hbm>>
      %dma_start3A_189 = arith.constant 0 : i32
      %dma_start3A_190 = arith.constant 0 : i32
      %dma_start3A_191 = tpu.memref_slice %dma_start3A_188[%add3A, %dma_start3A_189, %dma_start3A_190] : memref<32x125x80xi32, #tpu.memory_space<hbm>> -> memref<1x125x80xi32, #tpu.memory_space<hbm>>
      %dma_start3A_192 = tpu.memref_squeeze %dma_start3A_191 : memref<1x125x80xi32, #tpu.memory_space<hbm>> -> memref<125x80xi32, #tpu.memory_space<hbm>>
      tpu.enqueue_dma source(%dma_start3A_192 : memref<125x80xi32, #tpu.memory_space<hbm>>) target(%arg6 : memref<125x80xi32, #tpu.memory_space<vmem>>) target_semaphore(%run_scoped3A_174 : memref<!tpu.dma_semaphore, #tpu.memory_space<semaphore_mem>>)
      %dma_wait3A = arith.constant 0 : i32
      %dma_wait3A_193 = arith.constant 0 : i32
      %dma_wait3A_194 = arith.constant 0 : i32
      %dma_wait3A_195 = tpu.memref_slice %arg3[%run_scoped3A, %dma_wait3A, %dma_wait3A_193, %dma_wait3A_194] : memref<2x32x125x80xi32, #tpu.memory_space<hbm>> -> memref<1x32x125x80xi32, #tpu.memory_space<hbm>>
      %dma_wait3A_196 = tpu.memref_squeeze %dma_wait3A_195 : memref<1x32x125x80xi32, #tpu.memory_space<hbm>> -> memref<32x125x80xi32, #tpu.memory_space<hbm>>
      %dma_wait3A_197 = arith.constant 0 : i32
      %dma_wait3A_198 = arith.constant 0 : i32
      %dma_wait3A_199 = tpu.memref_slice %dma_wait3A_196[%add3A, %dma_wait3A_197, %dma_wait3A_198] : memref<32x125x80xi32, #tpu.memory_space<hbm>> -> memref<1x125x80xi32, #tpu.memory_space<hbm>>
      %dma_wait3A_200 = tpu.memref_squeeze %dma_wait3A_199 : memref<1x125x80xi32, #tpu.memory_space<hbm>> -> memref<125x80xi32, #tpu.memory_space<hbm>>
      %dma_wait3A_201 = arith.constant 0 : i32
      %dma_wait3A_202 = arith.constant 0 : i32
      %dma_wait3A_203 = arith.constant 0 : i32
      %dma_wait3A_204 = tpu.memref_slice %arg3[%run_scoped3A, %dma_wait3A_201, %dma_wait3A_202, %dma_wait3A_203] : memref<2x32x125x80xi32, #tpu.memory_space<hbm>> -> memref<1x32x125x80xi32, #tpu.memory_space<hbm>>
      %dma_wait3A_205 = tpu.memref_squeeze %dma_wait3A_204 : memref<1x32x125x80xi32, #tpu.memory_space<hbm>> -> memref<32x125x80xi32, #tpu.memory_space<hbm>>
      %dma_wait3A_206 = arith.constant 0 : i32
      %dma_wait3A_207 = arith.constant 0 : i32
      %dma_wait3A_208 = tpu.memref_slice %dma_wait3A_205[%add3A, %dma_wait3A_206, %dma_wait3A_207] : memref<32x125x80xi32, #tpu.memory_space<hbm>> -> memref<1x125x80xi32, #tpu.memory_space<hbm>>
      %dma_wait3A_209 = tpu.memref_squeeze %dma_wait3A_208 : memref<1x125x80xi32, #tpu.memory_space<hbm>> -> memref<125x80xi32, #tpu.memory_space<hbm>>
      tpu.wait_dma2 semaphore(%run_scoped3A_174 : memref<!tpu.dma_semaphore, #tpu.memory_space<semaphore_mem>>) src(%dma_wait3A_209 : memref<125x80xi32, #tpu.memory_space<hbm>>) dst(%arg6 : memref<125x80xi32, #tpu.memory_space<vmem>>)
      tpu.yield
    }) : () -> ()
    %barrier3A = arith.constant 0 : index
    tpu.barrier barrier_id(%barrier3A)
    %dma_start3A = arith.constant 0 : i32
    %dma_start3A_3 = arith.constant 0 : i32
    %dma_start3A_4 = tpu.memref_slice %arg6[%dma_start3A, %dma_start3A_3] : memref<125x80xi32, #tpu.memory_space<vmem>> -> memref<1x80xi32, #tpu.memory_space<vmem>>
    %dma_start3A_5 = tpu.memref_squeeze %dma_start3A_4 : memref<1x80xi32, #tpu.memory_space<vmem>> -> memref<80xi32, #tpu.memory_space<vmem>>
    %dma_start3A_6 = arith.constant 0 : i32
    %dma_start3A_7 = arith.constant 0 : i32
    %dma_start3A_8 = tpu.memref_slice %arg2[%dma_start3A_6, %dma_start3A_7] : memref<10240x64xf32, #tpu.memory_space<hbm>> -> memref<10240x64xf32, #tpu.memory_space<hbm>>
    tpu.enqueue_indirect_dma source(%dma_start3A_8 : memref<10240x64xf32, #tpu.memory_space<hbm>>) target(%arg8 : memref<80x64xf32, #tpu.memory_space<vmem>>) offsets(%dma_start3A_5 : memref<80xi32, #tpu.memory_space<vmem>>) semaphore(%arg18 : memref<!tpu.dma_semaphore, #tpu.memory_space<semaphore_mem>>)
    %dma_start3A_9 = arith.constant 1 : i32
    %dma_start3A_10 = arith.constant 0 : i32
    %dma_start3A_11 = arith.constant 0 : i32
    %dma_start3A_12 = arith.constant 0 : i32
    %dma_start3A_13 = arith.constant 0 : i32
    %dma_start3A_14 = tpu.memref_slice %arg3[%dma_start3A_9, %dma_start3A_11, %dma_start3A_12, %dma_start3A_13] : memref<2x32x125x80xi32, #tpu.memory_space<hbm>> -> memref<1x32x125x80xi32, #tpu.memory_space<hbm>>
    %dma_start3A_15 = tpu.memref_squeeze %dma_start3A_14 : memref<1x32x125x80xi32, #tpu.memory_space<hbm>> -> memref<32x125x80xi32, #tpu.memory_space<hbm>>
    %dma_start3A_16 = arith.constant 0 : i32
    %dma_start3A_17 = arith.constant 0 : i32
    %dma_start3A_18 = tpu.memref_slice %dma_start3A_15[%add3A, %dma_start3A_16, %dma_start3A_17] : memref<32x125x80xi32, #tpu.memory_space<hbm>> -> memref<1x125x80xi32, #tpu.memory_space<hbm>>
    %dma_start3A_19 = tpu.memref_squeeze %dma_start3A_18 : memref<1x125x80xi32, #tpu.memory_space<hbm>> -> memref<125x80xi32, #tpu.memory_space<hbm>>
    %dma_start3A_20 = arith.constant 0 : i32
    %dma_start3A_21 = tpu.memref_slice %dma_start3A_19[%dma_start3A_10, %dma_start3A_20] : memref<125x80xi32, #tpu.memory_space<hbm>> -> memref<1x80xi32, #tpu.memory_space<hbm>>
    %dma_start3A_22 = tpu.memref_squeeze %dma_start3A_21 : memref<1x80xi32, #tpu.memory_space<hbm>> -> memref<80xi32, #tpu.memory_space<hbm>>
    %dma_start3A_23 = arith.constant 0 : i32
    %dma_start3A_24 = arith.constant 0 : i32
    %dma_start3A_25 = arith.constant 0 : i32
    %dma_start3A_26 = tpu.memref_slice %arg3[%dma_start3A_9, %dma_start3A_23, %dma_start3A_24, %dma_start3A_25] : memref<2x32x125x80xi32, #tpu.memory_space<hbm>> -> memref<1x32x125x80xi32, #tpu.memory_space<hbm>>
    %dma_start3A_27 = tpu.memref_squeeze %dma_start3A_26 : memref<1x32x125x80xi32, #tpu.memory_space<hbm>> -> memref<32x125x80xi32, #tpu.memory_space<hbm>>
    %dma_start3A_28 = arith.constant 0 : i32
    %dma_start3A_29 = arith.constant 0 : i32
    %dma_start3A_30 = tpu.memref_slice %dma_start3A_27[%add3A, %dma_start3A_28, %dma_start3A_29] : memref<32x125x80xi32, #tpu.memory_space<hbm>> -> memref<1x125x80xi32, #tpu.memory_space<hbm>>
    %dma_start3A_31 = tpu.memref_squeeze %dma_start3A_30 : memref<1x125x80xi32, #tpu.memory_space<hbm>> -> memref<125x80xi32, #tpu.memory_space<hbm>>
    %dma_start3A_32 = arith.constant 0 : i32
    %dma_start3A_33 = tpu.memref_slice %dma_start3A_31[%dma_start3A_10, %dma_start3A_32] : memref<125x80xi32, #tpu.memory_space<hbm>> -> memref<1x80xi32, #tpu.memory_space<hbm>>
    %dma_start3A_34 = tpu.memref_squeeze %dma_start3A_33 : memref<1x80xi32, #tpu.memory_space<hbm>> -> memref<80xi32, #tpu.memory_space<hbm>>
    tpu.enqueue_dma source(%dma_start3A_34 : memref<80xi32, #tpu.memory_space<hbm>>) target(%arg13 : memref<80xi32, #tpu.memory_space<vmem>>) target_semaphore(%arg23 : memref<!tpu.dma_semaphore, #tpu.memory_space<semaphore_mem>>)
    %dma_start3A_35 = arith.constant 1 : i32
    %dma_start3A_36 = arith.constant 0 : i32
    %dma_start3A_37 = tpu.memref_slice %arg6[%dma_start3A_35, %dma_start3A_36] : memref<125x80xi32, #tpu.memory_space<vmem>> -> memref<1x80xi32, #tpu.memory_space<vmem>>
    %dma_start3A_38 = tpu.memref_squeeze %dma_start3A_37 : memref<1x80xi32, #tpu.memory_space<vmem>> -> memref<80xi32, #tpu.memory_space<vmem>>
    %dma_start3A_39 = arith.constant 0 : i32
    %dma_start3A_40 = arith.constant 0 : i32
    %dma_start3A_41 = tpu.memref_slice %arg2[%dma_start3A_39, %dma_start3A_40] : memref<10240x64xf32, #tpu.memory_space<hbm>> -> memref<10240x64xf32, #tpu.memory_space<hbm>>
    tpu.enqueue_indirect_dma source(%dma_start3A_41 : memref<10240x64xf32, #tpu.memory_space<hbm>>) target(%arg9 : memref<80x64xf32, #tpu.memory_space<vmem>>) offsets(%dma_start3A_38 : memref<80xi32, #tpu.memory_space<vmem>>) semaphore(%arg19 : memref<!tpu.dma_semaphore, #tpu.memory_space<semaphore_mem>>)
    %dma_start3A_42 = arith.constant 1 : i32
    %dma_start3A_43 = arith.constant 1 : i32
    %dma_start3A_44 = arith.constant 0 : i32
    %dma_start3A_45 = arith.constant 0 : i32
    %dma_start3A_46 = arith.constant 0 : i32
    %dma_start3A_47 = tpu.memref_slice %arg3[%dma_start3A_42, %dma_start3A_44, %dma_start3A_45, %dma_start3A_46] : memref<2x32x125x80xi32, #tpu.memory_space<hbm>> -> memref<1x32x125x80xi32, #tpu.memory_space<hbm>>
    %dma_start3A_48 = tpu.memref_squeeze %dma_start3A_47 : memref<1x32x125x80xi32, #tpu.memory_space<hbm>> -> memref<32x125x80xi32, #tpu.memory_space<hbm>>
    %dma_start3A_49 = arith.constant 0 : i32
    %dma_start3A_50 = arith.constant 0 : i32
    %dma_start3A_51 = tpu.memref_slice %dma_start3A_48[%add3A, %dma_start3A_49, %dma_start3A_50] : memref<32x125x80xi32, #tpu.memory_space<hbm>> -> memref<1x125x80xi32, #tpu.memory_space<hbm>>
    %dma_start3A_52 = tpu.memref_squeeze %dma_start3A_51 : memref<1x125x80xi32, #tpu.memory_space<hbm>> -> memref<125x80xi32, #tpu.memory_space<hbm>>
    %dma_start3A_53 = arith.constant 0 : i32
    %dma_start3A_54 = tpu.memref_slice %dma_start3A_52[%dma_start3A_43, %dma_start3A_53] : memref<125x80xi32, #tpu.memory_space<hbm>> -> memref<1x80xi32, #tpu.memory_space<hbm>>
    %dma_start3A_55 = tpu.memref_squeeze %dma_start3A_54 : memref<1x80xi32, #tpu.memory_space<hbm>> -> memref<80xi32, #tpu.memory_space<hbm>>
    %dma_start3A_56 = arith.constant 0 : i32
    %dma_start3A_57 = arith.constant 0 : i32
    %dma_start3A_58 = arith.constant 0 : i32
    %dma_start3A_59 = tpu.memref_slice %arg3[%dma_start3A_42, %dma_start3A_56, %dma_start3A_57, %dma_start3A_58] : memref<2x32x125x80xi32, #tpu.memory_space<hbm>> -> memref<1x32x125x80xi32, #tpu.memory_space<hbm>>
    %dma_start3A_60 = tpu.memref_squeeze %dma_start3A_59 : memref<1x32x125x80xi32, #tpu.memory_space<hbm>> -> memref<32x125x80xi32, #tpu.memory_space<hbm>>
    %dma_start3A_61 = arith.constant 0 : i32
    %dma_start3A_62 = arith.constant 0 : i32
    %dma_start3A_63 = tpu.memref_slice %dma_start3A_60[%add3A, %dma_start3A_61, %dma_start3A_62] : memref<32x125x80xi32, #tpu.memory_space<hbm>> -> memref<1x125x80xi32, #tpu.memory_space<hbm>>
    %dma_start3A_64 = tpu.memref_squeeze %dma_start3A_63 : memref<1x125x80xi32, #tpu.memory_space<hbm>> -> memref<125x80xi32, #tpu.memory_space<hbm>>
    %dma_start3A_65 = arith.constant 0 : i32
    %dma_start3A_66 = tpu.memref_slice %dma_start3A_64[%dma_start3A_43, %dma_start3A_65] : memref<125x80xi32, #tpu.memory_space<hbm>> -> memref<1x80xi32, #tpu.memory_space<hbm>>
    %dma_start3A_67 = tpu.memref_squeeze %dma_start3A_66 : memref<1x80xi32, #tpu.memory_space<hbm>> -> memref<80xi32, #tpu.memory_space<hbm>>
    tpu.enqueue_dma source(%dma_start3A_67 : memref<80xi32, #tpu.memory_space<hbm>>) target(%arg14 : memref<80xi32, #tpu.memory_space<vmem>>) target_semaphore(%arg24 : memref<!tpu.dma_semaphore, #tpu.memory_space<semaphore_mem>>)
    %dma_start3A_68 = arith.constant 2 : i32
    %dma_start3A_69 = arith.constant 0 : i32
    %dma_start3A_70 = tpu.memref_slice %arg6[%dma_start3A_68, %dma_start3A_69] : memref<125x80xi32, #tpu.memory_space<vmem>> -> memref<1x80xi32, #tpu.memory_space<vmem>>
    %dma_start3A_71 = tpu.memref_squeeze %dma_start3A_70 : memref<1x80xi32, #tpu.memory_space<vmem>> -> memref<80xi32, #tpu.memory_space<vmem>>
    %dma_start3A_72 = arith.constant 0 : i32
    %dma_start3A_73 = arith.constant 0 : i32
    %dma_start3A_74 = tpu.memref_slice %arg2[%dma_start3A_72, %dma_start3A_73] : memref<10240x64xf32, #tpu.memory_space<hbm>> -> memref<10240x64xf32, #tpu.memory_space<hbm>>
    tpu.enqueue_indirect_dma source(%dma_start3A_74 : memref<10240x64xf32, #tpu.memory_space<hbm>>) target(%arg10 : memref<80x64xf32, #tpu.memory_space<vmem>>) offsets(%dma_start3A_71 : memref<80xi32, #tpu.memory_space<vmem>>) semaphore(%arg20 : memref<!tpu.dma_semaphore, #tpu.memory_space<semaphore_mem>>)
    %dma_start3A_75 = arith.constant 1 : i32
    %dma_start3A_76 = arith.constant 2 : i32
    %dma_start3A_77 = arith.constant 0 : i32
    %dma_start3A_78 = arith.constant 0 : i32
    %dma_start3A_79 = arith.constant 0 : i32
    %dma_start3A_80 = tpu.memref_slice %arg3[%dma_start3A_75, %dma_start3A_77, %dma_start3A_78, %dma_start3A_79] : memref<2x32x125x80xi32, #tpu.memory_space<hbm>> -> memref<1x32x125x80xi32, #tpu.memory_space<hbm>>
    %dma_start3A_81 = tpu.memref_squeeze %dma_start3A_80 : memref<1x32x125x80xi32, #tpu.memory_space<hbm>> -> memref<32x125x80xi32, #tpu.memory_space<hbm>>
    %dma_start3A_82 = arith.constant 0 : i32
    %dma_start3A_83 = arith.constant 0 : i32
    %dma_start3A_84 = tpu.memref_slice %dma_start3A_81[%add3A, %dma_start3A_82, %dma_start3A_83] : memref<32x125x80xi32, #tpu.memory_space<hbm>> -> memref<1x125x80xi32, #tpu.memory_space<hbm>>
    %dma_start3A_85 = tpu.memref_squeeze %dma_start3A_84 : memref<1x125x80xi32, #tpu.memory_space<hbm>> -> memref<125x80xi32, #tpu.memory_space<hbm>>
    %dma_start3A_86 = arith.constant 0 : i32
    %dma_start3A_87 = tpu.memref_slice %dma_start3A_85[%dma_start3A_76, %dma_start3A_86] : memref<125x80xi32, #tpu.memory_space<hbm>> -> memref<1x80xi32, #tpu.memory_space<hbm>>
    %dma_start3A_88 = tpu.memref_squeeze %dma_start3A_87 : memref<1x80xi32, #tpu.memory_space<hbm>> -> memref<80xi32, #tpu.memory_space<hbm>>
    %dma_start3A_89 = arith.constant 0 : i32
    %dma_start3A_90 = arith.constant 0 : i32
    %dma_start3A_91 = arith.constant 0 : i32
    %dma_start3A_92 = tpu.memref_slice %arg3[%dma_start3A_75, %dma_start3A_89, %dma_start3A_90, %dma_start3A_91] : memref<2x32x125x80xi32, #tpu.memory_space<hbm>> -> memref<1x32x125x80xi32, #tpu.memory_space<hbm>>
    %dma_start3A_93 = tpu.memref_squeeze %dma_start3A_92 : memref<1x32x125x80xi32, #tpu.memory_space<hbm>> -> memref<32x125x80xi32, #tpu.memory_space<hbm>>
    %dma_start3A_94 = arith.constant 0 : i32
    %dma_start3A_95 = arith.constant 0 : i32
    %dma_start3A_96 = tpu.memref_slice %dma_start3A_93[%add3A, %dma_start3A_94, %dma_start3A_95] : memref<32x125x80xi32, #tpu.memory_space<hbm>> -> memref<1x125x80xi32, #tpu.memory_space<hbm>>
    %dma_start3A_97 = tpu.memref_squeeze %dma_start3A_96 : memref<1x125x80xi32, #tpu.memory_space<hbm>> -> memref<125x80xi32, #tpu.memory_space<hbm>>
    %dma_start3A_98 = arith.constant 0 : i32
    %dma_start3A_99 = tpu.memref_slice %dma_start3A_97[%dma_start3A_76, %dma_start3A_98] : memref<125x80xi32, #tpu.memory_space<hbm>> -> memref<1x80xi32, #tpu.memory_space<hbm>>
    %dma_start3A_100 = tpu.memref_squeeze %dma_start3A_99 : memref<1x80xi32, #tpu.memory_space<hbm>> -> memref<80xi32, #tpu.memory_space<hbm>>
    tpu.enqueue_dma source(%dma_start3A_100 : memref<80xi32, #tpu.memory_space<hbm>>) target(%arg15 : memref<80xi32, #tpu.memory_space<vmem>>) target_semaphore(%arg25 : memref<!tpu.dma_semaphore, #tpu.memory_space<semaphore_mem>>)
    %dma_start3A_101 = arith.constant 3 : i32
    %dma_start3A_102 = arith.constant 0 : i32
    %dma_start3A_103 = tpu.memref_slice %arg6[%dma_start3A_101, %dma_start3A_102] : memref<125x80xi32, #tpu.memory_space<vmem>> -> memref<1x80xi32, #tpu.memory_space<vmem>>
    %dma_start3A_104 = tpu.memref_squeeze %dma_start3A_103 : memref<1x80xi32, #tpu.memory_space<vmem>> -> memref<80xi32, #tpu.memory_space<vmem>>
    %dma_start3A_105 = arith.constant 0 : i32
    %dma_start3A_106 = arith.constant 0 : i32
    %dma_start3A_107 = tpu.memref_slice %arg2[%dma_start3A_105, %dma_start3A_106] : memref<10240x64xf32, #tpu.memory_space<hbm>> -> memref<10240x64xf32, #tpu.memory_space<hbm>>
    tpu.enqueue_indirect_dma source(%dma_start3A_107 : memref<10240x64xf32, #tpu.memory_space<hbm>>) target(%arg11 : memref<80x64xf32, #tpu.memory_space<vmem>>) offsets(%dma_start3A_104 : memref<80xi32, #tpu.memory_space<vmem>>) semaphore(%arg21 : memref<!tpu.dma_semaphore, #tpu.memory_space<semaphore_mem>>)
    %dma_start3A_108 = arith.constant 1 : i32
    %dma_start3A_109 = arith.constant 3 : i32
    %dma_start3A_110 = arith.constant 0 : i32
    %dma_start3A_111 = arith.constant 0 : i32
    %dma_start3A_112 = arith.constant 0 : i32
    %dma_start3A_113 = tpu.memref_slice %arg3[%dma_start3A_108, %dma_start3A_110, %dma_start3A_111, %dma_start3A_112] : memref<2x32x125x80xi32, #tpu.memory_space<hbm>> -> memref<1x32x125x80xi32, #tpu.memory_space<hbm>>
    %dma_start3A_114 = tpu.memref_squeeze %dma_start3A_113 : memref<1x32x125x80xi32, #tpu.memory_space<hbm>> -> memref<32x125x80xi32, #tpu.memory_space<hbm>>
    %dma_start3A_115 = arith.constant 0 : i32
    %dma_start3A_116 = arith.constant 0 : i32
    %dma_start3A_117 = tpu.memref_slice %dma_start3A_114[%add3A, %dma_start3A_115, %dma_start3A_116] : memref<32x125x80xi32, #tpu.memory_space<hbm>> -> memref<1x125x80xi32, #tpu.memory_space<hbm>>
    %dma_start3A_118 = tpu.memref_squeeze %dma_start3A_117 : memref<1x125x80xi32, #tpu.memory_space<hbm>> -> memref<125x80xi32, #tpu.memory_space<hbm>>
    %dma_start3A_119 = arith.constant 0 : i32
    %dma_start3A_120 = tpu.memref_slice %dma_start3A_118[%dma_start3A_109, %dma_start3A_119] : memref<125x80xi32, #tpu.memory_space<hbm>> -> memref<1x80xi32, #tpu.memory_space<hbm>>
    %dma_start3A_121 = tpu.memref_squeeze %dma_start3A_120 : memref<1x80xi32, #tpu.memory_space<hbm>> -> memref<80xi32, #tpu.memory_space<hbm>>
    %dma_start3A_122 = arith.constant 0 : i32
    %dma_start3A_123 = arith.constant 0 : i32
    %dma_start3A_124 = arith.constant 0 : i32
    %dma_start3A_125 = tpu.memref_slice %arg3[%dma_start3A_108, %dma_start3A_122, %dma_start3A_123, %dma_start3A_124] : memref<2x32x125x80xi32, #tpu.memory_space<hbm>> -> memref<1x32x125x80xi32, #tpu.memory_space<hbm>>
    %dma_start3A_126 = tpu.memref_squeeze %dma_start3A_125 : memref<1x32x125x80xi32, #tpu.memory_space<hbm>> -> memref<32x125x80xi32, #tpu.memory_space<hbm>>
    %dma_start3A_127 = arith.constant 0 : i32
    %dma_start3A_128 = arith.constant 0 : i32
    %dma_start3A_129 = tpu.memref_slice %dma_start3A_126[%add3A, %dma_start3A_127, %dma_start3A_128] : memref<32x125x80xi32, #tpu.memory_space<hbm>> -> memref<1x125x80xi32, #tpu.memory_space<hbm>>
    %dma_start3A_130 = tpu.memref_squeeze %dma_start3A_129 : memref<1x125x80xi32, #tpu.memory_space<hbm>> -> memref<125x80xi32, #tpu.memory_space<hbm>>
    %dma_start3A_131 = arith.constant 0 : i32
    %dma_start3A_132 = tpu.memref_slice %dma_start3A_130[%dma_start3A_109, %dma_start3A_131] : memref<125x80xi32, #tpu.memory_space<hbm>> -> memref<1x80xi32, #tpu.memory_space<hbm>>
    %dma_start3A_133 = tpu.memref_squeeze %dma_start3A_132 : memref<1x80xi32, #tpu.memory_space<hbm>> -> memref<80xi32, #tpu.memory_space<hbm>>
    tpu.enqueue_dma source(%dma_start3A_133 : memref<80xi32, #tpu.memory_space<hbm>>) target(%arg16 : memref<80xi32, #tpu.memory_space<vmem>>) target_semaphore(%arg26 : memref<!tpu.dma_semaphore, #tpu.memory_space<semaphore_mem>>)
    %dma_start3A_134 = arith.constant 4 : i32
    %dma_start3A_135 = arith.constant 0 : i32
    %dma_start3A_136 = tpu.memref_slice %arg6[%dma_start3A_134, %dma_start3A_135] : memref<125x80xi32, #tpu.memory_space<vmem>> -> memref<1x80xi32, #tpu.memory_space<vmem>>
    %dma_start3A_137 = tpu.memref_squeeze %dma_start3A_136 : memref<1x80xi32, #tpu.memory_space<vmem>> -> memref<80xi32, #tpu.memory_space<vmem>>
    %dma_start3A_138 = arith.constant 0 : i32
    %dma_start3A_139 = arith.constant 0 : i32
    %dma_start3A_140 = tpu.memref_slice %arg2[%dma_start3A_138, %dma_start3A_139] : memref<10240x64xf32, #tpu.memory_space<hbm>> -> memref<10240x64xf32, #tpu.memory_space<hbm>>
    tpu.enqueue_indirect_dma source(%dma_start3A_140 : memref<10240x64xf32, #tpu.memory_space<hbm>>) target(%arg12 : memref<80x64xf32, #tpu.memory_space<vmem>>) offsets(%dma_start3A_137 : memref<80xi32, #tpu.memory_space<vmem>>) semaphore(%arg22 : memref<!tpu.dma_semaphore, #tpu.memory_space<semaphore_mem>>)
    %dma_start3A_141 = arith.constant 1 : i32
    %dma_start3A_142 = arith.constant 4 : i32
    %dma_start3A_143 = arith.constant 0 : i32
    %dma_start3A_144 = arith.constant 0 : i32
    %dma_start3A_145 = arith.constant 0 : i32
    %dma_start3A_146 = tpu.memref_slice %arg3[%dma_start3A_141, %dma_start3A_143, %dma_start3A_144, %dma_start3A_145] : memref<2x32x125x80xi32, #tpu.memory_space<hbm>> -> memref<1x32x125x80xi32, #tpu.memory_space<hbm>>
    %dma_start3A_147 = tpu.memref_squeeze %dma_start3A_146 : memref<1x32x125x80xi32, #tpu.memory_space<hbm>> -> memref<32x125x80xi32, #tpu.memory_space<hbm>>
    %dma_start3A_148 = arith.constant 0 : i32
    %dma_start3A_149 = arith.constant 0 : i32
    %dma_start3A_150 = tpu.memref_slice %dma_start3A_147[%add3A, %dma_start3A_148, %dma_start3A_149] : memref<32x125x80xi32, #tpu.memory_space<hbm>> -> memref<1x125x80xi32, #tpu.memory_space<hbm>>
    %dma_start3A_151 = tpu.memref_squeeze %dma_start3A_150 : memref<1x125x80xi32, #tpu.memory_space<hbm>> -> memref<125x80xi32, #tpu.memory_space<hbm>>
    %dma_start3A_152 = arith.constant 0 : i32
    %dma_start3A_153 = tpu.memref_slice %dma_start3A_151[%dma_start3A_142, %dma_start3A_152] : memref<125x80xi32, #tpu.memory_space<hbm>> -> memref<1x80xi32, #tpu.memory_space<hbm>>
    %dma_start3A_154 = tpu.memref_squeeze %dma_start3A_153 : memref<1x80xi32, #tpu.memory_space<hbm>> -> memref<80xi32, #tpu.memory_space<hbm>>
    %dma_start3A_155 = arith.constant 0 : i32
    %dma_start3A_156 = arith.constant 0 : i32
    %dma_start3A_157 = arith.constant 0 : i32
    %dma_start3A_158 = tpu.memref_slice %arg3[%dma_start3A_141, %dma_start3A_155, %dma_start3A_156, %dma_start3A_157] : memref<2x32x125x80xi32, #tpu.memory_space<hbm>> -> memref<1x32x125x80xi32, #tpu.memory_space<hbm>>
    %dma_start3A_159 = tpu.memref_squeeze %dma_start3A_158 : memref<1x32x125x80xi32, #tpu.memory_space<hbm>> -> memref<32x125x80xi32, #tpu.memory_space<hbm>>
    %dma_start3A_160 = arith.constant 0 : i32
    %dma_start3A_161 = arith.constant 0 : i32
    %dma_start3A_162 = tpu.memref_slice %dma_start3A_159[%add3A, %dma_start3A_160, %dma_start3A_161] : memref<32x125x80xi32, #tpu.memory_space<hbm>> -> memref<1x125x80xi32, #tpu.memory_space<hbm>>
    %dma_start3A_163 = tpu.memref_squeeze %dma_start3A_162 : memref<1x125x80xi32, #tpu.memory_space<hbm>> -> memref<125x80xi32, #tpu.memory_space<hbm>>
    %dma_start3A_164 = arith.constant 0 : i32
    %dma_start3A_165 = tpu.memref_slice %dma_start3A_163[%dma_start3A_142, %dma_start3A_164] : memref<125x80xi32, #tpu.memory_space<hbm>> -> memref<1x80xi32, #tpu.memory_space<hbm>>
    %dma_start3A_166 = tpu.memref_squeeze %dma_start3A_165 : memref<1x80xi32, #tpu.memory_space<hbm>> -> memref<80xi32, #tpu.memory_space<hbm>>
    tpu.enqueue_dma source(%dma_start3A_166 : memref<80xi32, #tpu.memory_space<hbm>>) target(%arg17 : memref<80xi32, #tpu.memory_space<vmem>>) target_semaphore(%arg27 : memref<!tpu.dma_semaphore, #tpu.memory_space<semaphore_mem>>)
    %scan3A = arith.constant 0 : i32
    %scan3A_167 = arith.constant 1 : i32
    %scan3A_168 = arith.constant 0 : i32
    %scan3A_169 = arith.constant 25 : i32
    %scan3A_170 = arith.addi %scan3A_168, %scan3A_169 : i32
    %scan3A_171 = arith.constant 1 : i32
    scf.for %scan3A_174 = %scan3A_168 to %scan3A_170 step %scan3A_171  : i32 {
      %mul3A_175 = arith.constant 5 : i32
      %mul3A_176 = arith.muli %scan3A_174, %mul3A_175 : i32
      %add3A_177 = arith.constant 0 : i32
      %add3A_178 = arith.addi %mul3A_176, %add3A_177 : i32
      %dma_wait3A = arith.constant 0 : i32
      %dma_wait3A_179 = tpu.memref_slice %arg6[%add3A_178, %dma_wait3A] : memref<125x80xi32, #tpu.memory_space<vmem>> -> memref<1x80xi32, #tpu.memory_space<vmem>>
      %dma_wait3A_180 = tpu.memref_squeeze %dma_wait3A_179 : memref<1x80xi32, #tpu.memory_space<vmem>> -> memref<80xi32, #tpu.memory_space<vmem>>
      %dma_wait3A_181 = arith.constant 0 : i32
      %dma_wait3A_182 = arith.constant 0 : i32
      %dma_wait3A_183 = tpu.memref_slice %arg2[%dma_wait3A_181, %dma_wait3A_182] : memref<10240x64xf32, #tpu.memory_space<hbm>> -> memref<10240x64xf32, #tpu.memory_space<hbm>>
      tpu.wait_indirect_dma semaphore(%arg18 : memref<!tpu.dma_semaphore, #tpu.memory_space<semaphore_mem>>) src(%dma_wait3A_183 : memref<10240x64xf32, #tpu.memory_space<hbm>>) dst(%arg8 : memref<80x64xf32, #tpu.memory_space<vmem>>)
      %dma_wait3A_184 = arith.constant 0 : i32
      %dma_wait3A_185 = arith.constant 0 : i32
      %dma_wait3A_186 = arith.constant 0 : i32
      %dma_wait3A_187 = tpu.memref_slice %arg3[%scan3A_167, %dma_wait3A_184, %dma_wait3A_185, %dma_wait3A_186] : memref<2x32x125x80xi32, #tpu.memory_space<hbm>> -> memref<1x32x125x80xi32, #tpu.memory_space<hbm>>
      %dma_wait3A_188 = tpu.memref_squeeze %dma_wait3A_187 : memref<1x32x125x80xi32, #tpu.memory_space<hbm>> -> memref<32x125x80xi32, #tpu.memory_space<hbm>>
      %dma_wait3A_189 = arith.constant 0 : i32
      %dma_wait3A_190 = arith.constant 0 : i32
      %dma_wait3A_191 = tpu.memref_slice %dma_wait3A_188[%add3A, %dma_wait3A_189, %dma_wait3A_190] : memref<32x125x80xi32, #tpu.memory_space<hbm>> -> memref<1x125x80xi32, #tpu.memory_space<hbm>>
      %dma_wait3A_192 = tpu.memref_squeeze %dma_wait3A_191 : memref<1x125x80xi32, #tpu.memory_space<hbm>> -> memref<125x80xi32, #tpu.memory_space<hbm>>
      %dma_wait3A_193 = arith.constant 0 : i32
      %dma_wait3A_194 = tpu.memref_slice %dma_wait3A_192[%add3A_178, %dma_wait3A_193] : memref<125x80xi32, #tpu.memory_space<hbm>> -> memref<1x80xi32, #tpu.memory_space<hbm>>
      %dma_wait3A_195 = tpu.memref_squeeze %dma_wait3A_194 : memref<1x80xi32, #tpu.memory_space<hbm>> -> memref<80xi32, #tpu.memory_space<hbm>>
      %dma_wait3A_196 = arith.constant 0 : i32
      %dma_wait3A_197 = arith.constant 0 : i32
      %dma_wait3A_198 = arith.constant 0 : i32
      %dma_wait3A_199 = tpu.memref_slice %arg3[%scan3A_167, %dma_wait3A_196, %dma_wait3A_197, %dma_wait3A_198] : memref<2x32x125x80xi32, #tpu.memory_space<hbm>> -> memref<1x32x125x80xi32, #tpu.memory_space<hbm>>
      %dma_wait3A_200 = tpu.memref_squeeze %dma_wait3A_199 : memref<1x32x125x80xi32, #tpu.memory_space<hbm>> -> memref<32x125x80xi32, #tpu.memory_space<hbm>>
      %dma_wait3A_201 = arith.constant 0 : i32
      %dma_wait3A_202 = arith.constant 0 : i32
      %dma_wait3A_203 = tpu.memref_slice %dma_wait3A_200[%add3A, %dma_wait3A_201, %dma_wait3A_202] : memref<32x125x80xi32, #tpu.memory_space<hbm>> -> memref<1x125x80xi32, #tpu.memory_space<hbm>>
      %dma_wait3A_204 = tpu.memref_squeeze %dma_wait3A_203 : memref<1x125x80xi32, #tpu.memory_space<hbm>> -> memref<125x80xi32, #tpu.memory_space<hbm>>
      %dma_wait3A_205 = arith.constant 0 : i32
      %dma_wait3A_206 = tpu.memref_slice %dma_wait3A_204[%add3A_178, %dma_wait3A_205] : memref<125x80xi32, #tpu.memory_space<hbm>> -> memref<1x80xi32, #tpu.memory_space<hbm>>
      %dma_wait3A_207 = tpu.memref_squeeze %dma_wait3A_206 : memref<1x80xi32, #tpu.memory_space<hbm>> -> memref<80xi32, #tpu.memory_space<hbm>>
      tpu.wait_dma2 semaphore(%arg23 : memref<!tpu.dma_semaphore, #tpu.memory_space<semaphore_mem>>) src(%dma_wait3A_207 : memref<80xi32, #tpu.memory_space<hbm>>) dst(%arg13 : memref<80xi32, #tpu.memory_space<vmem>>)
      "tpu.region"() ({
        %run_scoped3A_376 = tpu.sem_alloc : memref<!tpu.dma_semaphore, #tpu.memory_space<semaphore_mem>>
        %dma_start3A_377 = arith.constant 0 : i32
        %dma_start3A_378 = arith.constant 0 : i32
        %dma_start3A_379 = tpu.memref_slice %arg7[%dma_start3A_377, %dma_start3A_378] : memref<10240x64xf32, #tpu.memory_space<vmem_shared>> -> memref<10240x64xf32, #tpu.memory_space<vmem_shared>>
        tpu.enqueue_indirect_dma source(%arg8 : memref<80x64xf32, #tpu.memory_space<vmem>>) target(%dma_start3A_379 : memref<10240x64xf32, #tpu.memory_space<vmem_shared>>) offsets(%arg13 : memref<80xi32, #tpu.memory_space<vmem>>) semaphore(%run_scoped3A_376 : memref<!tpu.dma_semaphore, #tpu.memory_space<semaphore_mem>>) {add = true}
        %dma_wait3A_380 = arith.constant 0 : i32
        %dma_wait3A_381 = arith.constant 0 : i32
        %dma_wait3A_382 = tpu.memref_slice %arg7[%dma_wait3A_380, %dma_wait3A_381] : memref<10240x64xf32, #tpu.memory_space<vmem_shared>> -> memref<10240x64xf32, #tpu.memory_space<vmem_shared>>
        tpu.wait_indirect_dma semaphore(%run_scoped3A_376 : memref<!tpu.dma_semaphore, #tpu.memory_space<semaphore_mem>>) src(%arg8 : memref<80x64xf32, #tpu.memory_space<vmem>>) dst(%dma_wait3A_382 : memref<10240x64xf32, #tpu.memory_space<vmem_shared>>)
        tpu.yield
      }) : () -> ()
      %add3A_208 = arith.constant 5 : i32
      %add3A_209 = arith.addi %add3A_178, %add3A_208 : i32
      %lt3A = arith.constant 125 : i32
      %lt3A_210 = arith.cmpi slt, %add3A_209, %lt3A : i32
      %convert_element_type3A = arith.extui %lt3A_210 : i1 to i32
      %cond3A = arith.constant 0 : i32
      %cond3A_211 = arith.cmpi ne, %convert_element_type3A, %cond3A : i32
      scf.if %cond3A_211 {
        %dma_start3A_376 = arith.constant 0 : i32
        %dma_start3A_377 = tpu.memref_slice %arg6[%add3A_209, %dma_start3A_376] : memref<125x80xi32, #tpu.memory_space<vmem>> -> memref<1x80xi32, #tpu.memory_space<vmem>>
        %dma_start3A_378 = tpu.memref_squeeze %dma_start3A_377 : memref<1x80xi32, #tpu.memory_space<vmem>> -> memref<80xi32, #tpu.memory_space<vmem>>
        %dma_start3A_379 = arith.constant 0 : i32
        %dma_start3A_380 = arith.constant 0 : i32
        %dma_start3A_381 = tpu.memref_slice %arg2[%dma_start3A_379, %dma_start3A_380] : memref<10240x64xf32, #tpu.memory_space<hbm>> -> memref<10240x64xf32, #tpu.memory_space<hbm>>
        tpu.enqueue_indirect_dma source(%dma_start3A_381 : memref<10240x64xf32, #tpu.memory_space<hbm>>) target(%arg8 : memref<80x64xf32, #tpu.memory_space<vmem>>) offsets(%dma_start3A_378 : memref<80xi32, #tpu.memory_space<vmem>>) semaphore(%arg18 : memref<!tpu.dma_semaphore, #tpu.memory_space<semaphore_mem>>)
        %dma_start3A_382 = arith.constant 0 : i32
        %dma_start3A_383 = arith.constant 0 : i32
        %dma_start3A_384 = arith.constant 0 : i32
        %dma_start3A_385 = tpu.memref_slice %arg3[%scan3A_167, %dma_start3A_382, %dma_start3A_383, %dma_start3A_384] : memref<2x32x125x80xi32, #tpu.memory_space<hbm>> -> memref<1x32x125x80xi32, #tpu.memory_space<hbm>>
        %dma_start3A_386 = tpu.memref_squeeze %dma_start3A_385 : memref<1x32x125x80xi32, #tpu.memory_space<hbm>> -> memref<32x125x80xi32, #tpu.memory_space<hbm>>
        %dma_start3A_387 = arith.constant 0 : i32
        %dma_start3A_388 = arith.constant 0 : i32
        %dma_start3A_389 = tpu.memref_slice %dma_start3A_386[%add3A, %dma_start3A_387, %dma_start3A_388] : memref<32x125x80xi32, #tpu.memory_space<hbm>> -> memref<1x125x80xi32, #tpu.memory_space<hbm>>
        %dma_start3A_390 = tpu.memref_squeeze %dma_start3A_389 : memref<1x125x80xi32, #tpu.memory_space<hbm>> -> memref<125x80xi32, #tpu.memory_space<hbm>>
        %dma_start3A_391 = arith.constant 0 : i32
        %dma_start3A_392 = tpu.memref_slice %dma_start3A_390[%add3A_209, %dma_start3A_391] : memref<125x80xi32, #tpu.memory_space<hbm>> -> memref<1x80xi32, #tpu.memory_space<hbm>>
        %dma_start3A_393 = tpu.memref_squeeze %dma_start3A_392 : memref<1x80xi32, #tpu.memory_space<hbm>> -> memref<80xi32, #tpu.memory_space<hbm>>
        %dma_start3A_394 = arith.constant 0 : i32
        %dma_start3A_395 = arith.constant 0 : i32
        %dma_start3A_396 = arith.constant 0 : i32
        %dma_start3A_397 = tpu.memref_slice %arg3[%scan3A_167, %dma_start3A_394, %dma_start3A_395, %dma_start3A_396] : memref<2x32x125x80xi32, #tpu.memory_space<hbm>> -> memref<1x32x125x80xi32, #tpu.memory_space<hbm>>
        %dma_start3A_398 = tpu.memref_squeeze %dma_start3A_397 : memref<1x32x125x80xi32, #tpu.memory_space<hbm>> -> memref<32x125x80xi32, #tpu.memory_space<hbm>>
        %dma_start3A_399 = arith.constant 0 : i32
        %dma_start3A_400 = arith.constant 0 : i32
        %dma_start3A_401 = tpu.memref_slice %dma_start3A_398[%add3A, %dma_start3A_399, %dma_start3A_400] : memref<32x125x80xi32, #tpu.memory_space<hbm>> -> memref<1x125x80xi32, #tpu.memory_space<hbm>>
        %dma_start3A_402 = tpu.memref_squeeze %dma_start3A_401 : memref<1x125x80xi32, #tpu.memory_space<hbm>> -> memref<125x80xi32, #tpu.memory_space<hbm>>
        %dma_start3A_403 = arith.constant 0 : i32
        %dma_start3A_404 = tpu.memref_slice %dma_start3A_402[%add3A_209, %dma_start3A_403] : memref<125x80xi32, #tpu.memory_space<hbm>> -> memref<1x80xi32, #tpu.memory_space<hbm>>
        %dma_start3A_405 = tpu.memref_squeeze %dma_start3A_404 : memref<1x80xi32, #tpu.memory_space<hbm>> -> memref<80xi32, #tpu.memory_space<hbm>>
        tpu.enqueue_dma source(%dma_start3A_405 : memref<80xi32, #tpu.memory_space<hbm>>) target(%arg13 : memref<80xi32, #tpu.memory_space<vmem>>) target_semaphore(%arg23 : memref<!tpu.dma_semaphore, #tpu.memory_space<semaphore_mem>>)
      } else {
      }
      %mul3A_212 = arith.constant 5 : i32
      %mul3A_213 = arith.muli %scan3A_174, %mul3A_212 : i32
      %add3A_214 = arith.constant 1 : i32
      %add3A_215 = arith.addi %mul3A_213, %add3A_214 : i32
      %dma_wait3A_216 = arith.constant 0 : i32
      %dma_wait3A_217 = tpu.memref_slice %arg6[%add3A_215, %dma_wait3A_216] : memref<125x80xi32, #tpu.memory_space<vmem>> -> memref<1x80xi32, #tpu.memory_space<vmem>>
      %dma_wait3A_218 = tpu.memref_squeeze %dma_wait3A_217 : memref<1x80xi32, #tpu.memory_space<vmem>> -> memref<80xi32, #tpu.memory_space<vmem>>
      %dma_wait3A_219 = arith.constant 0 : i32
      %dma_wait3A_220 = arith.constant 0 : i32
      %dma_wait3A_221 = tpu.memref_slice %arg2[%dma_wait3A_219, %dma_wait3A_220] : memref<10240x64xf32, #tpu.memory_space<hbm>> -> memref<10240x64xf32, #tpu.memory_space<hbm>>
      tpu.wait_indirect_dma semaphore(%arg19 : memref<!tpu.dma_semaphore, #tpu.memory_space<semaphore_mem>>) src(%dma_wait3A_221 : memref<10240x64xf32, #tpu.memory_space<hbm>>) dst(%arg9 : memref<80x64xf32, #tpu.memory_space<vmem>>)
      %dma_wait3A_222 = arith.constant 0 : i32
      %dma_wait3A_223 = arith.constant 0 : i32
      %dma_wait3A_224 = arith.constant 0 : i32
      %dma_wait3A_225 = tpu.memref_slice %arg3[%scan3A_167, %dma_wait3A_222, %dma_wait3A_223, %dma_wait3A_224] : memref<2x32x125x80xi32, #tpu.memory_space<hbm>> -> memref<1x32x125x80xi32, #tpu.memory_space<hbm>>
      %dma_wait3A_226 = tpu.memref_squeeze %dma_wait3A_225 : memref<1x32x125x80xi32, #tpu.memory_space<hbm>> -> memref<32x125x80xi32, #tpu.memory_space<hbm>>
      %dma_wait3A_227 = arith.constant 0 : i32
      %dma_wait3A_228 = arith.constant 0 : i32
      %dma_wait3A_229 = tpu.memref_slice %dma_wait3A_226[%add3A, %dma_wait3A_227, %dma_wait3A_228] : memref<32x125x80xi32, #tpu.memory_space<hbm>> -> memref<1x125x80xi32, #tpu.memory_space<hbm>>
      %dma_wait3A_230 = tpu.memref_squeeze %dma_wait3A_229 : memref<1x125x80xi32, #tpu.memory_space<hbm>> -> memref<125x80xi32, #tpu.memory_space<hbm>>
      %dma_wait3A_231 = arith.constant 0 : i32
      %dma_wait3A_232 = tpu.memref_slice %dma_wait3A_230[%add3A_215, %dma_wait3A_231] : memref<125x80xi32, #tpu.memory_space<hbm>> -> memref<1x80xi32, #tpu.memory_space<hbm>>
      %dma_wait3A_233 = tpu.memref_squeeze %dma_wait3A_232 : memref<1x80xi32, #tpu.memory_space<hbm>> -> memref<80xi32, #tpu.memory_space<hbm>>
      %dma_wait3A_234 = arith.constant 0 : i32
      %dma_wait3A_235 = arith.constant 0 : i32
      %dma_wait3A_236 = arith.constant 0 : i32
      %dma_wait3A_237 = tpu.memref_slice %arg3[%scan3A_167, %dma_wait3A_234, %dma_wait3A_235, %dma_wait3A_236] : memref<2x32x125x80xi32, #tpu.memory_space<hbm>> -> memref<1x32x125x80xi32, #tpu.memory_space<hbm>>
      %dma_wait3A_238 = tpu.memref_squeeze %dma_wait3A_237 : memref<1x32x125x80xi32, #tpu.memory_space<hbm>> -> memref<32x125x80xi32, #tpu.memory_space<hbm>>
      %dma_wait3A_239 = arith.constant 0 : i32
      %dma_wait3A_240 = arith.constant 0 : i32
      %dma_wait3A_241 = tpu.memref_slice %dma_wait3A_238[%add3A, %dma_wait3A_239, %dma_wait3A_240] : memref<32x125x80xi32, #tpu.memory_space<hbm>> -> memref<1x125x80xi32, #tpu.memory_space<hbm>>
      %dma_wait3A_242 = tpu.memref_squeeze %dma_wait3A_241 : memref<1x125x80xi32, #tpu.memory_space<hbm>> -> memref<125x80xi32, #tpu.memory_space<hbm>>
      %dma_wait3A_243 = arith.constant 0 : i32
      %dma_wait3A_244 = tpu.memref_slice %dma_wait3A_242[%add3A_215, %dma_wait3A_243] : memref<125x80xi32, #tpu.memory_space<hbm>> -> memref<1x80xi32, #tpu.memory_space<hbm>>
      %dma_wait3A_245 = tpu.memref_squeeze %dma_wait3A_244 : memref<1x80xi32, #tpu.memory_space<hbm>> -> memref<80xi32, #tpu.memory_space<hbm>>
      tpu.wait_dma2 semaphore(%arg24 : memref<!tpu.dma_semaphore, #tpu.memory_space<semaphore_mem>>) src(%dma_wait3A_245 : memref<80xi32, #tpu.memory_space<hbm>>) dst(%arg14 : memref<80xi32, #tpu.memory_space<vmem>>)
      "tpu.region"() ({
        %run_scoped3A_376 = tpu.sem_alloc : memref<!tpu.dma_semaphore, #tpu.memory_space<semaphore_mem>>
        %dma_start3A_377 = arith.constant 0 : i32
        %dma_start3A_378 = arith.constant 0 : i32
        %dma_start3A_379 = tpu.memref_slice %arg7[%dma_start3A_377, %dma_start3A_378] : memref<10240x64xf32, #tpu.memory_space<vmem_shared>> -> memref<10240x64xf32, #tpu.memory_space<vmem_shared>>
        tpu.enqueue_indirect_dma source(%arg9 : memref<80x64xf32, #tpu.memory_space<vmem>>) target(%dma_start3A_379 : memref<10240x64xf32, #tpu.memory_space<vmem_shared>>) offsets(%arg14 : memref<80xi32, #tpu.memory_space<vmem>>) semaphore(%run_scoped3A_376 : memref<!tpu.dma_semaphore, #tpu.memory_space<semaphore_mem>>) {add = true}
        %dma_wait3A_380 = arith.constant 0 : i32
        %dma_wait3A_381 = arith.constant 0 : i32
        %dma_wait3A_382 = tpu.memref_slice %arg7[%dma_wait3A_380, %dma_wait3A_381] : memref<10240x64xf32, #tpu.memory_space<vmem_shared>> -> memref<10240x64xf32, #tpu.memory_space<vmem_shared>>
        tpu.wait_indirect_dma semaphore(%run_scoped3A_376 : memref<!tpu.dma_semaphore, #tpu.memory_space<semaphore_mem>>) src(%arg9 : memref<80x64xf32, #tpu.memory_space<vmem>>) dst(%dma_wait3A_382 : memref<10240x64xf32, #tpu.memory_space<vmem_shared>>)
        tpu.yield
      }) : () -> ()
      %add3A_246 = arith.constant 5 : i32
      %add3A_247 = arith.addi %add3A_215, %add3A_246 : i32
      %lt3A_248 = arith.constant 125 : i32
      %lt3A_249 = arith.cmpi slt, %add3A_247, %lt3A_248 : i32
      %convert_element_type3A_250 = arith.extui %lt3A_249 : i1 to i32
      %cond3A_251 = arith.constant 0 : i32
      %cond3A_252 = arith.cmpi ne, %convert_element_type3A_250, %cond3A_251 : i32
      scf.if %cond3A_252 {
        %dma_start3A_376 = arith.constant 0 : i32
        %dma_start3A_377 = tpu.memref_slice %arg6[%add3A_247, %dma_start3A_376] : memref<125x80xi32, #tpu.memory_space<vmem>> -> memref<1x80xi32, #tpu.memory_space<vmem>>
        %dma_start3A_378 = tpu.memref_squeeze %dma_start3A_377 : memref<1x80xi32, #tpu.memory_space<vmem>> -> memref<80xi32, #tpu.memory_space<vmem>>
        %dma_start3A_379 = arith.constant 0 : i32
        %dma_start3A_380 = arith.constant 0 : i32
        %dma_start3A_381 = tpu.memref_slice %arg2[%dma_start3A_379, %dma_start3A_380] : memref<10240x64xf32, #tpu.memory_space<hbm>> -> memref<10240x64xf32, #tpu.memory_space<hbm>>
        tpu.enqueue_indirect_dma source(%dma_start3A_381 : memref<10240x64xf32, #tpu.memory_space<hbm>>) target(%arg9 : memref<80x64xf32, #tpu.memory_space<vmem>>) offsets(%dma_start3A_378 : memref<80xi32, #tpu.memory_space<vmem>>) semaphore(%arg19 : memref<!tpu.dma_semaphore, #tpu.memory_space<semaphore_mem>>)
        %dma_start3A_382 = arith.constant 0 : i32
        %dma_start3A_383 = arith.constant 0 : i32
        %dma_start3A_384 = arith.constant 0 : i32
        %dma_start3A_385 = tpu.memref_slice %arg3[%scan3A_167, %dma_start3A_382, %dma_start3A_383, %dma_start3A_384] : memref<2x32x125x80xi32, #tpu.memory_space<hbm>> -> memref<1x32x125x80xi32, #tpu.memory_space<hbm>>
        %dma_start3A_386 = tpu.memref_squeeze %dma_start3A_385 : memref<1x32x125x80xi32, #tpu.memory_space<hbm>> -> memref<32x125x80xi32, #tpu.memory_space<hbm>>
        %dma_start3A_387 = arith.constant 0 : i32
        %dma_start3A_388 = arith.constant 0 : i32
        %dma_start3A_389 = tpu.memref_slice %dma_start3A_386[%add3A, %dma_start3A_387, %dma_start3A_388] : memref<32x125x80xi32, #tpu.memory_space<hbm>> -> memref<1x125x80xi32, #tpu.memory_space<hbm>>
        %dma_start3A_390 = tpu.memref_squeeze %dma_start3A_389 : memref<1x125x80xi32, #tpu.memory_space<hbm>> -> memref<125x80xi32, #tpu.memory_space<hbm>>
        %dma_start3A_391 = arith.constant 0 : i32
        %dma_start3A_392 = tpu.memref_slice %dma_start3A_390[%add3A_247, %dma_start3A_391] : memref<125x80xi32, #tpu.memory_space<hbm>> -> memref<1x80xi32, #tpu.memory_space<hbm>>
        %dma_start3A_393 = tpu.memref_squeeze %dma_start3A_392 : memref<1x80xi32, #tpu.memory_space<hbm>> -> memref<80xi32, #tpu.memory_space<hbm>>
        %dma_start3A_394 = arith.constant 0 : i32
        %dma_start3A_395 = arith.constant 0 : i32
        %dma_start3A_396 = arith.constant 0 : i32
        %dma_start3A_397 = tpu.memref_slice %arg3[%scan3A_167, %dma_start3A_394, %dma_start3A_395, %dma_start3A_396] : memref<2x32x125x80xi32, #tpu.memory_space<hbm>> -> memref<1x32x125x80xi32, #tpu.memory_space<hbm>>
        %dma_start3A_398 = tpu.memref_squeeze %dma_start3A_397 : memref<1x32x125x80xi32, #tpu.memory_space<hbm>> -> memref<32x125x80xi32, #tpu.memory_space<hbm>>
        %dma_start3A_399 = arith.constant 0 : i32
        %dma_start3A_400 = arith.constant 0 : i32
        %dma_start3A_401 = tpu.memref_slice %dma_start3A_398[%add3A, %dma_start3A_399, %dma_start3A_400] : memref<32x125x80xi32, #tpu.memory_space<hbm>> -> memref<1x125x80xi32, #tpu.memory_space<hbm>>
        %dma_start3A_402 = tpu.memref_squeeze %dma_start3A_401 : memref<1x125x80xi32, #tpu.memory_space<hbm>> -> memref<125x80xi32, #tpu.memory_space<hbm>>
        %dma_start3A_403 = arith.constant 0 : i32
        %dma_start3A_404 = tpu.memref_slice %dma_start3A_402[%add3A_247, %dma_start3A_403] : memref<125x80xi32, #tpu.memory_space<hbm>> -> memref<1x80xi32, #tpu.memory_space<hbm>>
        %dma_start3A_405 = tpu.memref_squeeze %dma_start3A_404 : memref<1x80xi32, #tpu.memory_space<hbm>> -> memref<80xi32, #tpu.memory_space<hbm>>
        tpu.enqueue_dma source(%dma_start3A_405 : memref<80xi32, #tpu.memory_space<hbm>>) target(%arg14 : memref<80xi32, #tpu.memory_space<vmem>>) target_semaphore(%arg24 : memref<!tpu.dma_semaphore, #tpu.memory_space<semaphore_mem>>)
      } else {
      }
      %mul3A_253 = arith.constant 5 : i32
      %mul3A_254 = arith.muli %scan3A_174, %mul3A_253 : i32
      %add3A_255 = arith.constant 2 : i32
      %add3A_256 = arith.addi %mul3A_254, %add3A_255 : i32
      %dma_wait3A_257 = arith.constant 0 : i32
      %dma_wait3A_258 = tpu.memref_slice %arg6[%add3A_256, %dma_wait3A_257] : memref<125x80xi32, #tpu.memory_space<vmem>> -> memref<1x80xi32, #tpu.memory_space<vmem>>
      %dma_wait3A_259 = tpu.memref_squeeze %dma_wait3A_258 : memref<1x80xi32, #tpu.memory_space<vmem>> -> memref<80xi32, #tpu.memory_space<vmem>>
      %dma_wait3A_260 = arith.constant 0 : i32
      %dma_wait3A_261 = arith.constant 0 : i32
      %dma_wait3A_262 = tpu.memref_slice %arg2[%dma_wait3A_260, %dma_wait3A_261] : memref<10240x64xf32, #tpu.memory_space<hbm>> -> memref<10240x64xf32, #tpu.memory_space<hbm>>
      tpu.wait_indirect_dma semaphore(%arg20 : memref<!tpu.dma_semaphore, #tpu.memory_space<semaphore_mem>>) src(%dma_wait3A_262 : memref<10240x64xf32, #tpu.memory_space<hbm>>) dst(%arg10 : memref<80x64xf32, #tpu.memory_space<vmem>>)
      %dma_wait3A_263 = arith.constant 0 : i32
      %dma_wait3A_264 = arith.constant 0 : i32
      %dma_wait3A_265 = arith.constant 0 : i32
      %dma_wait3A_266 = tpu.memref_slice %arg3[%scan3A_167, %dma_wait3A_263, %dma_wait3A_264, %dma_wait3A_265] : memref<2x32x125x80xi32, #tpu.memory_space<hbm>> -> memref<1x32x125x80xi32, #tpu.memory_space<hbm>>
      %dma_wait3A_267 = tpu.memref_squeeze %dma_wait3A_266 : memref<1x32x125x80xi32, #tpu.memory_space<hbm>> -> memref<32x125x80xi32, #tpu.memory_space<hbm>>
      %dma_wait3A_268 = arith.constant 0 : i32
      %dma_wait3A_269 = arith.constant 0 : i32
      %dma_wait3A_270 = tpu.memref_slice %dma_wait3A_267[%add3A, %dma_wait3A_268, %dma_wait3A_269] : memref<32x125x80xi32, #tpu.memory_space<hbm>> -> memref<1x125x80xi32, #tpu.memory_space<hbm>>
      %dma_wait3A_271 = tpu.memref_squeeze %dma_wait3A_270 : memref<1x125x80xi32, #tpu.memory_space<hbm>> -> memref<125x80xi32, #tpu.memory_space<hbm>>
      %dma_wait3A_272 = arith.constant 0 : i32
      %dma_wait3A_273 = tpu.memref_slice %dma_wait3A_271[%add3A_256, %dma_wait3A_272] : memref<125x80xi32, #tpu.memory_space<hbm>> -> memref<1x80xi32, #tpu.memory_space<hbm>>
      %dma_wait3A_274 = tpu.memref_squeeze %dma_wait3A_273 : memref<1x80xi32, #tpu.memory_space<hbm>> -> memref<80xi32, #tpu.memory_space<hbm>>
      %dma_wait3A_275 = arith.constant 0 : i32
      %dma_wait3A_276 = arith.constant 0 : i32
      %dma_wait3A_277 = arith.constant 0 : i32
      %dma_wait3A_278 = tpu.memref_slice %arg3[%scan3A_167, %dma_wait3A_275, %dma_wait3A_276, %dma_wait3A_277] : memref<2x32x125x80xi32, #tpu.memory_space<hbm>> -> memref<1x32x125x80xi32, #tpu.memory_space<hbm>>
      %dma_wait3A_279 = tpu.memref_squeeze %dma_wait3A_278 : memref<1x32x125x80xi32, #tpu.memory_space<hbm>> -> memref<32x125x80xi32, #tpu.memory_space<hbm>>
      %dma_wait3A_280 = arith.constant 0 : i32
      %dma_wait3A_281 = arith.constant 0 : i32
      %dma_wait3A_282 = tpu.memref_slice %dma_wait3A_279[%add3A, %dma_wait3A_280, %dma_wait3A_281] : memref<32x125x80xi32, #tpu.memory_space<hbm>> -> memref<1x125x80xi32, #tpu.memory_space<hbm>>
      %dma_wait3A_283 = tpu.memref_squeeze %dma_wait3A_282 : memref<1x125x80xi32, #tpu.memory_space<hbm>> -> memref<125x80xi32, #tpu.memory_space<hbm>>
      %dma_wait3A_284 = arith.constant 0 : i32
      %dma_wait3A_285 = tpu.memref_slice %dma_wait3A_283[%add3A_256, %dma_wait3A_284] : memref<125x80xi32, #tpu.memory_space<hbm>> -> memref<1x80xi32, #tpu.memory_space<hbm>>
      %dma_wait3A_286 = tpu.memref_squeeze %dma_wait3A_285 : memref<1x80xi32, #tpu.memory_space<hbm>> -> memref<80xi32, #tpu.memory_space<hbm>>
      tpu.wait_dma2 semaphore(%arg25 : memref<!tpu.dma_semaphore, #tpu.memory_space<semaphore_mem>>) src(%dma_wait3A_286 : memref<80xi32, #tpu.memory_space<hbm>>) dst(%arg15 : memref<80xi32, #tpu.memory_space<vmem>>)
      "tpu.region"() ({
        %run_scoped3A_376 = tpu.sem_alloc : memref<!tpu.dma_semaphore, #tpu.memory_space<semaphore_mem>>
        %dma_start3A_377 = arith.constant 0 : i32
        %dma_start3A_378 = arith.constant 0 : i32
        %dma_start3A_379 = tpu.memref_slice %arg7[%dma_start3A_377, %dma_start3A_378] : memref<10240x64xf32, #tpu.memory_space<vmem_shared>> -> memref<10240x64xf32, #tpu.memory_space<vmem_shared>>
        tpu.enqueue_indirect_dma source(%arg10 : memref<80x64xf32, #tpu.memory_space<vmem>>) target(%dma_start3A_379 : memref<10240x64xf32, #tpu.memory_space<vmem_shared>>) offsets(%arg15 : memref<80xi32, #tpu.memory_space<vmem>>) semaphore(%run_scoped3A_376 : memref<!tpu.dma_semaphore, #tpu.memory_space<semaphore_mem>>) {add = true}
        %dma_wait3A_380 = arith.constant 0 : i32
        %dma_wait3A_381 = arith.constant 0 : i32
        %dma_wait3A_382 = tpu.memref_slice %arg7[%dma_wait3A_380, %dma_wait3A_381] : memref<10240x64xf32, #tpu.memory_space<vmem_shared>> -> memref<10240x64xf32, #tpu.memory_space<vmem_shared>>
        tpu.wait_indirect_dma semaphore(%run_scoped3A_376 : memref<!tpu.dma_semaphore, #tpu.memory_space<semaphore_mem>>) src(%arg10 : memref<80x64xf32, #tpu.memory_space<vmem>>) dst(%dma_wait3A_382 : memref<10240x64xf32, #tpu.memory_space<vmem_shared>>)
        tpu.yield
      }) : () -> ()
      %add3A_287 = arith.constant 5 : i32
      %add3A_288 = arith.addi %add3A_256, %add3A_287 : i32
      %lt3A_289 = arith.constant 125 : i32
      %lt3A_290 = arith.cmpi slt, %add3A_288, %lt3A_289 : i32
      %convert_element_type3A_291 = arith.extui %lt3A_290 : i1 to i32
      %cond3A_292 = arith.constant 0 : i32
      %cond3A_293 = arith.cmpi ne, %convert_element_type3A_291, %cond3A_292 : i32
      scf.if %cond3A_293 {
        %dma_start3A_376 = arith.constant 0 : i32
        %dma_start3A_377 = tpu.memref_slice %arg6[%add3A_288, %dma_start3A_376] : memref<125x80xi32, #tpu.memory_space<vmem>> -> memref<1x80xi32, #tpu.memory_space<vmem>>
        %dma_start3A_378 = tpu.memref_squeeze %dma_start3A_377 : memref<1x80xi32, #tpu.memory_space<vmem>> -> memref<80xi32, #tpu.memory_space<vmem>>
        %dma_start3A_379 = arith.constant 0 : i32
        %dma_start3A_380 = arith.constant 0 : i32
        %dma_start3A_381 = tpu.memref_slice %arg2[%dma_start3A_379, %dma_start3A_380] : memref<10240x64xf32, #tpu.memory_space<hbm>> -> memref<10240x64xf32, #tpu.memory_space<hbm>>
        tpu.enqueue_indirect_dma source(%dma_start3A_381 : memref<10240x64xf32, #tpu.memory_space<hbm>>) target(%arg10 : memref<80x64xf32, #tpu.memory_space<vmem>>) offsets(%dma_start3A_378 : memref<80xi32, #tpu.memory_space<vmem>>) semaphore(%arg20 : memref<!tpu.dma_semaphore, #tpu.memory_space<semaphore_mem>>)
        %dma_start3A_382 = arith.constant 0 : i32
        %dma_start3A_383 = arith.constant 0 : i32
        %dma_start3A_384 = arith.constant 0 : i32
        %dma_start3A_385 = tpu.memref_slice %arg3[%scan3A_167, %dma_start3A_382, %dma_start3A_383, %dma_start3A_384] : memref<2x32x125x80xi32, #tpu.memory_space<hbm>> -> memref<1x32x125x80xi32, #tpu.memory_space<hbm>>
        %dma_start3A_386 = tpu.memref_squeeze %dma_start3A_385 : memref<1x32x125x80xi32, #tpu.memory_space<hbm>> -> memref<32x125x80xi32, #tpu.memory_space<hbm>>
        %dma_start3A_387 = arith.constant 0 : i32
        %dma_start3A_388 = arith.constant 0 : i32
        %dma_start3A_389 = tpu.memref_slice %dma_start3A_386[%add3A, %dma_start3A_387, %dma_start3A_388] : memref<32x125x80xi32, #tpu.memory_space<hbm>> -> memref<1x125x80xi32, #tpu.memory_space<hbm>>
        %dma_start3A_390 = tpu.memref_squeeze %dma_start3A_389 : memref<1x125x80xi32, #tpu.memory_space<hbm>> -> memref<125x80xi32, #tpu.memory_space<hbm>>
        %dma_start3A_391 = arith.constant 0 : i32
        %dma_start3A_392 = tpu.memref_slice %dma_start3A_390[%add3A_288, %dma_start3A_391] : memref<125x80xi32, #tpu.memory_space<hbm>> -> memref<1x80xi32, #tpu.memory_space<hbm>>
        %dma_start3A_393 = tpu.memref_squeeze %dma_start3A_392 : memref<1x80xi32, #tpu.memory_space<hbm>> -> memref<80xi32, #tpu.memory_space<hbm>>
        %dma_start3A_394 = arith.constant 0 : i32
        %dma_start3A_395 = arith.constant 0 : i32
        %dma_start3A_396 = arith.constant 0 : i32
        %dma_start3A_397 = tpu.memref_slice %arg3[%scan3A_167, %dma_start3A_394, %dma_start3A_395, %dma_start3A_396] : memref<2x32x125x80xi32, #tpu.memory_space<hbm>> -> memref<1x32x125x80xi32, #tpu.memory_space<hbm>>
        %dma_start3A_398 = tpu.memref_squeeze %dma_start3A_397 : memref<1x32x125x80xi32, #tpu.memory_space<hbm>> -> memref<32x125x80xi32, #tpu.memory_space<hbm>>
        %dma_start3A_399 = arith.constant 0 : i32
        %dma_start3A_400 = arith.constant 0 : i32
        %dma_start3A_401 = tpu.memref_slice %dma_start3A_398[%add3A, %dma_start3A_399, %dma_start3A_400] : memref<32x125x80xi32, #tpu.memory_space<hbm>> -> memref<1x125x80xi32, #tpu.memory_space<hbm>>
        %dma_start3A_402 = tpu.memref_squeeze %dma_start3A_401 : memref<1x125x80xi32, #tpu.memory_space<hbm>> -> memref<125x80xi32, #tpu.memory_space<hbm>>
        %dma_start3A_403 = arith.constant 0 : i32
        %dma_start3A_404 = tpu.memref_slice %dma_start3A_402[%add3A_288, %dma_start3A_403] : memref<125x80xi32, #tpu.memory_space<hbm>> -> memref<1x80xi32, #tpu.memory_space<hbm>>
        %dma_start3A_405 = tpu.memref_squeeze %dma_start3A_404 : memref<1x80xi32, #tpu.memory_space<hbm>> -> memref<80xi32, #tpu.memory_space<hbm>>
        tpu.enqueue_dma source(%dma_start3A_405 : memref<80xi32, #tpu.memory_space<hbm>>) target(%arg15 : memref<80xi32, #tpu.memory_space<vmem>>) target_semaphore(%arg25 : memref<!tpu.dma_semaphore, #tpu.memory_space<semaphore_mem>>)
      } else {
      }
      %mul3A_294 = arith.constant 5 : i32
      %mul3A_295 = arith.muli %scan3A_174, %mul3A_294 : i32
      %add3A_296 = arith.constant 3 : i32
      %add3A_297 = arith.addi %mul3A_295, %add3A_296 : i32
      %dma_wait3A_298 = arith.constant 0 : i32
      %dma_wait3A_299 = tpu.memref_slice %arg6[%add3A_297, %dma_wait3A_298] : memref<125x80xi32, #tpu.memory_space<vmem>> -> memref<1x80xi32, #tpu.memory_space<vmem>>
      %dma_wait3A_300 = tpu.memref_squeeze %dma_wait3A_299 : memref<1x80xi32, #tpu.memory_space<vmem>> -> memref<80xi32, #tpu.memory_space<vmem>>
      %dma_wait3A_301 = arith.constant 0 : i32
      %dma_wait3A_302 = arith.constant 0 : i32
      %dma_wait3A_303 = tpu.memref_slice %arg2[%dma_wait3A_301, %dma_wait3A_302] : memref<10240x64xf32, #tpu.memory_space<hbm>> -> memref<10240x64xf32, #tpu.memory_space<hbm>>
      tpu.wait_indirect_dma semaphore(%arg21 : memref<!tpu.dma_semaphore, #tpu.memory_space<semaphore_mem>>) src(%dma_wait3A_303 : memref<10240x64xf32, #tpu.memory_space<hbm>>) dst(%arg11 : memref<80x64xf32, #tpu.memory_space<vmem>>)
      %dma_wait3A_304 = arith.constant 0 : i32
      %dma_wait3A_305 = arith.constant 0 : i32
      %dma_wait3A_306 = arith.constant 0 : i32
      %dma_wait3A_307 = tpu.memref_slice %arg3[%scan3A_167, %dma_wait3A_304, %dma_wait3A_305, %dma_wait3A_306] : memref<2x32x125x80xi32, #tpu.memory_space<hbm>> -> memref<1x32x125x80xi32, #tpu.memory_space<hbm>>
      %dma_wait3A_308 = tpu.memref_squeeze %dma_wait3A_307 : memref<1x32x125x80xi32, #tpu.memory_space<hbm>> -> memref<32x125x80xi32, #tpu.memory_space<hbm>>
      %dma_wait3A_309 = arith.constant 0 : i32
      %dma_wait3A_310 = arith.constant 0 : i32
      %dma_wait3A_311 = tpu.memref_slice %dma_wait3A_308[%add3A, %dma_wait3A_309, %dma_wait3A_310] : memref<32x125x80xi32, #tpu.memory_space<hbm>> -> memref<1x125x80xi32, #tpu.memory_space<hbm>>
      %dma_wait3A_312 = tpu.memref_squeeze %dma_wait3A_311 : memref<1x125x80xi32, #tpu.memory_space<hbm>> -> memref<125x80xi32, #tpu.memory_space<hbm>>
      %dma_wait3A_313 = arith.constant 0 : i32
      %dma_wait3A_314 = tpu.memref_slice %dma_wait3A_312[%add3A_297, %dma_wait3A_313] : memref<125x80xi32, #tpu.memory_space<hbm>> -> memref<1x80xi32, #tpu.memory_space<hbm>>
      %dma_wait3A_315 = tpu.memref_squeeze %dma_wait3A_314 : memref<1x80xi32, #tpu.memory_space<hbm>> -> memref<80xi32, #tpu.memory_space<hbm>>
      %dma_wait3A_316 = arith.constant 0 : i32
      %dma_wait3A_317 = arith.constant 0 : i32
      %dma_wait3A_318 = arith.constant 0 : i32
      %dma_wait3A_319 = tpu.memref_slice %arg3[%scan3A_167, %dma_wait3A_316, %dma_wait3A_317, %dma_wait3A_318] : memref<2x32x125x80xi32, #tpu.memory_space<hbm>> -> memref<1x32x125x80xi32, #tpu.memory_space<hbm>>
      %dma_wait3A_320 = tpu.memref_squeeze %dma_wait3A_319 : memref<1x32x125x80xi32, #tpu.memory_space<hbm>> -> memref<32x125x80xi32, #tpu.memory_space<hbm>>
      %dma_wait3A_321 = arith.constant 0 : i32
      %dma_wait3A_322 = arith.constant 0 : i32
      %dma_wait3A_323 = tpu.memref_slice %dma_wait3A_320[%add3A, %dma_wait3A_321, %dma_wait3A_322] : memref<32x125x80xi32, #tpu.memory_space<hbm>> -> memref<1x125x80xi32, #tpu.memory_space<hbm>>
      %dma_wait3A_324 = tpu.memref_squeeze %dma_wait3A_323 : memref<1x125x80xi32, #tpu.memory_space<hbm>> -> memref<125x80xi32, #tpu.memory_space<hbm>>
      %dma_wait3A_325 = arith.constant 0 : i32
      %dma_wait3A_326 = tpu.memref_slice %dma_wait3A_324[%add3A_297, %dma_wait3A_325] : memref<125x80xi32, #tpu.memory_space<hbm>> -> memref<1x80xi32, #tpu.memory_space<hbm>>
      %dma_wait3A_327 = tpu.memref_squeeze %dma_wait3A_326 : memref<1x80xi32, #tpu.memory_space<hbm>> -> memref<80xi32, #tpu.memory_space<hbm>>
      tpu.wait_dma2 semaphore(%arg26 : memref<!tpu.dma_semaphore, #tpu.memory_space<semaphore_mem>>) src(%dma_wait3A_327 : memref<80xi32, #tpu.memory_space<hbm>>) dst(%arg16 : memref<80xi32, #tpu.memory_space<vmem>>)
      "tpu.region"() ({
        %run_scoped3A_376 = tpu.sem_alloc : memref<!tpu.dma_semaphore, #tpu.memory_space<semaphore_mem>>
        %dma_start3A_377 = arith.constant 0 : i32
        %dma_start3A_378 = arith.constant 0 : i32
        %dma_start3A_379 = tpu.memref_slice %arg7[%dma_start3A_377, %dma_start3A_378] : memref<10240x64xf32, #tpu.memory_space<vmem_shared>> -> memref<10240x64xf32, #tpu.memory_space<vmem_shared>>
        tpu.enqueue_indirect_dma source(%arg11 : memref<80x64xf32, #tpu.memory_space<vmem>>) target(%dma_start3A_379 : memref<10240x64xf32, #tpu.memory_space<vmem_shared>>) offsets(%arg16 : memref<80xi32, #tpu.memory_space<vmem>>) semaphore(%run_scoped3A_376 : memref<!tpu.dma_semaphore, #tpu.memory_space<semaphore_mem>>) {add = true}
        %dma_wait3A_380 = arith.constant 0 : i32
        %dma_wait3A_381 = arith.constant 0 : i32
        %dma_wait3A_382 = tpu.memref_slice %arg7[%dma_wait3A_380, %dma_wait3A_381] : memref<10240x64xf32, #tpu.memory_space<vmem_shared>> -> memref<10240x64xf32, #tpu.memory_space<vmem_shared>>
        tpu.wait_indirect_dma semaphore(%run_scoped3A_376 : memref<!tpu.dma_semaphore, #tpu.memory_space<semaphore_mem>>) src(%arg11 : memref<80x64xf32, #tpu.memory_space<vmem>>) dst(%dma_wait3A_382 : memref<10240x64xf32, #tpu.memory_space<vmem_shared>>)
        tpu.yield
      }) : () -> ()
      %add3A_328 = arith.constant 5 : i32
      %add3A_329 = arith.addi %add3A_297, %add3A_328 : i32
      %lt3A_330 = arith.constant 125 : i32
      %lt3A_331 = arith.cmpi slt, %add3A_329, %lt3A_330 : i32
      %convert_element_type3A_332 = arith.extui %lt3A_331 : i1 to i32
      %cond3A_333 = arith.constant 0 : i32
      %cond3A_334 = arith.cmpi ne, %convert_element_type3A_332, %cond3A_333 : i32
      scf.if %cond3A_334 {
        %dma_start3A_376 = arith.constant 0 : i32
        %dma_start3A_377 = tpu.memref_slice %arg6[%add3A_329, %dma_start3A_376] : memref<125x80xi32, #tpu.memory_space<vmem>> -> memref<1x80xi32, #tpu.memory_space<vmem>>
        %dma_start3A_378 = tpu.memref_squeeze %dma_start3A_377 : memref<1x80xi32, #tpu.memory_space<vmem>> -> memref<80xi32, #tpu.memory_space<vmem>>
        %dma_start3A_379 = arith.constant 0 : i32
        %dma_start3A_380 = arith.constant 0 : i32
        %dma_start3A_381 = tpu.memref_slice %arg2[%dma_start3A_379, %dma_start3A_380] : memref<10240x64xf32, #tpu.memory_space<hbm>> -> memref<10240x64xf32, #tpu.memory_space<hbm>>
        tpu.enqueue_indirect_dma source(%dma_start3A_381 : memref<10240x64xf32, #tpu.memory_space<hbm>>) target(%arg11 : memref<80x64xf32, #tpu.memory_space<vmem>>) offsets(%dma_start3A_378 : memref<80xi32, #tpu.memory_space<vmem>>) semaphore(%arg21 : memref<!tpu.dma_semaphore, #tpu.memory_space<semaphore_mem>>)
        %dma_start3A_382 = arith.constant 0 : i32
        %dma_start3A_383 = arith.constant 0 : i32
        %dma_start3A_384 = arith.constant 0 : i32
        %dma_start3A_385 = tpu.memref_slice %arg3[%scan3A_167, %dma_start3A_382, %dma_start3A_383, %dma_start3A_384] : memref<2x32x125x80xi32, #tpu.memory_space<hbm>> -> memref<1x32x125x80xi32, #tpu.memory_space<hbm>>
        %dma_start3A_386 = tpu.memref_squeeze %dma_start3A_385 : memref<1x32x125x80xi32, #tpu.memory_space<hbm>> -> memref<32x125x80xi32, #tpu.memory_space<hbm>>
        %dma_start3A_387 = arith.constant 0 : i32
        %dma_start3A_388 = arith.constant 0 : i32
        %dma_start3A_389 = tpu.memref_slice %dma_start3A_386[%add3A, %dma_start3A_387, %dma_start3A_388] : memref<32x125x80xi32, #tpu.memory_space<hbm>> -> memref<1x125x80xi32, #tpu.memory_space<hbm>>
        %dma_start3A_390 = tpu.memref_squeeze %dma_start3A_389 : memref<1x125x80xi32, #tpu.memory_space<hbm>> -> memref<125x80xi32, #tpu.memory_space<hbm>>
        %dma_start3A_391 = arith.constant 0 : i32
        %dma_start3A_392 = tpu.memref_slice %dma_start3A_390[%add3A_329, %dma_start3A_391] : memref<125x80xi32, #tpu.memory_space<hbm>> -> memref<1x80xi32, #tpu.memory_space<hbm>>
        %dma_start3A_393 = tpu.memref_squeeze %dma_start3A_392 : memref<1x80xi32, #tpu.memory_space<hbm>> -> memref<80xi32, #tpu.memory_space<hbm>>
        %dma_start3A_394 = arith.constant 0 : i32
        %dma_start3A_395 = arith.constant 0 : i32
        %dma_start3A_396 = arith.constant 0 : i32
        %dma_start3A_397 = tpu.memref_slice %arg3[%scan3A_167, %dma_start3A_394, %dma_start3A_395, %dma_start3A_396] : memref<2x32x125x80xi32, #tpu.memory_space<hbm>> -> memref<1x32x125x80xi32, #tpu.memory_space<hbm>>
        %dma_start3A_398 = tpu.memref_squeeze %dma_start3A_397 : memref<1x32x125x80xi32, #tpu.memory_space<hbm>> -> memref<32x125x80xi32, #tpu.memory_space<hbm>>
        %dma_start3A_399 = arith.constant 0 : i32
        %dma_start3A_400 = arith.constant 0 : i32
        %dma_start3A_401 = tpu.memref_slice %dma_start3A_398[%add3A, %dma_start3A_399, %dma_start3A_400] : memref<32x125x80xi32, #tpu.memory_space<hbm>> -> memref<1x125x80xi32, #tpu.memory_space<hbm>>
        %dma_start3A_402 = tpu.memref_squeeze %dma_start3A_401 : memref<1x125x80xi32, #tpu.memory_space<hbm>> -> memref<125x80xi32, #tpu.memory_space<hbm>>
        %dma_start3A_403 = arith.constant 0 : i32
        %dma_start3A_404 = tpu.memref_slice %dma_start3A_402[%add3A_329, %dma_start3A_403] : memref<125x80xi32, #tpu.memory_space<hbm>> -> memref<1x80xi32, #tpu.memory_space<hbm>>
        %dma_start3A_405 = tpu.memref_squeeze %dma_start3A_404 : memref<1x80xi32, #tpu.memory_space<hbm>> -> memref<80xi32, #tpu.memory_space<hbm>>
        tpu.enqueue_dma source(%dma_start3A_405 : memref<80xi32, #tpu.memory_space<hbm>>) target(%arg16 : memref<80xi32, #tpu.memory_space<vmem>>) target_semaphore(%arg26 : memref<!tpu.dma_semaphore, #tpu.memory_space<semaphore_mem>>)
      } else {
      }
      %mul3A_335 = arith.constant 5 : i32
      %mul3A_336 = arith.muli %scan3A_174, %mul3A_335 : i32
      %add3A_337 = arith.constant 4 : i32
      %add3A_338 = arith.addi %mul3A_336, %add3A_337 : i32
      %dma_wait3A_339 = arith.constant 0 : i32
      %dma_wait3A_340 = tpu.memref_slice %arg6[%add3A_338, %dma_wait3A_339] : memref<125x80xi32, #tpu.memory_space<vmem>> -> memref<1x80xi32, #tpu.memory_space<vmem>>
      %dma_wait3A_341 = tpu.memref_squeeze %dma_wait3A_340 : memref<1x80xi32, #tpu.memory_space<vmem>> -> memref<80xi32, #tpu.memory_space<vmem>>
      %dma_wait3A_342 = arith.constant 0 : i32
      %dma_wait3A_343 = arith.constant 0 : i32
      %dma_wait3A_344 = tpu.memref_slice %arg2[%dma_wait3A_342, %dma_wait3A_343] : memref<10240x64xf32, #tpu.memory_space<hbm>> -> memref<10240x64xf32, #tpu.memory_space<hbm>>
      tpu.wait_indirect_dma semaphore(%arg22 : memref<!tpu.dma_semaphore, #tpu.memory_space<semaphore_mem>>) src(%dma_wait3A_344 : memref<10240x64xf32, #tpu.memory_space<hbm>>) dst(%arg12 : memref<80x64xf32, #tpu.memory_space<vmem>>)
      %dma_wait3A_345 = arith.constant 0 : i32
      %dma_wait3A_346 = arith.constant 0 : i32
      %dma_wait3A_347 = arith.constant 0 : i32
      %dma_wait3A_348 = tpu.memref_slice %arg3[%scan3A_167, %dma_wait3A_345, %dma_wait3A_346, %dma_wait3A_347] : memref<2x32x125x80xi32, #tpu.memory_space<hbm>> -> memref<1x32x125x80xi32, #tpu.memory_space<hbm>>
      %dma_wait3A_349 = tpu.memref_squeeze %dma_wait3A_348 : memref<1x32x125x80xi32, #tpu.memory_space<hbm>> -> memref<32x125x80xi32, #tpu.memory_space<hbm>>
      %dma_wait3A_350 = arith.constant 0 : i32
      %dma_wait3A_351 = arith.constant 0 : i32
      %dma_wait3A_352 = tpu.memref_slice %dma_wait3A_349[%add3A, %dma_wait3A_350, %dma_wait3A_351] : memref<32x125x80xi32, #tpu.memory_space<hbm>> -> memref<1x125x80xi32, #tpu.memory_space<hbm>>
      %dma_wait3A_353 = tpu.memref_squeeze %dma_wait3A_352 : memref<1x125x80xi32, #tpu.memory_space<hbm>> -> memref<125x80xi32, #tpu.memory_space<hbm>>
      %dma_wait3A_354 = arith.constant 0 : i32
      %dma_wait3A_355 = tpu.memref_slice %dma_wait3A_353[%add3A_338, %dma_wait3A_354] : memref<125x80xi32, #tpu.memory_space<hbm>> -> memref<1x80xi32, #tpu.memory_space<hbm>>
      %dma_wait3A_356 = tpu.memref_squeeze %dma_wait3A_355 : memref<1x80xi32, #tpu.memory_space<hbm>> -> memref<80xi32, #tpu.memory_space<hbm>>
      %dma_wait3A_357 = arith.constant 0 : i32
      %dma_wait3A_358 = arith.constant 0 : i32
      %dma_wait3A_359 = arith.constant 0 : i32
      %dma_wait3A_360 = tpu.memref_slice %arg3[%scan3A_167, %dma_wait3A_357, %dma_wait3A_358, %dma_wait3A_359] : memref<2x32x125x80xi32, #tpu.memory_space<hbm>> -> memref<1x32x125x80xi32, #tpu.memory_space<hbm>>
      %dma_wait3A_361 = tpu.memref_squeeze %dma_wait3A_360 : memref<1x32x125x80xi32, #tpu.memory_space<hbm>> -> memref<32x125x80xi32, #tpu.memory_space<hbm>>
      %dma_wait3A_362 = arith.constant 0 : i32
      %dma_wait3A_363 = arith.constant 0 : i32
      %dma_wait3A_364 = tpu.memref_slice %dma_wait3A_361[%add3A, %dma_wait3A_362, %dma_wait3A_363] : memref<32x125x80xi32, #tpu.memory_space<hbm>> -> memref<1x125x80xi32, #tpu.memory_space<hbm>>
      %dma_wait3A_365 = tpu.memref_squeeze %dma_wait3A_364 : memref<1x125x80xi32, #tpu.memory_space<hbm>> -> memref<125x80xi32, #tpu.memory_space<hbm>>
      %dma_wait3A_366 = arith.constant 0 : i32
      %dma_wait3A_367 = tpu.memref_slice %dma_wait3A_365[%add3A_338, %dma_wait3A_366] : memref<125x80xi32, #tpu.memory_space<hbm>> -> memref<1x80xi32, #tpu.memory_space<hbm>>
      %dma_wait3A_368 = tpu.memref_squeeze %dma_wait3A_367 : memref<1x80xi32, #tpu.memory_space<hbm>> -> memref<80xi32, #tpu.memory_space<hbm>>
      tpu.wait_dma2 semaphore(%arg27 : memref<!tpu.dma_semaphore, #tpu.memory_space<semaphore_mem>>) src(%dma_wait3A_368 : memref<80xi32, #tpu.memory_space<hbm>>) dst(%arg17 : memref<80xi32, #tpu.memory_space<vmem>>)
      "tpu.region"() ({
        %run_scoped3A_376 = tpu.sem_alloc : memref<!tpu.dma_semaphore, #tpu.memory_space<semaphore_mem>>
        %dma_start3A_377 = arith.constant 0 : i32
        %dma_start3A_378 = arith.constant 0 : i32
        %dma_start3A_379 = tpu.memref_slice %arg7[%dma_start3A_377, %dma_start3A_378] : memref<10240x64xf32, #tpu.memory_space<vmem_shared>> -> memref<10240x64xf32, #tpu.memory_space<vmem_shared>>
        tpu.enqueue_indirect_dma source(%arg12 : memref<80x64xf32, #tpu.memory_space<vmem>>) target(%dma_start3A_379 : memref<10240x64xf32, #tpu.memory_space<vmem_shared>>) offsets(%arg17 : memref<80xi32, #tpu.memory_space<vmem>>) semaphore(%run_scoped3A_376 : memref<!tpu.dma_semaphore, #tpu.memory_space<semaphore_mem>>) {add = true}
        %dma_wait3A_380 = arith.constant 0 : i32
        %dma_wait3A_381 = arith.constant 0 : i32
        %dma_wait3A_382 = tpu.memref_slice %arg7[%dma_wait3A_380, %dma_wait3A_381] : memref<10240x64xf32, #tpu.memory_space<vmem_shared>> -> memref<10240x64xf32, #tpu.memory_space<vmem_shared>>
        tpu.wait_indirect_dma semaphore(%run_scoped3A_376 : memref<!tpu.dma_semaphore, #tpu.memory_space<semaphore_mem>>) src(%arg12 : memref<80x64xf32, #tpu.memory_space<vmem>>) dst(%dma_wait3A_382 : memref<10240x64xf32, #tpu.memory_space<vmem_shared>>)
        tpu.yield
      }) : () -> ()
      %add3A_369 = arith.constant 5 : i32
      %add3A_370 = arith.addi %add3A_338, %add3A_369 : i32
      %lt3A_371 = arith.constant 125 : i32
      %lt3A_372 = arith.cmpi slt, %add3A_370, %lt3A_371 : i32
      %convert_element_type3A_373 = arith.extui %lt3A_372 : i1 to i32
      %cond3A_374 = arith.constant 0 : i32
      %cond3A_375 = arith.cmpi ne, %convert_element_type3A_373, %cond3A_374 : i32
      scf.if %cond3A_375 {
        %dma_start3A_376 = arith.constant 0 : i32
        %dma_start3A_377 = tpu.memref_slice %arg6[%add3A_370, %dma_start3A_376] : memref<125x80xi32, #tpu.memory_space<vmem>> -> memref<1x80xi32, #tpu.memory_space<vmem>>
        %dma_start3A_378 = tpu.memref_squeeze %dma_start3A_377 : memref<1x80xi32, #tpu.memory_space<vmem>> -> memref<80xi32, #tpu.memory_space<vmem>>
        %dma_start3A_379 = arith.constant 0 : i32
        %dma_start3A_380 = arith.constant 0 : i32
        %dma_start3A_381 = tpu.memref_slice %arg2[%dma_start3A_379, %dma_start3A_380] : memref<10240x64xf32, #tpu.memory_space<hbm>> -> memref<10240x64xf32, #tpu.memory_space<hbm>>
        tpu.enqueue_indirect_dma source(%dma_start3A_381 : memref<10240x64xf32, #tpu.memory_space<hbm>>) target(%arg12 : memref<80x64xf32, #tpu.memory_space<vmem>>) offsets(%dma_start3A_378 : memref<80xi32, #tpu.memory_space<vmem>>) semaphore(%arg22 : memref<!tpu.dma_semaphore, #tpu.memory_space<semaphore_mem>>)
        %dma_start3A_382 = arith.constant 0 : i32
        %dma_start3A_383 = arith.constant 0 : i32
        %dma_start3A_384 = arith.constant 0 : i32
        %dma_start3A_385 = tpu.memref_slice %arg3[%scan3A_167, %dma_start3A_382, %dma_start3A_383, %dma_start3A_384] : memref<2x32x125x80xi32, #tpu.memory_space<hbm>> -> memref<1x32x125x80xi32, #tpu.memory_space<hbm>>
        %dma_start3A_386 = tpu.memref_squeeze %dma_start3A_385 : memref<1x32x125x80xi32, #tpu.memory_space<hbm>> -> memref<32x125x80xi32, #tpu.memory_space<hbm>>
        %dma_start3A_387 = arith.constant 0 : i32
        %dma_start3A_388 = arith.constant 0 : i32
        %dma_start3A_389 = tpu.memref_slice %dma_start3A_386[%add3A, %dma_start3A_387, %dma_start3A_388] : memref<32x125x80xi32, #tpu.memory_space<hbm>> -> memref<1x125x80xi32, #tpu.memory_space<hbm>>
        %dma_start3A_390 = tpu.memref_squeeze %dma_start3A_389 : memref<1x125x80xi32, #tpu.memory_space<hbm>> -> memref<125x80xi32, #tpu.memory_space<hbm>>
        %dma_start3A_391 = arith.constant 0 : i32
        %dma_start3A_392 = tpu.memref_slice %dma_start3A_390[%add3A_370, %dma_start3A_391] : memref<125x80xi32, #tpu.memory_space<hbm>> -> memref<1x80xi32, #tpu.memory_space<hbm>>
        %dma_start3A_393 = tpu.memref_squeeze %dma_start3A_392 : memref<1x80xi32, #tpu.memory_space<hbm>> -> memref<80xi32, #tpu.memory_space<hbm>>
        %dma_start3A_394 = arith.constant 0 : i32
        %dma_start3A_395 = arith.constant 0 : i32
        %dma_start3A_396 = arith.constant 0 : i32
        %dma_start3A_397 = tpu.memref_slice %arg3[%scan3A_167, %dma_start3A_394, %dma_start3A_395, %dma_start3A_396] : memref<2x32x125x80xi32, #tpu.memory_space<hbm>> -> memref<1x32x125x80xi32, #tpu.memory_space<hbm>>
        %dma_start3A_398 = tpu.memref_squeeze %dma_start3A_397 : memref<1x32x125x80xi32, #tpu.memory_space<hbm>> -> memref<32x125x80xi32, #tpu.memory_space<hbm>>
        %dma_start3A_399 = arith.constant 0 : i32
        %dma_start3A_400 = arith.constant 0 : i32
        %dma_start3A_401 = tpu.memref_slice %dma_start3A_398[%add3A, %dma_start3A_399, %dma_start3A_400] : memref<32x125x80xi32, #tpu.memory_space<hbm>> -> memref<1x125x80xi32, #tpu.memory_space<hbm>>
        %dma_start3A_402 = tpu.memref_squeeze %dma_start3A_401 : memref<1x125x80xi32, #tpu.memory_space<hbm>> -> memref<125x80xi32, #tpu.memory_space<hbm>>
        %dma_start3A_403 = arith.constant 0 : i32
        %dma_start3A_404 = tpu.memref_slice %dma_start3A_402[%add3A_370, %dma_start3A_403] : memref<125x80xi32, #tpu.memory_space<hbm>> -> memref<1x80xi32, #tpu.memory_space<hbm>>
        %dma_start3A_405 = tpu.memref_squeeze %dma_start3A_404 : memref<1x80xi32, #tpu.memory_space<hbm>> -> memref<80xi32, #tpu.memory_space<hbm>>
        tpu.enqueue_dma source(%dma_start3A_405 : memref<80xi32, #tpu.memory_space<hbm>>) target(%arg17 : memref<80xi32, #tpu.memory_space<vmem>>) target_semaphore(%arg27 : memref<!tpu.dma_semaphore, #tpu.memory_space<semaphore_mem>>)
      } else {
      }
    }
    %scan3A_172 = arith.constant 25 : i32
    %barrier3A_173 = arith.constant 0 : index
    tpu.barrier barrier_id(%barrier3A_173)
    "tpu.region"() ({
      %run_scoped3A_174 = tpu.sem_alloc : memref<!tpu.dma_semaphore, #tpu.memory_space<semaphore_mem>>
      %dma_start3A_175 = arith.constant 0 : i32
      %dma_start3A_176 = arith.constant 0 : i32
      %dma_start3A_177 = tpu.memref_slice %arg5[%arg0, %dma_start3A_175, %dma_start3A_176] : memref<2x10240x128xf32, #tpu.memory_space<hbm>> -> memref<1x10240x128xf32, #tpu.memory_space<hbm>>
      %dma_start3A_178 = tpu.memref_squeeze %dma_start3A_177 : memref<1x10240x128xf32, #tpu.memory_space<hbm>> -> memref<10240x128xf32, #tpu.memory_space<hbm>>
      %dma_start3A_179 = arith.constant 0 : i32
      %dma_start3A_180 = tpu.memref_slice %dma_start3A_178[%mul3A_0, %dma_start3A_179] : memref<10240x128xf32, #tpu.memory_space<hbm>> -> memref<640x64xf32, #tpu.memory_space<hbm>>
      %dma_start3A_181 = arith.constant 0 : i32
      %dma_start3A_182 = tpu.memref_slice %arg7[%mul3A_0, %dma_start3A_181] : memref<10240x64xf32, #tpu.memory_space<vmem_shared>> -> memref<640x64xf32, #tpu.memory_space<vmem_shared>>
      tpu.enqueue_dma source(%dma_start3A_182 : memref<640x64xf32, #tpu.memory_space<vmem_shared>>) target(%dma_start3A_180 : memref<640x64xf32, #tpu.memory_space<hbm>>) target_semaphore(%run_scoped3A_174 : memref<!tpu.dma_semaphore, #tpu.memory_space<semaphore_mem>>)
      %dma_wait3A = arith.constant 0 : i32
      %dma_wait3A_183 = arith.constant 0 : i32
      %dma_wait3A_184 = tpu.memref_slice %arg5[%arg0, %dma_wait3A, %dma_wait3A_183] : memref<2x10240x128xf32, #tpu.memory_space<hbm>> -> memref<1x10240x128xf32, #tpu.memory_space<hbm>>
      %dma_wait3A_185 = tpu.memref_squeeze %dma_wait3A_184 : memref<1x10240x128xf32, #tpu.memory_space<hbm>> -> memref<10240x128xf32, #tpu.memory_space<hbm>>
      %dma_wait3A_186 = arith.constant 0 : i32
      %dma_wait3A_187 = tpu.memref_slice %dma_wait3A_185[%mul3A_0, %dma_wait3A_186] : memref<10240x128xf32, #tpu.memory_space<hbm>> -> memref<640x64xf32, #tpu.memory_space<hbm>>
      %dma_wait3A_188 = arith.constant 0 : i32
      %dma_wait3A_189 = tpu.memref_slice %arg7[%mul3A_0, %dma_wait3A_188] : memref<10240x64xf32, #tpu.memory_space<vmem_shared>> -> memref<640x64xf32, #tpu.memory_space<vmem_shared>>
      tpu.wait_dma2 semaphore(%run_scoped3A_174 : memref<!tpu.dma_semaphore, #tpu.memory_space<semaphore_mem>>) src(%dma_wait3A_189 : memref<640x64xf32, #tpu.memory_space<vmem_shared>>) dst(%dma_wait3A_187 : memref<640x64xf32, #tpu.memory_space<hbm>>)
      tpu.yield
    }) : () -> ()
    return
  }
}

module attributes {stable_mosaic.version = 14 : i64} {
  func.func @_k1_body(%arg0: memref<2x10240x128xf32, #tpu.memory_space<vmem>>, %arg1: memref<10000x128xf32, #tpu.memory_space<vmem>>, %arg2: memref<10240x128xf32, #tpu.memory_space<vmem>>, %arg3: memref<10240x8xf32, #tpu.memory_space<vmem>>, %arg4: memref<10240x8xf32, #tpu.memory_space<vmem>>) attributes {dimension_semantics = [], scalar_prefetch = 0 : i64, scratch_operands = 0 : i64, tpu.core_type = #tpu.core_type<tc>} {
    %get3A = arith.constant 0 : index
    %get3A_0 = arith.constant 0 : index
    %get3A_1 = arith.constant 0 : index
    %get3A_2 = vector.load %arg0[%get3A, %get3A_0, %get3A_1] : memref<2x10240x128xf32, #tpu.memory_space<vmem>>, vector<1x10240x1xf32>
    %get3A_3 = vector.shape_cast %get3A_2 : vector<1x10240x1xf32> to vector<10240x1xf32>
    %get3A_4 = arith.constant 1 : index
    %get3A_5 = arith.constant 0 : index
    %get3A_6 = arith.constant 0 : index
    %get3A_7 = vector.load %arg0[%get3A_4, %get3A_5, %get3A_6] : memref<2x10240x128xf32, #tpu.memory_space<vmem>>, vector<1x10240x1xf32>
    %get3A_8 = vector.shape_cast %get3A_7 : vector<1x10240x1xf32> to vector<10240x1xf32>
    %add3A = arith.addf %get3A_3, %get3A_8 : vector<10240x1xf32>
    %add3A_9 = arith.constant 1.000000e+00 : f32
    %add3A_10 = vector.broadcast %add3A_9 : f32 to vector<10240x1xf32>
    %add3A_11 = arith.addf %add3A, %add3A_10 : vector<10240x1xf32>
    %broadcast_in_dim3A = vector.shape_cast %add3A_11 : vector<10240x1xf32> to vector<10240x1xf32>
    %broadcast_in_dim3A_12 = vector.broadcast %broadcast_in_dim3A : vector<10240x1xf32> to vector<10240x8xf32>
    %rsqrt3A = math.rsqrt %broadcast_in_dim3A_12 : vector<10240x8xf32>
    %swap3A = arith.constant 0 : index
    %swap3A_13 = arith.constant 0 : index
    %swap3A_14 = vector.load %arg3[%swap3A, %swap3A_13] : memref<10240x8xf32, #tpu.memory_space<vmem>>, vector<10240x8xf32>
    tpu.vector_store %arg3[%swap3A, %swap3A_13], %rsqrt3A {strides = array<i32>} : memref<10240x8xf32, #tpu.memory_space<vmem>>, vector<10240x8xf32>,
    %div3A = arith.constant 1.000000e+00 : f32
    %div3A_15 = vector.broadcast %div3A : f32 to vector<10240x8xf32>
    %div3A_16 = arith.divf %div3A_15, %broadcast_in_dim3A_12 : vector<10240x8xf32>
    %swap3A_17 = arith.constant 0 : index
    %swap3A_18 = arith.constant 0 : index
    %swap3A_19 = vector.load %arg4[%swap3A_17, %swap3A_18] : memref<10240x8xf32, #tpu.memory_space<vmem>>, vector<10240x8xf32>
    tpu.vector_store %arg4[%swap3A_17, %swap3A_18], %div3A_16 {strides = array<i32>} : memref<10240x8xf32, #tpu.memory_space<vmem>>, vector<10240x8xf32>,
    %get3A_20 = arith.constant 0 : index
    %get3A_21 = arith.constant 0 : index
    %get3A_22 = vector.load %arg3[%get3A_20, %get3A_21] : memref<10240x8xf32, #tpu.memory_space<vmem>>, vector<10000x1xf32>
    %get3A_23 = arith.constant 0 : index
    %get3A_24 = arith.constant 0 : index
    %get3A_25 = vector.load %arg1[%get3A_23, %get3A_24] : memref<10000x128xf32, #tpu.memory_space<vmem>>, vector<10000x128xf32>
    %mul3A = vector.broadcast %get3A_22 : vector<10000x1xf32> to vector<10000x128xf32>
    %mul3A_26 = arith.mulf %mul3A, %get3A_25 : vector<10000x128xf32>
    %swap3A_27 = arith.constant 0 : index
    %swap3A_28 = arith.constant 0 : index
    %swap3A_29 = vector.load %arg2[%swap3A_27, %swap3A_28] : memref<10240x128xf32, #tpu.memory_space<vmem>>, vector<10000x128xf32>
    tpu.vector_store %arg2[%swap3A_27, %swap3A_28], %mul3A_26 {strides = array<i32>} : memref<10240x128xf32, #tpu.memory_space<vmem>>, vector<10000x128xf32>,
    %broadcast_in_dim3A_30 = arith.constant 0.000000e+00 : f32
    %broadcast_in_dim3A_31 = vector.broadcast %broadcast_in_dim3A_30 : f32 to vector<240x128xf32>
    %swap3A_32 = arith.constant 10000 : index
    %swap3A_33 = arith.constant 0 : index
    %swap3A_34 = vector.load %arg2[%swap3A_32, %swap3A_33] : memref<10240x128xf32, #tpu.memory_space<vmem>>, vector<240x128xf32>
    tpu.vector_store %arg2[%swap3A_32, %swap3A_33], %broadcast_in_dim3A_31 {strides = array<i32>} : memref<10240x128xf32, #tpu.memory_space<vmem>>, vector<240x128xf32>,
    return
  }
}

module attributes {stable_mosaic.version = 14 : i64} {
  func.func @_k0_body(%arg0: memref<10000x128xf32, #tpu.memory_space<vmem>>, %arg1: memref<128x128xf32, #tpu.memory_space<vmem>>, %arg2: memref<10000x128xf32, #tpu.memory_space<vmem>>) attributes {dimension_semantics = [], scalar_prefetch = 0 : i64, scratch_operands = 0 : i64, tpu.core_type = #tpu.core_type<tc>} {
    %get3A = arith.constant 0 : index
    %get3A_0 = arith.constant 0 : index
    %get3A_1 = vector.load %arg0[%get3A, %get3A_0] : memref<10000x128xf32, #tpu.memory_space<vmem>>, vector<10000x128xf32>
    %get3A_2 = arith.constant 0 : index
    %get3A_3 = arith.constant 0 : index
    %get3A_4 = vector.load %arg1[%get3A_2, %get3A_3] : memref<128x128xf32, #tpu.memory_space<vmem>>, vector<128x128xf32>
    %dot_general3A = arith.constant dense<0.000000e+00> : vector<10000x128xf32>
    %dot_general3A_5 = tpu.matmul %get3A_1, %get3A_4, %dot_general3A {dimension_numbers = #tpu.dot_dimension_numbers<[1], [0], [0], [1], [0, 0, 1, 1], [], []>, transpose_lhs_hint = false} : vector<10000x128xf32>, vector<128x128xf32>, vector<10000x128xf32> -> vector<10000x128xf32>
    %swap3A = arith.constant 0 : index
    %swap3A_6 = arith.constant 0 : index
    %swap3A_7 = vector.load %arg2[%swap3A, %swap3A_6] : memref<10000x128xf32, #tpu.memory_space<vmem>>, vector<10000x128xf32>
    tpu.vector_store %arg2[%swap3A, %swap3A_6], %dot_general3A_5 {strides = array<i32>} : memref<10000x128xf32, #tpu.memory_space<vmem>>, vector<10000x128xf32>,
    return
  }
}

module attributes {stable_mosaic.version = 14 : i64} {
  func.func @_k2_body(%arg0: memref<10240x8xf32, #tpu.memory_space<vmem>>, %arg1: memref<2x10240x128xf32, #tpu.memory_space<vmem>>, %arg2: memref<10240x128xf32, #tpu.memory_space<vmem>>, %arg3: memref<10240x128xf32, #tpu.memory_space<vmem>>) attributes {dimension_semantics = [], scalar_prefetch = 0 : i64, scratch_operands = 0 : i64, tpu.core_type = #tpu.core_type<tc>} {
    %get3A = arith.constant 0 : index
    %get3A_0 = arith.constant 0 : index
    %get3A_1 = arith.constant 0 : index
    %get3A_2 = vector.load %arg1[%get3A, %get3A_0, %get3A_1] : memref<2x10240x128xf32, #tpu.memory_space<vmem>>, vector<1x10240x128xf32>
    %get3A_3 = vector.shape_cast %get3A_2 : vector<1x10240x128xf32> to vector<10240x128xf32>
    %get3A_4 = arith.constant 1 : index
    %get3A_5 = arith.constant 0 : index
    %get3A_6 = arith.constant 0 : index
    %get3A_7 = vector.load %arg1[%get3A_4, %get3A_5, %get3A_6] : memref<2x10240x128xf32, #tpu.memory_space<vmem>>, vector<1x10240x128xf32>
    %get3A_8 = vector.shape_cast %get3A_7 : vector<1x10240x128xf32> to vector<10240x128xf32>
    %add3A = arith.addf %get3A_3, %get3A_8 : vector<10240x128xf32>
    %get3A_9 = arith.constant 0 : index
    %get3A_10 = arith.constant 0 : index
    %get3A_11 = vector.load %arg0[%get3A_9, %get3A_10] : memref<10240x8xf32, #tpu.memory_space<vmem>>, vector<10240x1xf32>
    %get3A_12 = arith.constant 0 : index
    %get3A_13 = arith.constant 0 : index
    %get3A_14 = vector.load %arg2[%get3A_12, %get3A_13] : memref<10240x128xf32, #tpu.memory_space<vmem>>, vector<10240x128xf32>
    %add3A_15 = arith.addf %add3A, %get3A_14 : vector<10240x128xf32>
    %mul3A = vector.broadcast %get3A_11 : vector<10240x1xf32> to vector<10240x128xf32>
    %mul3A_16 = arith.mulf %mul3A, %add3A_15 : vector<10240x128xf32>
    %swap3A = arith.constant 0 : index
    %swap3A_17 = arith.constant 0 : index
    %swap3A_18 = vector.load %arg3[%swap3A, %swap3A_17] : memref<10240x128xf32, #tpu.memory_space<vmem>>, vector<10240x128xf32>
    tpu.vector_store %arg3[%swap3A, %swap3A_17], %mul3A_16 {strides = array<i32>} : memref<10240x128xf32, #tpu.memory_space<vmem>>, vector<10240x128xf32>,
    return
  }
}

module attributes {stable_mosaic.version = 14 : i64} {
  func.func @_k3_body(%arg0: memref<10240x8xf32, #tpu.memory_space<vmem>>, %arg1: memref<2x10240x128xf32, #tpu.memory_space<vmem>>, %arg2: memref<10240x128xf32, #tpu.memory_space<vmem>>, %arg3: memref<1x128xf32, #tpu.memory_space<vmem>>, %arg4: memref<128x64xf32, #tpu.memory_space<vmem>>, %arg5: memref<10240x64xf32, #tpu.memory_space<vmem>>) attributes {dimension_semantics = [], scalar_prefetch = 0 : i64, scratch_operands = 0 : i64, tpu.core_type = #tpu.core_type<tc>} {
    %get3A = arith.constant 0 : index
    %get3A_0 = arith.constant 0 : index
    %get3A_1 = vector.load %arg0[%get3A, %get3A_0] : memref<10240x8xf32, #tpu.memory_space<vmem>>, vector<10240x1xf32>
    %get3A_2 = arith.constant 0 : index
    %get3A_3 = arith.constant 0 : index
    %get3A_4 = arith.constant 0 : index
    %get3A_5 = vector.load %arg1[%get3A_2, %get3A_3, %get3A_4] : memref<2x10240x128xf32, #tpu.memory_space<vmem>>, vector<1x10240x128xf32>
    %get3A_6 = vector.shape_cast %get3A_5 : vector<1x10240x128xf32> to vector<10240x128xf32>
    %get3A_7 = arith.constant 1 : index
    %get3A_8 = arith.constant 0 : index
    %get3A_9 = arith.constant 0 : index
    %get3A_10 = vector.load %arg1[%get3A_7, %get3A_8, %get3A_9] : memref<2x10240x128xf32, #tpu.memory_space<vmem>>, vector<1x10240x128xf32>
    %get3A_11 = vector.shape_cast %get3A_10 : vector<1x10240x128xf32> to vector<10240x128xf32>
    %add3A = arith.addf %get3A_6, %get3A_11 : vector<10240x128xf32>
    %get3A_12 = arith.constant 0 : index
    %get3A_13 = arith.constant 0 : index
    %get3A_14 = vector.load %arg2[%get3A_12, %get3A_13] : memref<10240x128xf32, #tpu.memory_space<vmem>>, vector<10240x128xf32>
    %add3A_15 = arith.addf %add3A, %get3A_14 : vector<10240x128xf32>
    %mul3A = vector.broadcast %get3A_1 : vector<10240x1xf32> to vector<10240x128xf32>
    %mul3A_16 = arith.mulf %mul3A, %add3A_15 : vector<10240x128xf32>
    %get3A_17 = arith.constant 0 : index
    %get3A_18 = arith.constant 0 : index
    %get3A_19 = vector.load %arg3[%get3A_17, %get3A_18] : memref<1x128xf32, #tpu.memory_space<vmem>>, vector<1x128xf32>
    %add3A_20 = vector.broadcast %get3A_19 : vector<1x128xf32> to vector<10240x128xf32>
    %add3A_21 = arith.addf %mul3A_16, %add3A_20 : vector<10240x128xf32>
    %max3A = arith.constant 0.000000e+00 : f32
    %max3A_22 = vector.broadcast %max3A : f32 to vector<10240x128xf32>
    %max3A_23 = arith.maximumf %add3A_21, %max3A_22 : vector<10240x128xf32>
    %get3A_24 = arith.constant 0 : index
    %get3A_25 = arith.constant 0 : index
    %get3A_26 = vector.load %arg4[%get3A_24, %get3A_25] : memref<128x64xf32, #tpu.memory_space<vmem>>, vector<128x64xf32>
    %dot_general3A = arith.constant dense<0.000000e+00> : vector<10240x64xf32>
    %dot_general3A_27 = tpu.matmul %max3A_23, %get3A_26, %dot_general3A {dimension_numbers = #tpu.dot_dimension_numbers<[1], [0], [0], [1], [0, 0, 1, 1], [], []>, transpose_lhs_hint = false} : vector<10240x128xf32>, vector<128x64xf32>, vector<10240x64xf32> -> vector<10240x64xf32>
    %mul3A_28 = vector.broadcast %get3A_1 : vector<10240x1xf32> to vector<10240x64xf32>
    %mul3A_29 = arith.mulf %mul3A_28, %dot_general3A_27 : vector<10240x64xf32>
    %swap3A = arith.constant 0 : index
    %swap3A_30 = arith.constant 0 : index
    %swap3A_31 = vector.load %arg5[%swap3A, %swap3A_30] : memref<10240x64xf32, #tpu.memory_space<vmem>>, vector<10240x64xf32>
    tpu.vector_store %arg5[%swap3A, %swap3A_30], %mul3A_29 {strides = array<i32>} : memref<10240x64xf32, #tpu.memory_space<vmem>>, vector<10240x64xf32>,
    return
  }
}

module attributes {stable_mosaic.version = 14 : i64} {
  func.func @_k2_body(%arg0: memref<10240x8xf32, #tpu.memory_space<vmem>>, %arg1: memref<2x10240x128xf32, #tpu.memory_space<vmem>>, %arg2: memref<10240x64xf32, #tpu.memory_space<vmem>>, %arg3: memref<10240x64xf32, #tpu.memory_space<vmem>>) attributes {dimension_semantics = [], scalar_prefetch = 0 : i64, scratch_operands = 0 : i64, tpu.core_type = #tpu.core_type<tc>} {
    %get3A = arith.constant 0 : index
    %get3A_0 = arith.constant 0 : index
    %get3A_1 = arith.constant 0 : index
    %get3A_2 = vector.load %arg1[%get3A, %get3A_0, %get3A_1] : memref<2x10240x128xf32, #tpu.memory_space<vmem>>, vector<1x10240x64xf32>
    %get3A_3 = vector.shape_cast %get3A_2 : vector<1x10240x64xf32> to vector<10240x64xf32>
    %get3A_4 = arith.constant 1 : index
    %get3A_5 = arith.constant 0 : index
    %get3A_6 = arith.constant 0 : index
    %get3A_7 = vector.load %arg1[%get3A_4, %get3A_5, %get3A_6] : memref<2x10240x128xf32, #tpu.memory_space<vmem>>, vector<1x10240x64xf32>
    %get3A_8 = vector.shape_cast %get3A_7 : vector<1x10240x64xf32> to vector<10240x64xf32>
    %add3A = arith.addf %get3A_3, %get3A_8 : vector<10240x64xf32>
    %get3A_9 = arith.constant 0 : index
    %get3A_10 = arith.constant 0 : index
    %get3A_11 = vector.load %arg0[%get3A_9, %get3A_10] : memref<10240x8xf32, #tpu.memory_space<vmem>>, vector<10240x1xf32>
    %get3A_12 = arith.constant 0 : index
    %get3A_13 = arith.constant 0 : index
    %get3A_14 = vector.load %arg2[%get3A_12, %get3A_13] : memref<10240x64xf32, #tpu.memory_space<vmem>>, vector<10240x64xf32>
    %add3A_15 = arith.addf %add3A, %get3A_14 : vector<10240x64xf32>
    %mul3A = vector.broadcast %get3A_11 : vector<10240x1xf32> to vector<10240x64xf32>
    %mul3A_16 = arith.mulf %mul3A, %add3A_15 : vector<10240x64xf32>
    %swap3A = arith.constant 0 : index
    %swap3A_17 = arith.constant 0 : index
    %swap3A_18 = vector.load %arg3[%swap3A, %swap3A_17] : memref<10240x64xf32, #tpu.memory_space<vmem>>, vector<10240x64xf32>
    tpu.vector_store %arg3[%swap3A, %swap3A_17], %mul3A_16 {strides = array<i32>} : memref<10240x64xf32, #tpu.memory_space<vmem>>, vector<10240x64xf32>,
    return
  }
}

module attributes {stable_mosaic.version = 14 : i64} {
  func.func @_k5_body(%arg0: memref<10240x8xf32, #tpu.memory_space<vmem>>, %arg1: memref<2x10240x128xf32, #tpu.memory_space<vmem>>, %arg2: memref<10240x64xf32, #tpu.memory_space<vmem>>, %arg3: memref<1x64xf32, #tpu.memory_space<vmem>>, %arg4: memref<10000x64xf32, #tpu.memory_space<vmem>>) attributes {dimension_semantics = [], scalar_prefetch = 0 : i64, scratch_operands = 0 : i64, tpu.core_type = #tpu.core_type<tc>} {
    %get3A = arith.constant 0 : index
    %get3A_0 = arith.constant 0 : index
    %get3A_1 = arith.constant 0 : index
    %get3A_2 = vector.load %arg1[%get3A, %get3A_0, %get3A_1] : memref<2x10240x128xf32, #tpu.memory_space<vmem>>, vector<1x10000x64xf32>
    %get3A_3 = vector.shape_cast %get3A_2 : vector<1x10000x64xf32> to vector<10000x64xf32>
    %get3A_4 = arith.constant 1 : index
    %get3A_5 = arith.constant 0 : index
    %get3A_6 = arith.constant 0 : index
    %get3A_7 = vector.load %arg1[%get3A_4, %get3A_5, %get3A_6] : memref<2x10240x128xf32, #tpu.memory_space<vmem>>, vector<1x10000x64xf32>
    %get3A_8 = vector.shape_cast %get3A_7 : vector<1x10000x64xf32> to vector<10000x64xf32>
    %add3A = arith.addf %get3A_3, %get3A_8 : vector<10000x64xf32>
    %get3A_9 = arith.constant 0 : index
    %get3A_10 = arith.constant 0 : index
    %get3A_11 = vector.load %arg0[%get3A_9, %get3A_10] : memref<10240x8xf32, #tpu.memory_space<vmem>>, vector<10000x1xf32>
    %get3A_12 = arith.constant 0 : index
    %get3A_13 = arith.constant 0 : index
    %get3A_14 = vector.load %arg2[%get3A_12, %get3A_13] : memref<10240x64xf32, #tpu.memory_space<vmem>>, vector<10000x64xf32>
    %add3A_15 = arith.addf %add3A, %get3A_14 : vector<10000x64xf32>
    %mul3A = vector.broadcast %get3A_11 : vector<10000x1xf32> to vector<10000x64xf32>
    %mul3A_16 = arith.mulf %mul3A, %add3A_15 : vector<10000x64xf32>
    %get3A_17 = arith.constant 0 : index
    %get3A_18 = arith.constant 0 : index
    %get3A_19 = vector.load %arg3[%get3A_17, %get3A_18] : memref<1x64xf32, #tpu.memory_space<vmem>>, vector<1x64xf32>
    %add3A_20 = vector.broadcast %get3A_19 : vector<1x64xf32> to vector<10000x64xf32>
    %add3A_21 = arith.addf %mul3A_16, %add3A_20 : vector<10000x64xf32>
    %reduce_max3A = arith.constant dense<0xFF800000> : vector<10000xf32>
    %reduce_max3A_22 = vector.multi_reduction <maximumf>, %add3A_21, %reduce_max3A [1] : vector<10000x64xf32> to vector<10000xf32>
    %broadcast_in_dim3A = vector.shape_cast %reduce_max3A_22 : vector<10000xf32> to vector<10000x1xf32>
    %sub3A = vector.broadcast %broadcast_in_dim3A : vector<10000x1xf32> to vector<10000x64xf32>
    %sub3A_23 = arith.subf %add3A_21, %sub3A : vector<10000x64xf32>
    %exp3A = math.exp %sub3A_23 : vector<10000x64xf32>
    %reduce_sum3A = arith.constant dense<0.000000e+00> : vector<10000xf32>
    %reduce_sum3A_24 = vector.multi_reduction <add>, %exp3A, %reduce_sum3A [1] : vector<10000x64xf32> to vector<10000xf32>
    %broadcast_in_dim3A_25 = vector.shape_cast %reduce_sum3A_24 : vector<10000xf32> to vector<10000x1xf32>
    %log3A = math.log %broadcast_in_dim3A_25 : vector<10000x1xf32>
    %sub3A_26 = vector.broadcast %broadcast_in_dim3A : vector<10000x1xf32> to vector<10000x64xf32>
    %sub3A_27 = arith.subf %add3A_21, %sub3A_26 : vector<10000x64xf32>
    %sub3A_28 = vector.broadcast %log3A : vector<10000x1xf32> to vector<10000x64xf32>
    %sub3A_29 = arith.subf %sub3A_27, %sub3A_28 : vector<10000x64xf32>
    %swap3A = arith.constant 0 : index
    %swap3A_30 = arith.constant 0 : index
    %swap3A_31 = vector.load %arg4[%swap3A, %swap3A_30] : memref<10000x64xf32, #tpu.memory_space<vmem>>, vector<10000x64xf32>
    tpu.vector_store %arg4[%swap3A, %swap3A_30], %sub3A_29 {strides = array<i32>} : memref<10000x64xf32, #tpu.memory_space<vmem>>, vector<10000x64xf32>,
    return
  }
}

</mosaic_0001>

<sc_bundles>
// kernel: kernel.13.cloned.1.call-start
scs
__scs_entry_jumppad:
0x0: {  	(pc) =	sbr.rel $0x88, $3  }
0x1: {  	(tag) =	ssettag $0x0;
	lr =	simm.s32 $0x1  }
0x2: {  	[smem:$0x3F9B] =	sst lr;
	_ =	strace $0xD0000000  }
0x3: {  	_ = 	snop  }
0x4: {  	_ = 	snop  }
0x5: {  	_ = 	snop  }
0x6: {  	_ = 	snop  }
0x7: {  	_ = 	snop  }
__scs_overlays_trampoline_lowered:
0x8: {  	[smem:$0x3FAA] =	sst s0  }
0x9: {  	[smem:$0x3FAB] =	sst s1  }
0xa: {  	[smem:$0x3FAC] =	sst s2  }
0xb: {  	[smem:$0x3FAD] =	sst s3  }
0xc: {  	[smem:$0x3FAE] =	sst s4  }
0xd: {  	[smem:$0x3FAF] =	sst s5  }
0xe: {  	[smem:$0x3FB0] =	sst s6  }
0xf: {  	[smem:$0x3FB1] =	sst s7  }
0x10: {  	[smem:$0x3FB2] =	sst s8  }
0x11: {  	[smem:$0x3FB3] =	sst s9;
	s0 =	simm.s32 @!p0 $0x0  }
0x12: {  	s1 =	sld [smem:$0x3F99];
	s0 =	simm.s32 @p0 $0x1  }
0x13: {  	[smem:$0x3FB4] =	sst s0;
	s0 =	simm.s32 @!p1 $0x0  }
0x14: {  	s2 =	sld [smem:$0x3F98];
	s0 =	simm.s32 @p1 $0x1  }
0x15: {  	[smem:$0x3FB5] =	sst s0;
	s0 =	simm.s32 @!p2 $0x0  }
0x16: {  	s3 =	sld [smem:$0x3FDB];
	s0 =	simm.s32 @p2 $0x1  }
0x17: {  	s4 =	simm.s32 $0x1BF5;
	[smem:$0x3FB7] =	sst s0  }
0x18: {  	s0 =	sld [smem:$0x3F9A];
	_ =	swait.ge [sflag:s4], $0x0  }
0x19: {  	s7 =	sld [smem:$0x3F9B]  }
0x1a: {  	s8 =	sadd.s32 $0xFFFFE003, lr  }
0x1b: {  	s9 =	sadd.s32 $0xFFFFFEF7, lr;
	s5 =	simm.s32 $0xFFFFFFFF;
	p2 =	slt.u32 s8, $0xFFFFF086  }
0x1c: {  	p1 =	slt.u32 s9, $0xF7A;
	s5 =	simm.s32 @!p2 $0x0  }
0x1d: {  	s5 =	simm.s32 @p1 $0x1;
	p0 =	seq.s32 s7, s2  }
0x1e: {  	s7 =	smul.u32 @!p0 $0xF7A, s2;
	p2 =	seq.s32 @!p0 s5, $0x0  }
0x1f: {  	s9 =	smul.u32 $0xF7A, s1;
	s8 =	simm.s32 @!p0 $0x1BF5;
	p2 =	por !p2, p0  }
0x20: {  	[sflag:s8] =	ssyncset.s32 @!p0 $0xFFFFF086;
	s6 =	sadd.s32 @!p0 s3, s7;
	s7 =	simm.s32 @!p0 $0x108  }
0x21: {  	s3 =	sadd.s32 s3, s9;
	s6 =	sadd.s32 @!p0 $0x88, s6;
	s7 =	simm.s32 @p2 $0x1082  }
0x22: {  	[simem:s7], [sflag:s8] =	dma.local @!p0 [hbm:s6], $0xF7A  }
0x23: {  	s9 =	sor.u32 $0xD0000000, s2;
	s6 =	simm.s32 $0x108;
	_ =	swait.ge @!p0 [sflag:s8], $0x0  }
0x24: {  	s3 =	sadd.s32 $0x88, s3;
	s6 =	simm.s32 @!p1 $0x1082;
	[sflag:s4] =	ssyncset.s32 $0xFFFFF086  }
0x25: {  	[simem:s6], [sflag:s4] =	dma.local [hbm:s3], $0xF7A  }
0x26: {  	[smem:$0x3F9B] =	sst s1;
	(tag) =	ssettag s2;
	_ =	strace s9  }
0x27: {  	s1 =	sld [smem:$0x3FAB]  }
0x28: {  	s2 =	sld [smem:$0x3FAC]  }
0x29: {  	s4 =	sld [smem:$0x3FAE]  }
0x2a: {  	p0 =	seq.s32 s5, $0x0;
	s5 =	sld [smem:$0x3FAF]  }
0x2b: {  	s6 =	sld [smem:$0x3FB0]  }
0x2c: {  	s7 =	sld [smem:$0x3FB1]  }
0x2d: {  	s3 =	simm.s32 $0x108;
	s8 =	sld [smem:$0x3FB2]  }
0x2e: {  	s3 =	simm.s32 @!p0 $0x1082;
	s9 =	sld [smem:$0x3FB3]  }
0x2f: {  	lr =	sadd.s32 s0, s3;
	s0 =	sld [smem:$0x3FAA]  }
0x30: {  	s3 =	sld [smem:$0x3FAD]  }
0x31: {  	[smem:$0x3FB6] =	sst s10  }
0x32: {  	s10 =	sld [smem:$0x3FB4];
	_ =	sdelay $0x3  }
0x33: {  	p0 =	seq.s32 s10, $0x1;
	s10 =	sld [smem:$0x3FB6];
	_ =	sdelay $0x3  }
0x34: {  	[smem:$0x3FB6] =	sst s10  }
0x35: {  	s10 =	sld [smem:$0x3FB5];
	_ =	sdelay $0x3  }
0x36: {  	p1 =	seq.s32 s10, $0x1;
	s10 =	sld [smem:$0x3FB6];
	_ =	sdelay $0x3  }
0x37: {  	[smem:$0x3FB6] =	sst s10  }
0x38: {  	s10 =	sld [smem:$0x3FB7]  }
0x39: {  	_ = 	snop;
	(pc) =	sbr.ind lr, $3  }
0x3a: {  	_ = 	snop  }
0x3b: {  	_ = 	snop  }
0x3c: {  	p2 =	seq.s32 s10, $0x1;
	s10 =	sld [smem:$0x3FB6]  }
0x3d: {  	_ =	shalt  }
0x3e: {  	_ =	shalt  }
0x3f: {  	_ =	shalt  }
0x40: {  	_ =	shalt  }
0x41: {  	_ =	shalt  }
0x42: {  	_ =	shalt  }
0x43: {  	_ =	shalt  }
0x44: {  	_ =	shalt  }
0x45: {  	_ =	shalt  }
0x46: {  	_ =	shalt  }
0x47: {  	_ =	shalt  }
0x48: {  	_ =	shalt  }
0x49: {  	_ =	shalt  }
0x4a: {  	_ =	shalt  }
0x4b: {  	_ =	shalt  }
0x4c: {  	_ =	shalt  }
0x4d: {  	_ =	shalt  }
0x4e: {  	_ =	shalt  }
0x4f: {  	_ =	shalt  }
0x50: {  	_ =	shalt  }
0x51: {  	_ =	shalt  }
0x52: {  	_ =	shalt  }
0x53: {  	_ =	shalt  }
0x54: {  	_ =	shalt  }
0x55: {  	_ =	shalt  }
0x56: {  	_ =	shalt  }
0x57: {  	_ =	shalt  }
0x58: {  	_ =	shalt  }
0x59: {  	_ =	shalt  }
0x5a: {  	_ =	shalt  }
0x5b: {  	_ =	shalt  }
0x5c: {  	_ =	shalt  }
0x5d: {  	_ =	shalt  }
0x5e: {  	_ =	shalt  }
0x5f: {  	_ =	shalt  }
0x60: {  	_ =	shalt  }
0x61: {  	_ =	shalt  }
0x62: {  	_ =	shalt  }
0x63: {  	_ =	shalt  }
0x64: {  	_ =	shalt  }
0x65: {  	_ =	shalt  }
0x66: {  	_ =	shalt  }
0x67: {  	_ =	shalt  }
0x68: {  	_ =	shalt  }
0x69: {  	_ =	shalt  }
0x6a: {  	_ =	shalt  }
0x6b: {  	_ =	shalt  }
0x6c: {  	_ =	shalt  }
0x6d: {  	_ =	shalt  }
0x6e: {  	_ =	shalt  }
0x6f: {  	_ =	shalt  }
0x70: {  	_ =	shalt  }
0x71: {  	_ =	shalt  }
0x72: {  	_ =	shalt  }
0x73: {  	_ =	shalt  }
0x74: {  	_ =	shalt  }
0x75: {  	_ =	shalt  }
0x76: {  	_ =	shalt  }
0x77: {  	_ =	shalt  }
0x78: {  	_ =	shalt  }
0x79: {  	_ =	shalt  }
0x7a: {  	_ =	shalt  }
0x7b: {  	_ =	shalt  }
0x7c: {  	_ =	shalt  }
0x7d: {  	_ =	shalt  }
0x7e: {  	_ =	shalt  }
0x7f: {  	_ =	shalt  }
0x80: {  	_ =	shalt  }
0x81: {  	_ =	shalt  }
0x82: {  	_ =	shalt  }
0x83: {  	_ =	shalt  }
0x84: {  	_ =	shalt  }
0x85: {  	_ =	shalt  }
0x86: {  	_ =	shalt  }
0x87: {  	_ =	shalt  }
.Lfunc_end0:
.L_simem_size_0:
called_computation_lowered:
.L_overlay_start_0:
0x88: {  	s2 =	sld [smem:$0x3FD9]  }
0x89: {  	s3 =	sld [smem:$0x3FFE];
	_ =	sdelay $0x1  }
0x8a: {  	s1 =	srdreg.scid  }
0x8b: {  	s0 =	sand.u32 $0x1, s1  }
0x8c: {  	s17 =	sshll.u32 s0, $0xA;
	s2 =	sadd.s32 s3, s2  }
0x8d: {  	s2 =	sadd.s32 s2, s17  }
0x8e: {  	[smem:$0x3FC2] =	sst s2  }
0x8f: {  	_ = 	snop  }
0x90: {  	s2 =	sld [smem:$0x3FD0];
	(tm) =	ssettm $0x1  }
0x91: {  	s18 =	sld [smem:$0x3FFB];
	_ =	sdelay $0x3  }
0x92: {  	_ =	strace s18  }
0x93: {  	s3 =	sld [smem:$0x3FFC];
	_ =	sdelay $0x3  }
0x94: {  	_ =	strace s3  }
0x95: {  	s3 =	sld [smem:$0x3FFD];
	_ =	sdelay $0x3  }
0x96: {  	_ =	strace s3  }
0x97: {  	_ =	strace $0x8FFFFFFF  }
0x98: {  	s19 =	sld [smem:$0x3FDB];
	_ =	sdelay $0x1  }
0x99: {  	s4 =	simm.s32 $_scs_section_size  }
0x9a: {  	s5 =	simm.s32 $_size__tile_overlayer_lowered;
	s6 =	simm.s32 $_tile_overlayer_lowered  }
0x9b: {  	s22 =	simm.s32 $0x1BFF;
	s21 =	sshll.u32 s6, $0x1;
	s3 =	sadd.s32 s4, s19  }
0x9c: {  	s7 =	simm.s32 $0x0;
	s20 =	sshll.u32 s5, $0x1;
	s5 =	sadd.s32 s21, s3  }
0x9d: {  	[timem:s7], [sflag:s22] =	dma.local [hbm:s5], s20  }
0x9e: {  	_ =	swait.ge [sflag:s22], s20  }
0x9f: {  	s4 =	ssub.s32 $0x0, s20;
	[sflag:s22] =	ssyncset.done $0x0  }
0xa0: {  	[sflag:s22] =	ssyncadd.s32 s4;
	_ =	sdelay $0x1  }
0xa1: {  	s23 =	simm.s32 $0x1B8B  }
0xa2: {  	_ =	swait.ge [sflag:s23], $0x1  }
0xa3: {  	[sflag:s23] =	ssyncset.done $0x0  }
0xa4: {  	s25 =	simm.s32 $0x1B8E;
	s24 =	sld [smem:$0x3FFE];
	[sflag:s23] =	ssyncadd.s32 $0xFFFFFFFF  }
0xa5: {  	s26 =	simm.s32 $execute0_lowered;
	[smem:$0x3FD2] =	sst s25  }
0xa6: {  	s5 =	sshll.u32 s26, $0x1;
	_ =	strace $0x80000046;
	[dreg:$0x1] =	wrdreg $0xFFFFFFFF  }
0xa7: {  	s28 =	simm.s32 $_size_execute0_lowered;
	s3 =	sadd.s32 s3, s5;
	[dreg:$0x0] =	wrdreg $0x0  }
0xa8: {  	s5 =	sshll.u32 s28, $0x1;
	[dreg:$0x2] =	wrdreg s3  }
0xa9: {  	[dreg:$0x3] =	wrdreg s5  }
0xaa: {  	[dreg:$0x4] =	wrdreg $0xC0  }
0xab: {  	_ =	task [dreg:s7], $0x5FFFF  }
0xac: {  	[dreg:$0x1] =	wrdreg $0xFFFFFFFF  }
0xad: {  	[dreg:$0x0] =	wrdreg $0x60  }
0xae: {  	[dreg:$0x2] =	wrdreg s2  }
0xaf: {  	[dreg:$0x3] =	wrdreg s24  }
0xb0: {  	[dreg:$0x4] =	wrdreg $0x2C100  }
0xb1: {  	[dreg:$0x5] =	wrdreg $0x9  }
0xb2: {  	_ =	task.clear_ibuf [dreg:s7], $0x6FFFF;
	_ =	strace $0x90000046  }
0xb3: {  	s29 =	simm.s32 $0x9;
	_ =	strace $0x80000048  }
0xb4: {  	_ =	swait.ge [sflag:s29], $0x1  }
0xb5: {  	[sflag:s29] =	ssyncadd.s32 $0xFFFFFFFF  }
0xb6: {  	_ =	strace $0x90000048  }
0xb7: {  	_ =	sfence  }
0xb8: {  	s30 =	sld [smem:$0x0];
	_ =	sdelay $0x2  }
0xb9: {  	s31 =	sshll.u32 s1, $0xD;
	s1 =	sshrl.u32 s1, $0x2  }
0xba: {  	s3 =	sand.u32 $0x4000, s31;
	s1 =	sadd.s32 s1, s30  }
0xbb: {  	s0 =	sor.u32 s3, s0;
	s1 =	sshll.u32 s1, $0x11  }
0xbc: {  	s0 =	sor.u32 s1, s0  }
0xbd: {  	s0 =	sadd.s32 $0x8F2B, s0  }
0xbe: {  	[sflag:s0] =	ssyncadd.remote.s32 $0x1  }
0xbf: {  	_ =	sfence.sel $0xFFFF  }
0xc0: {  	[dreg:$0x0] =	wrdreg $0xFFFFFFFF;
	(pc) =	sbr.abs _section_cstart, $3  }
0xc1: {  	[dreg:$0x1] =	wrdreg $0xFFFFFFFF  }
0xc2: {  	_ =	task.clear_ibuf [dreg:s7], $0x2FFFF;
	_ =	strace $0x9FFFFFFF  }
0xc3: {  	(tm) =	ssettm $0x7FFFFFFF  }
tec
execute0_lowered:
.L_overlay_start_1:
0x0: {  	(tag) =	ssettag $0x1  }
0x1: {  	s7 =	rddreg [dreg:$0x0]  }
0x2: {  	s5 =	rddreg [dreg:$0x1]  }
0x3: {  	s1 =	rddreg [dreg:$0x2]  }
0x4: {  	s2 =	srdreg.scid;
	s0 =	rddreg [dreg:$0x3]  }
0x5: {  	s3 =	simm.s32 $0x0;
	s13 =	simm.s32 $0x1;
	s16 =	simm.s32 $0x0  }
0x6: {  	s6 =	sand.u32 $0x1, s2;
	s2 =	stileid.u32;
	[smem:$0x7FF] =	sst s3  }
0x7: {  	s4 =	sadd.s32 $0x3A00, s5;
	s31 =	sadd.s32 $0x9C40, s7;
	s8 =	smul.u32 $0x28000, s6  }
0x8: {  	s9 =	smul.u32 $0xA000, s2;
	_ =	strace $0x80000047;
	s10 =	ssub.s32 $0x2, s6  }
0x9: {  	s6 =	sshll.u32 s6, $0x4;
	s30 =	sshll.u32 s2, $0x6;
	s15 =	smul.u32 $0x2800, s2  }
0xa: {  	s11 =	sshrl.u32 s10, $0x1;
	s12 =	sor.u32 s2, s6;
	s6 =	sor.u32 $0x1C02, s30  }
0xb: {  	s8 =	sadd.s32 s8, s5;
	s9 =	sshrl.u32 s9, $0x2;
	s10 =	ssub.s32 s10, s11  }
0xc: {  	s5 =	sadd.s32 $0x3AA0, s5;
	s12 =	smul.u32 $0x4E2, s12;
	s9 =	sadd.s32 s9, s1  }
0xd: {  	s14 =	sadd.s32 $0x4000, s8;
	s7 =	smax.u32 s10, $0x1;
	s10 =	simm.s32 $0x2710  }
0xe: {  	s8 =	sshrl.u32 s9, $0x3;
	s9 =	simm.s32 $0x2;
	s11 =	sadd.s32 s12, s31  }
0xf: {  	s12 =	simm.s32 $0x50;
	s14 =	sadd.s32 s15, s14;
	s15 =	simm.s32 $0x10  }
.LBB2_1:
0x10: {  	[spmem:s8], [sflag:s6] =	dma.local [hbm:s5], $0x500  }
0x11: {  	_ =	swait.ge [sflag:s9], $0x500  }
0x12: {  	[sflag:s9] =	ssyncset.done $0x0  }
0x13: {  	[sflag:s9] =	ssyncadd.s32 $0xFFFFFB00  }
0x14: {  	[tilespmem:s10], [sflag:$0x2] =	stream.linear.gather [hbm4b:s4+s3], $0x500, $0x38;
	[tilespmem:$0x5410] =	vst v63  }
0x15: {  	_ =	swait.ge [sflag:s9], $0x500  }
0x16: {  	[sflag:s9] =	ssyncset.done $0x0  }
0x17: {  	[sflag:s9] =	ssyncadd.s32 $0xFFFFFB00  }
0x18: {  	[tilespmem:s3], [sflag:$0x2] =	stream.linear.gather [hbm4b:s11+s3], $0x2710, $0x38;
	[tilespmem:$0x5410] =	vst v63  }
0x19: {  	_ =	swait.ge [sflag:s9], $0x2710  }
0x1a: {  	[sflag:s9] =	ssyncset.done $0x0  }
0x1b: {  	[sflag:s9] =	ssyncadd.s32 $0xFFFFD8F0  }
0x1c: {  	s17 =	simm.s32 $0x0;
	[bflag:$0x0] =	sbarrier.arrive $0xFFFF  }
.LBB2_2:
0x1d: {  	p0 =	sne.s32 s17, $0x9B00  }
.Ltmp0:
0x1e: {  	_ = 	snop;
	(pc) =	sbr.rel @p0 .LBB2_2-.Ltmp0, $3  }
0x1f: {  	_ =	sdelay $0x1  }
0x20: {  	s18 =	sshra.s32 s17, $0x2;
	s17 =	sadd.s32 $0x140, s17  }
0x21: {  	[spmem:s1] =	stream.indirect.scatter.add.f32 [tilespmem:s10], [sflag:$0x1], $0x10, s18, s12, $0xb8;
	[tilespmem:$0x5410] =	vst v63  }
0x22: {  	_ =	swait.ge [sflag:s13], $0x500  }
0x23: {  	s17 =	simm.s32 $0x7C;
	[sflag:s13] =	ssyncset.done $0x0  }
.LBB2_4:
0x24: {  	p0 =	sne.s32 s17, $0x1;
	s17 =	sadd.s32 $0xFFFFFFFF, s17;
	[sflag:s13] =	ssyncadd.s32 $0xFFFFFB00  }
.Ltmp1:
0x25: {  	(pc) =	sbr.rel @p0 .LBB2_4-.Ltmp1, $3  }
0x26: {  	_ =	sdelay $0x1  }
0x27: {  	_ =	swait.ge [sflag:s13], $0x500  }
0x28: {  	[sflag:s13] =	ssyncset.done $0x0  }
0x29: {  	s16 =	sadd.s32 $0x1, s16  }
0x2a: {  	[sflag:s13] =	ssyncadd.s32 $0xFFFFFB00;
	p0 =	sne.s32 s16, s7  }
.Ltmp2:
0x2b: {  	[bflag:$0x0] =	sbarrier.arrive $0xFFFF;
	(pc) =	sbr.rel @p0 .LBB2_1-.Ltmp2, $4  }
0x2c: {  	[hbm:s14@s15], [sflag:s6] =	dma.strided [spmem:s8@s9], $0x500, s13, $0x2   }
0x2d: {  	_ =	swait.ge [sflag:s9], $0x500  }
0x2e: {  	[sflag:s9] =	ssyncset.done $0x0  }
0x2f: {  	[sflag:s9] =	ssyncadd.s32 $0xFFFFFB00  }
0x30: {  	_ =	sfence.sel $0x180000  }
0x31: {  	[bflag:$0x0] =	sbarrier.arrive $0xFFFF  }
0x32: {  	p0 =	sne.s32 s2, $0x0;
	_ =	strace $0x90000047  }
0x33: {  	s0 =	sadd.s32 @!p0 $0x100000, s0;
	[bflag:$0x2] =	sbarrier.arrive $0xFFFF  }
0x34: {  	[sflag:s0] =	ssyncadd.tile.s32 @!p0 $0x1;
	_ =	shalt  }
.Lfunc_end2:
_tile_overlayer_lowered:
.L_overlay_start_2:
0x35: {  	(tag) =	ssettag $0x2  }
0x36: {  	s0 =	rddreg [dreg:$0x0];
	s2 =	stileid.u32  }
0x37: {  	s1 =	rddreg [dreg:$0x1];
	p0 =	sne.s32 s2, $0x0  }
0x38: {  	s3 =	rddreg [dreg:$0x2];
	[bflag:$0x3] =	sbarrier.arrive $0xFFFF;
	s2 =	simm.s32 @!p0 $0x1C02  }
0x39: {  	[timem:s3], [sflag:s2] =	dma.local @!p0 [hbm:s0], s1  }
0x3a: {  	s0 =	simm.s32 @!p0 $0x2  }
0x3b: {  	_ =	swait.ge @!p0 [sflag:s0], s1  }
0x3c: {  	s1 =	ssub.s32 @!p0 $0x0, s1;
	[sflag:s0] =	ssyncset.done @!p0 $0x0  }
0x3d: {  	[sflag:s0] =	ssyncadd.s32 @!p0 s1  }
0x3e: {  	[bflag:$0x3] =	sbarrier.arrive $0xFFFF  }
0x3f: {  	_ =	shalt  }

// kernel: kernel.16.cloned.1.call-start
scs
__scs_entry_jumppad:
0x0: {  	(pc) =	sbr.rel $0x88, $3  }
0x1: {  	(tag) =	ssettag $0x0;
	lr =	simm.s32 $0x1  }
0x2: {  	[smem:$0x3F9B] =	sst lr;
	_ =	strace $0xD0000000  }
0x3: {  	_ = 	snop  }
0x4: {  	_ = 	snop  }
0x5: {  	_ = 	snop  }
0x6: {  	_ = 	snop  }
0x7: {  	_ = 	snop  }
__scs_overlays_trampoline_lowered:
0x8: {  	[smem:$0x3FAA] =	sst s0  }
0x9: {  	[smem:$0x3FAB] =	sst s1  }
0xa: {  	[smem:$0x3FAC] =	sst s2  }
0xb: {  	[smem:$0x3FAD] =	sst s3  }
0xc: {  	[smem:$0x3FAE] =	sst s4  }
0xd: {  	[smem:$0x3FAF] =	sst s5  }
0xe: {  	[smem:$0x3FB0] =	sst s6  }
0xf: {  	[smem:$0x3FB1] =	sst s7  }
0x10: {  	[smem:$0x3FB2] =	sst s8  }
0x11: {  	[smem:$0x3FB3] =	sst s9;
	s0 =	simm.s32 @!p0 $0x0  }
0x12: {  	s1 =	sld [smem:$0x3F99];
	s0 =	simm.s32 @p0 $0x1  }
0x13: {  	[smem:$0x3FB4] =	sst s0;
	s0 =	simm.s32 @!p1 $0x0  }
0x14: {  	s2 =	sld [smem:$0x3F98];
	s0 =	simm.s32 @p1 $0x1  }
0x15: {  	[smem:$0x3FB5] =	sst s0;
	s0 =	simm.s32 @!p2 $0x0  }
0x16: {  	s3 =	sld [smem:$0x3FDB];
	s0 =	simm.s32 @p2 $0x1  }
0x17: {  	s4 =	simm.s32 $0x1BF5;
	[smem:$0x3FB7] =	sst s0  }
0x18: {  	s0 =	sld [smem:$0x3F9A];
	_ =	swait.ge [sflag:s4], $0x0  }
0x19: {  	s7 =	sld [smem:$0x3F9B]  }
0x1a: {  	s8 =	sadd.s32 $0xFFFFE003, lr  }
0x1b: {  	s9 =	sadd.s32 $0xFFFFFEF7, lr;
	s5 =	simm.s32 $0xFFFFFFFF;
	p2 =	slt.u32 s8, $0xFFFFF086  }
0x1c: {  	p1 =	slt.u32 s9, $0xF7A;
	s5 =	simm.s32 @!p2 $0x0  }
0x1d: {  	s5 =	simm.s32 @p1 $0x1;
	p0 =	seq.s32 s7, s2  }
0x1e: {  	s7 =	smul.u32 @!p0 $0xF7A, s2;
	p2 =	seq.s32 @!p0 s5, $0x0  }
0x1f: {  	s9 =	smul.u32 $0xF7A, s1;
	s8 =	simm.s32 @!p0 $0x1BF5;
	p2 =	por !p2, p0  }
0x20: {  	[sflag:s8] =	ssyncset.s32 @!p0 $0xFFFFF086;
	s6 =	sadd.s32 @!p0 s3, s7;
	s7 =	simm.s32 @!p0 $0x108  }
0x21: {  	s3 =	sadd.s32 s3, s9;
	s6 =	sadd.s32 @!p0 $0x88, s6;
	s7 =	simm.s32 @p2 $0x1082  }
0x22: {  	[simem:s7], [sflag:s8] =	dma.local @!p0 [hbm:s6], $0xF7A  }
0x23: {  	s9 =	sor.u32 $0xD0000000, s2;
	s6 =	simm.s32 $0x108;
	_ =	swait.ge @!p0 [sflag:s8], $0x0  }
0x24: {  	s3 =	sadd.s32 $0x88, s3;
	s6 =	simm.s32 @!p1 $0x1082;
	[sflag:s4] =	ssyncset.s32 $0xFFFFF086  }
0x25: {  	[simem:s6], [sflag:s4] =	dma.local [hbm:s3], $0xF7A  }
0x26: {  	[smem:$0x3F9B] =	sst s1;
	(tag) =	ssettag s2;
	_ =	strace s9  }
0x27: {  	s1 =	sld [smem:$0x3FAB]  }
0x28: {  	s2 =	sld [smem:$0x3FAC]  }
0x29: {  	s4 =	sld [smem:$0x3FAE]  }
0x2a: {  	p0 =	seq.s32 s5, $0x0;
	s5 =	sld [smem:$0x3FAF]  }
0x2b: {  	s6 =	sld [smem:$0x3FB0]  }
0x2c: {  	s7 =	sld [smem:$0x3FB1]  }
0x2d: {  	s3 =	simm.s32 $0x108;
	s8 =	sld [smem:$0x3FB2]  }
0x2e: {  	s3 =	simm.s32 @!p0 $0x1082;
	s9 =	sld [smem:$0x3FB3]  }
0x2f: {  	lr =	sadd.s32 s0, s3;
	s0 =	sld [smem:$0x3FAA]  }
0x30: {  	s3 =	sld [smem:$0x3FAD]  }
0x31: {  	[smem:$0x3FB6] =	sst s10  }
0x32: {  	s10 =	sld [smem:$0x3FB4];
	_ =	sdelay $0x3  }
0x33: {  	p0 =	seq.s32 s10, $0x1;
	s10 =	sld [smem:$0x3FB6];
	_ =	sdelay $0x3  }
0x34: {  	[smem:$0x3FB6] =	sst s10  }
0x35: {  	s10 =	sld [smem:$0x3FB5];
	_ =	sdelay $0x3  }
0x36: {  	p1 =	seq.s32 s10, $0x1;
	s10 =	sld [smem:$0x3FB6];
	_ =	sdelay $0x3  }
0x37: {  	[smem:$0x3FB6] =	sst s10  }
0x38: {  	s10 =	sld [smem:$0x3FB7]  }
0x39: {  	_ = 	snop;
	(pc) =	sbr.ind lr, $3  }
0x3a: {  	_ = 	snop  }
0x3b: {  	_ = 	snop  }
0x3c: {  	p2 =	seq.s32 s10, $0x1;
	s10 =	sld [smem:$0x3FB6]  }
0x3d: {  	_ =	shalt  }
0x3e: {  	_ =	shalt  }
0x3f: {  	_ =	shalt  }
0x40: {  	_ =	shalt  }
0x41: {  	_ =	shalt  }
0x42: {  	_ =	shalt  }
0x43: {  	_ =	shalt  }
0x44: {  	_ =	shalt  }
0x45: {  	_ =	shalt  }
0x46: {  	_ =	shalt  }
0x47: {  	_ =	shalt  }
0x48: {  	_ =	shalt  }
0x49: {  	_ =	shalt  }
0x4a: {  	_ =	shalt  }
0x4b: {  	_ =	shalt  }
0x4c: {  	_ =	shalt  }
0x4d: {  	_ =	shalt  }
0x4e: {  	_ =	shalt  }
0x4f: {  	_ =	shalt  }
0x50: {  	_ =	shalt  }
0x51: {  	_ =	shalt  }
0x52: {  	_ =	shalt  }
0x53: {  	_ =	shalt  }
0x54: {  	_ =	shalt  }
0x55: {  	_ =	shalt  }
0x56: {  	_ =	shalt  }
0x57: {  	_ =	shalt  }
0x58: {  	_ =	shalt  }
0x59: {  	_ =	shalt  }
0x5a: {  	_ =	shalt  }
0x5b: {  	_ =	shalt  }
0x5c: {  	_ =	shalt  }
0x5d: {  	_ =	shalt  }
0x5e: {  	_ =	shalt  }
0x5f: {  	_ =	shalt  }
0x60: {  	_ =	shalt  }
0x61: {  	_ =	shalt  }
0x62: {  	_ =	shalt  }
0x63: {  	_ =	shalt  }
0x64: {  	_ =	shalt  }
0x65: {  	_ =	shalt  }
0x66: {  	_ =	shalt  }
0x67: {  	_ =	shalt  }
0x68: {  	_ =	shalt  }
0x69: {  	_ =	shalt  }
0x6a: {  	_ =	shalt  }
0x6b: {  	_ =	shalt  }
0x6c: {  	_ =	shalt  }
0x6d: {  	_ =	shalt  }
0x6e: {  	_ =	shalt  }
0x6f: {  	_ =	shalt  }
0x70: {  	_ =	shalt  }
0x71: {  	_ =	shalt  }
0x72: {  	_ =	shalt  }
0x73: {  	_ =	shalt  }
0x74: {  	_ =	shalt  }
0x75: {  	_ =	shalt  }
0x76: {  	_ =	shalt  }
0x77: {  	_ =	shalt  }
0x78: {  	_ =	shalt  }
0x79: {  	_ =	shalt  }
0x7a: {  	_ =	shalt  }
0x7b: {  	_ =	shalt  }
0x7c: {  	_ =	shalt  }
0x7d: {  	_ =	shalt  }
0x7e: {  	_ =	shalt  }
0x7f: {  	_ =	shalt  }
0x80: {  	_ =	shalt  }
0x81: {  	_ =	shalt  }
0x82: {  	_ =	shalt  }
0x83: {  	_ =	shalt  }
0x84: {  	_ =	shalt  }
0x85: {  	_ =	shalt  }
0x86: {  	_ =	shalt  }
0x87: {  	_ =	shalt  }
.Lfunc_end0:
.L_simem_size_0:
called_computation.1_lowered:
.L_overlay_start_0:
0x88: {  	s2 =	sld [smem:$0x3FD9]  }
0x89: {  	s3 =	sld [smem:$0x3FFE];
	_ =	sdelay $0x1  }
0x8a: {  	s1 =	srdreg.scid  }
0x8b: {  	s0 =	sand.u32 $0x1, s1  }
0x8c: {  	s17 =	sshll.u32 s0, $0xA;
	s2 =	sadd.s32 s3, s2  }
0x8d: {  	s2 =	sadd.s32 s2, s17  }
0x8e: {  	[smem:$0x3FC2] =	sst s2  }
0x8f: {  	_ = 	snop  }
0x90: {  	s2 =	sld [smem:$0x3FD0];
	(tm) =	ssettm $0x1  }
0x91: {  	s18 =	sld [smem:$0x3FFB];
	_ =	sdelay $0x3  }
0x92: {  	_ =	strace s18  }
0x93: {  	s3 =	sld [smem:$0x3FFC];
	_ =	sdelay $0x3  }
0x94: {  	_ =	strace s3  }
0x95: {  	s3 =	sld [smem:$0x3FFD];
	_ =	sdelay $0x3  }
0x96: {  	_ =	strace s3  }
0x97: {  	_ =	strace $0x8FFFFFFF  }
0x98: {  	s19 =	sld [smem:$0x3FDB];
	_ =	sdelay $0x1  }
0x99: {  	s4 =	simm.s32 $_scs_section_size  }
0x9a: {  	s5 =	simm.s32 $_size__tile_overlayer_lowered;
	s6 =	simm.s32 $_tile_overlayer_lowered  }
0x9b: {  	s22 =	simm.s32 $0x1BFF;
	s21 =	sshll.u32 s6, $0x1;
	s3 =	sadd.s32 s4, s19  }
0x9c: {  	s7 =	simm.s32 $0x0;
	s20 =	sshll.u32 s5, $0x1;
	s5 =	sadd.s32 s21, s3  }
0x9d: {  	[timem:s7], [sflag:s22] =	dma.local [hbm:s5], s20  }
0x9e: {  	_ =	swait.ge [sflag:s22], s20  }
0x9f: {  	s4 =	ssub.s32 $0x0, s20;
	[sflag:s22] =	ssyncset.done $0x0  }
0xa0: {  	[sflag:s22] =	ssyncadd.s32 s4;
	_ =	sdelay $0x1  }
0xa1: {  	s23 =	simm.s32 $0x1B8B  }
0xa2: {  	_ =	swait.ge [sflag:s23], $0x1  }
0xa3: {  	[sflag:s23] =	ssyncset.done $0x0  }
0xa4: {  	s25 =	simm.s32 $0x1B8E;
	s24 =	sld [smem:$0x3FFE];
	[sflag:s23] =	ssyncadd.s32 $0xFFFFFFFF  }
0xa5: {  	s26 =	simm.s32 $execute0_lowered;
	[smem:$0x3FD2] =	sst s25  }
0xa6: {  	s5 =	sshll.u32 s26, $0x1;
	_ =	strace $0x80000049;
	[dreg:$0x1] =	wrdreg $0xFFFFFFFF  }
0xa7: {  	s28 =	simm.s32 $_size_execute0_lowered;
	s3 =	sadd.s32 s3, s5;
	[dreg:$0x0] =	wrdreg $0x0  }
0xa8: {  	s5 =	sshll.u32 s28, $0x1;
	[dreg:$0x2] =	wrdreg s3  }
0xa9: {  	[dreg:$0x3] =	wrdreg s5  }
0xaa: {  	[dreg:$0x4] =	wrdreg $0xC0  }
0xab: {  	_ =	task [dreg:s7], $0x5FFFF  }
0xac: {  	[dreg:$0x1] =	wrdreg $0xFFFFFFFF  }
0xad: {  	[dreg:$0x0] =	wrdreg $0x60  }
0xae: {  	[dreg:$0x2] =	wrdreg s24  }
0xaf: {  	[dreg:$0x3] =	wrdreg s2  }
0xb0: {  	[dreg:$0x4] =	wrdreg $0x27100  }
0xb1: {  	[dreg:$0x5] =	wrdreg $0x9  }
0xb2: {  	_ =	task.clear_ibuf [dreg:s7], $0x6FFFF;
	_ =	strace $0x90000049  }
0xb3: {  	s29 =	simm.s32 $0x9;
	_ =	strace $0x8000004B  }
0xb4: {  	_ =	swait.ge [sflag:s29], $0x1  }
0xb5: {  	[sflag:s29] =	ssyncadd.s32 $0xFFFFFFFF  }
0xb6: {  	_ =	strace $0x9000004B  }
0xb7: {  	_ =	sfence  }
0xb8: {  	s30 =	sld [smem:$0x0];
	_ =	sdelay $0x2  }
0xb9: {  	s31 =	sshll.u32 s1, $0xD;
	s1 =	sshrl.u32 s1, $0x2  }
0xba: {  	s3 =	sand.u32 $0x4000, s31;
	s1 =	sadd.s32 s1, s30  }
0xbb: {  	s0 =	sor.u32 s3, s0;
	s1 =	sshll.u32 s1, $0x11  }
0xbc: {  	s0 =	sor.u32 s1, s0  }
0xbd: {  	s0 =	sadd.s32 $0x8F2B, s0  }
0xbe: {  	[sflag:s0] =	ssyncadd.remote.s32 $0x1  }
0xbf: {  	_ =	sfence.sel $0xFFFF  }
0xc0: {  	[dreg:$0x0] =	wrdreg $0xFFFFFFFF;
	(pc) =	sbr.abs _section_cstart, $3  }
0xc1: {  	[dreg:$0x1] =	wrdreg $0xFFFFFFFF  }
0xc2: {  	_ =	task.clear_ibuf [dreg:s7], $0x2FFFF;
	_ =	strace $0x9FFFFFFF  }
0xc3: {  	(tm) =	ssettm $0x7FFFFFFF  }
tec
execute0_lowered:
.L_overlay_start_1:
0x0: {  	(tag) =	ssettag $0x1  }
0x1: {  	s0 =	rddreg [dreg:$0x0]  }
0x2: {  	s3 =	rddreg [dreg:$0x1]  }
0x3: {  	s1 =	rddreg [dreg:$0x2];
	s2 =	simm.s32 $0x0  }
0x4: {  	s5 =	srdreg.scid;
	s11 =	stileid.u32;
	s12 =	simm.s32 $0x16710  }
0x5: {  	s14 =	simm.s32 $0x1DF10;
	s15 =	simm.s32 $0x18F10;
	s17 =	simm.s32 $0x1DF60  }
0x6: {  	s19 =	simm.s32 $0x1B710;
	s21 =	simm.s32 $0x1DFB0;
	s22 =	simm.s32 $0x1  }
0x7: {  	s23 =	simm.s32 $0x4;
	s25 =	simm.s32 $0x2;
	s28 =	simm.s32 $0x3  }
0x8: {  	s29 =	simm.s32 $0x6;
	[smem:$0x7FF] =	sst s2;
	s4 =	sadd.s32 $0x3A00, s0  }
0x9: {  	s5 =	sand.u32 $0x1, s5;
	s9 =	smul.u32 $0x14000, s11;
	s26 =	sadd.s32 $0x53A00, s0  }
0xa: {  	s30 =	sshll.u32 s11, $0x6;
	_ =	strace $0x8000004A;
	s6 =	smul.u32 $0x28000, s5  }
0xb: {  	s7 =	sshll.u32 s5, $0x4;
	s8 =	ssub.s32 $0x2, s5;
	[dreg:$0x4] =	wrdreg s26  }
0xc: {  	s26 =	simm.s32 $0x5;
	s7 =	sor.u32 s11, s7;
	s10 =	sshrl.u32 s8, $0x1  }
0xd: {  	s31 =	sadd.s32 s9, s1;
	s18 =	sshrl.u32 s9, $0x3;
	s11 =	simm.s32 $0x50  }
0xe: {  	s13 =	smul.u32 $0x4E2, s7;
	s0 =	sadd.s32 s6, s0;
	s8 =	ssub.s32 s8, s10  }
0xf: {  	s6 =	sor.u32 $0x1C07, s30;
	s9 =	sshrl.u32 s31, $0x3;
	s10 =	simm.s32 $0x7  }
0x10: {  	s0 =	sadd.s32 $0x56200, s0;
	s7 =	sadd.s32 s3, s13;
	s3 =	sadd.s32 $0x9C40, s3  }
0x11: {  	s8 =	smax.u32 s8, $0x1;
	s24 =	sadd.s32 s18, s0;
	s13 =	sadd.s32 s13, s3  }
0x12: {  	s0 =	simm.s32 $0x0;
	s16 =	sadd.s32 $0xA, s13;
	s20 =	sadd.s32 $0x14, s13  }
.LBB2_1:
0x13: {  	s3 =	rddreg [dreg:$0x4]  }
0x14: {  	[spmem:s9], [sflag:s6] =	dma.local [hbm:s3], $0x2800  }
0x15: {  	_ =	swait.ge [sflag:s10], $0x2800  }
0x16: {  	[sflag:s10] =	ssyncset.done $0x0  }
0x17: {  	[sflag:s10] =	ssyncadd.s32 $0xFFFFD800  }
0x18: {  	[tilespmem:s2], [sflag:$0x7] =	stream.linear.gather [hbm4b:s7+s2], $0x2710, $0x38;
	[tilespmem:$0x1E000] =	vst v63  }
0x19: {  	_ =	swait.ge [sflag:s10], $0x2710  }
0x1a: {  	[sflag:s10] =	ssyncset.done $0x0  }
0x1b: {  	[sflag:s10] =	ssyncadd.s32 $0xFFFFD8F0  }
0x1c: {  	[bflag:$0x0] =	sbarrier.arrive $0xFFFF  }
0x1d: {  	[tilespmem:s12], [sflag:$0x1] =	stream.indirect.gather [hbm4b:s4+s11], $0x80, s2, s11, $0xb8;
	[tilespmem:$0x1E000] =	vst v63  }
0x1e: {  	_ = 	snop  }
0x1f: {  	[tilespmem:s14], [sflag:$0x4] =	stream.linear.gather [hbm4b:s13+s2], $0x50, $0x38;
	[tilespmem:$0x1E000] =	vst v63  }
0x20: {  	_ = 	snop  }
0x21: {  	[tilespmem:s15], [sflag:$0x2] =	stream.indirect.gather [hbm4b:s4+s11], $0x80, s11, s11, $0xb8;
	[tilespmem:$0x1E000] =	vst v63  }
0x22: {  	_ = 	snop  }
0x23: {  	[tilespmem:s17], [sflag:$0x5] =	stream.linear.gather [hbm4b:s16+s2], $0x50, $0x38;
	[tilespmem:$0x1E000] =	vst v63  }
0x24: {  	s31 =	simm.s32 $0xA0  }
0x25: {  	[tilespmem:s19], [sflag:$0x3] =	stream.indirect.gather [hbm4b:s4+s11], $0x80, s31, s11, $0xb8;
	[tilespmem:$0x1E000] =	vst v63  }
0x26: {  	_ = 	snop  }
0x27: {  	[tilespmem:s21], [sflag:$0x6] =	stream.linear.gather [hbm4b:s20+s2], $0x50, $0x38;
	[tilespmem:$0x1E000] =	vst v63  }
0x28: {  	_ =	swait.ge [sflag:s22], $0x2800  }
0x29: {  	[sflag:s22] =	ssyncset.done $0x0  }
0x2a: {  	[sflag:s22] =	ssyncadd.s32 $0xFFFFD800  }
0x2b: {  	_ =	swait.ge [sflag:s23], $0x50  }
0x2c: {  	[sflag:s23] =	ssyncset.done $0x0  }
0x2d: {  	[sflag:s23] =	ssyncadd.s32 $0xFFFFFFB0  }
0x2e: {  	[spmem:s1] =	stream.indirect.scatter.add.f32 [tilespmem:s12], [sflag:$0x7], $0x80, s14, s11, $0xb8;
	[tilespmem:$0x1E000] =	vst v63  }
0x2f: {  	_ =	swait.ge [sflag:s10], $0x2800  }
0x30: {  	[sflag:s10] =	ssyncset.done $0x0  }
0x31: {  	s18 =	simm.s32 $0xF0;
	s3 =	sadd.s32 $0x32, s13;
	[sflag:s10] =	ssyncadd.s32 $0xFFFFD800  }
0x32: {  	[tilespmem:s12], [sflag:$0x1] =	stream.indirect.gather [hbm4b:s4+s11], $0x80, s18, s11, $0xb8;
	[tilespmem:$0x1E000] =	vst v63  }
0x33: {  	s5 =	sadd.s32 $0xFFFFFFEC, s3  }
0x34: {  	[tilespmem:s14], [sflag:$0x4] =	stream.linear.gather [hbm4b:s5+s2], $0x50, $0x38;
	[tilespmem:$0x1E000] =	vst v63  }
0x35: {  	_ =	swait.ge [sflag:s25], $0x2800  }
0x36: {  	[sflag:s25] =	ssyncset.done $0x0  }
0x37: {  	[sflag:s25] =	ssyncadd.s32 $0xFFFFD800  }
0x38: {  	_ =	swait.ge [sflag:s26], $0x50  }
0x39: {  	[sflag:s26] =	ssyncset.done $0x0  }
0x3a: {  	[sflag:s26] =	ssyncadd.s32 $0xFFFFFFB0  }
0x3b: {  	[spmem:s1] =	stream.indirect.scatter.add.f32 [tilespmem:s15], [sflag:$0x7], $0x80, s17, s11, $0xb8;
	[tilespmem:$0x1E000] =	vst v63  }
0x3c: {  	_ =	swait.ge [sflag:s10], $0x2800  }
0x3d: {  	[sflag:s10] =	ssyncset.done $0x0  }
0x3e: {  	s31 =	simm.s32 $0x140;
	[sflag:s10] =	ssyncadd.s32 $0xFFFFD800  }
0x3f: {  	[tilespmem:s15], [sflag:$0x2] =	stream.indirect.gather [hbm4b:s4+s11], $0x80, s31, s11, $0xb8;
	[tilespmem:$0x1E000] =	vst v63  }
0x40: {  	s5 =	sadd.s32 $0xFFFFFFF6, s3  }
0x41: {  	[tilespmem:s17], [sflag:$0x5] =	stream.linear.gather [hbm4b:s5+s2], $0x50, $0x38;
	[tilespmem:$0x1E000] =	vst v63  }
0x42: {  	_ =	swait.ge [sflag:s28], $0x2800  }
0x43: {  	[sflag:s28] =	ssyncset.done $0x0  }
0x44: {  	[sflag:s28] =	ssyncadd.s32 $0xFFFFD800  }
0x45: {  	_ =	swait.ge [sflag:s29], $0x50  }
0x46: {  	[sflag:s29] =	ssyncset.done $0x0  }
0x47: {  	[sflag:s29] =	ssyncadd.s32 $0xFFFFFFB0  }
0x48: {  	[spmem:s1] =	stream.indirect.scatter.add.f32 [tilespmem:s19], [sflag:$0x7], $0x80, s21, s11, $0xb8;
	[tilespmem:$0x1E000] =	vst v63  }
0x49: {  	_ =	swait.ge [sflag:s10], $0x2800  }
0x4a: {  	s30 =	sadd.s32 $0x1E, s3;
	[sflag:s10] =	ssyncset.done $0x0  }
0x4b: {  	s18 =	simm.s32 $0x3C0;
	s31 =	simm.s32 $0x190;
	[sflag:s10] =	ssyncadd.s32 $0xFFFFD800  }
0x4c: {  	[tilespmem:s19], [sflag:$0x3] =	stream.indirect.gather [hbm4b:s4+s11], $0x80, s31, s11, $0xb8;
	[tilespmem:$0x1E000] =	vst v63  }
.LBB2_2:
0x4d: {  	[tilespmem:s21], [sflag:$0x6] =	stream.linear.gather [hbm4b:s3+s2], $0x50, $0x38;
	[tilespmem:$0x1E000] =	vst v63  }
0x4e: {  	s31 =	smov.u32 s18;
	s3 =	smov.u32 s30  }
0x4f: {  	p0 =	sne.s32 s18, $0x9240;
	s18 =	sadd.s32 $0x3C0, s18;
	_ =	swait.ge [sflag:s22], $0x2800  }
0x50: {  	[sflag:s22] =	ssyncset.done $0x0  }
0x51: {  	[sflag:s22] =	ssyncadd.s32 $0xFFFFD800  }
0x52: {  	_ =	swait.ge [sflag:s23], $0x50  }
0x53: {  	[sflag:s23] =	ssyncset.done $0x0  }
0x54: {  	[sflag:s23] =	ssyncadd.s32 $0xFFFFFFB0  }
0x55: {  	[spmem:s1] =	stream.indirect.scatter.add.f32 [tilespmem:s12], [sflag:$0x7], $0x80, s14, s11, $0xb8;
	[tilespmem:$0x1E000] =	vst v63  }
0x56: {  	_ =	swait.ge [sflag:s10], $0x2800  }
0x57: {  	s31 =	sshra.s32 s31, $0x2;
	[sflag:s10] =	ssyncset.done $0x0  }
0x58: {  	s5 =	sadd.s32 $0xF0, s31;
	[sflag:s10] =	ssyncadd.s32 $0xFFFFD800  }
0x59: {  	[tilespmem:s12], [sflag:$0x1] =	stream.indirect.gather [hbm4b:s4+s11], $0x80, s5, s11, $0xb8;
	[tilespmem:$0x1E000] =	vst v63  }
0x5a: {  	s5 =	sadd.s32 $0xFFFFFFEC, s30  }
0x5b: {  	[tilespmem:s14], [sflag:$0x4] =	stream.linear.gather [hbm4b:s5+s2], $0x50, $0x38;
	[tilespmem:$0x1E000] =	vst v63  }
0x5c: {  	_ =	swait.ge [sflag:s25], $0x2800  }
0x5d: {  	[sflag:s25] =	ssyncset.done $0x0  }
0x5e: {  	[sflag:s25] =	ssyncadd.s32 $0xFFFFD800  }
0x5f: {  	_ =	swait.ge [sflag:s26], $0x50  }
0x60: {  	[sflag:s26] =	ssyncset.done $0x0  }
0x61: {  	[sflag:s26] =	ssyncadd.s32 $0xFFFFFFB0  }
0x62: {  	[spmem:s1] =	stream.indirect.scatter.add.f32 [tilespmem:s15], [sflag:$0x7], $0x80, s17, s11, $0xb8;
	[tilespmem:$0x1E000] =	vst v63  }
0x63: {  	_ =	swait.ge [sflag:s10], $0x2800  }
0x64: {  	[sflag:s10] =	ssyncset.done $0x0  }
0x65: {  	s5 =	sadd.s32 $0x140, s31;
	[sflag:s10] =	ssyncadd.s32 $0xFFFFD800  }
0x66: {  	[tilespmem:s15], [sflag:$0x2] =	stream.indirect.gather [hbm4b:s4+s11], $0x80, s5, s11, $0xb8;
	[tilespmem:$0x1E000] =	vst v63  }
0x67: {  	s5 =	sadd.s32 $0xFFFFFFF6, s30  }
0x68: {  	[tilespmem:s17], [sflag:$0x5] =	stream.linear.gather [hbm4b:s5+s2], $0x50, $0x38;
	[tilespmem:$0x1E000] =	vst v63  }
0x69: {  	_ =	swait.ge [sflag:s28], $0x2800  }
0x6a: {  	[sflag:s28] =	ssyncset.done $0x0  }
0x6b: {  	[sflag:s28] =	ssyncadd.s32 $0xFFFFD800  }
0x6c: {  	_ =	swait.ge [sflag:s29], $0x50  }
0x6d: {  	[sflag:s29] =	ssyncset.done $0x0  }
0x6e: {  	[sflag:s29] =	ssyncadd.s32 $0xFFFFFFB0  }
0x6f: {  	[spmem:s1] =	stream.indirect.scatter.add.f32 [tilespmem:s19], [sflag:$0x7], $0x80, s21, s11, $0xb8;
	[tilespmem:$0x1E000] =	vst v63  }
.Ltmp0:
0x70: {  	_ =	swait.ge [sflag:s10], $0x2800;
	(pc) =	sbr.rel @p0 .LBB2_2-.Ltmp0, $4  }
0x71: {  	[sflag:s10] =	ssyncset.done $0x0  }
0x72: {  	s5 =	sadd.s32 $0x190, s31;
	[sflag:s10] =	ssyncadd.s32 $0xFFFFD800  }
0x73: {  	[tilespmem:s19], [sflag:$0x3] =	stream.indirect.gather [hbm4b:s4+s11], $0x80, s5, s11, $0xb8;
	[tilespmem:$0x1E000] =	vst v63  }
0x74: {  	s30 =	sadd.s32 $0x1E, s30  }
0x75: {  	[tilespmem:s21], [sflag:$0x6] =	stream.linear.gather [hbm4b:s3+s2], $0x50, $0x38;
	[tilespmem:$0x1E000] =	vst v63  }
0x76: {  	_ =	swait.ge [sflag:s22], $0x2800  }
0x77: {  	[sflag:s22] =	ssyncset.done $0x0  }
0x78: {  	[sflag:s22] =	ssyncadd.s32 $0xFFFFD800  }
0x79: {  	_ =	swait.ge [sflag:s23], $0x50  }
0x7a: {  	[sflag:s23] =	ssyncset.done $0x0  }
0x7b: {  	[sflag:s23] =	ssyncadd.s32 $0xFFFFFFB0  }
0x7c: {  	[spmem:s1] =	stream.indirect.scatter.add.f32 [tilespmem:s12], [sflag:$0x7], $0x80, s14, s11, $0xb8;
	[tilespmem:$0x1E000] =	vst v63  }
0x7d: {  	_ =	swait.ge [sflag:s10], $0x2800  }
0x7e: {  	[sflag:s10] =	ssyncset.done $0x0  }
0x7f: {  	s5 =	simm.s32 $0x2670;
	[sflag:s10] =	ssyncadd.s32 $0xFFFFD800  }
0x80: {  	[tilespmem:s12], [sflag:$0x1] =	stream.indirect.gather [hbm4b:s4+s11], $0x80, s5, s11, $0xb8;
	[tilespmem:$0x1E000] =	vst v63  }
0x81: {  	s18 =	sadd.s32 $0x4CE, s13  }
0x82: {  	[tilespmem:s14], [sflag:$0x4] =	stream.linear.gather [hbm4b:s18+s2], $0x50, $0x38;
	[tilespmem:$0x1E000] =	vst v63  }
0x83: {  	_ =	swait.ge [sflag:s25], $0x2800  }
0x84: {  	[sflag:s25] =	ssyncset.done $0x0  }
0x85: {  	[sflag:s25] =	ssyncadd.s32 $0xFFFFD800  }
0x86: {  	_ =	swait.ge [sflag:s26], $0x50  }
0x87: {  	[sflag:s26] =	ssyncset.done $0x0  }
0x88: {  	[sflag:s26] =	ssyncadd.s32 $0xFFFFFFB0  }
0x89: {  	[spmem:s1] =	stream.indirect.scatter.add.f32 [tilespmem:s15], [sflag:$0x7], $0x80, s17, s11, $0xb8;
	[tilespmem:$0x1E000] =	vst v63  }
0x8a: {  	_ =	swait.ge [sflag:s10], $0x2800  }
0x8b: {  	[sflag:s10] =	ssyncset.done $0x0  }
0x8c: {  	s30 =	simm.s32 $0x26C0;
	[sflag:s10] =	ssyncadd.s32 $0xFFFFD800  }
0x8d: {  	[tilespmem:s15], [sflag:$0x2] =	stream.indirect.gather [hbm4b:s4+s11], $0x80, s30, s11, $0xb8;
	[tilespmem:$0x1E000] =	vst v63  }
0x8e: {  	s31 =	sadd.s32 $0x4D8, s13  }
0x8f: {  	[tilespmem:s17], [sflag:$0x5] =	stream.linear.gather [hbm4b:s31+s2], $0x50, $0x38;
	[tilespmem:$0x1E000] =	vst v63  }
0x90: {  	_ =	swait.ge [sflag:s28], $0x2800  }
0x91: {  	[sflag:s28] =	ssyncset.done $0x0  }
0x92: {  	[sflag:s28] =	ssyncadd.s32 $0xFFFFD800  }
0x93: {  	_ =	swait.ge [sflag:s29], $0x50  }
0x94: {  	[sflag:s29] =	ssyncset.done $0x0  }
0x95: {  	[sflag:s29] =	ssyncadd.s32 $0xFFFFFFB0  }
0x96: {  	[spmem:s1] =	stream.indirect.scatter.add.f32 [tilespmem:s19], [sflag:$0x7], $0x80, s21, s11, $0xb8;
	[tilespmem:$0x1E000] =	vst v63  }
0x97: {  	_ =	swait.ge [sflag:s10], $0x2800  }
0x98: {  	[sflag:s10] =	ssyncset.done $0x0  }
0x99: {  	[sflag:s10] =	ssyncadd.s32 $0xFFFFD800  }
0x9a: {  	_ =	swait.ge [sflag:s22], $0x2800  }
0x9b: {  	[sflag:s22] =	ssyncset.done $0x0  }
0x9c: {  	[sflag:s22] =	ssyncadd.s32 $0xFFFFD800  }
0x9d: {  	_ =	swait.ge [sflag:s23], $0x50  }
0x9e: {  	[sflag:s23] =	ssyncset.done $0x0  }
0x9f: {  	[sflag:s23] =	ssyncadd.s32 $0xFFFFFFB0  }
0xa0: {  	[spmem:s1] =	stream.indirect.scatter.add.f32 [tilespmem:s12], [sflag:$0x7], $0x80, s14, s11, $0xb8;
	[tilespmem:$0x1E000] =	vst v63  }
0xa1: {  	_ =	swait.ge [sflag:s10], $0x2800  }
0xa2: {  	[sflag:s10] =	ssyncset.done $0x0  }
0xa3: {  	[sflag:s10] =	ssyncadd.s32 $0xFFFFD800  }
0xa4: {  	_ =	swait.ge [sflag:s25], $0x2800  }
0xa5: {  	[sflag:s25] =	ssyncset.done $0x0  }
0xa6: {  	[sflag:s25] =	ssyncadd.s32 $0xFFFFD800  }
0xa7: {  	_ =	swait.ge [sflag:s26], $0x50  }
0xa8: {  	[sflag:s26] =	ssyncset.done $0x0  }
0xa9: {  	[sflag:s26] =	ssyncadd.s32 $0xFFFFFFB0  }
0xaa: {  	[spmem:s1] =	stream.indirect.scatter.add.f32 [tilespmem:s15], [sflag:$0x7], $0x80, s17, s11, $0xb8;
	[tilespmem:$0x1E000] =	vst v63  }
0xab: {  	_ =	swait.ge [sflag:s10], $0x2800  }
0xac: {  	s0 =	sadd.s32 $0x1, s0;
	[sflag:s10] =	ssyncset.done $0x0  }
0xad: {  	p0 =	sne.s32 s0, s8;
	[sflag:s10] =	ssyncadd.s32 $0xFFFFD800  }
.Ltmp1:
0xae: {  	[bflag:$0x0] =	sbarrier.arrive $0xFFFF;
	(pc) =	sbr.rel @p0 .LBB2_1-.Ltmp1, $4  }
0xaf: {  	[hbm:s24], [sflag:s6] =	dma.local [spmem:s9], $0x2800  }
0xb0: {  	_ =	swait.ge [sflag:s10], $0x2800  }
0xb1: {  	[sflag:s10] =	ssyncset.done $0x0  }
0xb2: {  	[sflag:s10] =	ssyncadd.s32 $0xFFFFD800  }
0xb3: {  	_ =	sfence.sel $0x180000  }
0xb4: {  	[bflag:$0x0] =	sbarrier.arrive $0xFFFF  }
0xb5: {  	_ =	strace $0x9000004A  }
0xb6: {  	s0 =	stileid.u32;
	[bflag:$0x2] =	sbarrier.arrive $0xFFFF  }
0xb7: {  	p0 =	sne.s32 s0, $0x0;
	s0 =	rddreg [dreg:$0x3]  }
0xb8: {  	s0 =	sadd.s32 @!p0 $0x100000, s0  }
0xb9: {  	[sflag:s0] =	ssyncadd.tile.s32 @!p0 $0x1;
	_ =	shalt  }
.Lfunc_end2:
_tile_overlayer_lowered:
.L_overlay_start_2:
0xba: {  	(tag) =	ssettag $0x2  }
0xbb: {  	s0 =	rddreg [dreg:$0x0];
	s2 =	stileid.u32  }
0xbc: {  	s1 =	rddreg [dreg:$0x1];
	p0 =	sne.s32 s2, $0x0  }
0xbd: {  	s3 =	rddreg [dreg:$0x2];
	[bflag:$0x3] =	sbarrier.arrive $0xFFFF;
	s2 =	simm.s32 @!p0 $0x1C07  }
0xbe: {  	[timem:s3], [sflag:s2] =	dma.local @!p0 [hbm:s0], s1  }
0xbf: {  	s0 =	simm.s32 @!p0 $0x7  }
0xc0: {  	_ =	swait.ge @!p0 [sflag:s0], s1  }
0xc1: {  	s1 =	ssub.s32 @!p0 $0x0, s1;
	[sflag:s0] =	ssyncset.done @!p0 $0x0  }
0xc2: {  	[sflag:s0] =	ssyncadd.s32 @!p0 s1  }
0xc3: {  	[bflag:$0x3] =	sbarrier.arrive $0xFFFF  }
0xc4: {  	_ =	shalt  }

// kernel: kernel.19.cloned.1.call-start
scs
__scs_entry_jumppad:
0x0: {  	(pc) =	sbr.rel $0x88, $3  }
0x1: {  	(tag) =	ssettag $0x0;
	lr =	simm.s32 $0x1  }
0x2: {  	[smem:$0x3F9B] =	sst lr;
	_ =	strace $0xD0000000  }
0x3: {  	_ = 	snop  }
0x4: {  	_ = 	snop  }
0x5: {  	_ = 	snop  }
0x6: {  	_ = 	snop  }
0x7: {  	_ = 	snop  }
__scs_overlays_trampoline_lowered:
0x8: {  	[smem:$0x3FAA] =	sst s0  }
0x9: {  	[smem:$0x3FAB] =	sst s1  }
0xa: {  	[smem:$0x3FAC] =	sst s2  }
0xb: {  	[smem:$0x3FAD] =	sst s3  }
0xc: {  	[smem:$0x3FAE] =	sst s4  }
0xd: {  	[smem:$0x3FAF] =	sst s5  }
0xe: {  	[smem:$0x3FB0] =	sst s6  }
0xf: {  	[smem:$0x3FB1] =	sst s7  }
0x10: {  	[smem:$0x3FB2] =	sst s8  }
0x11: {  	[smem:$0x3FB3] =	sst s9;
	s0 =	simm.s32 @!p0 $0x0  }
0x12: {  	s1 =	sld [smem:$0x3F99];
	s0 =	simm.s32 @p0 $0x1  }
0x13: {  	[smem:$0x3FB4] =	sst s0;
	s0 =	simm.s32 @!p1 $0x0  }
0x14: {  	s2 =	sld [smem:$0x3F98];
	s0 =	simm.s32 @p1 $0x1  }
0x15: {  	[smem:$0x3FB5] =	sst s0;
	s0 =	simm.s32 @!p2 $0x0  }
0x16: {  	s3 =	sld [smem:$0x3FDB];
	s0 =	simm.s32 @p2 $0x1  }
0x17: {  	s4 =	simm.s32 $0x1BF5;
	[smem:$0x3FB7] =	sst s0  }
0x18: {  	s0 =	sld [smem:$0x3F9A];
	_ =	swait.ge [sflag:s4], $0x0  }
0x19: {  	s7 =	sld [smem:$0x3F9B]  }
0x1a: {  	s8 =	sadd.s32 $0xFFFFE003, lr  }
0x1b: {  	s9 =	sadd.s32 $0xFFFFFEF7, lr;
	s5 =	simm.s32 $0xFFFFFFFF;
	p2 =	slt.u32 s8, $0xFFFFF086  }
0x1c: {  	p1 =	slt.u32 s9, $0xF7A;
	s5 =	simm.s32 @!p2 $0x0  }
0x1d: {  	s5 =	simm.s32 @p1 $0x1;
	p0 =	seq.s32 s7, s2  }
0x1e: {  	s7 =	smul.u32 @!p0 $0xF7A, s2;
	p2 =	seq.s32 @!p0 s5, $0x0  }
0x1f: {  	s9 =	smul.u32 $0xF7A, s1;
	s8 =	simm.s32 @!p0 $0x1BF5;
	p2 =	por !p2, p0  }
0x20: {  	[sflag:s8] =	ssyncset.s32 @!p0 $0xFFFFF086;
	s6 =	sadd.s32 @!p0 s3, s7;
	s7 =	simm.s32 @!p0 $0x108  }
0x21: {  	s3 =	sadd.s32 s3, s9;
	s6 =	sadd.s32 @!p0 $0x88, s6;
	s7 =	simm.s32 @p2 $0x1082  }
0x22: {  	[simem:s7], [sflag:s8] =	dma.local @!p0 [hbm:s6], $0xF7A  }
0x23: {  	s9 =	sor.u32 $0xD0000000, s2;
	s6 =	simm.s32 $0x108;
	_ =	swait.ge @!p0 [sflag:s8], $0x0  }
0x24: {  	s3 =	sadd.s32 $0x88, s3;
	s6 =	simm.s32 @!p1 $0x1082;
	[sflag:s4] =	ssyncset.s32 $0xFFFFF086  }
0x25: {  	[simem:s6], [sflag:s4] =	dma.local [hbm:s3], $0xF7A  }
0x26: {  	[smem:$0x3F9B] =	sst s1;
	(tag) =	ssettag s2;
	_ =	strace s9  }
0x27: {  	s1 =	sld [smem:$0x3FAB]  }
0x28: {  	s2 =	sld [smem:$0x3FAC]  }
0x29: {  	s4 =	sld [smem:$0x3FAE]  }
0x2a: {  	p0 =	seq.s32 s5, $0x0;
	s5 =	sld [smem:$0x3FAF]  }
0x2b: {  	s6 =	sld [smem:$0x3FB0]  }
0x2c: {  	s7 =	sld [smem:$0x3FB1]  }
0x2d: {  	s3 =	simm.s32 $0x108;
	s8 =	sld [smem:$0x3FB2]  }
0x2e: {  	s3 =	simm.s32 @!p0 $0x1082;
	s9 =	sld [smem:$0x3FB3]  }
0x2f: {  	lr =	sadd.s32 s0, s3;
	s0 =	sld [smem:$0x3FAA]  }
0x30: {  	s3 =	sld [smem:$0x3FAD]  }
0x31: {  	[smem:$0x3FB6] =	sst s10  }
0x32: {  	s10 =	sld [smem:$0x3FB4];
	_ =	sdelay $0x3  }
0x33: {  	p0 =	seq.s32 s10, $0x1;
	s10 =	sld [smem:$0x3FB6];
	_ =	sdelay $0x3  }
0x34: {  	[smem:$0x3FB6] =	sst s10  }
0x35: {  	s10 =	sld [smem:$0x3FB5];
	_ =	sdelay $0x3  }
0x36: {  	p1 =	seq.s32 s10, $0x1;
	s10 =	sld [smem:$0x3FB6];
	_ =	sdelay $0x3  }
0x37: {  	[smem:$0x3FB6] =	sst s10  }
0x38: {  	s10 =	sld [smem:$0x3FB7]  }
0x39: {  	_ = 	snop;
	(pc) =	sbr.ind lr, $3  }
0x3a: {  	_ = 	snop  }
0x3b: {  	_ = 	snop  }
0x3c: {  	p2 =	seq.s32 s10, $0x1;
	s10 =	sld [smem:$0x3FB6]  }
0x3d: {  	_ =	shalt  }
0x3e: {  	_ =	shalt  }
0x3f: {  	_ =	shalt  }
0x40: {  	_ =	shalt  }
0x41: {  	_ =	shalt  }
0x42: {  	_ =	shalt  }
0x43: {  	_ =	shalt  }
0x44: {  	_ =	shalt  }
0x45: {  	_ =	shalt  }
0x46: {  	_ =	shalt  }
0x47: {  	_ =	shalt  }
0x48: {  	_ =	shalt  }
0x49: {  	_ =	shalt  }
0x4a: {  	_ =	shalt  }
0x4b: {  	_ =	shalt  }
0x4c: {  	_ =	shalt  }
0x4d: {  	_ =	shalt  }
0x4e: {  	_ =	shalt  }
0x4f: {  	_ =	shalt  }
0x50: {  	_ =	shalt  }
0x51: {  	_ =	shalt  }
0x52: {  	_ =	shalt  }
0x53: {  	_ =	shalt  }
0x54: {  	_ =	shalt  }
0x55: {  	_ =	shalt  }
0x56: {  	_ =	shalt  }
0x57: {  	_ =	shalt  }
0x58: {  	_ =	shalt  }
0x59: {  	_ =	shalt  }
0x5a: {  	_ =	shalt  }
0x5b: {  	_ =	shalt  }
0x5c: {  	_ =	shalt  }
0x5d: {  	_ =	shalt  }
0x5e: {  	_ =	shalt  }
0x5f: {  	_ =	shalt  }
0x60: {  	_ =	shalt  }
0x61: {  	_ =	shalt  }
0x62: {  	_ =	shalt  }
0x63: {  	_ =	shalt  }
0x64: {  	_ =	shalt  }
0x65: {  	_ =	shalt  }
0x66: {  	_ =	shalt  }
0x67: {  	_ =	shalt  }
0x68: {  	_ =	shalt  }
0x69: {  	_ =	shalt  }
0x6a: {  	_ =	shalt  }
0x6b: {  	_ =	shalt  }
0x6c: {  	_ =	shalt  }
0x6d: {  	_ =	shalt  }
0x6e: {  	_ =	shalt  }
0x6f: {  	_ =	shalt  }
0x70: {  	_ =	shalt  }
0x71: {  	_ =	shalt  }
0x72: {  	_ =	shalt  }
0x73: {  	_ =	shalt  }
0x74: {  	_ =	shalt  }
0x75: {  	_ =	shalt  }
0x76: {  	_ =	shalt  }
0x77: {  	_ =	shalt  }
0x78: {  	_ =	shalt  }
0x79: {  	_ =	shalt  }
0x7a: {  	_ =	shalt  }
0x7b: {  	_ =	shalt  }
0x7c: {  	_ =	shalt  }
0x7d: {  	_ =	shalt  }
0x7e: {  	_ =	shalt  }
0x7f: {  	_ =	shalt  }
0x80: {  	_ =	shalt  }
0x81: {  	_ =	shalt  }
0x82: {  	_ =	shalt  }
0x83: {  	_ =	shalt  }
0x84: {  	_ =	shalt  }
0x85: {  	_ =	shalt  }
0x86: {  	_ =	shalt  }
0x87: {  	_ =	shalt  }
.Lfunc_end0:
.L_simem_size_0:
called_computation.2_lowered:
.L_overlay_start_0:
0x88: {  	s2 =	sld [smem:$0x3FD9]  }
0x89: {  	s3 =	sld [smem:$0x3FFE];
	_ =	sdelay $0x1  }
0x8a: {  	s1 =	srdreg.scid  }
0x8b: {  	s0 =	sand.u32 $0x1, s1  }
0x8c: {  	s17 =	sshll.u32 s0, $0xA;
	s2 =	sadd.s32 s3, s2  }
0x8d: {  	s2 =	sadd.s32 s2, s17  }
0x8e: {  	[smem:$0x3FC2] =	sst s2  }
0x8f: {  	_ = 	snop  }
0x90: {  	s2 =	sld [smem:$0x3FD0];
	(tm) =	ssettm $0x1  }
0x91: {  	s18 =	sld [smem:$0x3FFB];
	_ =	sdelay $0x3  }
0x92: {  	_ =	strace s18  }
0x93: {  	s3 =	sld [smem:$0x3FFC];
	_ =	sdelay $0x3  }
0x94: {  	_ =	strace s3  }
0x95: {  	s3 =	sld [smem:$0x3FFD];
	_ =	sdelay $0x3  }
0x96: {  	_ =	strace s3  }
0x97: {  	_ =	strace $0x8FFFFFFF  }
0x98: {  	s19 =	sld [smem:$0x3FDB];
	_ =	sdelay $0x1  }
0x99: {  	s4 =	simm.s32 $_scs_section_size  }
0x9a: {  	s5 =	simm.s32 $_size__tile_overlayer_lowered;
	s6 =	simm.s32 $_tile_overlayer_lowered  }
0x9b: {  	s22 =	simm.s32 $0x1BFF;
	s21 =	sshll.u32 s6, $0x1;
	s3 =	sadd.s32 s4, s19  }
0x9c: {  	s7 =	simm.s32 $0x0;
	s20 =	sshll.u32 s5, $0x1;
	s5 =	sadd.s32 s21, s3  }
0x9d: {  	[timem:s7], [sflag:s22] =	dma.local [hbm:s5], s20  }
0x9e: {  	_ =	swait.ge [sflag:s22], s20  }
0x9f: {  	s4 =	ssub.s32 $0x0, s20;
	[sflag:s22] =	ssyncset.done $0x0  }
0xa0: {  	[sflag:s22] =	ssyncadd.s32 s4;
	_ =	sdelay $0x1  }
0xa1: {  	s23 =	simm.s32 $0x1B8B  }
0xa2: {  	_ =	swait.ge [sflag:s23], $0x1  }
0xa3: {  	[sflag:s23] =	ssyncset.done $0x0  }
0xa4: {  	s25 =	simm.s32 $0x1B8E;
	s24 =	sld [smem:$0x3FFE];
	[sflag:s23] =	ssyncadd.s32 $0xFFFFFFFF  }
0xa5: {  	s26 =	simm.s32 $execute0_lowered;
	[smem:$0x3FD2] =	sst s25  }
0xa6: {  	s5 =	sshll.u32 s26, $0x1;
	_ =	strace $0x8000004C;
	[dreg:$0x1] =	wrdreg $0xFFFFFFFF  }
0xa7: {  	s28 =	simm.s32 $_size_execute0_lowered;
	s3 =	sadd.s32 s3, s5;
	[dreg:$0x0] =	wrdreg $0x0  }
0xa8: {  	s5 =	sshll.u32 s28, $0x1;
	[dreg:$0x2] =	wrdreg s3  }
0xa9: {  	[dreg:$0x3] =	wrdreg s5  }
0xaa: {  	[dreg:$0x4] =	wrdreg $0xC0  }
0xab: {  	_ =	task [dreg:s7], $0x5FFFF  }
0xac: {  	[dreg:$0x1] =	wrdreg $0xFFFFFFFF  }
0xad: {  	[dreg:$0x0] =	wrdreg $0x60  }
0xae: {  	[dreg:$0x2] =	wrdreg s24  }
0xaf: {  	[dreg:$0x3] =	wrdreg s2  }
0xb0: {  	[dreg:$0x4] =	wrdreg $0x27100  }
0xb1: {  	[dreg:$0x5] =	wrdreg $0x9  }
0xb2: {  	_ =	task.clear_ibuf [dreg:s7], $0x6FFFF;
	_ =	strace $0x9000004C  }
0xb3: {  	s29 =	simm.s32 $0x9;
	_ =	strace $0x8000004E  }
0xb4: {  	_ =	swait.ge [sflag:s29], $0x1  }
0xb5: {  	[sflag:s29] =	ssyncadd.s32 $0xFFFFFFFF  }
0xb6: {  	_ =	strace $0x9000004E  }
0xb7: {  	_ =	sfence  }
0xb8: {  	s30 =	sld [smem:$0x0];
	_ =	sdelay $0x2  }
0xb9: {  	s31 =	sshll.u32 s1, $0xD;
	s1 =	sshrl.u32 s1, $0x2  }
0xba: {  	s3 =	sand.u32 $0x4000, s31;
	s1 =	sadd.s32 s1, s30  }
0xbb: {  	s0 =	sor.u32 s3, s0;
	s1 =	sshll.u32 s1, $0x11  }
0xbc: {  	s0 =	sor.u32 s1, s0  }
0xbd: {  	s0 =	sadd.s32 $0x8F2B, s0  }
0xbe: {  	[sflag:s0] =	ssyncadd.remote.s32 $0x1  }
0xbf: {  	_ =	sfence.sel $0xFFFF  }
0xc0: {  	[dreg:$0x0] =	wrdreg $0xFFFFFFFF;
	(pc) =	sbr.abs _section_cstart, $3  }
0xc1: {  	[dreg:$0x1] =	wrdreg $0xFFFFFFFF  }
0xc2: {  	_ =	task.clear_ibuf [dreg:s7], $0x2FFFF;
	_ =	strace $0x9FFFFFFF  }
0xc3: {  	(tm) =	ssettm $0x7FFFFFFF  }
tec
execute0_lowered:
.L_overlay_start_1:
0x0: {  	(tag) =	ssettag $0x1  }
0x1: {  	s0 =	rddreg [dreg:$0x0]  }
0x2: {  	s3 =	rddreg [dreg:$0x1]  }
0x3: {  	s1 =	rddreg [dreg:$0x2];
	s2 =	simm.s32 $0x0  }
0x4: {  	s5 =	srdreg.scid;
	s11 =	stileid.u32;
	s12 =	simm.s32 $0x16710  }
0x5: {  	s14 =	simm.s32 $0x1DF10;
	s15 =	simm.s32 $0x18F10;
	s17 =	simm.s32 $0x1DF60  }
0x6: {  	s19 =	simm.s32 $0x1B710;
	s21 =	simm.s32 $0x1DFB0;
	s22 =	simm.s32 $0x1  }
0x7: {  	s23 =	simm.s32 $0x4;
	s25 =	simm.s32 $0x2;
	s28 =	simm.s32 $0x3  }
0x8: {  	s29 =	simm.s32 $0x6;
	[smem:$0x7FF] =	sst s2;
	s4 =	sadd.s32 $0x3A00, s0  }
0x9: {  	s5 =	sand.u32 $0x1, s5;
	s9 =	smul.u32 $0x14000, s11;
	s26 =	sadd.s32 $0x53A00, s0  }
0xa: {  	s30 =	sshll.u32 s11, $0x6;
	_ =	strace $0x8000004D;
	s6 =	smul.u32 $0x28000, s5  }
0xb: {  	s7 =	sshll.u32 s5, $0x4;
	s8 =	ssub.s32 $0x2, s5;
	[dreg:$0x4] =	wrdreg s26  }
0xc: {  	s26 =	simm.s32 $0x5;
	s7 =	sor.u32 s11, s7;
	s10 =	sshrl.u32 s8, $0x1  }
0xd: {  	s31 =	sadd.s32 s9, s1;
	s18 =	sshrl.u32 s9, $0x3;
	s11 =	simm.s32 $0x50  }
0xe: {  	s13 =	smul.u32 $0x4E2, s7;
	s0 =	sadd.s32 s6, s0;
	s8 =	ssub.s32 s8, s10  }
0xf: {  	s6 =	sor.u32 $0x1C07, s30;
	s9 =	sshrl.u32 s31, $0x3;
	s10 =	simm.s32 $0x7  }
0x10: {  	s0 =	sadd.s32 $0x56200, s0;
	s7 =	sadd.s32 s3, s13;
	s3 =	sadd.s32 $0x9C40, s3  }
0x11: {  	s8 =	smax.u32 s8, $0x1;
	s24 =	sadd.s32 s18, s0;
	s13 =	sadd.s32 s13, s3  }
0x12: {  	s0 =	simm.s32 $0x0;
	s16 =	sadd.s32 $0xA, s13;
	s20 =	sadd.s32 $0x14, s13  }
.LBB2_1:
0x13: {  	s3 =	rddreg [dreg:$0x4]  }
0x14: {  	[spmem:s9], [sflag:s6] =	dma.local [hbm:s3], $0x2800  }
0x15: {  	_ =	swait.ge [sflag:s10], $0x2800  }
0x16: {  	[sflag:s10] =	ssyncset.done $0x0  }
0x17: {  	[sflag:s10] =	ssyncadd.s32 $0xFFFFD800  }
0x18: {  	[tilespmem:s2], [sflag:$0x7] =	stream.linear.gather [hbm4b:s7+s2], $0x2710, $0x38;
	[tilespmem:$0x1E000] =	vst v63  }
0x19: {  	_ =	swait.ge [sflag:s10], $0x2710  }
0x1a: {  	[sflag:s10] =	ssyncset.done $0x0  }
0x1b: {  	[sflag:s10] =	ssyncadd.s32 $0xFFFFD8F0  }
0x1c: {  	[bflag:$0x0] =	sbarrier.arrive $0xFFFF  }
0x1d: {  	[tilespmem:s12], [sflag:$0x1] =	stream.indirect.gather [hbm4b:s4+s11], $0x80, s2, s11, $0xb8;
	[tilespmem:$0x1E000] =	vst v63  }
0x1e: {  	_ = 	snop  }
0x1f: {  	[tilespmem:s14], [sflag:$0x4] =	stream.linear.gather [hbm4b:s13+s2], $0x50, $0x38;
	[tilespmem:$0x1E000] =	vst v63  }
0x20: {  	_ = 	snop  }
0x21: {  	[tilespmem:s15], [sflag:$0x2] =	stream.indirect.gather [hbm4b:s4+s11], $0x80, s11, s11, $0xb8;
	[tilespmem:$0x1E000] =	vst v63  }
0x22: {  	_ = 	snop  }
0x23: {  	[tilespmem:s17], [sflag:$0x5] =	stream.linear.gather [hbm4b:s16+s2], $0x50, $0x38;
	[tilespmem:$0x1E000] =	vst v63  }
0x24: {  	s31 =	simm.s32 $0xA0  }
0x25: {  	[tilespmem:s19], [sflag:$0x3] =	stream.indirect.gather [hbm4b:s4+s11], $0x80, s31, s11, $0xb8;
	[tilespmem:$0x1E000] =	vst v63  }
0x26: {  	_ = 	snop  }
0x27: {  	[tilespmem:s21], [sflag:$0x6] =	stream.linear.gather [hbm4b:s20+s2], $0x50, $0x38;
	[tilespmem:$0x1E000] =	vst v63  }
0x28: {  	_ =	swait.ge [sflag:s22], $0x2800  }
0x29: {  	[sflag:s22] =	ssyncset.done $0x0  }
0x2a: {  	[sflag:s22] =	ssyncadd.s32 $0xFFFFD800  }
0x2b: {  	_ =	swait.ge [sflag:s23], $0x50  }
0x2c: {  	[sflag:s23] =	ssyncset.done $0x0  }
0x2d: {  	[sflag:s23] =	ssyncadd.s32 $0xFFFFFFB0  }
0x2e: {  	[spmem:s1] =	stream.indirect.scatter.add.f32 [tilespmem:s12], [sflag:$0x7], $0x80, s14, s11, $0xb8;
	[tilespmem:$0x1E000] =	vst v63  }
0x2f: {  	_ =	swait.ge [sflag:s10], $0x2800  }
0x30: {  	[sflag:s10] =	ssyncset.done $0x0  }
0x31: {  	s18 =	simm.s32 $0xF0;
	s3 =	sadd.s32 $0x32, s13;
	[sflag:s10] =	ssyncadd.s32 $0xFFFFD800  }
0x32: {  	[tilespmem:s12], [sflag:$0x1] =	stream.indirect.gather [hbm4b:s4+s11], $0x80, s18, s11, $0xb8;
	[tilespmem:$0x1E000] =	vst v63  }
0x33: {  	s5 =	sadd.s32 $0xFFFFFFEC, s3  }
0x34: {  	[tilespmem:s14], [sflag:$0x4] =	stream.linear.gather [hbm4b:s5+s2], $0x50, $0x38;
	[tilespmem:$0x1E000] =	vst v63  }
0x35: {  	_ =	swait.ge [sflag:s25], $0x2800  }
0x36: {  	[sflag:s25] =	ssyncset.done $0x0  }
0x37: {  	[sflag:s25] =	ssyncadd.s32 $0xFFFFD800  }
0x38: {  	_ =	swait.ge [sflag:s26], $0x50  }
0x39: {  	[sflag:s26] =	ssyncset.done $0x0  }
0x3a: {  	[sflag:s26] =	ssyncadd.s32 $0xFFFFFFB0  }
0x3b: {  	[spmem:s1] =	stream.indirect.scatter.add.f32 [tilespmem:s15], [sflag:$0x7], $0x80, s17, s11, $0xb8;
	[tilespmem:$0x1E000] =	vst v63  }
0x3c: {  	_ =	swait.ge [sflag:s10], $0x2800  }
0x3d: {  	[sflag:s10] =	ssyncset.done $0x0  }
0x3e: {  	s31 =	simm.s32 $0x140;
	[sflag:s10] =	ssyncadd.s32 $0xFFFFD800  }
0x3f: {  	[tilespmem:s15], [sflag:$0x2] =	stream.indirect.gather [hbm4b:s4+s11], $0x80, s31, s11, $0xb8;
	[tilespmem:$0x1E000] =	vst v63  }
0x40: {  	s5 =	sadd.s32 $0xFFFFFFF6, s3  }
0x41: {  	[tilespmem:s17], [sflag:$0x5] =	stream.linear.gather [hbm4b:s5+s2], $0x50, $0x38;
	[tilespmem:$0x1E000] =	vst v63  }
0x42: {  	_ =	swait.ge [sflag:s28], $0x2800  }
0x43: {  	[sflag:s28] =	ssyncset.done $0x0  }
0x44: {  	[sflag:s28] =	ssyncadd.s32 $0xFFFFD800  }
0x45: {  	_ =	swait.ge [sflag:s29], $0x50  }
0x46: {  	[sflag:s29] =	ssyncset.done $0x0  }
0x47: {  	[sflag:s29] =	ssyncadd.s32 $0xFFFFFFB0  }
0x48: {  	[spmem:s1] =	stream.indirect.scatter.add.f32 [tilespmem:s19], [sflag:$0x7], $0x80, s21, s11, $0xb8;
	[tilespmem:$0x1E000] =	vst v63  }
0x49: {  	_ =	swait.ge [sflag:s10], $0x2800  }
0x4a: {  	s30 =	sadd.s32 $0x1E, s3;
	[sflag:s10] =	ssyncset.done $0x0  }
0x4b: {  	s18 =	simm.s32 $0x3C0;
	s31 =	simm.s32 $0x190;
	[sflag:s10] =	ssyncadd.s32 $0xFFFFD800  }
0x4c: {  	[tilespmem:s19], [sflag:$0x3] =	stream.indirect.gather [hbm4b:s4+s11], $0x80, s31, s11, $0xb8;
	[tilespmem:$0x1E000] =	vst v63  }
.LBB2_2:
0x4d: {  	[tilespmem:s21], [sflag:$0x6] =	stream.linear.gather [hbm4b:s3+s2], $0x50, $0x38;
	[tilespmem:$0x1E000] =	vst v63  }
0x4e: {  	s31 =	smov.u32 s18;
	s3 =	smov.u32 s30  }
0x4f: {  	p0 =	sne.s32 s18, $0x9240;
	s18 =	sadd.s32 $0x3C0, s18;
	_ =	swait.ge [sflag:s22], $0x2800  }
0x50: {  	[sflag:s22] =	ssyncset.done $0x0  }
0x51: {  	[sflag:s22] =	ssyncadd.s32 $0xFFFFD800  }
0x52: {  	_ =	swait.ge [sflag:s23], $0x50  }
0x53: {  	[sflag:s23] =	ssyncset.done $0x0  }
0x54: {  	[sflag:s23] =	ssyncadd.s32 $0xFFFFFFB0  }
0x55: {  	[spmem:s1] =	stream.indirect.scatter.add.f32 [tilespmem:s12], [sflag:$0x7], $0x80, s14, s11, $0xb8;
	[tilespmem:$0x1E000] =	vst v63  }
0x56: {  	_ =	swait.ge [sflag:s10], $0x2800  }
0x57: {  	s31 =	sshra.s32 s31, $0x2;
	[sflag:s10] =	ssyncset.done $0x0  }
0x58: {  	s5 =	sadd.s32 $0xF0, s31;
	[sflag:s10] =	ssyncadd.s32 $0xFFFFD800  }
0x59: {  	[tilespmem:s12], [sflag:$0x1] =	stream.indirect.gather [hbm4b:s4+s11], $0x80, s5, s11, $0xb8;
	[tilespmem:$0x1E000] =	vst v63  }
0x5a: {  	s5 =	sadd.s32 $0xFFFFFFEC, s30  }
0x5b: {  	[tilespmem:s14], [sflag:$0x4] =	stream.linear.gather [hbm4b:s5+s2], $0x50, $0x38;
	[tilespmem:$0x1E000] =	vst v63  }
0x5c: {  	_ =	swait.ge [sflag:s25], $0x2800  }
0x5d: {  	[sflag:s25] =	ssyncset.done $0x0  }
0x5e: {  	[sflag:s25] =	ssyncadd.s32 $0xFFFFD800  }
0x5f: {  	_ =	swait.ge [sflag:s26], $0x50  }
0x60: {  	[sflag:s26] =	ssyncset.done $0x0  }
0x61: {  	[sflag:s26] =	ssyncadd.s32 $0xFFFFFFB0  }
0x62: {  	[spmem:s1] =	stream.indirect.scatter.add.f32 [tilespmem:s15], [sflag:$0x7], $0x80, s17, s11, $0xb8;
	[tilespmem:$0x1E000] =	vst v63  }
0x63: {  	_ =	swait.ge [sflag:s10], $0x2800  }
0x64: {  	[sflag:s10] =	ssyncset.done $0x0  }
0x65: {  	s5 =	sadd.s32 $0x140, s31;
	[sflag:s10] =	ssyncadd.s32 $0xFFFFD800  }
0x66: {  	[tilespmem:s15], [sflag:$0x2] =	stream.indirect.gather [hbm4b:s4+s11], $0x80, s5, s11, $0xb8;
	[tilespmem:$0x1E000] =	vst v63  }
0x67: {  	s5 =	sadd.s32 $0xFFFFFFF6, s30  }
0x68: {  	[tilespmem:s17], [sflag:$0x5] =	stream.linear.gather [hbm4b:s5+s2], $0x50, $0x38;
	[tilespmem:$0x1E000] =	vst v63  }
0x69: {  	_ =	swait.ge [sflag:s28], $0x2800  }
0x6a: {  	[sflag:s28] =	ssyncset.done $0x0  }
0x6b: {  	[sflag:s28] =	ssyncadd.s32 $0xFFFFD800  }
0x6c: {  	_ =	swait.ge [sflag:s29], $0x50  }
0x6d: {  	[sflag:s29] =	ssyncset.done $0x0  }
0x6e: {  	[sflag:s29] =	ssyncadd.s32 $0xFFFFFFB0  }
0x6f: {  	[spmem:s1] =	stream.indirect.scatter.add.f32 [tilespmem:s19], [sflag:$0x7], $0x80, s21, s11, $0xb8;
	[tilespmem:$0x1E000] =	vst v63  }
.Ltmp0:
0x70: {  	_ =	swait.ge [sflag:s10], $0x2800;
	(pc) =	sbr.rel @p0 .LBB2_2-.Ltmp0, $4  }
0x71: {  	[sflag:s10] =	ssyncset.done $0x0  }
0x72: {  	s5 =	sadd.s32 $0x190, s31;
	[sflag:s10] =	ssyncadd.s32 $0xFFFFD800  }
0x73: {  	[tilespmem:s19], [sflag:$0x3] =	stream.indirect.gather [hbm4b:s4+s11], $0x80, s5, s11, $0xb8;
	[tilespmem:$0x1E000] =	vst v63  }
0x74: {  	s30 =	sadd.s32 $0x1E, s30  }
0x75: {  	[tilespmem:s21], [sflag:$0x6] =	stream.linear.gather [hbm4b:s3+s2], $0x50, $0x38;
	[tilespmem:$0x1E000] =	vst v63  }
0x76: {  	_ =	swait.ge [sflag:s22], $0x2800  }
0x77: {  	[sflag:s22] =	ssyncset.done $0x0  }
0x78: {  	[sflag:s22] =	ssyncadd.s32 $0xFFFFD800  }
0x79: {  	_ =	swait.ge [sflag:s23], $0x50  }
0x7a: {  	[sflag:s23] =	ssyncset.done $0x0  }
0x7b: {  	[sflag:s23] =	ssyncadd.s32 $0xFFFFFFB0  }
0x7c: {  	[spmem:s1] =	stream.indirect.scatter.add.f32 [tilespmem:s12], [sflag:$0x7], $0x80, s14, s11, $0xb8;
	[tilespmem:$0x1E000] =	vst v63  }
0x7d: {  	_ =	swait.ge [sflag:s10], $0x2800  }
0x7e: {  	[sflag:s10] =	ssyncset.done $0x0  }
0x7f: {  	s5 =	simm.s32 $0x2670;
	[sflag:s10] =	ssyncadd.s32 $0xFFFFD800  }
0x80: {  	[tilespmem:s12], [sflag:$0x1] =	stream.indirect.gather [hbm4b:s4+s11], $0x80, s5, s11, $0xb8;
	[tilespmem:$0x1E000] =	vst v63  }
0x81: {  	s18 =	sadd.s32 $0x4CE, s13  }
0x82: {  	[tilespmem:s14], [sflag:$0x4] =	stream.linear.gather [hbm4b:s18+s2], $0x50, $0x38;
	[tilespmem:$0x1E000] =	vst v63  }
0x83: {  	_ =	swait.ge [sflag:s25], $0x2800  }
0x84: {  	[sflag:s25] =	ssyncset.done $0x0  }
0x85: {  	[sflag:s25] =	ssyncadd.s32 $0xFFFFD800  }
0x86: {  	_ =	swait.ge [sflag:s26], $0x50  }
0x87: {  	[sflag:s26] =	ssyncset.done $0x0  }
0x88: {  	[sflag:s26] =	ssyncadd.s32 $0xFFFFFFB0  }
0x89: {  	[spmem:s1] =	stream.indirect.scatter.add.f32 [tilespmem:s15], [sflag:$0x7], $0x80, s17, s11, $0xb8;
	[tilespmem:$0x1E000] =	vst v63  }
0x8a: {  	_ =	swait.ge [sflag:s10], $0x2800  }
0x8b: {  	[sflag:s10] =	ssyncset.done $0x0  }
0x8c: {  	s30 =	simm.s32 $0x26C0;
	[sflag:s10] =	ssyncadd.s32 $0xFFFFD800  }
0x8d: {  	[tilespmem:s15], [sflag:$0x2] =	stream.indirect.gather [hbm4b:s4+s11], $0x80, s30, s11, $0xb8;
	[tilespmem:$0x1E000] =	vst v63  }
0x8e: {  	s31 =	sadd.s32 $0x4D8, s13  }
0x8f: {  	[tilespmem:s17], [sflag:$0x5] =	stream.linear.gather [hbm4b:s31+s2], $0x50, $0x38;
	[tilespmem:$0x1E000] =	vst v63  }
0x90: {  	_ =	swait.ge [sflag:s28], $0x2800  }
0x91: {  	[sflag:s28] =	ssyncset.done $0x0  }
0x92: {  	[sflag:s28] =	ssyncadd.s32 $0xFFFFD800  }
0x93: {  	_ =	swait.ge [sflag:s29], $0x50  }
0x94: {  	[sflag:s29] =	ssyncset.done $0x0  }
0x95: {  	[sflag:s29] =	ssyncadd.s32 $0xFFFFFFB0  }
0x96: {  	[spmem:s1] =	stream.indirect.scatter.add.f32 [tilespmem:s19], [sflag:$0x7], $0x80, s21, s11, $0xb8;
	[tilespmem:$0x1E000] =	vst v63  }
0x97: {  	_ =	swait.ge [sflag:s10], $0x2800  }
0x98: {  	[sflag:s10] =	ssyncset.done $0x0  }
0x99: {  	[sflag:s10] =	ssyncadd.s32 $0xFFFFD800  }
0x9a: {  	_ =	swait.ge [sflag:s22], $0x2800  }
0x9b: {  	[sflag:s22] =	ssyncset.done $0x0  }
0x9c: {  	[sflag:s22] =	ssyncadd.s32 $0xFFFFD800  }
0x9d: {  	_ =	swait.ge [sflag:s23], $0x50  }
0x9e: {  	[sflag:s23] =	ssyncset.done $0x0  }
0x9f: {  	[sflag:s23] =	ssyncadd.s32 $0xFFFFFFB0  }
0xa0: {  	[spmem:s1] =	stream.indirect.scatter.add.f32 [tilespmem:s12], [sflag:$0x7], $0x80, s14, s11, $0xb8;
	[tilespmem:$0x1E000] =	vst v63  }
0xa1: {  	_ =	swait.ge [sflag:s10], $0x2800  }
0xa2: {  	[sflag:s10] =	ssyncset.done $0x0  }
0xa3: {  	[sflag:s10] =	ssyncadd.s32 $0xFFFFD800  }
0xa4: {  	_ =	swait.ge [sflag:s25], $0x2800  }
0xa5: {  	[sflag:s25] =	ssyncset.done $0x0  }
0xa6: {  	[sflag:s25] =	ssyncadd.s32 $0xFFFFD800  }
0xa7: {  	_ =	swait.ge [sflag:s26], $0x50  }
0xa8: {  	[sflag:s26] =	ssyncset.done $0x0  }
0xa9: {  	[sflag:s26] =	ssyncadd.s32 $0xFFFFFFB0  }
0xaa: {  	[spmem:s1] =	stream.indirect.scatter.add.f32 [tilespmem:s15], [sflag:$0x7], $0x80, s17, s11, $0xb8;
	[tilespmem:$0x1E000] =	vst v63  }
0xab: {  	_ =	swait.ge [sflag:s10], $0x2800  }
0xac: {  	s0 =	sadd.s32 $0x1, s0;
	[sflag:s10] =	ssyncset.done $0x0  }
0xad: {  	p0 =	sne.s32 s0, s8;
	[sflag:s10] =	ssyncadd.s32 $0xFFFFD800  }
.Ltmp1:
0xae: {  	[bflag:$0x0] =	sbarrier.arrive $0xFFFF;
	(pc) =	sbr.rel @p0 .LBB2_1-.Ltmp1, $4  }
0xaf: {  	[hbm:s24], [sflag:s6] =	dma.local [spmem:s9], $0x2800  }
0xb0: {  	_ =	swait.ge [sflag:s10], $0x2800  }
0xb1: {  	[sflag:s10] =	ssyncset.done $0x0  }
0xb2: {  	[sflag:s10] =	ssyncadd.s32 $0xFFFFD800  }
0xb3: {  	_ =	sfence.sel $0x180000  }
0xb4: {  	[bflag:$0x0] =	sbarrier.arrive $0xFFFF  }
0xb5: {  	_ =	strace $0x9000004D  }
0xb6: {  	s0 =	stileid.u32;
	[bflag:$0x2] =	sbarrier.arrive $0xFFFF  }
0xb7: {  	p0 =	sne.s32 s0, $0x0;
	s0 =	rddreg [dreg:$0x3]  }
0xb8: {  	s0 =	sadd.s32 @!p0 $0x100000, s0  }
0xb9: {  	[sflag:s0] =	ssyncadd.tile.s32 @!p0 $0x1;
	_ =	shalt  }
.Lfunc_end2:
_tile_overlayer_lowered:
.L_overlay_start_2:
0xba: {  	(tag) =	ssettag $0x2  }
0xbb: {  	s0 =	rddreg [dreg:$0x0];
	s2 =	stileid.u32  }
0xbc: {  	s1 =	rddreg [dreg:$0x1];
	p0 =	sne.s32 s2, $0x0  }
0xbd: {  	s3 =	rddreg [dreg:$0x2];
	[bflag:$0x3] =	sbarrier.arrive $0xFFFF;
	s2 =	simm.s32 @!p0 $0x1C07  }
0xbe: {  	[timem:s3], [sflag:s2] =	dma.local @!p0 [hbm:s0], s1  }
0xbf: {  	s0 =	simm.s32 @!p0 $0x7  }
0xc0: {  	_ =	swait.ge @!p0 [sflag:s0], s1  }
0xc1: {  	s1 =	ssub.s32 @!p0 $0x0, s1;
	[sflag:s0] =	ssyncset.done @!p0 $0x0  }
0xc2: {  	[sflag:s0] =	ssyncadd.s32 @!p0 s1  }
0xc3: {  	[bflag:$0x3] =	sbarrier.arrive $0xFFFF  }
0xc4: {  	_ =	shalt  }

// kernel: kernel.22.cloned.1.call-start
scs
__scs_entry_jumppad:
0x0: {  	(pc) =	sbr.rel $0x88, $3  }
0x1: {  	(tag) =	ssettag $0x0;
	lr =	simm.s32 $0x1  }
0x2: {  	[smem:$0x3F9B] =	sst lr;
	_ =	strace $0xD0000000  }
0x3: {  	_ = 	snop  }
0x4: {  	_ = 	snop  }
0x5: {  	_ = 	snop  }
0x6: {  	_ = 	snop  }
0x7: {  	_ = 	snop  }
__scs_overlays_trampoline_lowered:
0x8: {  	[smem:$0x3FAA] =	sst s0  }
0x9: {  	[smem:$0x3FAB] =	sst s1  }
0xa: {  	[smem:$0x3FAC] =	sst s2  }
0xb: {  	[smem:$0x3FAD] =	sst s3  }
0xc: {  	[smem:$0x3FAE] =	sst s4  }
0xd: {  	[smem:$0x3FAF] =	sst s5  }
0xe: {  	[smem:$0x3FB0] =	sst s6  }
0xf: {  	[smem:$0x3FB1] =	sst s7  }
0x10: {  	[smem:$0x3FB2] =	sst s8  }
0x11: {  	[smem:$0x3FB3] =	sst s9;
	s0 =	simm.s32 @!p0 $0x0  }
0x12: {  	s1 =	sld [smem:$0x3F99];
	s0 =	simm.s32 @p0 $0x1  }
0x13: {  	[smem:$0x3FB4] =	sst s0;
	s0 =	simm.s32 @!p1 $0x0  }
0x14: {  	s2 =	sld [smem:$0x3F98];
	s0 =	simm.s32 @p1 $0x1  }
0x15: {  	[smem:$0x3FB5] =	sst s0;
	s0 =	simm.s32 @!p2 $0x0  }
0x16: {  	s3 =	sld [smem:$0x3FDB];
	s0 =	simm.s32 @p2 $0x1  }
0x17: {  	s4 =	simm.s32 $0x1BF5;
	[smem:$0x3FB7] =	sst s0  }
0x18: {  	s0 =	sld [smem:$0x3F9A];
	_ =	swait.ge [sflag:s4], $0x0  }
0x19: {  	s7 =	sld [smem:$0x3F9B]  }
0x1a: {  	s8 =	sadd.s32 $0xFFFFE003, lr  }
0x1b: {  	s9 =	sadd.s32 $0xFFFFFEF7, lr;
	s5 =	simm.s32 $0xFFFFFFFF;
	p2 =	slt.u32 s8, $0xFFFFF086  }
0x1c: {  	p1 =	slt.u32 s9, $0xF7A;
	s5 =	simm.s32 @!p2 $0x0  }
0x1d: {  	s5 =	simm.s32 @p1 $0x1;
	p0 =	seq.s32 s7, s2  }
0x1e: {  	s7 =	smul.u32 @!p0 $0xF7A, s2;
	p2 =	seq.s32 @!p0 s5, $0x0  }
0x1f: {  	s9 =	smul.u32 $0xF7A, s1;
	s8 =	simm.s32 @!p0 $0x1BF5;
	p2 =	por !p2, p0  }
0x20: {  	[sflag:s8] =	ssyncset.s32 @!p0 $0xFFFFF086;
	s6 =	sadd.s32 @!p0 s3, s7;
	s7 =	simm.s32 @!p0 $0x108  }
0x21: {  	s3 =	sadd.s32 s3, s9;
	s6 =	sadd.s32 @!p0 $0x88, s6;
	s7 =	simm.s32 @p2 $0x1082  }
0x22: {  	[simem:s7], [sflag:s8] =	dma.local @!p0 [hbm:s6], $0xF7A  }
0x23: {  	s9 =	sor.u32 $0xD0000000, s2;
	s6 =	simm.s32 $0x108;
	_ =	swait.ge @!p0 [sflag:s8], $0x0  }
0x24: {  	s3 =	sadd.s32 $0x88, s3;
	s6 =	simm.s32 @!p1 $0x1082;
	[sflag:s4] =	ssyncset.s32 $0xFFFFF086  }
0x25: {  	[simem:s6], [sflag:s4] =	dma.local [hbm:s3], $0xF7A  }
0x26: {  	[smem:$0x3F9B] =	sst s1;
	(tag) =	ssettag s2;
	_ =	strace s9  }
0x27: {  	s1 =	sld [smem:$0x3FAB]  }
0x28: {  	s2 =	sld [smem:$0x3FAC]  }
0x29: {  	s4 =	sld [smem:$0x3FAE]  }
0x2a: {  	p0 =	seq.s32 s5, $0x0;
	s5 =	sld [smem:$0x3FAF]  }
0x2b: {  	s6 =	sld [smem:$0x3FB0]  }
0x2c: {  	s7 =	sld [smem:$0x3FB1]  }
0x2d: {  	s3 =	simm.s32 $0x108;
	s8 =	sld [smem:$0x3FB2]  }
0x2e: {  	s3 =	simm.s32 @!p0 $0x1082;
	s9 =	sld [smem:$0x3FB3]  }
0x2f: {  	lr =	sadd.s32 s0, s3;
	s0 =	sld [smem:$0x3FAA]  }
0x30: {  	s3 =	sld [smem:$0x3FAD]  }
0x31: {  	[smem:$0x3FB6] =	sst s10  }
0x32: {  	s10 =	sld [smem:$0x3FB4];
	_ =	sdelay $0x3  }
0x33: {  	p0 =	seq.s32 s10, $0x1;
	s10 =	sld [smem:$0x3FB6];
	_ =	sdelay $0x3  }
0x34: {  	[smem:$0x3FB6] =	sst s10  }
0x35: {  	s10 =	sld [smem:$0x3FB5];
	_ =	sdelay $0x3  }
0x36: {  	p1 =	seq.s32 s10, $0x1;
	s10 =	sld [smem:$0x3FB6];
	_ =	sdelay $0x3  }
0x37: {  	[smem:$0x3FB6] =	sst s10  }
0x38: {  	s10 =	sld [smem:$0x3FB7]  }
0x39: {  	_ = 	snop;
	(pc) =	sbr.ind lr, $3  }
0x3a: {  	_ = 	snop  }
0x3b: {  	_ = 	snop  }
0x3c: {  	p2 =	seq.s32 s10, $0x1;
	s10 =	sld [smem:$0x3FB6]  }
0x3d: {  	_ =	shalt  }
0x3e: {  	_ =	shalt  }
0x3f: {  	_ =	shalt  }
0x40: {  	_ =	shalt  }
0x41: {  	_ =	shalt  }
0x42: {  	_ =	shalt  }
0x43: {  	_ =	shalt  }
0x44: {  	_ =	shalt  }
0x45: {  	_ =	shalt  }
0x46: {  	_ =	shalt  }
0x47: {  	_ =	shalt  }
0x48: {  	_ =	shalt  }
0x49: {  	_ =	shalt  }
0x4a: {  	_ =	shalt  }
0x4b: {  	_ =	shalt  }
0x4c: {  	_ =	shalt  }
0x4d: {  	_ =	shalt  }
0x4e: {  	_ =	shalt  }
0x4f: {  	_ =	shalt  }
0x50: {  	_ =	shalt  }
0x51: {  	_ =	shalt  }
0x52: {  	_ =	shalt  }
0x53: {  	_ =	shalt  }
0x54: {  	_ =	shalt  }
0x55: {  	_ =	shalt  }
0x56: {  	_ =	shalt  }
0x57: {  	_ =	shalt  }
0x58: {  	_ =	shalt  }
0x59: {  	_ =	shalt  }
0x5a: {  	_ =	shalt  }
0x5b: {  	_ =	shalt  }
0x5c: {  	_ =	shalt  }
0x5d: {  	_ =	shalt  }
0x5e: {  	_ =	shalt  }
0x5f: {  	_ =	shalt  }
0x60: {  	_ =	shalt  }
0x61: {  	_ =	shalt  }
0x62: {  	_ =	shalt  }
0x63: {  	_ =	shalt  }
0x64: {  	_ =	shalt  }
0x65: {  	_ =	shalt  }
0x66: {  	_ =	shalt  }
0x67: {  	_ =	shalt  }
0x68: {  	_ =	shalt  }
0x69: {  	_ =	shalt  }
0x6a: {  	_ =	shalt  }
0x6b: {  	_ =	shalt  }
0x6c: {  	_ =	shalt  }
0x6d: {  	_ =	shalt  }
0x6e: {  	_ =	shalt  }
0x6f: {  	_ =	shalt  }
0x70: {  	_ =	shalt  }
0x71: {  	_ =	shalt  }
0x72: {  	_ =	shalt  }
0x73: {  	_ =	shalt  }
0x74: {  	_ =	shalt  }
0x75: {  	_ =	shalt  }
0x76: {  	_ =	shalt  }
0x77: {  	_ =	shalt  }
0x78: {  	_ =	shalt  }
0x79: {  	_ =	shalt  }
0x7a: {  	_ =	shalt  }
0x7b: {  	_ =	shalt  }
0x7c: {  	_ =	shalt  }
0x7d: {  	_ =	shalt  }
0x7e: {  	_ =	shalt  }
0x7f: {  	_ =	shalt  }
0x80: {  	_ =	shalt  }
0x81: {  	_ =	shalt  }
0x82: {  	_ =	shalt  }
0x83: {  	_ =	shalt  }
0x84: {  	_ =	shalt  }
0x85: {  	_ =	shalt  }
0x86: {  	_ =	shalt  }
0x87: {  	_ =	shalt  }
.Lfunc_end0:
.L_simem_size_0:
called_computation.3_lowered:
.L_overlay_start_0:
0x88: {  	s2 =	sld [smem:$0x3FD9]  }
0x89: {  	s3 =	sld [smem:$0x3FFE];
	_ =	sdelay $0x1  }
0x8a: {  	s1 =	srdreg.scid  }
0x8b: {  	s0 =	sand.u32 $0x1, s1  }
0x8c: {  	s17 =	sshll.u32 s0, $0xA;
	s2 =	sadd.s32 s3, s2  }
0x8d: {  	s2 =	sadd.s32 s2, s17  }
0x8e: {  	[smem:$0x3FC2] =	sst s2  }
0x8f: {  	_ = 	snop  }
0x90: {  	s2 =	sld [smem:$0x3FD0];
	(tm) =	ssettm $0x1  }
0x91: {  	s18 =	sld [smem:$0x3FFB];
	_ =	sdelay $0x3  }
0x92: {  	_ =	strace s18  }
0x93: {  	s3 =	sld [smem:$0x3FFC];
	_ =	sdelay $0x3  }
0x94: {  	_ =	strace s3  }
0x95: {  	s3 =	sld [smem:$0x3FFD];
	_ =	sdelay $0x3  }
0x96: {  	_ =	strace s3  }
0x97: {  	_ =	strace $0x8FFFFFFF  }
0x98: {  	s19 =	sld [smem:$0x3FDB];
	_ =	sdelay $0x1  }
0x99: {  	s4 =	simm.s32 $_scs_section_size  }
0x9a: {  	s5 =	simm.s32 $_size__tile_overlayer_lowered;
	s6 =	simm.s32 $_tile_overlayer_lowered  }
0x9b: {  	s22 =	simm.s32 $0x1BFF;
	s21 =	sshll.u32 s6, $0x1;
	s3 =	sadd.s32 s4, s19  }
0x9c: {  	s7 =	simm.s32 $0x0;
	s20 =	sshll.u32 s5, $0x1;
	s5 =	sadd.s32 s21, s3  }
0x9d: {  	[timem:s7], [sflag:s22] =	dma.local [hbm:s5], s20  }
0x9e: {  	_ =	swait.ge [sflag:s22], s20  }
0x9f: {  	s4 =	ssub.s32 $0x0, s20;
	[sflag:s22] =	ssyncset.done $0x0  }
0xa0: {  	[sflag:s22] =	ssyncadd.s32 s4;
	_ =	sdelay $0x1  }
0xa1: {  	s23 =	simm.s32 $0x1B8B  }
0xa2: {  	_ =	swait.ge [sflag:s23], $0x1  }
0xa3: {  	[sflag:s23] =	ssyncset.done $0x0  }
0xa4: {  	s25 =	simm.s32 $0x1B8E;
	s24 =	sld [smem:$0x3FFE];
	[sflag:s23] =	ssyncadd.s32 $0xFFFFFFFF  }
0xa5: {  	s26 =	simm.s32 $execute0_lowered;
	[smem:$0x3FD2] =	sst s25  }
0xa6: {  	s5 =	sshll.u32 s26, $0x1;
	_ =	strace $0x8000004F;
	[dreg:$0x1] =	wrdreg $0xFFFFFFFF  }
0xa7: {  	s28 =	simm.s32 $_size_execute0_lowered;
	s3 =	sadd.s32 s3, s5;
	[dreg:$0x0] =	wrdreg $0x0  }
0xa8: {  	s5 =	sshll.u32 s28, $0x1;
	[dreg:$0x2] =	wrdreg s3  }
0xa9: {  	[dreg:$0x3] =	wrdreg s5  }
0xaa: {  	[dreg:$0x4] =	wrdreg $0xC0  }
0xab: {  	_ =	task [dreg:s7], $0x5FFFF  }
0xac: {  	[dreg:$0x1] =	wrdreg $0xFFFFFFFF  }
0xad: {  	[dreg:$0x0] =	wrdreg $0x60  }
0xae: {  	[dreg:$0x2] =	wrdreg s24  }
0xaf: {  	[dreg:$0x3] =	wrdreg s2  }
0xb0: {  	[dreg:$0x4] =	wrdreg $0x27100  }
0xb1: {  	[dreg:$0x5] =	wrdreg $0x9  }
0xb2: {  	_ =	task.clear_ibuf [dreg:s7], $0x6FFFF;
	_ =	strace $0x9000004F  }
0xb3: {  	s29 =	simm.s32 $0x9;
	_ =	strace $0x80000051  }
0xb4: {  	_ =	swait.ge [sflag:s29], $0x1  }
0xb5: {  	[sflag:s29] =	ssyncadd.s32 $0xFFFFFFFF  }
0xb6: {  	_ =	strace $0x90000051  }
0xb7: {  	_ =	sfence  }
0xb8: {  	s30 =	sld [smem:$0x0];
	_ =	sdelay $0x2  }
0xb9: {  	s31 =	sshll.u32 s1, $0xD;
	s1 =	sshrl.u32 s1, $0x2  }
0xba: {  	s3 =	sand.u32 $0x4000, s31;
	s1 =	sadd.s32 s1, s30  }
0xbb: {  	s0 =	sor.u32 s3, s0;
	s1 =	sshll.u32 s1, $0x11  }
0xbc: {  	s0 =	sor.u32 s1, s0  }
0xbd: {  	s0 =	sadd.s32 $0x8F2B, s0  }
0xbe: {  	[sflag:s0] =	ssyncadd.remote.s32 $0x1  }
0xbf: {  	_ =	sfence.sel $0xFFFF  }
0xc0: {  	[dreg:$0x0] =	wrdreg $0xFFFFFFFF;
	(pc) =	sbr.abs _section_cstart, $3  }
0xc1: {  	[dreg:$0x1] =	wrdreg $0xFFFFFFFF  }
0xc2: {  	_ =	task.clear_ibuf [dreg:s7], $0x2FFFF;
	_ =	strace $0x9FFFFFFF  }
0xc3: {  	(tm) =	ssettm $0x7FFFFFFF  }
tec
execute0_lowered:
.L_overlay_start_1:
0x0: {  	(tag) =	ssettag $0x1  }
0x1: {  	s0 =	rddreg [dreg:$0x0]  }
0x2: {  	s3 =	rddreg [dreg:$0x1]  }
0x3: {  	s1 =	rddreg [dreg:$0x2]  }
0x4: {  	s2 =	simm.s32 $0x0;
	s5 =	srdreg.scid;
	s12 =	stileid.u32  }
0x5: {  	s14 =	simm.s32 $0x12B10;
	s19 =	simm.s32 $0xEF10;
	s21 =	simm.s32 $0x12BB0  }
0x6: {  	s28 =	simm.s32 $0x11710;
	s29 =	simm.s32 $0x12C50;
	s30 =	simm.s32 $0x1  }
0x7: {  	s31 =	simm.s32 $0x6;
	s17 =	simm.s32 $0xA;
	[smem:$0x7FF] =	sst s2  }
0x8: {  	s4 =	sadd.s32 $0x3A00, s0;
	s5 =	sand.u32 $0x1, s5;
	s8 =	smul.u32 $0x28000, s12  }
0x9: {  	s6 =	sadd.s32 $0x17A00, s0;
	s9 =	sshll.u32 s12, $0x6;
	s15 =	smul.u32 $0x2800, s12  }
0xa: {  	_ =	strace $0x80000050;
	[dreg:$0x4] =	wrdreg s6;
	s22 =	smul.u32 $0x28000, s5  }
0xb: {  	s7 =	ssub.s32 $0x2, s5;
	s5 =	sshll.u32 s5, $0x4;
	s6 =	sor.u32 $0x1C0B, s9  }
0xc: {  	s23 =	sshrl.u32 s7, $0x1;
	s5 =	sor.u32 s12, s5;
	s8 =	sshrl.u32 s8, $0x2  }
0xd: {  	s12 =	simm.s32 $0xC710;
	[dreg:$0x7] =	wrdreg s6;
	s0 =	sadd.s32 s22, s0  }
0xe: {  	s5 =	smul.u32 $0x4E2, s5;
	s10 =	ssub.s32 s7, s23;
	s11 =	sadd.s32 s8, s1  }
0xf: {  	s22 =	simm.s32 $0x0;
	s0 =	sadd.s32 $0x53A00, s0;
	s25 =	smax.u32 s10, $0x1  }
0x10: {  	s7 =	sshrl.u32 s11, $0x3;
	s10 =	simm.s32 $0xB;
	s24 =	sadd.s32 s3, s5  }
.Ltmp0:
0x11: {  	s3 =	sadd.s32 $0x9C40, s3;
	[dreg:$0x6] =	wrdreg s25;
	(pc) =	sbr.rel .LBB2_1-.Ltmp0, $4  }
0x12: {  	s0 =	sadd.s32 s15, s0;
	[dreg:$0x5] =	wrdreg s24;
	s13 =	sadd.s32 s5, s3  }
0x13: {  	s11 =	simm.s32 $0x50;
	[dreg:$0xa] =	wrdreg s0;
	s3 =	sadd.s32 $0xA, s13  }
0x14: {  	s15 =	simm.s32 $0x5;
	s26 =	sadd.s32 $0x14, s13;
	[dreg:$0x8] =	wrdreg s3  }
0x15: {  	s0 =	simm.s32 $0x3;
	[dreg:$0x9] =	wrdreg s26;
	s3 =	simm.s32 $0x8  }
.LBB2_4:
0x16: {  	[bflag:$0x0] =	sbarrier.arrive $0xFFFF  }
0x17: {  	s6 =	rddreg [dreg:$0x7]  }
0x18: {  	s8 =	simm.s32 $0x10;
	s5 =	rddreg [dreg:$0xa]  }
0x19: {  	[hbm:s5@s8], [sflag:s6] =	dma.strided [spmem:s9@s3], $0x1400, s30, $0x8   }
0x1a: {  	_ =	swait.ge [sflag:s10], $0x1400  }
0x1b: {  	s22 =	sadd.s32 $0x1, s22;
	s26 =	rddreg [dreg:$0x6]  }
0x1c: {  	p0 =	sne.s32 s22, s26  }
.Ltmp1:
0x1d: {  	_ = 	snop;
	(pc) =	sbr.rel @!p0 .LBB2_5-.Ltmp1, $3  }
0x1e: {  	_ =	sdelay $0x1  }
0x1f: {  	[sflag:s10] =	ssyncset.done $0x0  }
0x20: {  	s7 =	smov.u32 s9;
	[sflag:s10] =	ssyncadd.s32 $0xFFFFEC00  }
.LBB2_1:
0x21: {  	s5 =	rddreg [dreg:$0x4]  }
0x22: {  	[spmem:s7], [sflag:s6] =	dma.local [hbm:s5], $0x1400  }
0x23: {  	_ =	swait.ge [sflag:s10], $0x1400  }
0x24: {  	[sflag:s10] =	ssyncset.done $0x0  }
0x25: {  	s25 =	rddreg [dreg:$0x5];
	[sflag:s10] =	ssyncadd.s32 $0xFFFFEC00  }
0x26: {  	[tilespmem:s2], [sflag:$0xB] =	stream.linear.gather [hbm4b:s25+s2], $0x2710, $0x38;
	[tilespmem:$0x12CA0] =	vst v63  }
0x27: {  	_ =	swait.ge [sflag:s10], $0x2710  }
0x28: {  	[sflag:s10] =	ssyncset.done $0x0  }
0x29: {  	[sflag:s10] =	ssyncadd.s32 $0xFFFFD8F0  }
0x2a: {  	[bflag:$0x0] =	sbarrier.arrive $0xFFFF  }
0x2b: {  	[tilespmem:s12], [sflag:$0x1] =	stream.indirect.gather [hbm4b:s4+s11], $0x40, s2, s11, $0xb8;
	[tilespmem:$0x12CA0] =	vst v63  }
0x2c: {  	_ = 	snop  }
0x2d: {  	[tilespmem:s14], [sflag:$0x6] =	stream.linear.gather [hbm4b:s13+s2], $0x50, $0x38;
	[tilespmem:$0x12CA0] =	vst v63  }
0x2e: {  	s26 =	simm.s32 $0xDB10  }
0x2f: {  	[tilespmem:s26], [sflag:$0x2] =	stream.indirect.gather [hbm4b:s4+s11], $0x40, s11, s11, $0xb8;
	[tilespmem:$0x12CA0] =	vst v63  }
0x30: {  	s9 =	smov.u32 s7;
	s7 =	simm.s32 $0x12B60;
	s6 =	rddreg [dreg:$0x8]  }
0x31: {  	[tilespmem:s7], [sflag:$0x7] =	stream.linear.gather [hbm4b:s6+s2], $0x50, $0x38;
	[tilespmem:$0x12CA0] =	vst v63  }
0x32: {  	s8 =	simm.s32 $0xA0  }
0x33: {  	[tilespmem:s19], [sflag:$0x3] =	stream.indirect.gather [hbm4b:s4+s11], $0x40, s8, s11, $0xb8;
	[tilespmem:$0x12CA0] =	vst v63  }
0x34: {  	s16 =	rddreg [dreg:$0x9]  }
0x35: {  	[tilespmem:s21], [sflag:$0x8] =	stream.linear.gather [hbm4b:s16+s2], $0x50, $0x38;
	[tilespmem:$0x12CA0] =	vst v63  }
0x36: {  	s18 =	simm.s32 $0xF0;
	s20 =	simm.s32 $0x10310  }
0x37: {  	[tilespmem:s20], [sflag:$0x4] =	stream.indirect.gather [hbm4b:s4+s11], $0x40, s18, s11, $0xb8;
	[tilespmem:$0x12CA0] =	vst v63  }
0x38: {  	s23 =	sadd.s32 $0x1E, s13;
	s24 =	simm.s32 $0x12C00  }
0x39: {  	[tilespmem:s24], [sflag:$0x9] =	stream.linear.gather [hbm4b:s23+s2], $0x50, $0x38;
	[tilespmem:$0x12CA0] =	vst v63  }
0x3a: {  	s25 =	simm.s32 $0x140  }
0x3b: {  	[tilespmem:s28], [sflag:$0x5] =	stream.indirect.gather [hbm4b:s4+s11], $0x40, s25, s11, $0xb8;
	[tilespmem:$0x12CA0] =	vst v63  }
0x3c: {  	s26 =	sadd.s32 $0x28, s13;
	s23 =	sadd.s32 $0x5A, s13;
	s25 =	simm.s32 $0x0  }
0x3d: {  	[tilespmem:s29], [sflag:$0xA] =	stream.linear.gather [hbm4b:s26+s2], $0x50, $0x38;
	[tilespmem:$0x12CA0] =	vst v63  }
.LBB2_2:
0x3e: {  	_ =	swait.ge [sflag:s30], $0x1400  }
0x3f: {  	[sflag:s30] =	ssyncset.done $0x0  }
0x40: {  	[sflag:s30] =	ssyncadd.s32 $0xFFFFEC00  }
0x41: {  	_ =	swait.ge [sflag:s31], $0x50  }
0x42: {  	[sflag:s31] =	ssyncset.done $0x0  }
0x43: {  	[sflag:s31] =	ssyncadd.s32 $0xFFFFFFB0  }
0x44: {  	[spmem:s1] =	stream.indirect.scatter.add.f32 [tilespmem:s12], [sflag:$0xB], $0x40, s14, s11, $0xb8;
	[tilespmem:$0x12CA0] =	vst v63  }
0x45: {  	_ =	swait.ge [sflag:s10], $0x1400  }
0x46: {  	p0 =	seq.s32 s25, $0x9600;
	[sflag:s10] =	ssyncset.done $0x0  }
0x47: {  	s5 =	simm.s32 @p0 $0x2;
	[sflag:s10] =	ssyncadd.s32 $0xFFFFEC00  }
0x48: {  	_ =	swait.ge @p0 [sflag:s5], $0x1400  }
0x49: {  	[sflag:s5] =	ssyncset.done @p0 $0x0  }
0x4a: {  	[sflag:s5] =	ssyncadd.s32 @p0 $0xFFFFEC00;
	s5 =	simm.s32 @p0 $0x7  }
0x4b: {  	_ =	swait.ge @p0 [sflag:s5], $0x50  }
0x4c: {  	s7 =	simm.s32 @p0 $0x50;
	s18 =	simm.s32 @p0 $0xDB10;
	[sflag:s5] =	ssyncset.done @p0 $0x0  }
0x4d: {  	s8 =	simm.s32 @p0 $0xB;
	[sflag:s5] =	ssyncadd.s32 @p0 $0xFFFFFFB0;
	s5 =	simm.s32 @p0 $0x12B60  }
0x4e: {  	[spmem:s1] =	stream.indirect.scatter.add.f32 @p0 [tilespmem:s18], [sflag:$0xB], $0x40, s5, s7, $0xb8;
	[tilespmem:$0x12CA0] =	vst v63  }
0x4f: {  	_ =	swait.ge @p0 [sflag:s8], $0x1400  }
0x50: {  	s26 =	sshra.s32 @!p0 s25, $0x2;
	s16 =	simm.s32 @!p0 $0xC710;
	[sflag:s8] =	ssyncset.done @p0 $0x0  }
0x51: {  	s5 =	sadd.s32 @!p0 $0x190, s26;
	s18 =	simm.s32 @!p0 $0x50;
	[sflag:s8] =	ssyncadd.s32 @p0 $0xFFFFEC00  }
0x52: {  	[tilespmem:s16], [sflag:$0x1] =	stream.indirect.gather @!p0 [hbm4b:s4+s18], $0x40, s5, s18, $0xb8;
	[tilespmem:$0x12CA0] =	vst v63  }
0x53: {  	s20 =	simm.s32 @!p0 $0x12B10;
	s16 =	sadd.s32 @!p0 $0xFFFFFFD8, s23;
	s5 =	simm.s32 @!p0 $0x0  }
0x54: {  	[tilespmem:s20], [sflag:$0x6] =	stream.linear.gather @!p0 [hbm4b:s16+s5], $0x50, $0x38;
	[tilespmem:$0x12CA0] =	vst v63  }
0x55: {  	s16 =	simm.s32 @!p0 $0x2  }
0x56: {  	_ =	swait.ge @!p0 [sflag:s16], $0x1400  }
0x57: {  	[sflag:s16] =	ssyncset.done @!p0 $0x0  }
0x58: {  	[sflag:s16] =	ssyncadd.s32 @!p0 $0xFFFFEC00;
	s16 =	simm.s32 @!p0 $0x7  }
0x59: {  	_ =	swait.ge @!p0 [sflag:s16], $0x50  }
0x5a: {  	s24 =	simm.s32 @!p0 $0xB;
	[sflag:s16] =	ssyncset.done @!p0 $0x0  }
0x5b: {  	s20 =	simm.s32 @!p0 $0xDB10;
	[sflag:s16] =	ssyncadd.s32 @!p0 $0xFFFFFFB0;
	s16 =	simm.s32 @!p0 $0x12B60  }
0x5c: {  	[spmem:s1] =	stream.indirect.scatter.add.f32 @!p0 [tilespmem:s20], [sflag:$0xB], $0x40, s16, s18, $0xb8;
	[tilespmem:$0x12CA0] =	vst v63  }
0x5d: {  	_ =	swait.ge @!p0 [sflag:s24], $0x1400  }
0x5e: {  	[sflag:s24] =	ssyncset.done @!p0 $0x0  }
0x5f: {  	s6 =	sadd.s32 @!p0 $0x1E0, s26;
	[sflag:s24] =	ssyncadd.s32 @!p0 $0xFFFFEC00  }
0x60: {  	[tilespmem:s20], [sflag:$0x2] =	stream.indirect.gather @!p0 [hbm4b:s4+s18], $0x40, s6, s18, $0xb8;
	[tilespmem:$0x12CA0] =	vst v63  }
0x61: {  	s6 =	sadd.s32 @!p0 $0xFFFFFFE2, s23  }
0x62: {  	[tilespmem:s16], [sflag:$0x7] =	stream.linear.gather @!p0 [hbm4b:s6+s5], $0x50, $0x38;
	[tilespmem:$0x12CA0] =	vst v63  }
0x63: {  	_ =	swait.ge [sflag:s0], $0x1400  }
0x64: {  	[sflag:s0] =	ssyncset.done $0x0  }
0x65: {  	[sflag:s0] =	ssyncadd.s32 $0xFFFFEC00  }
0x66: {  	_ =	swait.ge [sflag:s3], $0x50  }
0x67: {  	[sflag:s3] =	ssyncset.done $0x0  }
0x68: {  	[sflag:s3] =	ssyncadd.s32 $0xFFFFFFB0  }
0x69: {  	[spmem:s1] =	stream.indirect.scatter.add.f32 [tilespmem:s19], [sflag:$0xB], $0x40, s21, s11, $0xb8;
	[tilespmem:$0x12CA0] =	vst v63  }
0x6a: {  	_ =	swait.ge [sflag:s10], $0x1400  }
0x6b: {  	[sflag:s10] =	ssyncset.done $0x0  }
0x6c: {  	s6 =	simm.s32 @p0 $0x4;
	[sflag:s10] =	ssyncadd.s32 $0xFFFFEC00  }
0x6d: {  	_ =	swait.ge @p0 [sflag:s6], $0x1400  }
0x6e: {  	[sflag:s6] =	ssyncset.done @p0 $0x0  }
0x6f: {  	[sflag:s6] =	ssyncadd.s32 @p0 $0xFFFFEC00;
	s6 =	simm.s32 @p0 $0x9  }
0x70: {  	_ =	swait.ge @p0 [sflag:s6], $0x50  }
0x71: {  	[sflag:s6] =	ssyncset.done @p0 $0x0  }
0x72: {  	s16 =	simm.s32 @p0 $0x10310;
	[sflag:s6] =	ssyncadd.s32 @p0 $0xFFFFFFB0;
	s6 =	simm.s32 @p0 $0x12C00  }
0x73: {  	[spmem:s1] =	stream.indirect.scatter.add.f32 @p0 [tilespmem:s16], [sflag:$0xB], $0x40, s6, s7, $0xb8;
	[tilespmem:$0x12CA0] =	vst v63  }
0x74: {  	_ =	swait.ge @p0 [sflag:s8], $0x1400  }
0x75: {  	[sflag:s8] =	ssyncset.done @p0 $0x0  }
0x76: {  	s6 =	sadd.s32 @!p0 $0x230, s26;
	s7 =	simm.s32 @!p0 $0xEF10;
	[sflag:s8] =	ssyncadd.s32 @p0 $0xFFFFEC00  }
0x77: {  	[tilespmem:s7], [sflag:$0x3] =	stream.indirect.gather @!p0 [hbm4b:s4+s18], $0x40, s6, s18, $0xb8;
	[tilespmem:$0x12CA0] =	vst v63  }
0x78: {  	s6 =	sadd.s32 @!p0 $0xFFFFFFEC, s23;
	s7 =	simm.s32 @!p0 $0x12BB0  }
0x79: {  	[tilespmem:s7], [sflag:$0x8] =	stream.linear.gather @!p0 [hbm4b:s6+s5], $0x50, $0x38;
	[tilespmem:$0x12CA0] =	vst v63  }
0x7a: {  	s6 =	simm.s32 @!p0 $0x4  }
0x7b: {  	_ =	swait.ge @!p0 [sflag:s6], $0x1400  }
0x7c: {  	[sflag:s6] =	ssyncset.done @!p0 $0x0  }
0x7d: {  	[sflag:s6] =	ssyncadd.s32 @!p0 $0xFFFFEC00;
	s6 =	simm.s32 @!p0 $0x9  }
0x7e: {  	_ =	swait.ge @!p0 [sflag:s6], $0x50  }
0x7f: {  	[sflag:s6] =	ssyncset.done @!p0 $0x0  }
0x80: {  	s7 =	simm.s32 @!p0 $0x10310;
	[sflag:s6] =	ssyncadd.s32 @!p0 $0xFFFFFFB0;
	s6 =	simm.s32 @!p0 $0x12C00  }
0x81: {  	[spmem:s1] =	stream.indirect.scatter.add.f32 @!p0 [tilespmem:s7], [sflag:$0xB], $0x40, s6, s18, $0xb8;
	[tilespmem:$0x12CA0] =	vst v63  }
0x82: {  	_ =	swait.ge @!p0 [sflag:s24], $0x1400  }
0x83: {  	[sflag:s24] =	ssyncset.done @!p0 $0x0  }
0x84: {  	s8 =	sadd.s32 @!p0 $0x280, s26;
	[sflag:s24] =	ssyncadd.s32 @!p0 $0xFFFFEC00  }
0x85: {  	[tilespmem:s7], [sflag:$0x4] =	stream.indirect.gather @!p0 [hbm4b:s4+s18], $0x40, s8, s18, $0xb8;
	[tilespmem:$0x12CA0] =	vst v63  }
0x86: {  	s7 =	sadd.s32 @!p0 $0xFFFFFFF6, s23  }
0x87: {  	[tilespmem:s6], [sflag:$0x9] =	stream.linear.gather @!p0 [hbm4b:s7+s5], $0x50, $0x38;
	[tilespmem:$0x12CA0] =	vst v63  }
0x88: {  	_ =	swait.ge [sflag:s15], $0x1400  }
0x89: {  	[sflag:s15] =	ssyncset.done $0x0  }
0x8a: {  	[sflag:s15] =	ssyncadd.s32 $0xFFFFEC00  }
0x8b: {  	_ =	swait.ge [sflag:s17], $0x50  }
0x8c: {  	[sflag:s17] =	ssyncset.done $0x0  }
.Ltmp2:
0x8d: {  	[sflag:s17] =	ssyncadd.s32 $0xFFFFFFB0;
	(pc) =	sbr.rel @p0 .LBB2_4-.Ltmp2, $4  }
0x8e: {  	[spmem:s1] =	stream.indirect.scatter.add.f32 [tilespmem:s28], [sflag:$0xB], $0x40, s29, s11, $0xb8;
	[tilespmem:$0x12CA0] =	vst v63  }
0x8f: {  	_ =	swait.ge [sflag:s10], $0x1400  }
0x90: {  	[sflag:s10] =	ssyncset.done $0x0  }
0x91: {  	[sflag:s10] =	ssyncadd.s32 $0xFFFFEC00  }
0x92: {  	s5 =	sshra.s32 s25, $0x2  }
.Ltmp3:
0x93: {  	s5 =	sadd.s32 $0x2D0, s5;
	(pc) =	sbr.rel .LBB2_2-.Ltmp3, $4  }
0x94: {  	[tilespmem:s28], [sflag:$0x5] =	stream.indirect.gather [hbm4b:s4+s11], $0x40, s5, s11, $0xb8;
	[tilespmem:$0x12CA0] =	vst v63  }
0x95: {  	_ = 	snop  }
0x96: {  	[tilespmem:s29], [sflag:$0xA] =	stream.linear.gather [hbm4b:s23+s2], $0x50, $0x38;
	[tilespmem:$0x12CA0] =	vst v63  }
0x97: {  	s25 =	sadd.s32 $0x640, s25;
	s23 =	sadd.s32 $0x32, s23  }
.LBB2_5:
0x98: {  	_ =	sfence.sel $0x180000  }
0x99: {  	[bflag:$0x0] =	sbarrier.arrive $0xFFFF  }
0x9a: {  	_ =	strace $0x90000050  }
0x9b: {  	s0 =	stileid.u32;
	[bflag:$0x2] =	sbarrier.arrive $0xFFFF  }
0x9c: {  	p0 =	sne.s32 s0, $0x0;
	s0 =	rddreg [dreg:$0x3]  }
0x9d: {  	s0 =	sadd.s32 @!p0 $0x100000, s0  }
0x9e: {  	[sflag:s0] =	ssyncadd.tile.s32 @!p0 $0x1;
	_ =	shalt  }
.Lfunc_end2:
_tile_overlayer_lowered:
.L_overlay_start_2:
0x9f: {  	(tag) =	ssettag $0x2  }
0xa0: {  	s0 =	rddreg [dreg:$0x0];
	s2 =	stileid.u32  }
0xa1: {  	s1 =	rddreg [dreg:$0x1];
	p0 =	sne.s32 s2, $0x0  }
0xa2: {  	s3 =	rddreg [dreg:$0x2];
	[bflag:$0x3] =	sbarrier.arrive $0xFFFF;
	s2 =	simm.s32 @!p0 $0x1C0B  }
0xa3: {  	[timem:s3], [sflag:s2] =	dma.local @!p0 [hbm:s0], s1  }
0xa4: {  	s0 =	simm.s32 @!p0 $0xB  }
0xa5: {  	_ =	swait.ge @!p0 [sflag:s0], s1  }
0xa6: {  	s1 =	ssub.s32 @!p0 $0x0, s1;
	[sflag:s0] =	ssyncset.done @!p0 $0x0  }
0xa7: {  	[sflag:s0] =	ssyncadd.s32 @!p0 s1  }
0xa8: {  	[bflag:$0x3] =	sbarrier.arrive $0xFFFF  }
0xa9: {  	_ =	shalt  }

// kernel: kernel.25.cloned.1.call-start
scs
__scs_entry_jumppad:
0x0: {  	(pc) =	sbr.rel $0x88, $3  }
0x1: {  	(tag) =	ssettag $0x0;
	lr =	simm.s32 $0x1  }
0x2: {  	[smem:$0x3F9B] =	sst lr;
	_ =	strace $0xD0000000  }
0x3: {  	_ = 	snop  }
0x4: {  	_ = 	snop  }
0x5: {  	_ = 	snop  }
0x6: {  	_ = 	snop  }
0x7: {  	_ = 	snop  }
__scs_overlays_trampoline_lowered:
0x8: {  	[smem:$0x3FAA] =	sst s0  }
0x9: {  	[smem:$0x3FAB] =	sst s1  }
0xa: {  	[smem:$0x3FAC] =	sst s2  }
0xb: {  	[smem:$0x3FAD] =	sst s3  }
0xc: {  	[smem:$0x3FAE] =	sst s4  }
0xd: {  	[smem:$0x3FAF] =	sst s5  }
0xe: {  	[smem:$0x3FB0] =	sst s6  }
0xf: {  	[smem:$0x3FB1] =	sst s7  }
0x10: {  	[smem:$0x3FB2] =	sst s8  }
0x11: {  	[smem:$0x3FB3] =	sst s9;
	s0 =	simm.s32 @!p0 $0x0  }
0x12: {  	s1 =	sld [smem:$0x3F99];
	s0 =	simm.s32 @p0 $0x1  }
0x13: {  	[smem:$0x3FB4] =	sst s0;
	s0 =	simm.s32 @!p1 $0x0  }
0x14: {  	s2 =	sld [smem:$0x3F98];
	s0 =	simm.s32 @p1 $0x1  }
0x15: {  	[smem:$0x3FB5] =	sst s0;
	s0 =	simm.s32 @!p2 $0x0  }
0x16: {  	s3 =	sld [smem:$0x3FDB];
	s0 =	simm.s32 @p2 $0x1  }
0x17: {  	s4 =	simm.s32 $0x1BF5;
	[smem:$0x3FB7] =	sst s0  }
0x18: {  	s0 =	sld [smem:$0x3F9A];
	_ =	swait.ge [sflag:s4], $0x0  }
0x19: {  	s7 =	sld [smem:$0x3F9B]  }
0x1a: {  	s8 =	sadd.s32 $0xFFFFE003, lr  }
0x1b: {  	s9 =	sadd.s32 $0xFFFFFEF7, lr;
	s5 =	simm.s32 $0xFFFFFFFF;
	p2 =	slt.u32 s8, $0xFFFFF086  }
0x1c: {  	p1 =	slt.u32 s9, $0xF7A;
	s5 =	simm.s32 @!p2 $0x0  }
0x1d: {  	s5 =	simm.s32 @p1 $0x1;
	p0 =	seq.s32 s7, s2  }
0x1e: {  	s7 =	smul.u32 @!p0 $0xF7A, s2;
	p2 =	seq.s32 @!p0 s5, $0x0  }
0x1f: {  	s9 =	smul.u32 $0xF7A, s1;
	s8 =	simm.s32 @!p0 $0x1BF5;
	p2 =	por !p2, p0  }
0x20: {  	[sflag:s8] =	ssyncset.s32 @!p0 $0xFFFFF086;
	s6 =	sadd.s32 @!p0 s3, s7;
	s7 =	simm.s32 @!p0 $0x108  }
0x21: {  	s3 =	sadd.s32 s3, s9;
	s6 =	sadd.s32 @!p0 $0x88, s6;
	s7 =	simm.s32 @p2 $0x1082  }
0x22: {  	[simem:s7], [sflag:s8] =	dma.local @!p0 [hbm:s6], $0xF7A  }
0x23: {  	s9 =	sor.u32 $0xD0000000, s2;
	s6 =	simm.s32 $0x108;
	_ =	swait.ge @!p0 [sflag:s8], $0x0  }
0x24: {  	s3 =	sadd.s32 $0x88, s3;
	s6 =	simm.s32 @!p1 $0x1082;
	[sflag:s4] =	ssyncset.s32 $0xFFFFF086  }
0x25: {  	[simem:s6], [sflag:s4] =	dma.local [hbm:s3], $0xF7A  }
0x26: {  	[smem:$0x3F9B] =	sst s1;
	(tag) =	ssettag s2;
	_ =	strace s9  }
0x27: {  	s1 =	sld [smem:$0x3FAB]  }
0x28: {  	s2 =	sld [smem:$0x3FAC]  }
0x29: {  	s4 =	sld [smem:$0x3FAE]  }
0x2a: {  	p0 =	seq.s32 s5, $0x0;
	s5 =	sld [smem:$0x3FAF]  }
0x2b: {  	s6 =	sld [smem:$0x3FB0]  }
0x2c: {  	s7 =	sld [smem:$0x3FB1]  }
0x2d: {  	s3 =	simm.s32 $0x108;
	s8 =	sld [smem:$0x3FB2]  }
0x2e: {  	s3 =	simm.s32 @!p0 $0x1082;
	s9 =	sld [smem:$0x3FB3]  }
0x2f: {  	lr =	sadd.s32 s0, s3;
	s0 =	sld [smem:$0x3FAA]  }
0x30: {  	s3 =	sld [smem:$0x3FAD]  }
0x31: {  	[smem:$0x3FB6] =	sst s10  }
0x32: {  	s10 =	sld [smem:$0x3FB4];
	_ =	sdelay $0x3  }
0x33: {  	p0 =	seq.s32 s10, $0x1;
	s10 =	sld [smem:$0x3FB6];
	_ =	sdelay $0x3  }
0x34: {  	[smem:$0x3FB6] =	sst s10  }
0x35: {  	s10 =	sld [smem:$0x3FB5];
	_ =	sdelay $0x3  }
0x36: {  	p1 =	seq.s32 s10, $0x1;
	s10 =	sld [smem:$0x3FB6];
	_ =	sdelay $0x3  }
0x37: {  	[smem:$0x3FB6] =	sst s10  }
0x38: {  	s10 =	sld [smem:$0x3FB7]  }
0x39: {  	_ = 	snop;
	(pc) =	sbr.ind lr, $3  }
0x3a: {  	_ = 	snop  }
0x3b: {  	_ = 	snop  }
0x3c: {  	p2 =	seq.s32 s10, $0x1;
	s10 =	sld [smem:$0x3FB6]  }
0x3d: {  	_ =	shalt  }
0x3e: {  	_ =	shalt  }
0x3f: {  	_ =	shalt  }
0x40: {  	_ =	shalt  }
0x41: {  	_ =	shalt  }
0x42: {  	_ =	shalt  }
0x43: {  	_ =	shalt  }
0x44: {  	_ =	shalt  }
0x45: {  	_ =	shalt  }
0x46: {  	_ =	shalt  }
0x47: {  	_ =	shalt  }
0x48: {  	_ =	shalt  }
0x49: {  	_ =	shalt  }
0x4a: {  	_ =	shalt  }
0x4b: {  	_ =	shalt  }
0x4c: {  	_ =	shalt  }
0x4d: {  	_ =	shalt  }
0x4e: {  	_ =	shalt  }
0x4f: {  	_ =	shalt  }
0x50: {  	_ =	shalt  }
0x51: {  	_ =	shalt  }
0x52: {  	_ =	shalt  }
0x53: {  	_ =	shalt  }
0x54: {  	_ =	shalt  }
0x55: {  	_ =	shalt  }
0x56: {  	_ =	shalt  }
0x57: {  	_ =	shalt  }
0x58: {  	_ =	shalt  }
0x59: {  	_ =	shalt  }
0x5a: {  	_ =	shalt  }
0x5b: {  	_ =	shalt  }
0x5c: {  	_ =	shalt  }
0x5d: {  	_ =	shalt  }
0x5e: {  	_ =	shalt  }
0x5f: {  	_ =	shalt  }
0x60: {  	_ =	shalt  }
0x61: {  	_ =	shalt  }
0x62: {  	_ =	shalt  }
0x63: {  	_ =	shalt  }
0x64: {  	_ =	shalt  }
0x65: {  	_ =	shalt  }
0x66: {  	_ =	shalt  }
0x67: {  	_ =	shalt  }
0x68: {  	_ =	shalt  }
0x69: {  	_ =	shalt  }
0x6a: {  	_ =	shalt  }
0x6b: {  	_ =	shalt  }
0x6c: {  	_ =	shalt  }
0x6d: {  	_ =	shalt  }
0x6e: {  	_ =	shalt  }
0x6f: {  	_ =	shalt  }
0x70: {  	_ =	shalt  }
0x71: {  	_ =	shalt  }
0x72: {  	_ =	shalt  }
0x73: {  	_ =	shalt  }
0x74: {  	_ =	shalt  }
0x75: {  	_ =	shalt  }
0x76: {  	_ =	shalt  }
0x77: {  	_ =	shalt  }
0x78: {  	_ =	shalt  }
0x79: {  	_ =	shalt  }
0x7a: {  	_ =	shalt  }
0x7b: {  	_ =	shalt  }
0x7c: {  	_ =	shalt  }
0x7d: {  	_ =	shalt  }
0x7e: {  	_ =	shalt  }
0x7f: {  	_ =	shalt  }
0x80: {  	_ =	shalt  }
0x81: {  	_ =	shalt  }
0x82: {  	_ =	shalt  }
0x83: {  	_ =	shalt  }
0x84: {  	_ =	shalt  }
0x85: {  	_ =	shalt  }
0x86: {  	_ =	shalt  }
0x87: {  	_ =	shalt  }
.Lfunc_end0:
.L_simem_size_0:
called_computation.4_lowered:
.L_overlay_start_0:
0x88: {  	s2 =	sld [smem:$0x3FD9]  }
0x89: {  	s3 =	sld [smem:$0x3FFE];
	_ =	sdelay $0x1  }
0x8a: {  	s1 =	srdreg.scid  }
0x8b: {  	s0 =	sand.u32 $0x1, s1  }
0x8c: {  	s17 =	sshll.u32 s0, $0xA;
	s2 =	sadd.s32 s3, s2  }
0x8d: {  	s2 =	sadd.s32 s2, s17  }
0x8e: {  	[smem:$0x3FC2] =	sst s2  }
0x8f: {  	_ = 	snop  }
0x90: {  	s2 =	sld [smem:$0x3FD0];
	(tm) =	ssettm $0x1  }
0x91: {  	s18 =	sld [smem:$0x3FFB];
	_ =	sdelay $0x3  }
0x92: {  	_ =	strace s18  }
0x93: {  	s3 =	sld [smem:$0x3FFC];
	_ =	sdelay $0x3  }
0x94: {  	_ =	strace s3  }
0x95: {  	s3 =	sld [smem:$0x3FFD];
	_ =	sdelay $0x3  }
0x96: {  	_ =	strace s3  }
0x97: {  	_ =	strace $0x8FFFFFFF  }
0x98: {  	s19 =	sld [smem:$0x3FDB];
	_ =	sdelay $0x1  }
0x99: {  	s4 =	simm.s32 $_scs_section_size  }
0x9a: {  	s5 =	simm.s32 $_size__tile_overlayer_lowered;
	s6 =	simm.s32 $_tile_overlayer_lowered  }
0x9b: {  	s22 =	simm.s32 $0x1BFF;
	s21 =	sshll.u32 s6, $0x1;
	s3 =	sadd.s32 s4, s19  }
0x9c: {  	s7 =	simm.s32 $0x0;
	s20 =	sshll.u32 s5, $0x1;
	s5 =	sadd.s32 s21, s3  }
0x9d: {  	[timem:s7], [sflag:s22] =	dma.local [hbm:s5], s20  }
0x9e: {  	_ =	swait.ge [sflag:s22], s20  }
0x9f: {  	s4 =	ssub.s32 $0x0, s20;
	[sflag:s22] =	ssyncset.done $0x0  }
0xa0: {  	[sflag:s22] =	ssyncadd.s32 s4;
	_ =	sdelay $0x1  }
0xa1: {  	s23 =	simm.s32 $0x1B8B  }
0xa2: {  	_ =	swait.ge [sflag:s23], $0x1  }
0xa3: {  	[sflag:s23] =	ssyncset.done $0x0  }
0xa4: {  	s25 =	simm.s32 $0x1B8E;
	s24 =	sld [smem:$0x3FFE];
	[sflag:s23] =	ssyncadd.s32 $0xFFFFFFFF  }
0xa5: {  	s26 =	simm.s32 $execute0_lowered;
	[smem:$0x3FD2] =	sst s25  }
0xa6: {  	s5 =	sshll.u32 s26, $0x1;
	_ =	strace $0x80000052;
	[dreg:$0x1] =	wrdreg $0xFFFFFFFF  }
0xa7: {  	s28 =	simm.s32 $_size_execute0_lowered;
	s3 =	sadd.s32 s3, s5;
	[dreg:$0x0] =	wrdreg $0x0  }
0xa8: {  	s5 =	sshll.u32 s28, $0x1;
	[dreg:$0x2] =	wrdreg s3  }
0xa9: {  	[dreg:$0x3] =	wrdreg s5  }
0xaa: {  	[dreg:$0x4] =	wrdreg $0xC0  }
0xab: {  	_ =	task [dreg:s7], $0x5FFFF  }
0xac: {  	[dreg:$0x1] =	wrdreg $0xFFFFFFFF  }
0xad: {  	[dreg:$0x0] =	wrdreg $0x60  }
0xae: {  	[dreg:$0x2] =	wrdreg s24  }
0xaf: {  	[dreg:$0x3] =	wrdreg s2  }
0xb0: {  	[dreg:$0x4] =	wrdreg $0x27100  }
0xb1: {  	[dreg:$0x5] =	wrdreg $0x9  }
0xb2: {  	_ =	task.clear_ibuf [dreg:s7], $0x6FFFF;
	_ =	strace $0x90000052  }
0xb3: {  	s29 =	simm.s32 $0x9;
	_ =	strace $0x80000054  }
0xb4: {  	_ =	swait.ge [sflag:s29], $0x1  }
0xb5: {  	[sflag:s29] =	ssyncadd.s32 $0xFFFFFFFF  }
0xb6: {  	_ =	strace $0x90000054  }
0xb7: {  	_ =	sfence  }
0xb8: {  	s30 =	sld [smem:$0x0];
	_ =	sdelay $0x2  }
0xb9: {  	s31 =	sshll.u32 s1, $0xD;
	s1 =	sshrl.u32 s1, $0x2  }
0xba: {  	s3 =	sand.u32 $0x4000, s31;
	s1 =	sadd.s32 s1, s30  }
0xbb: {  	s0 =	sor.u32 s3, s0;
	s1 =	sshll.u32 s1, $0x11  }
0xbc: {  	s0 =	sor.u32 s1, s0  }
0xbd: {  	s0 =	sadd.s32 $0x8F2B, s0  }
0xbe: {  	[sflag:s0] =	ssyncadd.remote.s32 $0x1  }
0xbf: {  	_ =	sfence.sel $0xFFFF  }
0xc0: {  	[dreg:$0x0] =	wrdreg $0xFFFFFFFF;
	(pc) =	sbr.abs _section_cstart, $3  }
0xc1: {  	[dreg:$0x1] =	wrdreg $0xFFFFFFFF  }
0xc2: {  	_ =	task.clear_ibuf [dreg:s7], $0x2FFFF;
	_ =	strace $0x9FFFFFFF  }
0xc3: {  	(tm) =	ssettm $0x7FFFFFFF  }
tec
execute0_lowered:
.L_overlay_start_1:
0x0: {  	(tag) =	ssettag $0x1  }
0x1: {  	s0 =	rddreg [dreg:$0x0]  }
0x2: {  	s3 =	rddreg [dreg:$0x1]  }
0x3: {  	s1 =	rddreg [dreg:$0x2]  }
0x4: {  	s2 =	simm.s32 $0x0;
	s5 =	srdreg.scid;
	s12 =	stileid.u32  }
0x5: {  	s14 =	simm.s32 $0x12B10;
	s19 =	simm.s32 $0xEF10;
	s21 =	simm.s32 $0x12BB0  }
0x6: {  	s28 =	simm.s32 $0x11710;
	s29 =	simm.s32 $0x12C50;
	s30 =	simm.s32 $0x1  }
0x7: {  	s31 =	simm.s32 $0x6;
	s17 =	simm.s32 $0xA;
	[smem:$0x7FF] =	sst s2  }
0x8: {  	s4 =	sadd.s32 $0x3A00, s0;
	s5 =	sand.u32 $0x1, s5;
	s8 =	smul.u32 $0x28000, s12  }
0x9: {  	s6 =	sadd.s32 $0x17A00, s0;
	s9 =	sshll.u32 s12, $0x6;
	s15 =	smul.u32 $0x2800, s12  }
0xa: {  	_ =	strace $0x80000053;
	[dreg:$0x4] =	wrdreg s6;
	s22 =	smul.u32 $0x28000, s5  }
0xb: {  	s7 =	ssub.s32 $0x2, s5;
	s5 =	sshll.u32 s5, $0x4;
	s6 =	sor.u32 $0x1C0B, s9  }
0xc: {  	s23 =	sshrl.u32 s7, $0x1;
	s5 =	sor.u32 s12, s5;
	s8 =	sshrl.u32 s8, $0x2  }
0xd: {  	s12 =	simm.s32 $0xC710;
	[dreg:$0x7] =	wrdreg s6;
	s0 =	sadd.s32 s22, s0  }
0xe: {  	s5 =	smul.u32 $0x4E2, s5;
	s10 =	ssub.s32 s7, s23;
	s11 =	sadd.s32 s8, s1  }
0xf: {  	s22 =	simm.s32 $0x0;
	s0 =	sadd.s32 $0x18E00, s0;
	s25 =	smax.u32 s10, $0x1  }
0x10: {  	s7 =	sshrl.u32 s11, $0x3;
	s10 =	simm.s32 $0xB;
	s24 =	sadd.s32 s3, s5  }
.Ltmp0:
0x11: {  	s3 =	sadd.s32 $0x9C40, s3;
	[dreg:$0x6] =	wrdreg s25;
	(pc) =	sbr.rel .LBB2_1-.Ltmp0, $4  }
0x12: {  	s0 =	sadd.s32 s15, s0;
	[dreg:$0x5] =	wrdreg s24;
	s13 =	sadd.s32 s5, s3  }
0x13: {  	s11 =	simm.s32 $0x50;
	[dreg:$0xa] =	wrdreg s0;
	s3 =	sadd.s32 $0xA, s13  }
0x14: {  	s15 =	simm.s32 $0x5;
	s26 =	sadd.s32 $0x14, s13;
	[dreg:$0x8] =	wrdreg s3  }
0x15: {  	s0 =	simm.s32 $0x3;
	[dreg:$0x9] =	wrdreg s26;
	s3 =	simm.s32 $0x8  }
.LBB2_4:
0x16: {  	[bflag:$0x0] =	sbarrier.arrive $0xFFFF  }
0x17: {  	s6 =	rddreg [dreg:$0x7]  }
0x18: {  	s8 =	simm.s32 $0x10;
	s5 =	rddreg [dreg:$0xa]  }
0x19: {  	[hbm:s5@s8], [sflag:s6] =	dma.strided [spmem:s9@s3], $0x1400, s30, $0x8   }
0x1a: {  	_ =	swait.ge [sflag:s10], $0x1400  }
0x1b: {  	s22 =	sadd.s32 $0x1, s22;
	s26 =	rddreg [dreg:$0x6]  }
0x1c: {  	p0 =	sne.s32 s22, s26  }
.Ltmp1:
0x1d: {  	_ = 	snop;
	(pc) =	sbr.rel @!p0 .LBB2_5-.Ltmp1, $3  }
0x1e: {  	_ =	sdelay $0x1  }
0x1f: {  	[sflag:s10] =	ssyncset.done $0x0  }
0x20: {  	s7 =	smov.u32 s9;
	[sflag:s10] =	ssyncadd.s32 $0xFFFFEC00  }
.LBB2_1:
0x21: {  	s5 =	rddreg [dreg:$0x4]  }
0x22: {  	[spmem:s7], [sflag:s6] =	dma.local [hbm:s5], $0x1400  }
0x23: {  	_ =	swait.ge [sflag:s10], $0x1400  }
0x24: {  	[sflag:s10] =	ssyncset.done $0x0  }
0x25: {  	s25 =	rddreg [dreg:$0x5];
	[sflag:s10] =	ssyncadd.s32 $0xFFFFEC00  }
0x26: {  	[tilespmem:s2], [sflag:$0xB] =	stream.linear.gather [hbm4b:s25+s2], $0x2710, $0x38;
	[tilespmem:$0x12CA0] =	vst v63  }
0x27: {  	_ =	swait.ge [sflag:s10], $0x2710  }
0x28: {  	[sflag:s10] =	ssyncset.done $0x0  }
0x29: {  	[sflag:s10] =	ssyncadd.s32 $0xFFFFD8F0  }
0x2a: {  	[bflag:$0x0] =	sbarrier.arrive $0xFFFF  }
0x2b: {  	[tilespmem:s12], [sflag:$0x1] =	stream.indirect.gather [hbm4b:s4+s11], $0x40, s2, s11, $0xb8;
	[tilespmem:$0x12CA0] =	vst v63  }
0x2c: {  	_ = 	snop  }
0x2d: {  	[tilespmem:s14], [sflag:$0x6] =	stream.linear.gather [hbm4b:s13+s2], $0x50, $0x38;
	[tilespmem:$0x12CA0] =	vst v63  }
0x2e: {  	s26 =	simm.s32 $0xDB10  }
0x2f: {  	[tilespmem:s26], [sflag:$0x2] =	stream.indirect.gather [hbm4b:s4+s11], $0x40, s11, s11, $0xb8;
	[tilespmem:$0x12CA0] =	vst v63  }
0x30: {  	s9 =	smov.u32 s7;
	s7 =	simm.s32 $0x12B60;
	s6 =	rddreg [dreg:$0x8]  }
0x31: {  	[tilespmem:s7], [sflag:$0x7] =	stream.linear.gather [hbm4b:s6+s2], $0x50, $0x38;
	[tilespmem:$0x12CA0] =	vst v63  }
0x32: {  	s8 =	simm.s32 $0xA0  }
0x33: {  	[tilespmem:s19], [sflag:$0x3] =	stream.indirect.gather [hbm4b:s4+s11], $0x40, s8, s11, $0xb8;
	[tilespmem:$0x12CA0] =	vst v63  }
0x34: {  	s16 =	rddreg [dreg:$0x9]  }
0x35: {  	[tilespmem:s21], [sflag:$0x8] =	stream.linear.gather [hbm4b:s16+s2], $0x50, $0x38;
	[tilespmem:$0x12CA0] =	vst v63  }
0x36: {  	s18 =	simm.s32 $0xF0;
	s20 =	simm.s32 $0x10310  }
0x37: {  	[tilespmem:s20], [sflag:$0x4] =	stream.indirect.gather [hbm4b:s4+s11], $0x40, s18, s11, $0xb8;
	[tilespmem:$0x12CA0] =	vst v63  }
0x38: {  	s23 =	sadd.s32 $0x1E, s13;
	s24 =	simm.s32 $0x12C00  }
0x39: {  	[tilespmem:s24], [sflag:$0x9] =	stream.linear.gather [hbm4b:s23+s2], $0x50, $0x38;
	[tilespmem:$0x12CA0] =	vst v63  }
0x3a: {  	s25 =	simm.s32 $0x140  }
0x3b: {  	[tilespmem:s28], [sflag:$0x5] =	stream.indirect.gather [hbm4b:s4+s11], $0x40, s25, s11, $0xb8;
	[tilespmem:$0x12CA0] =	vst v63  }
0x3c: {  	s26 =	sadd.s32 $0x28, s13;
	s23 =	sadd.s32 $0x5A, s13;
	s25 =	simm.s32 $0x0  }
0x3d: {  	[tilespmem:s29], [sflag:$0xA] =	stream.linear.gather [hbm4b:s26+s2], $0x50, $0x38;
	[tilespmem:$0x12CA0] =	vst v63  }
.LBB2_2:
0x3e: {  	_ =	swait.ge [sflag:s30], $0x1400  }
0x3f: {  	[sflag:s30] =	ssyncset.done $0x0  }
0x40: {  	[sflag:s30] =	ssyncadd.s32 $0xFFFFEC00  }
0x41: {  	_ =	swait.ge [sflag:s31], $0x50  }
0x42: {  	[sflag:s31] =	ssyncset.done $0x0  }
0x43: {  	[sflag:s31] =	ssyncadd.s32 $0xFFFFFFB0  }
0x44: {  	[spmem:s1] =	stream.indirect.scatter.add.f32 [tilespmem:s12], [sflag:$0xB], $0x40, s14, s11, $0xb8;
	[tilespmem:$0x12CA0] =	vst v63  }
0x45: {  	_ =	swait.ge [sflag:s10], $0x1400  }
0x46: {  	p0 =	seq.s32 s25, $0x9600;
	[sflag:s10] =	ssyncset.done $0x0  }
0x47: {  	s5 =	simm.s32 @p0 $0x2;
	[sflag:s10] =	ssyncadd.s32 $0xFFFFEC00  }
0x48: {  	_ =	swait.ge @p0 [sflag:s5], $0x1400  }
0x49: {  	[sflag:s5] =	ssyncset.done @p0 $0x0  }
0x4a: {  	[sflag:s5] =	ssyncadd.s32 @p0 $0xFFFFEC00;
	s5 =	simm.s32 @p0 $0x7  }
0x4b: {  	_ =	swait.ge @p0 [sflag:s5], $0x50  }
0x4c: {  	s7 =	simm.s32 @p0 $0x50;
	s18 =	simm.s32 @p0 $0xDB10;
	[sflag:s5] =	ssyncset.done @p0 $0x0  }
0x4d: {  	s8 =	simm.s32 @p0 $0xB;
	[sflag:s5] =	ssyncadd.s32 @p0 $0xFFFFFFB0;
	s5 =	simm.s32 @p0 $0x12B60  }
0x4e: {  	[spmem:s1] =	stream.indirect.scatter.add.f32 @p0 [tilespmem:s18], [sflag:$0xB], $0x40, s5, s7, $0xb8;
	[tilespmem:$0x12CA0] =	vst v63  }
0x4f: {  	_ =	swait.ge @p0 [sflag:s8], $0x1400  }
0x50: {  	s26 =	sshra.s32 @!p0 s25, $0x2;
	s16 =	simm.s32 @!p0 $0xC710;
	[sflag:s8] =	ssyncset.done @p0 $0x0  }
0x51: {  	s5 =	sadd.s32 @!p0 $0x190, s26;
	s18 =	simm.s32 @!p0 $0x50;
	[sflag:s8] =	ssyncadd.s32 @p0 $0xFFFFEC00  }
0x52: {  	[tilespmem:s16], [sflag:$0x1] =	stream.indirect.gather @!p0 [hbm4b:s4+s18], $0x40, s5, s18, $0xb8;
	[tilespmem:$0x12CA0] =	vst v63  }
0x53: {  	s20 =	simm.s32 @!p0 $0x12B10;
	s16 =	sadd.s32 @!p0 $0xFFFFFFD8, s23;
	s5 =	simm.s32 @!p0 $0x0  }
0x54: {  	[tilespmem:s20], [sflag:$0x6] =	stream.linear.gather @!p0 [hbm4b:s16+s5], $0x50, $0x38;
	[tilespmem:$0x12CA0] =	vst v63  }
0x55: {  	s16 =	simm.s32 @!p0 $0x2  }
0x56: {  	_ =	swait.ge @!p0 [sflag:s16], $0x1400  }
0x57: {  	[sflag:s16] =	ssyncset.done @!p0 $0x0  }
0x58: {  	[sflag:s16] =	ssyncadd.s32 @!p0 $0xFFFFEC00;
	s16 =	simm.s32 @!p0 $0x7  }
0x59: {  	_ =	swait.ge @!p0 [sflag:s16], $0x50  }
0x5a: {  	s24 =	simm.s32 @!p0 $0xB;
	[sflag:s16] =	ssyncset.done @!p0 $0x0  }
0x5b: {  	s20 =	simm.s32 @!p0 $0xDB10;
	[sflag:s16] =	ssyncadd.s32 @!p0 $0xFFFFFFB0;
	s16 =	simm.s32 @!p0 $0x12B60  }
0x5c: {  	[spmem:s1] =	stream.indirect.scatter.add.f32 @!p0 [tilespmem:s20], [sflag:$0xB], $0x40, s16, s18, $0xb8;
	[tilespmem:$0x12CA0] =	vst v63  }
0x5d: {  	_ =	swait.ge @!p0 [sflag:s24], $0x1400  }
0x5e: {  	[sflag:s24] =	ssyncset.done @!p0 $0x0  }
0x5f: {  	s6 =	sadd.s32 @!p0 $0x1E0, s26;
	[sflag:s24] =	ssyncadd.s32 @!p0 $0xFFFFEC00  }
0x60: {  	[tilespmem:s20], [sflag:$0x2] =	stream.indirect.gather @!p0 [hbm4b:s4+s18], $0x40, s6, s18, $0xb8;
	[tilespmem:$0x12CA0] =	vst v63  }
0x61: {  	s6 =	sadd.s32 @!p0 $0xFFFFFFE2, s23  }
0x62: {  	[tilespmem:s16], [sflag:$0x7] =	stream.linear.gather @!p0 [hbm4b:s6+s5], $0x50, $0x38;
	[tilespmem:$0x12CA0] =	vst v63  }
0x63: {  	_ =	swait.ge [sflag:s0], $0x1400  }
0x64: {  	[sflag:s0] =	ssyncset.done $0x0  }
0x65: {  	[sflag:s0] =	ssyncadd.s32 $0xFFFFEC00  }
0x66: {  	_ =	swait.ge [sflag:s3], $0x50  }
0x67: {  	[sflag:s3] =	ssyncset.done $0x0  }
0x68: {  	[sflag:s3] =	ssyncadd.s32 $0xFFFFFFB0  }
0x69: {  	[spmem:s1] =	stream.indirect.scatter.add.f32 [tilespmem:s19], [sflag:$0xB], $0x40, s21, s11, $0xb8;
	[tilespmem:$0x12CA0] =	vst v63  }
0x6a: {  	_ =	swait.ge [sflag:s10], $0x1400  }
0x6b: {  	[sflag:s10] =	ssyncset.done $0x0  }
0x6c: {  	s6 =	simm.s32 @p0 $0x4;
	[sflag:s10] =	ssyncadd.s32 $0xFFFFEC00  }
0x6d: {  	_ =	swait.ge @p0 [sflag:s6], $0x1400  }
0x6e: {  	[sflag:s6] =	ssyncset.done @p0 $0x0  }
0x6f: {  	[sflag:s6] =	ssyncadd.s32 @p0 $0xFFFFEC00;
	s6 =	simm.s32 @p0 $0x9  }
0x70: {  	_ =	swait.ge @p0 [sflag:s6], $0x50  }
0x71: {  	[sflag:s6] =	ssyncset.done @p0 $0x0  }
0x72: {  	s16 =	simm.s32 @p0 $0x10310;
	[sflag:s6] =	ssyncadd.s32 @p0 $0xFFFFFFB0;
	s6 =	simm.s32 @p0 $0x12C00  }
0x73: {  	[spmem:s1] =	stream.indirect.scatter.add.f32 @p0 [tilespmem:s16], [sflag:$0xB], $0x40, s6, s7, $0xb8;
	[tilespmem:$0x12CA0] =	vst v63  }
0x74: {  	_ =	swait.ge @p0 [sflag:s8], $0x1400  }
0x75: {  	[sflag:s8] =	ssyncset.done @p0 $0x0  }
0x76: {  	s6 =	sadd.s32 @!p0 $0x230, s26;
	s7 =	simm.s32 @!p0 $0xEF10;
	[sflag:s8] =	ssyncadd.s32 @p0 $0xFFFFEC00  }
0x77: {  	[tilespmem:s7], [sflag:$0x3] =	stream.indirect.gather @!p0 [hbm4b:s4+s18], $0x40, s6, s18, $0xb8;
	[tilespmem:$0x12CA0] =	vst v63  }
0x78: {  	s6 =	sadd.s32 @!p0 $0xFFFFFFEC, s23;
	s7 =	simm.s32 @!p0 $0x12BB0  }
0x79: {  	[tilespmem:s7], [sflag:$0x8] =	stream.linear.gather @!p0 [hbm4b:s6+s5], $0x50, $0x38;
	[tilespmem:$0x12CA0] =	vst v63  }
0x7a: {  	s6 =	simm.s32 @!p0 $0x4  }
0x7b: {  	_ =	swait.ge @!p0 [sflag:s6], $0x1400  }
0x7c: {  	[sflag:s6] =	ssyncset.done @!p0 $0x0  }
0x7d: {  	[sflag:s6] =	ssyncadd.s32 @!p0 $0xFFFFEC00;
	s6 =	simm.s32 @!p0 $0x9  }
0x7e: {  	_ =	swait.ge @!p0 [sflag:s6], $0x50  }
0x7f: {  	[sflag:s6] =	ssyncset.done @!p0 $0x0  }
0x80: {  	s7 =	simm.s32 @!p0 $0x10310;
	[sflag:s6] =	ssyncadd.s32 @!p0 $0xFFFFFFB0;
	s6 =	simm.s32 @!p0 $0x12C00  }
0x81: {  	[spmem:s1] =	stream.indirect.scatter.add.f32 @!p0 [tilespmem:s7], [sflag:$0xB], $0x40, s6, s18, $0xb8;
	[tilespmem:$0x12CA0] =	vst v63  }
0x82: {  	_ =	swait.ge @!p0 [sflag:s24], $0x1400  }
0x83: {  	[sflag:s24] =	ssyncset.done @!p0 $0x0  }
0x84: {  	s8 =	sadd.s32 @!p0 $0x280, s26;
	[sflag:s24] =	ssyncadd.s32 @!p0 $0xFFFFEC00  }
0x85: {  	[tilespmem:s7], [sflag:$0x4] =	stream.indirect.gather @!p0 [hbm4b:s4+s18], $0x40, s8, s18, $0xb8;
	[tilespmem:$0x12CA0] =	vst v63  }
0x86: {  	s7 =	sadd.s32 @!p0 $0xFFFFFFF6, s23  }
0x87: {  	[tilespmem:s6], [sflag:$0x9] =	stream.linear.gather @!p0 [hbm4b:s7+s5], $0x50, $0x38;
	[tilespmem:$0x12CA0] =	vst v63  }
0x88: {  	_ =	swait.ge [sflag:s15], $0x1400  }
0x89: {  	[sflag:s15] =	ssyncset.done $0x0  }
0x8a: {  	[sflag:s15] =	ssyncadd.s32 $0xFFFFEC00  }
0x8b: {  	_ =	swait.ge [sflag:s17], $0x50  }
0x8c: {  	[sflag:s17] =	ssyncset.done $0x0  }
.Ltmp2:
0x8d: {  	[sflag:s17] =	ssyncadd.s32 $0xFFFFFFB0;
	(pc) =	sbr.rel @p0 .LBB2_4-.Ltmp2, $4  }
0x8e: {  	[spmem:s1] =	stream.indirect.scatter.add.f32 [tilespmem:s28], [sflag:$0xB], $0x40, s29, s11, $0xb8;
	[tilespmem:$0x12CA0] =	vst v63  }
0x8f: {  	_ =	swait.ge [sflag:s10], $0x1400  }
0x90: {  	[sflag:s10] =	ssyncset.done $0x0  }
0x91: {  	[sflag:s10] =	ssyncadd.s32 $0xFFFFEC00  }
0x92: {  	s5 =	sshra.s32 s25, $0x2  }
.Ltmp3:
0x93: {  	s5 =	sadd.s32 $0x2D0, s5;
	(pc) =	sbr.rel .LBB2_2-.Ltmp3, $4  }
0x94: {  	[tilespmem:s28], [sflag:$0x5] =	stream.indirect.gather [hbm4b:s4+s11], $0x40, s5, s11, $0xb8;
	[tilespmem:$0x12CA0] =	vst v63  }
0x95: {  	_ = 	snop  }
0x96: {  	[tilespmem:s29], [sflag:$0xA] =	stream.linear.gather [hbm4b:s23+s2], $0x50, $0x38;
	[tilespmem:$0x12CA0] =	vst v63  }
0x97: {  	s25 =	sadd.s32 $0x640, s25;
	s23 =	sadd.s32 $0x32, s23  }
.LBB2_5:
0x98: {  	_ =	sfence.sel $0x180000  }
0x99: {  	[bflag:$0x0] =	sbarrier.arrive $0xFFFF  }
0x9a: {  	_ =	strace $0x90000053  }
0x9b: {  	s0 =	stileid.u32;
	[bflag:$0x2] =	sbarrier.arrive $0xFFFF  }
0x9c: {  	p0 =	sne.s32 s0, $0x0;
	s0 =	rddreg [dreg:$0x3]  }
0x9d: {  	s0 =	sadd.s32 @!p0 $0x100000, s0  }
0x9e: {  	[sflag:s0] =	ssyncadd.tile.s32 @!p0 $0x1;
	_ =	shalt  }
.Lfunc_end2:
_tile_overlayer_lowered:
.L_overlay_start_2:
0x9f: {  	(tag) =	ssettag $0x2  }
0xa0: {  	s0 =	rddreg [dreg:$0x0];
	s2 =	stileid.u32  }
0xa1: {  	s1 =	rddreg [dreg:$0x1];
	p0 =	sne.s32 s2, $0x0  }
0xa2: {  	s3 =	rddreg [dreg:$0x2];
	[bflag:$0x3] =	sbarrier.arrive $0xFFFF;
	s2 =	simm.s32 @!p0 $0x1C0B  }
0xa3: {  	[timem:s3], [sflag:s2] =	dma.local @!p0 [hbm:s0], s1  }
0xa4: {  	s0 =	simm.s32 @!p0 $0xB  }
0xa5: {  	_ =	swait.ge @!p0 [sflag:s0], s1  }
0xa6: {  	s1 =	ssub.s32 @!p0 $0x0, s1;
	[sflag:s0] =	ssyncset.done @!p0 $0x0  }
0xa7: {  	[sflag:s0] =	ssyncadd.s32 @!p0 s1  }
0xa8: {  	[bflag:$0x3] =	sbarrier.arrive $0xFFFF  }
0xa9: {  	_ =	shalt  }

</sc_bundles>
